<compile_context>
chip_gen: v7x
topology: tpu7x:2x2x1
jax: 0.10.2.dev20260603
libtpu: 0.0.44.dev20260713+nightly
codegen_flags: <defaults>
</compile_context>

<pallas_src>
import jax
import jax.numpy as jnp
from jax import lax
from jax.experimental import pallas as pl
from jax.experimental.pallas import tpu as pltpu
from jax.experimental.pallas import tpu_sc as plsc

_N, _K, _D = 10000, 32, 128
_NT = 32
_FPT = _D // _NT
_NPAD = 10240
_BN = 512
_NB = _NPAD // _BN
_LANES = 16
_SG = _BN // (2 * _LANES)
_BW = _K * _BN // 2


def _mean_body(tbl, adjb, out, tbl_v, adj_v, out_v, sem_t, sem_a, sem_o):
    cid = lax.axis_index("c")
    sid = lax.axis_index("s")
    wid = sid * 2 + cid

    ct0 = pltpu.async_copy(tbl.at[wid, 0], tbl_v.at[pl.ds(0, _NPAD)], sem_t)
    ct1 = pltpu.async_copy(tbl.at[wid, 1], tbl_v.at[pl.ds(_NPAD, _NPAD)],
                           sem_t)
    pltpu.async_copy(adjb.at[pl.ds(0, _BW)], adj_v.at[pl.ds(0, _BW)], sem_a)
    ct0.wait()
    ct1.wait()
    _mean_core(adjb, out, tbl_v, adj_v, out_v, sem_a, sem_o, wid)


def _mean_body_f32(xt, adjb, out, stg_v, tbl_v, adj_v, out_v,
                   sem_t, sem_a, sem_o):
    cid = lax.axis_index("c")
    sid = lax.axis_index("s")
    wid = sid * 2 + cid

    ct = pltpu.async_copy(xt.at[pl.ds(wid * _FPT, _FPT)], stg_v, sem_t)
    pltpu.async_copy(adjb.at[pl.ds(0, _BW)], adj_v.at[pl.ds(0, _BW)], sem_a)
    ct.wait()

    rnd = jnp.full((_LANES,), 0x8000, jnp.int32)
    msk = jnp.full((_LANES,), -65536, jnp.int32)

    @plsc.parallel_loop(0, _NPAD // (4 * _LANES), step=1)
    def pack_body(i):
        for u in range(4):
            off = (i * 4 + u) * _LANES
            for pr in range(_FPT // 2):
                lo = plsc.bitcast(stg_v[2 * pr, pl.ds(off, _LANES)],
                                  jnp.int32)
                hi = plsc.bitcast(stg_v[2 * pr + 1, pl.ds(off, _LANES)],
                                  jnp.int32)
                w = jnp.bitwise_or(
                    lax.shift_right_logical(lo + rnd, 16),
                    jnp.bitwise_and(hi + rnd, msk))
                tbl_v[pl.ds(pr * _NPAD + off, _LANES)] = w
    _mean_core(adjb, out, tbl_v, adj_v, out_v, sem_a, sem_o, wid)


def _mean_core(adjb, out, tbl_v, adj_v, out_v, sem_a, sem_o, wid):
    def block_body(b, _):
        par = jnp.bitwise_and(b, 1)
        pltpu.make_async_copy(
            adjb.at[pl.ds(b * _BW, _BW)],
            adj_v.at[pl.ds(par * _BW, _BW)], sem_a).wait()

        @pl.when(b + 1 < _NB)
        def _():
            pltpu.async_copy(
                adjb.at[pl.ds((b + 1) * _BW, _BW)],
                adj_v.at[pl.ds((1 - par) * _BW, _BW)], sem_a)

        @pl.when(b >= 2)
        def _():
            pltpu.make_async_copy(
                out_v.at[par], out.at[wid, b - 2], sem_o).wait()

        def half_sg(g):
            acc_a = [None] * _FPT
            acc_b = [None] * _FPT
            for k in range(_K):
                w32 = adj_v[pl.ds(par * _BW + k * (_BN // 2) + g * _LANES,
                                  _LANES)]
                ia = jnp.bitwise_and(w32, 0xFFFF)
                ib = lax.shift_right_logical(w32, 16)
                for pr in range(_FPT // 2):
                    wa = plsc.load_gather(tbl_v, [ia + (pr * _NPAD)])
                    wb = plsc.load_gather(tbl_v, [ib + (pr * _NPAD)])
                    vals = (
                        plsc.bitcast(lax.shift_left(wa, 16), jnp.float32),
                        plsc.bitcast(lax.shift_left(wb, 16), jnp.float32),
                        plsc.bitcast(wa, jnp.float32),
                        plsc.bitcast(wb, jnp.float32),
                    )
                    for v, acc, i in (
                            (vals[0], acc_a, 2 * pr),
                            (vals[1], acc_b, 2 * pr),
                            (vals[2], acc_a, 2 * pr + 1),
                            (vals[3], acc_b, 2 * pr + 1)):
                        if k == 0:
                            acc[i] = v
                        else:
                            acc[i] = acc[i] + v
            for f in range(_FPT):
                out_v[par, f, pl.ds(g * 2 * _LANES, _LANES)] = acc_a[f]
                out_v[par, f, pl.ds(g * 2 * _LANES + _LANES, _LANES)] = (
                    acc_b[f])

        def sg_body(g, _):
            half_sg(g)
            return 0

        lax.fori_loop(0, _SG, sg_body, 0)
        pltpu.async_copy(out_v.at[par], out.at[wid, b], sem_o)
        return 0

    lax.fori_loop(0, _NB, block_body, 0)
    pltpu.make_async_copy(out_v.at[0], out.at[wid, _NB - 2], sem_o).wait()
    pltpu.make_async_copy(out_v.at[1], out.at[wid, _NB - 1], sem_o).wait()


def _sc_mean(tbl_slab, adjb):
    mesh = plsc.VectorSubcoreMesh(core_axis_name="c", subcore_axis_name="s")
    return pl.kernel(
        _mean_body,
        out_type=jax.ShapeDtypeStruct((_NT, _NB, _FPT, _BN), jnp.float32),
        mesh=mesh,
        compiler_params=pltpu.CompilerParams(needs_layout_passes=False),
        scratch_types=[
            pltpu.VMEM((_FPT // 2 * _NPAD,), jnp.int32),
            pltpu.VMEM((2 * _BW,), jnp.int32),
            pltpu.VMEM((2, _FPT, _BN), jnp.float32),
            pltpu.SemaphoreType.DMA,
            pltpu.SemaphoreType.DMA,
            pltpu.SemaphoreType.DMA,
        ],
    )(tbl_slab, adjb)


def _sc_mean_f32(xt, adjb):
    mesh = plsc.VectorSubcoreMesh(core_axis_name="c", subcore_axis_name="s")
    return pl.kernel(
        _mean_body_f32,
        out_type=jax.ShapeDtypeStruct((_NT, _NB, _FPT, _BN), jnp.float32),
        mesh=mesh,
        compiler_params=pltpu.CompilerParams(needs_layout_passes=False),
        scratch_types=[
            pltpu.VMEM((_FPT, _NPAD), jnp.float32),
            pltpu.VMEM((_FPT // 2 * _NPAD,), jnp.int32),
            pltpu.VMEM((2 * _BW,), jnp.int32),
            pltpu.VMEM((2, _FPT, _BN), jnp.float32),
            pltpu.SemaphoreType.DMA,
            pltpu.SemaphoreType.DMA,
            pltpu.SemaphoreType.DMA,
        ],
    )(xt, adjb)


def _linear_phases(m_ref, wr_ref):
    m = m_ref[...]
    mt = jnp.concatenate(
        [m[:, j].reshape(_D, _BN) for j in range(4)], axis=1)
    hts = []
    nrm2 = None
    for f in range(_FPT):
        ht = jnp.dot(wr_ref[f], mt, preferred_element_type=jnp.float32)
        ht = jnp.maximum(ht, 0.0)
        hts.append(ht)
        s = jnp.sum(ht * ht, axis=0, keepdims=True)
        nrm2 = s if nrm2 is None else nrm2 + s
    inv = 1.0 / jnp.maximum(jnp.sqrt(nrm2), 1e-12)
    return [ht * inv for ht in hts]


def _linear_packed_body(m_ref, wr_ref, o_ref):
    hts = _linear_phases(m_ref, wr_ref)
    for pr in range(_FPT // 2):
        lo32 = lax.bitcast_convert_type(hts[2 * pr], jnp.uint32)
        hi32 = lax.bitcast_convert_type(hts[2 * pr + 1], jnp.uint32)
        w = jnp.bitwise_or(
            lax.shift_right_logical(lo32 + jnp.uint32(0x8000),
                                    jnp.uint32(16)),
            jnp.bitwise_and(hi32 + jnp.uint32(0x8000),
                            jnp.uint32(0xFFFF0000)))
        o_ref[:, pr, :] = lax.bitcast_convert_type(w, jnp.int32)


def _tc_linear_packed(m, wr):
    return pl.pallas_call(
        _linear_packed_body,
        grid=(_NB // 4,),
        in_specs=[
            pl.BlockSpec((_NT, 4, _FPT, _BN), lambda b: (0, b, 0, 0)),
            pl.BlockSpec((_FPT, _NT, _D), lambda b: (0, 0, 0)),
        ],
        out_specs=pl.BlockSpec((_NT, _FPT // 2, 4 * _BN),
                               lambda b: (0, 0, b)),
        out_shape=jax.ShapeDtypeStruct((_NT, _FPT // 2, _NPAD), jnp.int32),
    )(m, wr)


def _linear_f32_body(m_ref, wr_ref, o_ref):
    hts = _linear_phases(m_ref, wr_ref)
    ht = jnp.stack(hts, axis=1).reshape(_D, 4 * _BN)
    o_ref[...] = ht.T


def _tc_linear_f32(m, wr):
    return pl.pallas_call(
        _linear_f32_body,
        grid=(_NB // 4,),
        in_specs=[
            pl.BlockSpec((_NT, 4, _FPT, _BN), lambda b: (0, b, 0, 0)),
            pl.BlockSpec((_FPT, _NT, _D), lambda b: (0, 0, 0)),
        ],
        out_specs=pl.BlockSpec((4 * _BN, _D), lambda b: (b, 0)),
        out_shape=jax.ShapeDtypeStruct((_NPAD, _D), jnp.float32),
    )(m, wr)


def kernel(x, adj, W0, W1):
    adj_p = jnp.concatenate(
        [adj, jnp.zeros((_NPAD - _N, _K), jnp.int32)], axis=0)
    av = adj_p.astype(jnp.uint32).reshape(_NB, _BN // 32, 2, _LANES, _K)
    aw = jnp.bitwise_or(av[:, :, 0], lax.shift_left(av[:, :, 1],
                                                    jnp.uint32(16)))
    adjb = lax.bitcast_convert_type(
        aw.transpose(0, 3, 1, 2), jnp.int32).reshape(_NB * _BW)
    x_p = jnp.concatenate(
        [x, jnp.zeros((_NPAD - _N, _D), jnp.float32)], axis=0)
    xt = x_p.T

    w0r = W0.reshape(_NT, _FPT, _D).transpose(1, 0, 2) * (1.0 / _K)
    w1r = W1.reshape(_NT, _FPT, _D).transpose(1, 0, 2) * (1.0 / _K)

    m1 = _sc_mean_f32(xt, adjb)
    h1 = _tc_linear_packed(m1, w0r)
    m2 = _sc_mean(h1, adjb)
    h2 = _tc_linear_f32(m2, w1r)
    return h2[:_N]

# --- scband reference (transcript-rebuilt; emitter-appended) ---
"""Pipeline reference for scband-graph-sagemodel-80736795230369 (READ-ONLY COPY).

The authoritative reference and input builder live on the scoring server;
editing this copy changes nothing except your own understanding.
"""

import jax, jax.numpy as jnp
import numpy as np

N, K, D = 10000, 32, 128


def setup_inputs(seed: int = 0) -> dict:
    key = jax.random.key(seed)
    k1, k2, k3, k4 = jax.random.split(key, 4)
    x = jax.random.normal(k1, (N, D), dtype=jnp.float32)
    adj = jax.random.randint(k2, (N, K), 0, N, dtype=jnp.int32)
    # Linear(in_dim, out_dim, bias=False) weights, torch layout [out_dim, in_dim]
    W0 = jax.random.normal(k3, (D, D), dtype=jnp.float32) * (1.0 / np.sqrt(D))
    W1 = jax.random.normal(k4, (D, D), dtype=jnp.float32) * (1.0 / np.sqrt(D))
    return {"x": x, "adj": adj, "W0": W0, "W1": W1}


def _sage_layer(x, adj, W):
    # means = stack([mean(x[neighbor], dim=0) for neighbor in adj])
    gathered = jnp.take(x, adj, axis=0)            # [N, K, D] gather
    means = jnp.mean(gathered, axis=1)              # [N, D]
    h = jax.nn.relu(means @ W.T)                    # Linear(bias=False) + ReLU
    # F.normalize(h, p=2, dim=-1), eps=1e-12
    norm = jnp.sqrt(jnp.sum(h * h, axis=-1, keepdims=True))
    return h / jnp.maximum(norm, 1e-12)


def reference(x, adj, W0, W1):
    # eval mode: F.dropout(training=False) is identity (dropout=0.0 anyway)
    h = _sage_layer(x, adj, W0)
    h = _sage_layer(h, adj, W1)
    return h

if __name__ == "__main__":
    import jax
    _d = setup_inputs()
    print(jax.jit(kernel)(*tuple(_d.values())))

</pallas_src>

<mosaic_0001>
#map = affine_map<(d0, d1) -> (0, 0)>
#map1 = affine_map<(d0, d1) -> (0)>
#map2 = affine_map<(d0, d1) -> (0, 0, 0, 0)>
module attributes {stable_mosaic.version = 14 : i64} {
  func.func @_mean_body_f32(%arg0: i32, %arg1: i32, %arg2: memref<128x10240xf32, #tpu.memory_space<hbm>>, %arg3: memref<163840xi32, #tpu.memory_space<hbm>>, %arg4: memref<32x20x4x512xf32, #tpu.memory_space<hbm>>, %arg5: memref<4x10240xf32, #tpu.memory_space<vmem>>, %arg6: memref<20480xi32, #tpu.memory_space<vmem>>, %arg7: memref<16384xi32, #tpu.memory_space<vmem>>, %arg8: memref<2x4x512xf32, #tpu.memory_space<vmem>>, %arg9: memref<!tpu.dma_semaphore, #tpu.memory_space<semaphore_mem>>, %arg10: memref<!tpu.dma_semaphore, #tpu.memory_space<semaphore_mem>>, %arg11: memref<!tpu.dma_semaphore, #tpu.memory_space<semaphore_mem>>) attributes {dimension_semantics = [#tpu.dimension_semantics<core_parallel>, #tpu.dimension_semantics<subcore_parallel>], iteration_bounds = array<i64: 2, 16>, scalar_prefetch = 0 : i64, scratch_operands = 7 : i64, tpu.core_type = #tpu.core_type<sc_vector_subcore>, window_params = [{transform_indices = #map}, {transform_indices = #map1}, {transform_indices = #map2}]} {
    %mul3A = arith.constant 2 : i32
    %mul3A_0 = arith.muli %arg1, %mul3A : i32
    %add3A = arith.addi %mul3A_0, %arg0 : i32
    %mul3A_1 = arith.constant 4 : i32
    %mul3A_2 = arith.muli %add3A, %mul3A_1 : i32
    %dma_start3A = arith.constant 0 : i32
    %dma_start3A_3 = tpu.memref_slice %arg2[%mul3A_2, %dma_start3A] : memref<128x10240xf32, #tpu.memory_space<hbm>> -> memref<4x10240xf32, #tpu.memory_space<hbm>>
    %dma_start3A_4 = arith.constant 0 : i32
    %dma_start3A_5 = tpu.memref_slice %arg2[%mul3A_2, %dma_start3A_4] : memref<128x10240xf32, #tpu.memory_space<hbm>> -> memref<4x10240xf32, #tpu.memory_space<hbm>>
    tpu.enqueue_dma source(%dma_start3A_5 : memref<4x10240xf32, #tpu.memory_space<hbm>>) target(%arg5 : memref<4x10240xf32, #tpu.memory_space<vmem>>) target_semaphore(%arg9 : memref<!tpu.dma_semaphore, #tpu.memory_space<semaphore_mem>>)
    %dma_start3A_6 = arith.constant 0 : i32
    %dma_start3A_7 = tpu.memref_slice %arg7[%dma_start3A_6] : memref<16384xi32, #tpu.memory_space<vmem>> -> memref<8192xi32, #tpu.memory_space<vmem>>
    %dma_start3A_8 = arith.constant 0 : i32
    %dma_start3A_9 = tpu.memref_slice %arg3[%dma_start3A_8] : memref<163840xi32, #tpu.memory_space<hbm>> -> memref<8192xi32, #tpu.memory_space<hbm>>
    %dma_start3A_10 = arith.constant 0 : i32
    %dma_start3A_11 = tpu.memref_slice %arg7[%dma_start3A_10] : memref<16384xi32, #tpu.memory_space<vmem>> -> memref<8192xi32, #tpu.memory_space<vmem>>
    %dma_start3A_12 = arith.constant 0 : i32
    %dma_start3A_13 = tpu.memref_slice %arg3[%dma_start3A_12] : memref<163840xi32, #tpu.memory_space<hbm>> -> memref<8192xi32, #tpu.memory_space<hbm>>
    tpu.enqueue_dma source(%dma_start3A_13 : memref<8192xi32, #tpu.memory_space<hbm>>) target(%dma_start3A_11 : memref<8192xi32, #tpu.memory_space<vmem>>) target_semaphore(%arg10 : memref<!tpu.dma_semaphore, #tpu.memory_space<semaphore_mem>>)
    %dma_wait3A = arith.constant 0 : i32
    %dma_wait3A_14 = tpu.memref_slice %arg2[%mul3A_2, %dma_wait3A] : memref<128x10240xf32, #tpu.memory_space<hbm>> -> memref<4x10240xf32, #tpu.memory_space<hbm>>
    %dma_wait3A_15 = arith.constant 0 : i32
    %dma_wait3A_16 = tpu.memref_slice %arg2[%mul3A_2, %dma_wait3A_15] : memref<128x10240xf32, #tpu.memory_space<hbm>> -> memref<4x10240xf32, #tpu.memory_space<hbm>>
    tpu.wait_dma2 semaphore(%arg9 : memref<!tpu.dma_semaphore, #tpu.memory_space<semaphore_mem>>) src(%dma_wait3A_16 : memref<4x10240xf32, #tpu.memory_space<hbm>>) dst(%arg5 : memref<4x10240xf32, #tpu.memory_space<vmem>>)
    %broadcast_in_dim3A = arith.constant 32768 : i32
    %broadcast_in_dim3A_17 = vector.broadcast %broadcast_in_dim3A : i32 to vector<16xi32>
    %broadcast_in_dim3A_18 = arith.constant -65536 : i32
    %broadcast_in_dim3A_19 = vector.broadcast %broadcast_in_dim3A_18 : i32 to vector<16xi32>
    %parallel_loop3A = arith.constant 0 : i32
    %parallel_loop3A_20 = arith.constant 160 : i32
    %parallel_loop3A_21 = arith.constant 1 : i32
    scf.for %parallel_loop3A_64 = %parallel_loop3A to %parallel_loop3A_20 step %parallel_loop3A_21  : i32 {
      %parallel_loop3A_65 = arith.constant 4 : i32
      %parallel_loop3A_66 = arith.muli %parallel_loop3A_64, %parallel_loop3A_65 : i32
      %parallel_loop3A_67 = arith.constant 0 : i32
      %parallel_loop3A_68 = arith.addi %parallel_loop3A_66, %parallel_loop3A_67 : i32
      %parallel_loop3A_69 = arith.constant 16 : i32
      %parallel_loop3A_70 = arith.muli %parallel_loop3A_68, %parallel_loop3A_69 : i32
      %parallel_loop3A_71 = arith.constant 0 : i32
      %parallel_loop3A_72 = arith.index_cast %parallel_loop3A_71 : i32 to index
      %parallel_loop3A_73 = arith.index_cast %parallel_loop3A_70 : i32 to index
      %parallel_loop3A_74 = tpu.vector_load %arg5[%parallel_loop3A_72, %parallel_loop3A_73] {strides = array<i32>} : memref<4x10240xf32, #tpu.memory_space<vmem>>, vector<16xf32>,
      %parallel_loop3A_75 = vector.bitcast %parallel_loop3A_74 : vector<16xf32> to vector<16xi32>
      %parallel_loop3A_76 = arith.constant 1 : i32
      %parallel_loop3A_77 = arith.index_cast %parallel_loop3A_76 : i32 to index
      %parallel_loop3A_78 = arith.index_cast %parallel_loop3A_70 : i32 to index
      %parallel_loop3A_79 = tpu.vector_load %arg5[%parallel_loop3A_77, %parallel_loop3A_78] {strides = array<i32>} : memref<4x10240xf32, #tpu.memory_space<vmem>>, vector<16xf32>,
      %parallel_loop3A_80 = vector.bitcast %parallel_loop3A_79 : vector<16xf32> to vector<16xi32>
      %parallel_loop3A_81 = arith.addi %parallel_loop3A_75, %broadcast_in_dim3A_17 : vector<16xi32>
      %parallel_loop3A_82 = arith.constant 16 : i32
      %parallel_loop3A_83 = vector.broadcast %parallel_loop3A_82 : i32 to vector<16xi32>
      %parallel_loop3A_84 = arith.shrui %parallel_loop3A_81, %parallel_loop3A_83 : vector<16xi32>
      %parallel_loop3A_85 = arith.addi %parallel_loop3A_80, %broadcast_in_dim3A_17 : vector<16xi32>
      %parallel_loop3A_86 = arith.andi %parallel_loop3A_85, %broadcast_in_dim3A_19 : vector<16xi32>
      %parallel_loop3A_87 = arith.ori %parallel_loop3A_84, %parallel_loop3A_86 : vector<16xi32>
      %parallel_loop3A_88 = arith.constant 0 : i32
      %parallel_loop3A_89 = arith.addi %parallel_loop3A_88, %parallel_loop3A_70 : i32
      %parallel_loop3A_90 = arith.index_cast %parallel_loop3A_89 : i32 to index
      %parallel_loop3A_91 = tpu.vector_load %arg6[%parallel_loop3A_90] {strides = array<i32>} : memref<20480xi32, #tpu.memory_space<vmem>>, vector<16xi32>,
      tpu.vector_store %arg6[%parallel_loop3A_90], %parallel_loop3A_87 {strides = array<i32>} : memref<20480xi32, #tpu.memory_space<vmem>>, vector<16xi32>,
      %parallel_loop3A_92 = arith.constant 2 : i32
      %parallel_loop3A_93 = arith.index_cast %parallel_loop3A_92 : i32 to index
      %parallel_loop3A_94 = arith.index_cast %parallel_loop3A_70 : i32 to index
      %parallel_loop3A_95 = tpu.vector_load %arg5[%parallel_loop3A_93, %parallel_loop3A_94] {strides = array<i32>} : memref<4x10240xf32, #tpu.memory_space<vmem>>, vector<16xf32>,
      %parallel_loop3A_96 = vector.bitcast %parallel_loop3A_95 : vector<16xf32> to vector<16xi32>
      %parallel_loop3A_97 = arith.constant 3 : i32
      %parallel_loop3A_98 = arith.index_cast %parallel_loop3A_97 : i32 to index
      %parallel_loop3A_99 = arith.index_cast %parallel_loop3A_70 : i32 to index
      %parallel_loop3A_100 = tpu.vector_load %arg5[%parallel_loop3A_98, %parallel_loop3A_99] {strides = array<i32>} : memref<4x10240xf32, #tpu.memory_space<vmem>>, vector<16xf32>,
      %parallel_loop3A_101 = vector.bitcast %parallel_loop3A_100 : vector<16xf32> to vector<16xi32>
      %parallel_loop3A_102 = arith.addi %parallel_loop3A_96, %broadcast_in_dim3A_17 : vector<16xi32>
      %parallel_loop3A_103 = arith.constant 16 : i32
      %parallel_loop3A_104 = vector.broadcast %parallel_loop3A_103 : i32 to vector<16xi32>
      %parallel_loop3A_105 = arith.shrui %parallel_loop3A_102, %parallel_loop3A_104 : vector<16xi32>
      %parallel_loop3A_106 = arith.addi %parallel_loop3A_101, %broadcast_in_dim3A_17 : vector<16xi32>
      %parallel_loop3A_107 = arith.andi %parallel_loop3A_106, %broadcast_in_dim3A_19 : vector<16xi32>
      %parallel_loop3A_108 = arith.ori %parallel_loop3A_105, %parallel_loop3A_107 : vector<16xi32>
      %parallel_loop3A_109 = arith.constant 10240 : i32
      %parallel_loop3A_110 = arith.addi %parallel_loop3A_109, %parallel_loop3A_70 : i32
      %parallel_loop3A_111 = arith.index_cast %parallel_loop3A_110 : i32 to index
      %parallel_loop3A_112 = tpu.vector_load %arg6[%parallel_loop3A_111] {strides = array<i32>} : memref<20480xi32, #tpu.memory_space<vmem>>, vector<16xi32>,
      tpu.vector_store %arg6[%parallel_loop3A_111], %parallel_loop3A_108 {strides = array<i32>} : memref<20480xi32, #tpu.memory_space<vmem>>, vector<16xi32>,
      %parallel_loop3A_113 = arith.constant 4 : i32
      %parallel_loop3A_114 = arith.muli %parallel_loop3A_64, %parallel_loop3A_113 : i32
      %parallel_loop3A_115 = arith.constant 1 : i32
      %parallel_loop3A_116 = arith.addi %parallel_loop3A_114, %parallel_loop3A_115 : i32
      %parallel_loop3A_117 = arith.constant 16 : i32
      %parallel_loop3A_118 = arith.muli %parallel_loop3A_116, %parallel_loop3A_117 : i32
      %parallel_loop3A_119 = arith.constant 0 : i32
      %parallel_loop3A_120 = arith.index_cast %parallel_loop3A_119 : i32 to index
      %parallel_loop3A_121 = arith.index_cast %parallel_loop3A_118 : i32 to index
      %parallel_loop3A_122 = tpu.vector_load %arg5[%parallel_loop3A_120, %parallel_loop3A_121] {strides = array<i32>} : memref<4x10240xf32, #tpu.memory_space<vmem>>, vector<16xf32>,
      %parallel_loop3A_123 = vector.bitcast %parallel_loop3A_122 : vector<16xf32> to vector<16xi32>
      %parallel_loop3A_124 = arith.constant 1 : i32
      %parallel_loop3A_125 = arith.index_cast %parallel_loop3A_124 : i32 to index
      %parallel_loop3A_126 = arith.index_cast %parallel_loop3A_118 : i32 to index
      %parallel_loop3A_127 = tpu.vector_load %arg5[%parallel_loop3A_125, %parallel_loop3A_126] {strides = array<i32>} : memref<4x10240xf32, #tpu.memory_space<vmem>>, vector<16xf32>,
      %parallel_loop3A_128 = vector.bitcast %parallel_loop3A_127 : vector<16xf32> to vector<16xi32>
      %parallel_loop3A_129 = arith.addi %parallel_loop3A_123, %broadcast_in_dim3A_17 : vector<16xi32>
      %parallel_loop3A_130 = arith.constant 16 : i32
      %parallel_loop3A_131 = vector.broadcast %parallel_loop3A_130 : i32 to vector<16xi32>
      %parallel_loop3A_132 = arith.shrui %parallel_loop3A_129, %parallel_loop3A_131 : vector<16xi32>
      %parallel_loop3A_133 = arith.addi %parallel_loop3A_128, %broadcast_in_dim3A_17 : vector<16xi32>
      %parallel_loop3A_134 = arith.andi %parallel_loop3A_133, %broadcast_in_dim3A_19 : vector<16xi32>
      %parallel_loop3A_135 = arith.ori %parallel_loop3A_132, %parallel_loop3A_134 : vector<16xi32>
      %parallel_loop3A_136 = arith.constant 0 : i32
      %parallel_loop3A_137 = arith.addi %parallel_loop3A_136, %parallel_loop3A_118 : i32
      %parallel_loop3A_138 = arith.index_cast %parallel_loop3A_137 : i32 to index
      %parallel_loop3A_139 = tpu.vector_load %arg6[%parallel_loop3A_138] {strides = array<i32>} : memref<20480xi32, #tpu.memory_space<vmem>>, vector<16xi32>,
      tpu.vector_store %arg6[%parallel_loop3A_138], %parallel_loop3A_135 {strides = array<i32>} : memref<20480xi32, #tpu.memory_space<vmem>>, vector<16xi32>,
      %parallel_loop3A_140 = arith.constant 2 : i32
      %parallel_loop3A_141 = arith.index_cast %parallel_loop3A_140 : i32 to index
      %parallel_loop3A_142 = arith.index_cast %parallel_loop3A_118 : i32 to index
      %parallel_loop3A_143 = tpu.vector_load %arg5[%parallel_loop3A_141, %parallel_loop3A_142] {strides = array<i32>} : memref<4x10240xf32, #tpu.memory_space<vmem>>, vector<16xf32>,
      %parallel_loop3A_144 = vector.bitcast %parallel_loop3A_143 : vector<16xf32> to vector<16xi32>
      %parallel_loop3A_145 = arith.constant 3 : i32
      %parallel_loop3A_146 = arith.index_cast %parallel_loop3A_145 : i32 to index
      %parallel_loop3A_147 = arith.index_cast %parallel_loop3A_118 : i32 to index
      %parallel_loop3A_148 = tpu.vector_load %arg5[%parallel_loop3A_146, %parallel_loop3A_147] {strides = array<i32>} : memref<4x10240xf32, #tpu.memory_space<vmem>>, vector<16xf32>,
      %parallel_loop3A_149 = vector.bitcast %parallel_loop3A_148 : vector<16xf32> to vector<16xi32>
      %parallel_loop3A_150 = arith.addi %parallel_loop3A_144, %broadcast_in_dim3A_17 : vector<16xi32>
      %parallel_loop3A_151 = arith.constant 16 : i32
      %parallel_loop3A_152 = vector.broadcast %parallel_loop3A_151 : i32 to vector<16xi32>
      %parallel_loop3A_153 = arith.shrui %parallel_loop3A_150, %parallel_loop3A_152 : vector<16xi32>
      %parallel_loop3A_154 = arith.addi %parallel_loop3A_149, %broadcast_in_dim3A_17 : vector<16xi32>
      %parallel_loop3A_155 = arith.andi %parallel_loop3A_154, %broadcast_in_dim3A_19 : vector<16xi32>
      %parallel_loop3A_156 = arith.ori %parallel_loop3A_153, %parallel_loop3A_155 : vector<16xi32>
      %parallel_loop3A_157 = arith.constant 10240 : i32
      %parallel_loop3A_158 = arith.addi %parallel_loop3A_157, %parallel_loop3A_118 : i32
      %parallel_loop3A_159 = arith.index_cast %parallel_loop3A_158 : i32 to index
      %parallel_loop3A_160 = tpu.vector_load %arg6[%parallel_loop3A_159] {strides = array<i32>} : memref<20480xi32, #tpu.memory_space<vmem>>, vector<16xi32>,
      tpu.vector_store %arg6[%parallel_loop3A_159], %parallel_loop3A_156 {strides = array<i32>} : memref<20480xi32, #tpu.memory_space<vmem>>, vector<16xi32>,
      %parallel_loop3A_161 = arith.constant 4 : i32
      %parallel_loop3A_162 = arith.muli %parallel_loop3A_64, %parallel_loop3A_161 : i32
      %parallel_loop3A_163 = arith.constant 2 : i32
      %parallel_loop3A_164 = arith.addi %parallel_loop3A_162, %parallel_loop3A_163 : i32
      %parallel_loop3A_165 = arith.constant 16 : i32
      %parallel_loop3A_166 = arith.muli %parallel_loop3A_164, %parallel_loop3A_165 : i32
      %parallel_loop3A_167 = arith.constant 0 : i32
      %parallel_loop3A_168 = arith.index_cast %parallel_loop3A_167 : i32 to index
      %parallel_loop3A_169 = arith.index_cast %parallel_loop3A_166 : i32 to index
      %parallel_loop3A_170 = tpu.vector_load %arg5[%parallel_loop3A_168, %parallel_loop3A_169] {strides = array<i32>} : memref<4x10240xf32, #tpu.memory_space<vmem>>, vector<16xf32>,
      %parallel_loop3A_171 = vector.bitcast %parallel_loop3A_170 : vector<16xf32> to vector<16xi32>
      %parallel_loop3A_172 = arith.constant 1 : i32
      %parallel_loop3A_173 = arith.index_cast %parallel_loop3A_172 : i32 to index
      %parallel_loop3A_174 = arith.index_cast %parallel_loop3A_166 : i32 to index
      %parallel_loop3A_175 = tpu.vector_load %arg5[%parallel_loop3A_173, %parallel_loop3A_174] {strides = array<i32>} : memref<4x10240xf32, #tpu.memory_space<vmem>>, vector<16xf32>,
      %parallel_loop3A_176 = vector.bitcast %parallel_loop3A_175 : vector<16xf32> to vector<16xi32>
      %parallel_loop3A_177 = arith.addi %parallel_loop3A_171, %broadcast_in_dim3A_17 : vector<16xi32>
      %parallel_loop3A_178 = arith.constant 16 : i32
      %parallel_loop3A_179 = vector.broadcast %parallel_loop3A_178 : i32 to vector<16xi32>
      %parallel_loop3A_180 = arith.shrui %parallel_loop3A_177, %parallel_loop3A_179 : vector<16xi32>
      %parallel_loop3A_181 = arith.addi %parallel_loop3A_176, %broadcast_in_dim3A_17 : vector<16xi32>
      %parallel_loop3A_182 = arith.andi %parallel_loop3A_181, %broadcast_in_dim3A_19 : vector<16xi32>
      %parallel_loop3A_183 = arith.ori %parallel_loop3A_180, %parallel_loop3A_182 : vector<16xi32>
      %parallel_loop3A_184 = arith.constant 0 : i32
      %parallel_loop3A_185 = arith.addi %parallel_loop3A_184, %parallel_loop3A_166 : i32
      %parallel_loop3A_186 = arith.index_cast %parallel_loop3A_185 : i32 to index
      %parallel_loop3A_187 = tpu.vector_load %arg6[%parallel_loop3A_186] {strides = array<i32>} : memref<20480xi32, #tpu.memory_space<vmem>>, vector<16xi32>,
      tpu.vector_store %arg6[%parallel_loop3A_186], %parallel_loop3A_183 {strides = array<i32>} : memref<20480xi32, #tpu.memory_space<vmem>>, vector<16xi32>,
      %parallel_loop3A_188 = arith.constant 2 : i32
      %parallel_loop3A_189 = arith.index_cast %parallel_loop3A_188 : i32 to index
      %parallel_loop3A_190 = arith.index_cast %parallel_loop3A_166 : i32 to index
      %parallel_loop3A_191 = tpu.vector_load %arg5[%parallel_loop3A_189, %parallel_loop3A_190] {strides = array<i32>} : memref<4x10240xf32, #tpu.memory_space<vmem>>, vector<16xf32>,
      %parallel_loop3A_192 = vector.bitcast %parallel_loop3A_191 : vector<16xf32> to vector<16xi32>
      %parallel_loop3A_193 = arith.constant 3 : i32
      %parallel_loop3A_194 = arith.index_cast %parallel_loop3A_193 : i32 to index
      %parallel_loop3A_195 = arith.index_cast %parallel_loop3A_166 : i32 to index
      %parallel_loop3A_196 = tpu.vector_load %arg5[%parallel_loop3A_194, %parallel_loop3A_195] {strides = array<i32>} : memref<4x10240xf32, #tpu.memory_space<vmem>>, vector<16xf32>,
      %parallel_loop3A_197 = vector.bitcast %parallel_loop3A_196 : vector<16xf32> to vector<16xi32>
      %parallel_loop3A_198 = arith.addi %parallel_loop3A_192, %broadcast_in_dim3A_17 : vector<16xi32>
      %parallel_loop3A_199 = arith.constant 16 : i32
      %parallel_loop3A_200 = vector.broadcast %parallel_loop3A_199 : i32 to vector<16xi32>
      %parallel_loop3A_201 = arith.shrui %parallel_loop3A_198, %parallel_loop3A_200 : vector<16xi32>
      %parallel_loop3A_202 = arith.addi %parallel_loop3A_197, %broadcast_in_dim3A_17 : vector<16xi32>
      %parallel_loop3A_203 = arith.andi %parallel_loop3A_202, %broadcast_in_dim3A_19 : vector<16xi32>
      %parallel_loop3A_204 = arith.ori %parallel_loop3A_201, %parallel_loop3A_203 : vector<16xi32>
      %parallel_loop3A_205 = arith.constant 10240 : i32
      %parallel_loop3A_206 = arith.addi %parallel_loop3A_205, %parallel_loop3A_166 : i32
      %parallel_loop3A_207 = arith.index_cast %parallel_loop3A_206 : i32 to index
      %parallel_loop3A_208 = tpu.vector_load %arg6[%parallel_loop3A_207] {strides = array<i32>} : memref<20480xi32, #tpu.memory_space<vmem>>, vector<16xi32>,
      tpu.vector_store %arg6[%parallel_loop3A_207], %parallel_loop3A_204 {strides = array<i32>} : memref<20480xi32, #tpu.memory_space<vmem>>, vector<16xi32>,
      %parallel_loop3A_209 = arith.constant 4 : i32
      %parallel_loop3A_210 = arith.muli %parallel_loop3A_64, %parallel_loop3A_209 : i32
      %parallel_loop3A_211 = arith.constant 3 : i32
      %parallel_loop3A_212 = arith.addi %parallel_loop3A_210, %parallel_loop3A_211 : i32
      %parallel_loop3A_213 = arith.constant 16 : i32
      %parallel_loop3A_214 = arith.muli %parallel_loop3A_212, %parallel_loop3A_213 : i32
      %parallel_loop3A_215 = arith.constant 0 : i32
      %parallel_loop3A_216 = arith.index_cast %parallel_loop3A_215 : i32 to index
      %parallel_loop3A_217 = arith.index_cast %parallel_loop3A_214 : i32 to index
      %parallel_loop3A_218 = tpu.vector_load %arg5[%parallel_loop3A_216, %parallel_loop3A_217] {strides = array<i32>} : memref<4x10240xf32, #tpu.memory_space<vmem>>, vector<16xf32>,
      %parallel_loop3A_219 = vector.bitcast %parallel_loop3A_218 : vector<16xf32> to vector<16xi32>
      %parallel_loop3A_220 = arith.constant 1 : i32
      %parallel_loop3A_221 = arith.index_cast %parallel_loop3A_220 : i32 to index
      %parallel_loop3A_222 = arith.index_cast %parallel_loop3A_214 : i32 to index
      %parallel_loop3A_223 = tpu.vector_load %arg5[%parallel_loop3A_221, %parallel_loop3A_222] {strides = array<i32>} : memref<4x10240xf32, #tpu.memory_space<vmem>>, vector<16xf32>,
      %parallel_loop3A_224 = vector.bitcast %parallel_loop3A_223 : vector<16xf32> to vector<16xi32>
      %parallel_loop3A_225 = arith.addi %parallel_loop3A_219, %broadcast_in_dim3A_17 : vector<16xi32>
      %parallel_loop3A_226 = arith.constant 16 : i32
      %parallel_loop3A_227 = vector.broadcast %parallel_loop3A_226 : i32 to vector<16xi32>
      %parallel_loop3A_228 = arith.shrui %parallel_loop3A_225, %parallel_loop3A_227 : vector<16xi32>
      %parallel_loop3A_229 = arith.addi %parallel_loop3A_224, %broadcast_in_dim3A_17 : vector<16xi32>
      %parallel_loop3A_230 = arith.andi %parallel_loop3A_229, %broadcast_in_dim3A_19 : vector<16xi32>
      %parallel_loop3A_231 = arith.ori %parallel_loop3A_228, %parallel_loop3A_230 : vector<16xi32>
      %parallel_loop3A_232 = arith.constant 0 : i32
      %parallel_loop3A_233 = arith.addi %parallel_loop3A_232, %parallel_loop3A_214 : i32
      %parallel_loop3A_234 = arith.index_cast %parallel_loop3A_233 : i32 to index
      %parallel_loop3A_235 = tpu.vector_load %arg6[%parallel_loop3A_234] {strides = array<i32>} : memref<20480xi32, #tpu.memory_space<vmem>>, vector<16xi32>,
      tpu.vector_store %arg6[%parallel_loop3A_234], %parallel_loop3A_231 {strides = array<i32>} : memref<20480xi32, #tpu.memory_space<vmem>>, vector<16xi32>,
      %parallel_loop3A_236 = arith.constant 2 : i32
      %parallel_loop3A_237 = arith.index_cast %parallel_loop3A_236 : i32 to index
      %parallel_loop3A_238 = arith.index_cast %parallel_loop3A_214 : i32 to index
      %parallel_loop3A_239 = tpu.vector_load %arg5[%parallel_loop3A_237, %parallel_loop3A_238] {strides = array<i32>} : memref<4x10240xf32, #tpu.memory_space<vmem>>, vector<16xf32>,
      %parallel_loop3A_240 = vector.bitcast %parallel_loop3A_239 : vector<16xf32> to vector<16xi32>
      %parallel_loop3A_241 = arith.constant 3 : i32
      %parallel_loop3A_242 = arith.index_cast %parallel_loop3A_241 : i32 to index
      %parallel_loop3A_243 = arith.index_cast %parallel_loop3A_214 : i32 to index
      %parallel_loop3A_244 = tpu.vector_load %arg5[%parallel_loop3A_242, %parallel_loop3A_243] {strides = array<i32>} : memref<4x10240xf32, #tpu.memory_space<vmem>>, vector<16xf32>,
      %parallel_loop3A_245 = vector.bitcast %parallel_loop3A_244 : vector<16xf32> to vector<16xi32>
      %parallel_loop3A_246 = arith.addi %parallel_loop3A_240, %broadcast_in_dim3A_17 : vector<16xi32>
      %parallel_loop3A_247 = arith.constant 16 : i32
      %parallel_loop3A_248 = vector.broadcast %parallel_loop3A_247 : i32 to vector<16xi32>
      %parallel_loop3A_249 = arith.shrui %parallel_loop3A_246, %parallel_loop3A_248 : vector<16xi32>
      %parallel_loop3A_250 = arith.addi %parallel_loop3A_245, %broadcast_in_dim3A_17 : vector<16xi32>
      %parallel_loop3A_251 = arith.andi %parallel_loop3A_250, %broadcast_in_dim3A_19 : vector<16xi32>
      %parallel_loop3A_252 = arith.ori %parallel_loop3A_249, %parallel_loop3A_251 : vector<16xi32>
      %parallel_loop3A_253 = arith.constant 10240 : i32
      %parallel_loop3A_254 = arith.addi %parallel_loop3A_253, %parallel_loop3A_214 : i32
      %parallel_loop3A_255 = arith.index_cast %parallel_loop3A_254 : i32 to index
      %parallel_loop3A_256 = tpu.vector_load %arg6[%parallel_loop3A_255] {strides = array<i32>} : memref<20480xi32, #tpu.memory_space<vmem>>, vector<16xi32>,
      tpu.vector_store %arg6[%parallel_loop3A_255], %parallel_loop3A_252 {strides = array<i32>} : memref<20480xi32, #tpu.memory_space<vmem>>, vector<16xi32>,
    } {sc.loop_unroll_factor = 1 : i64, sc.parallel_access}
    %scan3A = arith.constant 0 : i32
    %scan3A_22 = arith.constant 0 : i32
    %scan3A_23 = arith.constant 20 : i32
    %scan3A_24 = arith.addi %scan3A_22, %scan3A_23 : i32
    %scan3A_25 = arith.constant 1 : i32
    %scan3A_26 = scf.for %scan3A_64 = %scan3A_22 to %scan3A_24 step %scan3A_25 iter_args(%scan3A_65 = %scan3A) -> (i32)  : i32 {
      %and3A = arith.constant 1 : i32
      %and3A_66 = arith.andi %scan3A_64, %and3A : i32
      %mul3A_67 = arith.constant 8192 : i32
      %mul3A_68 = arith.muli %scan3A_64, %mul3A_67 : i32
      %mul3A_69 = arith.constant 8192 : i32
      %mul3A_70 = arith.muli %and3A_66, %mul3A_69 : i32
      %dma_wait3A_71 = tpu.memref_slice %arg7[%mul3A_70] : memref<16384xi32, #tpu.memory_space<vmem>> -> memref<8192xi32, #tpu.memory_space<vmem>>
      %dma_wait3A_72 = tpu.memref_slice %arg3[%mul3A_68] : memref<163840xi32, #tpu.memory_space<hbm>> -> memref<8192xi32, #tpu.memory_space<hbm>>
      %dma_wait3A_73 = tpu.memref_slice %arg7[%mul3A_70] : memref<16384xi32, #tpu.memory_space<vmem>> -> memref<8192xi32, #tpu.memory_space<vmem>>
      %dma_wait3A_74 = tpu.memref_slice %arg3[%mul3A_68] : memref<163840xi32, #tpu.memory_space<hbm>> -> memref<8192xi32, #tpu.memory_space<hbm>>
      tpu.wait_dma2 semaphore(%arg10 : memref<!tpu.dma_semaphore, #tpu.memory_space<semaphore_mem>>) src(%dma_wait3A_74 : memref<8192xi32, #tpu.memory_space<hbm>>) dst(%dma_wait3A_73 : memref<8192xi32, #tpu.memory_space<vmem>>)
      %add3A_75 = arith.constant 1 : i32
      %add3A_76 = arith.addi %scan3A_64, %add3A_75 : i32
      %lt3A = arith.constant 20 : i32
      %lt3A_77 = arith.cmpi slt, %add3A_76, %lt3A : i32
      %convert_element_type3A = arith.extui %lt3A_77 : i1 to i32
      %cond3A = arith.constant 0 : i32
      %cond3A_78 = arith.cmpi ne, %convert_element_type3A, %cond3A : i32
      scf.if %cond3A_78 {
        %add3A_107 = arith.constant 1 : i32
        %add3A_108 = arith.addi %scan3A_64, %add3A_107 : i32
        %mul3A_109 = arith.constant 8192 : i32
        %mul3A_110 = arith.muli %add3A_108, %mul3A_109 : i32
        %sub3A = arith.constant 1 : i32
        %sub3A_111 = arith.subi %sub3A, %and3A_66 : i32
        %mul3A_112 = arith.constant 8192 : i32
        %mul3A_113 = arith.muli %sub3A_111, %mul3A_112 : i32
        %dma_start3A_114 = tpu.memref_slice %arg7[%mul3A_113] : memref<16384xi32, #tpu.memory_space<vmem>> -> memref<8192xi32, #tpu.memory_space<vmem>>
        %dma_start3A_115 = tpu.memref_slice %arg3[%mul3A_110] : memref<163840xi32, #tpu.memory_space<hbm>> -> memref<8192xi32, #tpu.memory_space<hbm>>
        %dma_start3A_116 = tpu.memref_slice %arg7[%mul3A_113] : memref<16384xi32, #tpu.memory_space<vmem>> -> memref<8192xi32, #tpu.memory_space<vmem>>
        %dma_start3A_117 = tpu.memref_slice %arg3[%mul3A_110] : memref<163840xi32, #tpu.memory_space<hbm>> -> memref<8192xi32, #tpu.memory_space<hbm>>
        tpu.enqueue_dma source(%dma_start3A_117 : memref<8192xi32, #tpu.memory_space<hbm>>) target(%dma_start3A_116 : memref<8192xi32, #tpu.memory_space<vmem>>) target_semaphore(%arg10 : memref<!tpu.dma_semaphore, #tpu.memory_space<semaphore_mem>>)
      } else {
      }
      %ge3A = arith.constant 2 : i32
      %ge3A_79 = arith.cmpi sge, %scan3A_64, %ge3A : i32
      %convert_element_type3A_80 = arith.extui %ge3A_79 : i1 to i32
      %cond3A_81 = arith.constant 0 : i32
      %cond3A_82 = arith.cmpi ne, %convert_element_type3A_80, %cond3A_81 : i32
      scf.if %cond3A_82 {
        %sub3A = arith.constant 2 : i32
        %sub3A_107 = arith.subi %scan3A_64, %sub3A : i32
        %dma_wait3A_108 = arith.constant 0 : i32
        %dma_wait3A_109 = arith.constant 0 : i32
        %dma_wait3A_110 = tpu.memref_slice %arg8[%and3A_66, %dma_wait3A_108, %dma_wait3A_109] : memref<2x4x512xf32, #tpu.memory_space<vmem>> -> memref<1x4x512xf32, #tpu.memory_space<vmem>>
        %dma_wait3A_111 = tpu.memref_squeeze %dma_wait3A_110 : memref<1x4x512xf32, #tpu.memory_space<vmem>> -> memref<4x512xf32, #tpu.memory_space<vmem>>
        %dma_wait3A_112 = arith.constant 0 : i32
        %dma_wait3A_113 = arith.constant 0 : i32
        %dma_wait3A_114 = tpu.memref_slice %arg4[%add3A, %sub3A_107, %dma_wait3A_112, %dma_wait3A_113] : memref<32x20x4x512xf32, #tpu.memory_space<hbm>> -> memref<1x1x4x512xf32, #tpu.memory_space<hbm>>
        %dma_wait3A_115 = tpu.memref_squeeze %dma_wait3A_114 : memref<1x1x4x512xf32, #tpu.memory_space<hbm>> -> memref<4x512xf32, #tpu.memory_space<hbm>>
        %dma_wait3A_116 = arith.constant 0 : i32
        %dma_wait3A_117 = arith.constant 0 : i32
        %dma_wait3A_118 = tpu.memref_slice %arg4[%add3A, %sub3A_107, %dma_wait3A_116, %dma_wait3A_117] : memref<32x20x4x512xf32, #tpu.memory_space<hbm>> -> memref<1x1x4x512xf32, #tpu.memory_space<hbm>>
        %dma_wait3A_119 = tpu.memref_squeeze %dma_wait3A_118 : memref<1x1x4x512xf32, #tpu.memory_space<hbm>> -> memref<4x512xf32, #tpu.memory_space<hbm>>
        %dma_wait3A_120 = arith.constant 0 : i32
        %dma_wait3A_121 = arith.constant 0 : i32
        %dma_wait3A_122 = tpu.memref_slice %arg8[%and3A_66, %dma_wait3A_120, %dma_wait3A_121] : memref<2x4x512xf32, #tpu.memory_space<vmem>> -> memref<1x4x512xf32, #tpu.memory_space<vmem>>
        %dma_wait3A_123 = tpu.memref_squeeze %dma_wait3A_122 : memref<1x4x512xf32, #tpu.memory_space<vmem>> -> memref<4x512xf32, #tpu.memory_space<vmem>>
        tpu.wait_dma2 semaphore(%arg11 : memref<!tpu.dma_semaphore, #tpu.memory_space<semaphore_mem>>) src(%dma_wait3A_123 : memref<4x512xf32, #tpu.memory_space<vmem>>) dst(%dma_wait3A_119 : memref<4x512xf32, #tpu.memory_space<hbm>>)
      } else {
      }
      %scan3A_83 = arith.constant 0 : i32
      %scan3A_84 = arith.constant 0 : i32
      %scan3A_85 = arith.constant 16 : i32
      %scan3A_86 = arith.addi %scan3A_84, %scan3A_85 : i32
      %scan3A_87 = arith.constant 1 : i32
      %scan3A_88 = scf.for %scan3A_107 = %scan3A_84 to %scan3A_86 step %scan3A_87 iter_args(%scan3A_108 = %scan3A_83) -> (i32)  : i32 {
        %mul3A_109 = arith.constant 8192 : i32
        %mul3A_110 = arith.muli %and3A_66, %mul3A_109 : i32
        %add3A_111 = arith.constant 0 : i32
        %add3A_112 = arith.addi %mul3A_110, %add3A_111 : i32
        %mul3A_113 = arith.constant 16 : i32
        %mul3A_114 = arith.muli %scan3A_107, %mul3A_113 : i32
        %add3A_115 = arith.addi %add3A_112, %mul3A_114 : i32
        %get3A = arith.index_cast %add3A_115 : i32 to index
        %get3A_116 = tpu.vector_load %arg7[%get3A] {strides = array<i32>} : memref<16384xi32, #tpu.memory_space<vmem>>, vector<16xi32>,
        %and3A_117 = arith.constant 65535 : i32
        %and3A_118 = vector.broadcast %and3A_117 : i32 to vector<16xi32>
        %and3A_119 = arith.andi %get3A_116, %and3A_118 : vector<16xi32>
        %shift_right_logical3A = arith.constant 16 : i32
        %shift_right_logical3A_120 = vector.broadcast %shift_right_logical3A : i32 to vector<16xi32>
        %shift_right_logical3A_121 = arith.shrui %get3A_116, %shift_right_logical3A_120 : vector<16xi32>
        %add3A_122 = arith.constant 0 : i32
        %add3A_123 = vector.broadcast %add3A_122 : i32 to vector<16xi32>
        %add3A_124 = arith.addi %and3A_119, %add3A_123 : vector<16xi32>
        %gather3A = tpu.vector_load_idx %arg6[%add3A_124] : memref<20480xi32, #tpu.memory_space<vmem>>[vector<16xi32>], vector<16xi32>,
        %add3A_125 = arith.constant 0 : i32
        %add3A_126 = vector.broadcast %add3A_125 : i32 to vector<16xi32>
        %add3A_127 = arith.addi %shift_right_logical3A_121, %add3A_126 : vector<16xi32>
        %gather3A_128 = tpu.vector_load_idx %arg6[%add3A_127] : memref<20480xi32, #tpu.memory_space<vmem>>[vector<16xi32>], vector<16xi32>,
        %shift_left3A = arith.constant 16 : i32
        %shift_left3A_129 = vector.broadcast %shift_left3A : i32 to vector<16xi32>
        %shift_left3A_130 = arith.shli %gather3A, %shift_left3A_129 : vector<16xi32>
        %bitcast3A = vector.bitcast %shift_left3A_130 : vector<16xi32> to vector<16xf32>
        %shift_left3A_131 = arith.constant 16 : i32
        %shift_left3A_132 = vector.broadcast %shift_left3A_131 : i32 to vector<16xi32>
        %shift_left3A_133 = arith.shli %gather3A_128, %shift_left3A_132 : vector<16xi32>
        %bitcast3A_134 = vector.bitcast %shift_left3A_133 : vector<16xi32> to vector<16xf32>
        %bitcast3A_135 = vector.bitcast %gather3A : vector<16xi32> to vector<16xf32>
        %bitcast3A_136 = vector.bitcast %gather3A_128 : vector<16xi32> to vector<16xf32>
        %add3A_137 = arith.constant 10240 : i32
        %add3A_138 = vector.broadcast %add3A_137 : i32 to vector<16xi32>
        %add3A_139 = arith.addi %and3A_119, %add3A_138 : vector<16xi32>
        %gather3A_140 = tpu.vector_load_idx %arg6[%add3A_139] : memref<20480xi32, #tpu.memory_space<vmem>>[vector<16xi32>], vector<16xi32>,
        %add3A_141 = arith.constant 10240 : i32
        %add3A_142 = vector.broadcast %add3A_141 : i32 to vector<16xi32>
        %add3A_143 = arith.addi %shift_right_logical3A_121, %add3A_142 : vector<16xi32>
        %gather3A_144 = tpu.vector_load_idx %arg6[%add3A_143] : memref<20480xi32, #tpu.memory_space<vmem>>[vector<16xi32>], vector<16xi32>,
        %shift_left3A_145 = arith.constant 16 : i32
        %shift_left3A_146 = vector.broadcast %shift_left3A_145 : i32 to vector<16xi32>
        %shift_left3A_147 = arith.shli %gather3A_140, %shift_left3A_146 : vector<16xi32>
        %bitcast3A_148 = vector.bitcast %shift_left3A_147 : vector<16xi32> to vector<16xf32>
        %shift_left3A_149 = arith.constant 16 : i32
        %shift_left3A_150 = vector.broadcast %shift_left3A_149 : i32 to vector<16xi32>
        %shift_left3A_151 = arith.shli %gather3A_144, %shift_left3A_150 : vector<16xi32>
        %bitcast3A_152 = vector.bitcast %shift_left3A_151 : vector<16xi32> to vector<16xf32>
        %bitcast3A_153 = vector.bitcast %gather3A_140 : vector<16xi32> to vector<16xf32>
        %bitcast3A_154 = vector.bitcast %gather3A_144 : vector<16xi32> to vector<16xf32>
        %mul3A_155 = arith.constant 8192 : i32
        %mul3A_156 = arith.muli %and3A_66, %mul3A_155 : i32
        %add3A_157 = arith.constant 256 : i32
        %add3A_158 = arith.addi %mul3A_156, %add3A_157 : i32
        %mul3A_159 = arith.constant 16 : i32
        %mul3A_160 = arith.muli %scan3A_107, %mul3A_159 : i32
        %add3A_161 = arith.addi %add3A_158, %mul3A_160 : i32
        %get3A_162 = arith.index_cast %add3A_161 : i32 to index
        %get3A_163 = tpu.vector_load %arg7[%get3A_162] {strides = array<i32>} : memref<16384xi32, #tpu.memory_space<vmem>>, vector<16xi32>,
        %and3A_164 = arith.constant 65535 : i32
        %and3A_165 = vector.broadcast %and3A_164 : i32 to vector<16xi32>
        %and3A_166 = arith.andi %get3A_163, %and3A_165 : vector<16xi32>
        %shift_right_logical3A_167 = arith.constant 16 : i32
        %shift_right_logical3A_168 = vector.broadcast %shift_right_logical3A_167 : i32 to vector<16xi32>
        %shift_right_logical3A_169 = arith.shrui %get3A_163, %shift_right_logical3A_168 : vector<16xi32>
        %add3A_170 = arith.constant 0 : i32
        %add3A_171 = vector.broadcast %add3A_170 : i32 to vector<16xi32>
        %add3A_172 = arith.addi %and3A_166, %add3A_171 : vector<16xi32>
        %gather3A_173 = tpu.vector_load_idx %arg6[%add3A_172] : memref<20480xi32, #tpu.memory_space<vmem>>[vector<16xi32>], vector<16xi32>,
        %add3A_174 = arith.constant 0 : i32
        %add3A_175 = vector.broadcast %add3A_174 : i32 to vector<16xi32>
        %add3A_176 = arith.addi %shift_right_logical3A_169, %add3A_175 : vector<16xi32>
        %gather3A_177 = tpu.vector_load_idx %arg6[%add3A_176] : memref<20480xi32, #tpu.memory_space<vmem>>[vector<16xi32>], vector<16xi32>,
        %shift_left3A_178 = arith.constant 16 : i32
        %shift_left3A_179 = vector.broadcast %shift_left3A_178 : i32 to vector<16xi32>
        %shift_left3A_180 = arith.shli %gather3A_173, %shift_left3A_179 : vector<16xi32>
        %bitcast3A_181 = vector.bitcast %shift_left3A_180 : vector<16xi32> to vector<16xf32>
        %shift_left3A_182 = arith.constant 16 : i32
        %shift_left3A_183 = vector.broadcast %shift_left3A_182 : i32 to vector<16xi32>
        %shift_left3A_184 = arith.shli %gather3A_177, %shift_left3A_183 : vector<16xi32>
        %bitcast3A_185 = vector.bitcast %shift_left3A_184 : vector<16xi32> to vector<16xf32>
        %bitcast3A_186 = vector.bitcast %gather3A_173 : vector<16xi32> to vector<16xf32>
        %bitcast3A_187 = vector.bitcast %gather3A_177 : vector<16xi32> to vector<16xf32>
        %add3A_188 = arith.addf %bitcast3A, %bitcast3A_181 : vector<16xf32>
        %add3A_189 = arith.addf %bitcast3A_134, %bitcast3A_185 : vector<16xf32>
        %add3A_190 = arith.addf %bitcast3A_135, %bitcast3A_186 : vector<16xf32>
        %add3A_191 = arith.addf %bitcast3A_136, %bitcast3A_187 : vector<16xf32>
        %add3A_192 = arith.constant 10240 : i32
        %add3A_193 = vector.broadcast %add3A_192 : i32 to vector<16xi32>
        %add3A_194 = arith.addi %and3A_166, %add3A_193 : vector<16xi32>
        %gather3A_195 = tpu.vector_load_idx %arg6[%add3A_194] : memref<20480xi32, #tpu.memory_space<vmem>>[vector<16xi32>], vector<16xi32>,
        %add3A_196 = arith.constant 10240 : i32
        %add3A_197 = vector.broadcast %add3A_196 : i32 to vector<16xi32>
        %add3A_198 = arith.addi %shift_right_logical3A_169, %add3A_197 : vector<16xi32>
        %gather3A_199 = tpu.vector_load_idx %arg6[%add3A_198] : memref<20480xi32, #tpu.memory_space<vmem>>[vector<16xi32>], vector<16xi32>,
        %shift_left3A_200 = arith.constant 16 : i32
        %shift_left3A_201 = vector.broadcast %shift_left3A_200 : i32 to vector<16xi32>
        %shift_left3A_202 = arith.shli %gather3A_195, %shift_left3A_201 : vector<16xi32>
        %bitcast3A_203 = vector.bitcast %shift_left3A_202 : vector<16xi32> to vector<16xf32>
        %shift_left3A_204 = arith.constant 16 : i32
        %shift_left3A_205 = vector.broadcast %shift_left3A_204 : i32 to vector<16xi32>
        %shift_left3A_206 = arith.shli %gather3A_199, %shift_left3A_205 : vector<16xi32>
        %bitcast3A_207 = vector.bitcast %shift_left3A_206 : vector<16xi32> to vector<16xf32>
        %bitcast3A_208 = vector.bitcast %gather3A_195 : vector<16xi32> to vector<16xf32>
        %bitcast3A_209 = vector.bitcast %gather3A_199 : vector<16xi32> to vector<16xf32>
        %add3A_210 = arith.addf %bitcast3A_148, %bitcast3A_203 : vector<16xf32>
        %add3A_211 = arith.addf %bitcast3A_152, %bitcast3A_207 : vector<16xf32>
        %add3A_212 = arith.addf %bitcast3A_153, %bitcast3A_208 : vector<16xf32>
        %add3A_213 = arith.addf %bitcast3A_154, %bitcast3A_209 : vector<16xf32>
        %mul3A_214 = arith.constant 8192 : i32
        %mul3A_215 = arith.muli %and3A_66, %mul3A_214 : i32
        %add3A_216 = arith.constant 512 : i32
        %add3A_217 = arith.addi %mul3A_215, %add3A_216 : i32
        %mul3A_218 = arith.constant 16 : i32
        %mul3A_219 = arith.muli %scan3A_107, %mul3A_218 : i32
        %add3A_220 = arith.addi %add3A_217, %mul3A_219 : i32
        %get3A_221 = arith.index_cast %add3A_220 : i32 to index
        %get3A_222 = tpu.vector_load %arg7[%get3A_221] {strides = array<i32>} : memref<16384xi32, #tpu.memory_space<vmem>>, vector<16xi32>,
        %and3A_223 = arith.constant 65535 : i32
        %and3A_224 = vector.broadcast %and3A_223 : i32 to vector<16xi32>
        %and3A_225 = arith.andi %get3A_222, %and3A_224 : vector<16xi32>
        %shift_right_logical3A_226 = arith.constant 16 : i32
        %shift_right_logical3A_227 = vector.broadcast %shift_right_logical3A_226 : i32 to vector<16xi32>
        %shift_right_logical3A_228 = arith.shrui %get3A_222, %shift_right_logical3A_227 : vector<16xi32>
        %add3A_229 = arith.constant 0 : i32
        %add3A_230 = vector.broadcast %add3A_229 : i32 to vector<16xi32>
        %add3A_231 = arith.addi %and3A_225, %add3A_230 : vector<16xi32>
        %gather3A_232 = tpu.vector_load_idx %arg6[%add3A_231] : memref<20480xi32, #tpu.memory_space<vmem>>[vector<16xi32>], vector<16xi32>,
        %add3A_233 = arith.constant 0 : i32
        %add3A_234 = vector.broadcast %add3A_233 : i32 to vector<16xi32>
        %add3A_235 = arith.addi %shift_right_logical3A_228, %add3A_234 : vector<16xi32>
        %gather3A_236 = tpu.vector_load_idx %arg6[%add3A_235] : memref<20480xi32, #tpu.memory_space<vmem>>[vector<16xi32>], vector<16xi32>,
        %shift_left3A_237 = arith.constant 16 : i32
        %shift_left3A_238 = vector.broadcast %shift_left3A_237 : i32 to vector<16xi32>
        %shift_left3A_239 = arith.shli %gather3A_232, %shift_left3A_238 : vector<16xi32>
        %bitcast3A_240 = vector.bitcast %shift_left3A_239 : vector<16xi32> to vector<16xf32>
        %shift_left3A_241 = arith.constant 16 : i32
        %shift_left3A_242 = vector.broadcast %shift_left3A_241 : i32 to vector<16xi32>
        %shift_left3A_243 = arith.shli %gather3A_236, %shift_left3A_242 : vector<16xi32>
        %bitcast3A_244 = vector.bitcast %shift_left3A_243 : vector<16xi32> to vector<16xf32>
        %bitcast3A_245 = vector.bitcast %gather3A_232 : vector<16xi32> to vector<16xf32>
        %bitcast3A_246 = vector.bitcast %gather3A_236 : vector<16xi32> to vector<16xf32>
        %add3A_247 = arith.addf %add3A_188, %bitcast3A_240 : vector<16xf32>
        %add3A_248 = arith.addf %add3A_189, %bitcast3A_244 : vector<16xf32>
        %add3A_249 = arith.addf %add3A_190, %bitcast3A_245 : vector<16xf32>
        %add3A_250 = arith.addf %add3A_191, %bitcast3A_246 : vector<16xf32>
        %add3A_251 = arith.constant 10240 : i32
        %add3A_252 = vector.broadcast %add3A_251 : i32 to vector<16xi32>
        %add3A_253 = arith.addi %and3A_225, %add3A_252 : vector<16xi32>
        %gather3A_254 = tpu.vector_load_idx %arg6[%add3A_253] : memref<20480xi32, #tpu.memory_space<vmem>>[vector<16xi32>], vector<16xi32>,
        %add3A_255 = arith.constant 10240 : i32
        %add3A_256 = vector.broadcast %add3A_255 : i32 to vector<16xi32>
        %add3A_257 = arith.addi %shift_right_logical3A_228, %add3A_256 : vector<16xi32>
        %gather3A_258 = tpu.vector_load_idx %arg6[%add3A_257] : memref<20480xi32, #tpu.memory_space<vmem>>[vector<16xi32>], vector<16xi32>,
        %shift_left3A_259 = arith.constant 16 : i32
        %shift_left3A_260 = vector.broadcast %shift_left3A_259 : i32 to vector<16xi32>
        %shift_left3A_261 = arith.shli %gather3A_254, %shift_left3A_260 : vector<16xi32>
        %bitcast3A_262 = vector.bitcast %shift_left3A_261 : vector<16xi32> to vector<16xf32>
        %shift_left3A_263 = arith.constant 16 : i32
        %shift_left3A_264 = vector.broadcast %shift_left3A_263 : i32 to vector<16xi32>
        %shift_left3A_265 = arith.shli %gather3A_258, %shift_left3A_264 : vector<16xi32>
        %bitcast3A_266 = vector.bitcast %shift_left3A_265 : vector<16xi32> to vector<16xf32>
        %bitcast3A_267 = vector.bitcast %gather3A_254 : vector<16xi32> to vector<16xf32>
        %bitcast3A_268 = vector.bitcast %gather3A_258 : vector<16xi32> to vector<16xf32>
        %add3A_269 = arith.addf %add3A_210, %bitcast3A_262 : vector<16xf32>
        %add3A_270 = arith.addf %add3A_211, %bitcast3A_266 : vector<16xf32>
        %add3A_271 = arith.addf %add3A_212, %bitcast3A_267 : vector<16xf32>
        %add3A_272 = arith.addf %add3A_213, %bitcast3A_268 : vector<16xf32>
        %mul3A_273 = arith.constant 8192 : i32
        %mul3A_274 = arith.muli %and3A_66, %mul3A_273 : i32
        %add3A_275 = arith.constant 768 : i32
        %add3A_276 = arith.addi %mul3A_274, %add3A_275 : i32
        %mul3A_277 = arith.constant 16 : i32
        %mul3A_278 = arith.muli %scan3A_107, %mul3A_277 : i32
        %add3A_279 = arith.addi %add3A_276, %mul3A_278 : i32
        %get3A_280 = arith.index_cast %add3A_279 : i32 to index
        %get3A_281 = tpu.vector_load %arg7[%get3A_280] {strides = array<i32>} : memref<16384xi32, #tpu.memory_space<vmem>>, vector<16xi32>,
        %and3A_282 = arith.constant 65535 : i32
        %and3A_283 = vector.broadcast %and3A_282 : i32 to vector<16xi32>
        %and3A_284 = arith.andi %get3A_281, %and3A_283 : vector<16xi32>
        %shift_right_logical3A_285 = arith.constant 16 : i32
        %shift_right_logical3A_286 = vector.broadcast %shift_right_logical3A_285 : i32 to vector<16xi32>
        %shift_right_logical3A_287 = arith.shrui %get3A_281, %shift_right_logical3A_286 : vector<16xi32>
        %add3A_288 = arith.constant 0 : i32
        %add3A_289 = vector.broadcast %add3A_288 : i32 to vector<16xi32>
        %add3A_290 = arith.addi %and3A_284, %add3A_289 : vector<16xi32>
        %gather3A_291 = tpu.vector_load_idx %arg6[%add3A_290] : memref<20480xi32, #tpu.memory_space<vmem>>[vector<16xi32>], vector<16xi32>,
        %add3A_292 = arith.constant 0 : i32
        %add3A_293 = vector.broadcast %add3A_292 : i32 to vector<16xi32>
        %add3A_294 = arith.addi %shift_right_logical3A_287, %add3A_293 : vector<16xi32>
        %gather3A_295 = tpu.vector_load_idx %arg6[%add3A_294] : memref<20480xi32, #tpu.memory_space<vmem>>[vector<16xi32>], vector<16xi32>,
        %shift_left3A_296 = arith.constant 16 : i32
        %shift_left3A_297 = vector.broadcast %shift_left3A_296 : i32 to vector<16xi32>
        %shift_left3A_298 = arith.shli %gather3A_291, %shift_left3A_297 : vector<16xi32>
        %bitcast3A_299 = vector.bitcast %shift_left3A_298 : vector<16xi32> to vector<16xf32>
        %shift_left3A_300 = arith.constant 16 : i32
        %shift_left3A_301 = vector.broadcast %shift_left3A_300 : i32 to vector<16xi32>
        %shift_left3A_302 = arith.shli %gather3A_295, %shift_left3A_301 : vector<16xi32>
        %bitcast3A_303 = vector.bitcast %shift_left3A_302 : vector<16xi32> to vector<16xf32>
        %bitcast3A_304 = vector.bitcast %gather3A_291 : vector<16xi32> to vector<16xf32>
        %bitcast3A_305 = vector.bitcast %gather3A_295 : vector<16xi32> to vector<16xf32>
        %add3A_306 = arith.addf %add3A_247, %bitcast3A_299 : vector<16xf32>
        %add3A_307 = arith.addf %add3A_248, %bitcast3A_303 : vector<16xf32>
        %add3A_308 = arith.addf %add3A_249, %bitcast3A_304 : vector<16xf32>
        %add3A_309 = arith.addf %add3A_250, %bitcast3A_305 : vector<16xf32>
        %add3A_310 = arith.constant 10240 : i32
        %add3A_311 = vector.broadcast %add3A_310 : i32 to vector<16xi32>
        %add3A_312 = arith.addi %and3A_284, %add3A_311 : vector<16xi32>
        %gather3A_313 = tpu.vector_load_idx %arg6[%add3A_312] : memref<20480xi32, #tpu.memory_space<vmem>>[vector<16xi32>], vector<16xi32>,
        %add3A_314 = arith.constant 10240 : i32
        %add3A_315 = vector.broadcast %add3A_314 : i32 to vector<16xi32>
        %add3A_316 = arith.addi %shift_right_logical3A_287, %add3A_315 : vector<16xi32>
        %gather3A_317 = tpu.vector_load_idx %arg6[%add3A_316] : memref<20480xi32, #tpu.memory_space<vmem>>[vector<16xi32>], vector<16xi32>,
        %shift_left3A_318 = arith.constant 16 : i32
        %shift_left3A_319 = vector.broadcast %shift_left3A_318 : i32 to vector<16xi32>
        %shift_left3A_320 = arith.shli %gather3A_313, %shift_left3A_319 : vector<16xi32>
        %bitcast3A_321 = vector.bitcast %shift_left3A_320 : vector<16xi32> to vector<16xf32>
        %shift_left3A_322 = arith.constant 16 : i32
        %shift_left3A_323 = vector.broadcast %shift_left3A_322 : i32 to vector<16xi32>
        %shift_left3A_324 = arith.shli %gather3A_317, %shift_left3A_323 : vector<16xi32>
        %bitcast3A_325 = vector.bitcast %shift_left3A_324 : vector<16xi32> to vector<16xf32>
        %bitcast3A_326 = vector.bitcast %gather3A_313 : vector<16xi32> to vector<16xf32>
        %bitcast3A_327 = vector.bitcast %gather3A_317 : vector<16xi32> to vector<16xf32>
        %add3A_328 = arith.addf %add3A_269, %bitcast3A_321 : vector<16xf32>
        %add3A_329 = arith.addf %add3A_270, %bitcast3A_325 : vector<16xf32>
        %add3A_330 = arith.addf %add3A_271, %bitcast3A_326 : vector<16xf32>
        %add3A_331 = arith.addf %add3A_272, %bitcast3A_327 : vector<16xf32>
        %mul3A_332 = arith.constant 8192 : i32
        %mul3A_333 = arith.muli %and3A_66, %mul3A_332 : i32
        %add3A_334 = arith.constant 1024 : i32
        %add3A_335 = arith.addi %mul3A_333, %add3A_334 : i32
        %mul3A_336 = arith.constant 16 : i32
        %mul3A_337 = arith.muli %scan3A_107, %mul3A_336 : i32
        %add3A_338 = arith.addi %add3A_335, %mul3A_337 : i32
        %get3A_339 = arith.index_cast %add3A_338 : i32 to index
        %get3A_340 = tpu.vector_load %arg7[%get3A_339] {strides = array<i32>} : memref<16384xi32, #tpu.memory_space<vmem>>, vector<16xi32>,
        %and3A_341 = arith.constant 65535 : i32
        %and3A_342 = vector.broadcast %and3A_341 : i32 to vector<16xi32>
        %and3A_343 = arith.andi %get3A_340, %and3A_342 : vector<16xi32>
        %shift_right_logical3A_344 = arith.constant 16 : i32
        %shift_right_logical3A_345 = vector.broadcast %shift_right_logical3A_344 : i32 to vector<16xi32>
        %shift_right_logical3A_346 = arith.shrui %get3A_340, %shift_right_logical3A_345 : vector<16xi32>
        %add3A_347 = arith.constant 0 : i32
        %add3A_348 = vector.broadcast %add3A_347 : i32 to vector<16xi32>
        %add3A_349 = arith.addi %and3A_343, %add3A_348 : vector<16xi32>
        %gather3A_350 = tpu.vector_load_idx %arg6[%add3A_349] : memref<20480xi32, #tpu.memory_space<vmem>>[vector<16xi32>], vector<16xi32>,
        %add3A_351 = arith.constant 0 : i32
        %add3A_352 = vector.broadcast %add3A_351 : i32 to vector<16xi32>
        %add3A_353 = arith.addi %shift_right_logical3A_346, %add3A_352 : vector<16xi32>
        %gather3A_354 = tpu.vector_load_idx %arg6[%add3A_353] : memref<20480xi32, #tpu.memory_space<vmem>>[vector<16xi32>], vector<16xi32>,
        %shift_left3A_355 = arith.constant 16 : i32
        %shift_left3A_356 = vector.broadcast %shift_left3A_355 : i32 to vector<16xi32>
        %shift_left3A_357 = arith.shli %gather3A_350, %shift_left3A_356 : vector<16xi32>
        %bitcast3A_358 = vector.bitcast %shift_left3A_357 : vector<16xi32> to vector<16xf32>
        %shift_left3A_359 = arith.constant 16 : i32
        %shift_left3A_360 = vector.broadcast %shift_left3A_359 : i32 to vector<16xi32>
        %shift_left3A_361 = arith.shli %gather3A_354, %shift_left3A_360 : vector<16xi32>
        %bitcast3A_362 = vector.bitcast %shift_left3A_361 : vector<16xi32> to vector<16xf32>
        %bitcast3A_363 = vector.bitcast %gather3A_350 : vector<16xi32> to vector<16xf32>
        %bitcast3A_364 = vector.bitcast %gather3A_354 : vector<16xi32> to vector<16xf32>
        %add3A_365 = arith.addf %add3A_306, %bitcast3A_358 : vector<16xf32>
        %add3A_366 = arith.addf %add3A_307, %bitcast3A_362 : vector<16xf32>
        %add3A_367 = arith.addf %add3A_308, %bitcast3A_363 : vector<16xf32>
        %add3A_368 = arith.addf %add3A_309, %bitcast3A_364 : vector<16xf32>
        %add3A_369 = arith.constant 10240 : i32
        %add3A_370 = vector.broadcast %add3A_369 : i32 to vector<16xi32>
        %add3A_371 = arith.addi %and3A_343, %add3A_370 : vector<16xi32>
        %gather3A_372 = tpu.vector_load_idx %arg6[%add3A_371] : memref<20480xi32, #tpu.memory_space<vmem>>[vector<16xi32>], vector<16xi32>,
        %add3A_373 = arith.constant 10240 : i32
        %add3A_374 = vector.broadcast %add3A_373 : i32 to vector<16xi32>
        %add3A_375 = arith.addi %shift_right_logical3A_346, %add3A_374 : vector<16xi32>
        %gather3A_376 = tpu.vector_load_idx %arg6[%add3A_375] : memref<20480xi32, #tpu.memory_space<vmem>>[vector<16xi32>], vector<16xi32>,
        %shift_left3A_377 = arith.constant 16 : i32
        %shift_left3A_378 = vector.broadcast %shift_left3A_377 : i32 to vector<16xi32>
        %shift_left3A_379 = arith.shli %gather3A_372, %shift_left3A_378 : vector<16xi32>
        %bitcast3A_380 = vector.bitcast %shift_left3A_379 : vector<16xi32> to vector<16xf32>
        %shift_left3A_381 = arith.constant 16 : i32
        %shift_left3A_382 = vector.broadcast %shift_left3A_381 : i32 to vector<16xi32>
        %shift_left3A_383 = arith.shli %gather3A_376, %shift_left3A_382 : vector<16xi32>
        %bitcast3A_384 = vector.bitcast %shift_left3A_383 : vector<16xi32> to vector<16xf32>
        %bitcast3A_385 = vector.bitcast %gather3A_372 : vector<16xi32> to vector<16xf32>
        %bitcast3A_386 = vector.bitcast %gather3A_376 : vector<16xi32> to vector<16xf32>
        %add3A_387 = arith.addf %add3A_328, %bitcast3A_380 : vector<16xf32>
        %add3A_388 = arith.addf %add3A_329, %bitcast3A_384 : vector<16xf32>
        %add3A_389 = arith.addf %add3A_330, %bitcast3A_385 : vector<16xf32>
        %add3A_390 = arith.addf %add3A_331, %bitcast3A_386 : vector<16xf32>
        %mul3A_391 = arith.constant 8192 : i32
        %mul3A_392 = arith.muli %and3A_66, %mul3A_391 : i32
        %add3A_393 = arith.constant 1280 : i32
        %add3A_394 = arith.addi %mul3A_392, %add3A_393 : i32
        %mul3A_395 = arith.constant 16 : i32
        %mul3A_396 = arith.muli %scan3A_107, %mul3A_395 : i32
        %add3A_397 = arith.addi %add3A_394, %mul3A_396 : i32
        %get3A_398 = arith.index_cast %add3A_397 : i32 to index
        %get3A_399 = tpu.vector_load %arg7[%get3A_398] {strides = array<i32>} : memref<16384xi32, #tpu.memory_space<vmem>>, vector<16xi32>,
        %and3A_400 = arith.constant 65535 : i32
        %and3A_401 = vector.broadcast %and3A_400 : i32 to vector<16xi32>
        %and3A_402 = arith.andi %get3A_399, %and3A_401 : vector<16xi32>
        %shift_right_logical3A_403 = arith.constant 16 : i32
        %shift_right_logical3A_404 = vector.broadcast %shift_right_logical3A_403 : i32 to vector<16xi32>
        %shift_right_logical3A_405 = arith.shrui %get3A_399, %shift_right_logical3A_404 : vector<16xi32>
        %add3A_406 = arith.constant 0 : i32
        %add3A_407 = vector.broadcast %add3A_406 : i32 to vector<16xi32>
        %add3A_408 = arith.addi %and3A_402, %add3A_407 : vector<16xi32>
        %gather3A_409 = tpu.vector_load_idx %arg6[%add3A_408] : memref<20480xi32, #tpu.memory_space<vmem>>[vector<16xi32>], vector<16xi32>,
        %add3A_410 = arith.constant 0 : i32
        %add3A_411 = vector.broadcast %add3A_410 : i32 to vector<16xi32>
        %add3A_412 = arith.addi %shift_right_logical3A_405, %add3A_411 : vector<16xi32>
        %gather3A_413 = tpu.vector_load_idx %arg6[%add3A_412] : memref<20480xi32, #tpu.memory_space<vmem>>[vector<16xi32>], vector<16xi32>,
        %shift_left3A_414 = arith.constant 16 : i32
        %shift_left3A_415 = vector.broadcast %shift_left3A_414 : i32 to vector<16xi32>
        %shift_left3A_416 = arith.shli %gather3A_409, %shift_left3A_415 : vector<16xi32>
        %bitcast3A_417 = vector.bitcast %shift_left3A_416 : vector<16xi32> to vector<16xf32>
        %shift_left3A_418 = arith.constant 16 : i32
        %shift_left3A_419 = vector.broadcast %shift_left3A_418 : i32 to vector<16xi32>
        %shift_left3A_420 = arith.shli %gather3A_413, %shift_left3A_419 : vector<16xi32>
        %bitcast3A_421 = vector.bitcast %shift_left3A_420 : vector<16xi32> to vector<16xf32>
        %bitcast3A_422 = vector.bitcast %gather3A_409 : vector<16xi32> to vector<16xf32>
        %bitcast3A_423 = vector.bitcast %gather3A_413 : vector<16xi32> to vector<16xf32>
        %add3A_424 = arith.addf %add3A_365, %bitcast3A_417 : vector<16xf32>
        %add3A_425 = arith.addf %add3A_366, %bitcast3A_421 : vector<16xf32>
        %add3A_426 = arith.addf %add3A_367, %bitcast3A_422 : vector<16xf32>
        %add3A_427 = arith.addf %add3A_368, %bitcast3A_423 : vector<16xf32>
        %add3A_428 = arith.constant 10240 : i32
        %add3A_429 = vector.broadcast %add3A_428 : i32 to vector<16xi32>
        %add3A_430 = arith.addi %and3A_402, %add3A_429 : vector<16xi32>
        %gather3A_431 = tpu.vector_load_idx %arg6[%add3A_430] : memref<20480xi32, #tpu.memory_space<vmem>>[vector<16xi32>], vector<16xi32>,
        %add3A_432 = arith.constant 10240 : i32
        %add3A_433 = vector.broadcast %add3A_432 : i32 to vector<16xi32>
        %add3A_434 = arith.addi %shift_right_logical3A_405, %add3A_433 : vector<16xi32>
        %gather3A_435 = tpu.vector_load_idx %arg6[%add3A_434] : memref<20480xi32, #tpu.memory_space<vmem>>[vector<16xi32>], vector<16xi32>,
        %shift_left3A_436 = arith.constant 16 : i32
        %shift_left3A_437 = vector.broadcast %shift_left3A_436 : i32 to vector<16xi32>
        %shift_left3A_438 = arith.shli %gather3A_431, %shift_left3A_437 : vector<16xi32>
        %bitcast3A_439 = vector.bitcast %shift_left3A_438 : vector<16xi32> to vector<16xf32>
        %shift_left3A_440 = arith.constant 16 : i32
        %shift_left3A_441 = vector.broadcast %shift_left3A_440 : i32 to vector<16xi32>
        %shift_left3A_442 = arith.shli %gather3A_435, %shift_left3A_441 : vector<16xi32>
        %bitcast3A_443 = vector.bitcast %shift_left3A_442 : vector<16xi32> to vector<16xf32>
        %bitcast3A_444 = vector.bitcast %gather3A_431 : vector<16xi32> to vector<16xf32>
        %bitcast3A_445 = vector.bitcast %gather3A_435 : vector<16xi32> to vector<16xf32>
        %add3A_446 = arith.addf %add3A_387, %bitcast3A_439 : vector<16xf32>
        %add3A_447 = arith.addf %add3A_388, %bitcast3A_443 : vector<16xf32>
        %add3A_448 = arith.addf %add3A_389, %bitcast3A_444 : vector<16xf32>
        %add3A_449 = arith.addf %add3A_390, %bitcast3A_445 : vector<16xf32>
        %mul3A_450 = arith.constant 8192 : i32
        %mul3A_451 = arith.muli %and3A_66, %mul3A_450 : i32
        %add3A_452 = arith.constant 1536 : i32
        %add3A_453 = arith.addi %mul3A_451, %add3A_452 : i32
        %mul3A_454 = arith.constant 16 : i32
        %mul3A_455 = arith.muli %scan3A_107, %mul3A_454 : i32
        %add3A_456 = arith.addi %add3A_453, %mul3A_455 : i32
        %get3A_457 = arith.index_cast %add3A_456 : i32 to index
        %get3A_458 = tpu.vector_load %arg7[%get3A_457] {strides = array<i32>} : memref<16384xi32, #tpu.memory_space<vmem>>, vector<16xi32>,
        %and3A_459 = arith.constant 65535 : i32
        %and3A_460 = vector.broadcast %and3A_459 : i32 to vector<16xi32>
        %and3A_461 = arith.andi %get3A_458, %and3A_460 : vector<16xi32>
        %shift_right_logical3A_462 = arith.constant 16 : i32
        %shift_right_logical3A_463 = vector.broadcast %shift_right_logical3A_462 : i32 to vector<16xi32>
        %shift_right_logical3A_464 = arith.shrui %get3A_458, %shift_right_logical3A_463 : vector<16xi32>
        %add3A_465 = arith.constant 0 : i32
        %add3A_466 = vector.broadcast %add3A_465 : i32 to vector<16xi32>
        %add3A_467 = arith.addi %and3A_461, %add3A_466 : vector<16xi32>
        %gather3A_468 = tpu.vector_load_idx %arg6[%add3A_467] : memref<20480xi32, #tpu.memory_space<vmem>>[vector<16xi32>], vector<16xi32>,
        %add3A_469 = arith.constant 0 : i32
        %add3A_470 = vector.broadcast %add3A_469 : i32 to vector<16xi32>
        %add3A_471 = arith.addi %shift_right_logical3A_464, %add3A_470 : vector<16xi32>
        %gather3A_472 = tpu.vector_load_idx %arg6[%add3A_471] : memref<20480xi32, #tpu.memory_space<vmem>>[vector<16xi32>], vector<16xi32>,
        %shift_left3A_473 = arith.constant 16 : i32
        %shift_left3A_474 = vector.broadcast %shift_left3A_473 : i32 to vector<16xi32>
        %shift_left3A_475 = arith.shli %gather3A_468, %shift_left3A_474 : vector<16xi32>
        %bitcast3A_476 = vector.bitcast %shift_left3A_475 : vector<16xi32> to vector<16xf32>
        %shift_left3A_477 = arith.constant 16 : i32
        %shift_left3A_478 = vector.broadcast %shift_left3A_477 : i32 to vector<16xi32>
        %shift_left3A_479 = arith.shli %gather3A_472, %shift_left3A_478 : vector<16xi32>
        %bitcast3A_480 = vector.bitcast %shift_left3A_479 : vector<16xi32> to vector<16xf32>
        %bitcast3A_481 = vector.bitcast %gather3A_468 : vector<16xi32> to vector<16xf32>
        %bitcast3A_482 = vector.bitcast %gather3A_472 : vector<16xi32> to vector<16xf32>
        %add3A_483 = arith.addf %add3A_424, %bitcast3A_476 : vector<16xf32>
        %add3A_484 = arith.addf %add3A_425, %bitcast3A_480 : vector<16xf32>
        %add3A_485 = arith.addf %add3A_426, %bitcast3A_481 : vector<16xf32>
        %add3A_486 = arith.addf %add3A_427, %bitcast3A_482 : vector<16xf32>
        %add3A_487 = arith.constant 10240 : i32
        %add3A_488 = vector.broadcast %add3A_487 : i32 to vector<16xi32>
        %add3A_489 = arith.addi %and3A_461, %add3A_488 : vector<16xi32>
        %gather3A_490 = tpu.vector_load_idx %arg6[%add3A_489] : memref<20480xi32, #tpu.memory_space<vmem>>[vector<16xi32>], vector<16xi32>,
        %add3A_491 = arith.constant 10240 : i32
        %add3A_492 = vector.broadcast %add3A_491 : i32 to vector<16xi32>
        %add3A_493 = arith.addi %shift_right_logical3A_464, %add3A_492 : vector<16xi32>
        %gather3A_494 = tpu.vector_load_idx %arg6[%add3A_493] : memref<20480xi32, #tpu.memory_space<vmem>>[vector<16xi32>], vector<16xi32>,
        %shift_left3A_495 = arith.constant 16 : i32
        %shift_left3A_496 = vector.broadcast %shift_left3A_495 : i32 to vector<16xi32>
        %shift_left3A_497 = arith.shli %gather3A_490, %shift_left3A_496 : vector<16xi32>
        %bitcast3A_498 = vector.bitcast %shift_left3A_497 : vector<16xi32> to vector<16xf32>
        %shift_left3A_499 = arith.constant 16 : i32
        %shift_left3A_500 = vector.broadcast %shift_left3A_499 : i32 to vector<16xi32>
        %shift_left3A_501 = arith.shli %gather3A_494, %shift_left3A_500 : vector<16xi32>
        %bitcast3A_502 = vector.bitcast %shift_left3A_501 : vector<16xi32> to vector<16xf32>
        %bitcast3A_503 = vector.bitcast %gather3A_490 : vector<16xi32> to vector<16xf32>
        %bitcast3A_504 = vector.bitcast %gather3A_494 : vector<16xi32> to vector<16xf32>
        %add3A_505 = arith.addf %add3A_446, %bitcast3A_498 : vector<16xf32>
        %add3A_506 = arith.addf %add3A_447, %bitcast3A_502 : vector<16xf32>
        %add3A_507 = arith.addf %add3A_448, %bitcast3A_503 : vector<16xf32>
        %add3A_508 = arith.addf %add3A_449, %bitcast3A_504 : vector<16xf32>
        %mul3A_509 = arith.constant 8192 : i32
        %mul3A_510 = arith.muli %and3A_66, %mul3A_509 : i32
        %add3A_511 = arith.constant 1792 : i32
        %add3A_512 = arith.addi %mul3A_510, %add3A_511 : i32
        %mul3A_513 = arith.constant 16 : i32
        %mul3A_514 = arith.muli %scan3A_107, %mul3A_513 : i32
        %add3A_515 = arith.addi %add3A_512, %mul3A_514 : i32
        %get3A_516 = arith.index_cast %add3A_515 : i32 to index
        %get3A_517 = tpu.vector_load %arg7[%get3A_516] {strides = array<i32>} : memref<16384xi32, #tpu.memory_space<vmem>>, vector<16xi32>,
        %and3A_518 = arith.constant 65535 : i32
        %and3A_519 = vector.broadcast %and3A_518 : i32 to vector<16xi32>
        %and3A_520 = arith.andi %get3A_517, %and3A_519 : vector<16xi32>
        %shift_right_logical3A_521 = arith.constant 16 : i32
        %shift_right_logical3A_522 = vector.broadcast %shift_right_logical3A_521 : i32 to vector<16xi32>
        %shift_right_logical3A_523 = arith.shrui %get3A_517, %shift_right_logical3A_522 : vector<16xi32>
        %add3A_524 = arith.constant 0 : i32
        %add3A_525 = vector.broadcast %add3A_524 : i32 to vector<16xi32>
        %add3A_526 = arith.addi %and3A_520, %add3A_525 : vector<16xi32>
        %gather3A_527 = tpu.vector_load_idx %arg6[%add3A_526] : memref<20480xi32, #tpu.memory_space<vmem>>[vector<16xi32>], vector<16xi32>,
        %add3A_528 = arith.constant 0 : i32
        %add3A_529 = vector.broadcast %add3A_528 : i32 to vector<16xi32>
        %add3A_530 = arith.addi %shift_right_logical3A_523, %add3A_529 : vector<16xi32>
        %gather3A_531 = tpu.vector_load_idx %arg6[%add3A_530] : memref<20480xi32, #tpu.memory_space<vmem>>[vector<16xi32>], vector<16xi32>,
        %shift_left3A_532 = arith.constant 16 : i32
        %shift_left3A_533 = vector.broadcast %shift_left3A_532 : i32 to vector<16xi32>
        %shift_left3A_534 = arith.shli %gather3A_527, %shift_left3A_533 : vector<16xi32>
        %bitcast3A_535 = vector.bitcast %shift_left3A_534 : vector<16xi32> to vector<16xf32>
        %shift_left3A_536 = arith.constant 16 : i32
        %shift_left3A_537 = vector.broadcast %shift_left3A_536 : i32 to vector<16xi32>
        %shift_left3A_538 = arith.shli %gather3A_531, %shift_left3A_537 : vector<16xi32>
        %bitcast3A_539 = vector.bitcast %shift_left3A_538 : vector<16xi32> to vector<16xf32>
        %bitcast3A_540 = vector.bitcast %gather3A_527 : vector<16xi32> to vector<16xf32>
        %bitcast3A_541 = vector.bitcast %gather3A_531 : vector<16xi32> to vector<16xf32>
        %add3A_542 = arith.addf %add3A_483, %bitcast3A_535 : vector<16xf32>
        %add3A_543 = arith.addf %add3A_484, %bitcast3A_539 : vector<16xf32>
        %add3A_544 = arith.addf %add3A_485, %bitcast3A_540 : vector<16xf32>
        %add3A_545 = arith.addf %add3A_486, %bitcast3A_541 : vector<16xf32>
        %add3A_546 = arith.constant 10240 : i32
        %add3A_547 = vector.broadcast %add3A_546 : i32 to vector<16xi32>
        %add3A_548 = arith.addi %and3A_520, %add3A_547 : vector<16xi32>
        %gather3A_549 = tpu.vector_load_idx %arg6[%add3A_548] : memref<20480xi32, #tpu.memory_space<vmem>>[vector<16xi32>], vector<16xi32>,
        %add3A_550 = arith.constant 10240 : i32
        %add3A_551 = vector.broadcast %add3A_550 : i32 to vector<16xi32>
        %add3A_552 = arith.addi %shift_right_logical3A_523, %add3A_551 : vector<16xi32>
        %gather3A_553 = tpu.vector_load_idx %arg6[%add3A_552] : memref<20480xi32, #tpu.memory_space<vmem>>[vector<16xi32>], vector<16xi32>,
        %shift_left3A_554 = arith.constant 16 : i32
        %shift_left3A_555 = vector.broadcast %shift_left3A_554 : i32 to vector<16xi32>
        %shift_left3A_556 = arith.shli %gather3A_549, %shift_left3A_555 : vector<16xi32>
        %bitcast3A_557 = vector.bitcast %shift_left3A_556 : vector<16xi32> to vector<16xf32>
        %shift_left3A_558 = arith.constant 16 : i32
        %shift_left3A_559 = vector.broadcast %shift_left3A_558 : i32 to vector<16xi32>
        %shift_left3A_560 = arith.shli %gather3A_553, %shift_left3A_559 : vector<16xi32>
        %bitcast3A_561 = vector.bitcast %shift_left3A_560 : vector<16xi32> to vector<16xf32>
        %bitcast3A_562 = vector.bitcast %gather3A_549 : vector<16xi32> to vector<16xf32>
        %bitcast3A_563 = vector.bitcast %gather3A_553 : vector<16xi32> to vector<16xf32>
        %add3A_564 = arith.addf %add3A_505, %bitcast3A_557 : vector<16xf32>
        %add3A_565 = arith.addf %add3A_506, %bitcast3A_561 : vector<16xf32>
        %add3A_566 = arith.addf %add3A_507, %bitcast3A_562 : vector<16xf32>
        %add3A_567 = arith.addf %add3A_508, %bitcast3A_563 : vector<16xf32>
        %mul3A_568 = arith.constant 8192 : i32
        %mul3A_569 = arith.muli %and3A_66, %mul3A_568 : i32
        %add3A_570 = arith.constant 2048 : i32
        %add3A_571 = arith.addi %mul3A_569, %add3A_570 : i32
        %mul3A_572 = arith.constant 16 : i32
        %mul3A_573 = arith.muli %scan3A_107, %mul3A_572 : i32
        %add3A_574 = arith.addi %add3A_571, %mul3A_573 : i32
        %get3A_575 = arith.index_cast %add3A_574 : i32 to index
        %get3A_576 = tpu.vector_load %arg7[%get3A_575] {strides = array<i32>} : memref<16384xi32, #tpu.memory_space<vmem>>, vector<16xi32>,
        %and3A_577 = arith.constant 65535 : i32
        %and3A_578 = vector.broadcast %and3A_577 : i32 to vector<16xi32>
        %and3A_579 = arith.andi %get3A_576, %and3A_578 : vector<16xi32>
        %shift_right_logical3A_580 = arith.constant 16 : i32
        %shift_right_logical3A_581 = vector.broadcast %shift_right_logical3A_580 : i32 to vector<16xi32>
        %shift_right_logical3A_582 = arith.shrui %get3A_576, %shift_right_logical3A_581 : vector<16xi32>
        %add3A_583 = arith.constant 0 : i32
        %add3A_584 = vector.broadcast %add3A_583 : i32 to vector<16xi32>
        %add3A_585 = arith.addi %and3A_579, %add3A_584 : vector<16xi32>
        %gather3A_586 = tpu.vector_load_idx %arg6[%add3A_585] : memref<20480xi32, #tpu.memory_space<vmem>>[vector<16xi32>], vector<16xi32>,
        %add3A_587 = arith.constant 0 : i32
        %add3A_588 = vector.broadcast %add3A_587 : i32 to vector<16xi32>
        %add3A_589 = arith.addi %shift_right_logical3A_582, %add3A_588 : vector<16xi32>
        %gather3A_590 = tpu.vector_load_idx %arg6[%add3A_589] : memref<20480xi32, #tpu.memory_space<vmem>>[vector<16xi32>], vector<16xi32>,
        %shift_left3A_591 = arith.constant 16 : i32
        %shift_left3A_592 = vector.broadcast %shift_left3A_591 : i32 to vector<16xi32>
        %shift_left3A_593 = arith.shli %gather3A_586, %shift_left3A_592 : vector<16xi32>
        %bitcast3A_594 = vector.bitcast %shift_left3A_593 : vector<16xi32> to vector<16xf32>
        %shift_left3A_595 = arith.constant 16 : i32
        %shift_left3A_596 = vector.broadcast %shift_left3A_595 : i32 to vector<16xi32>
        %shift_left3A_597 = arith.shli %gather3A_590, %shift_left3A_596 : vector<16xi32>
        %bitcast3A_598 = vector.bitcast %shift_left3A_597 : vector<16xi32> to vector<16xf32>
        %bitcast3A_599 = vector.bitcast %gather3A_586 : vector<16xi32> to vector<16xf32>
        %bitcast3A_600 = vector.bitcast %gather3A_590 : vector<16xi32> to vector<16xf32>
        %add3A_601 = arith.addf %add3A_542, %bitcast3A_594 : vector<16xf32>
        %add3A_602 = arith.addf %add3A_543, %bitcast3A_598 : vector<16xf32>
        %add3A_603 = arith.addf %add3A_544, %bitcast3A_599 : vector<16xf32>
        %add3A_604 = arith.addf %add3A_545, %bitcast3A_600 : vector<16xf32>
        %add3A_605 = arith.constant 10240 : i32
        %add3A_606 = vector.broadcast %add3A_605 : i32 to vector<16xi32>
        %add3A_607 = arith.addi %and3A_579, %add3A_606 : vector<16xi32>
        %gather3A_608 = tpu.vector_load_idx %arg6[%add3A_607] : memref<20480xi32, #tpu.memory_space<vmem>>[vector<16xi32>], vector<16xi32>,
        %add3A_609 = arith.constant 10240 : i32
        %add3A_610 = vector.broadcast %add3A_609 : i32 to vector<16xi32>
        %add3A_611 = arith.addi %shift_right_logical3A_582, %add3A_610 : vector<16xi32>
        %gather3A_612 = tpu.vector_load_idx %arg6[%add3A_611] : memref<20480xi32, #tpu.memory_space<vmem>>[vector<16xi32>], vector<16xi32>,
        %shift_left3A_613 = arith.constant 16 : i32
        %shift_left3A_614 = vector.broadcast %shift_left3A_613 : i32 to vector<16xi32>
        %shift_left3A_615 = arith.shli %gather3A_608, %shift_left3A_614 : vector<16xi32>
        %bitcast3A_616 = vector.bitcast %shift_left3A_615 : vector<16xi32> to vector<16xf32>
        %shift_left3A_617 = arith.constant 16 : i32
        %shift_left3A_618 = vector.broadcast %shift_left3A_617 : i32 to vector<16xi32>
        %shift_left3A_619 = arith.shli %gather3A_612, %shift_left3A_618 : vector<16xi32>
        %bitcast3A_620 = vector.bitcast %shift_left3A_619 : vector<16xi32> to vector<16xf32>
        %bitcast3A_621 = vector.bitcast %gather3A_608 : vector<16xi32> to vector<16xf32>
        %bitcast3A_622 = vector.bitcast %gather3A_612 : vector<16xi32> to vector<16xf32>
        %add3A_623 = arith.addf %add3A_564, %bitcast3A_616 : vector<16xf32>
        %add3A_624 = arith.addf %add3A_565, %bitcast3A_620 : vector<16xf32>
        %add3A_625 = arith.addf %add3A_566, %bitcast3A_621 : vector<16xf32>
        %add3A_626 = arith.addf %add3A_567, %bitcast3A_622 : vector<16xf32>
        %mul3A_627 = arith.constant 8192 : i32
        %mul3A_628 = arith.muli %and3A_66, %mul3A_627 : i32
        %add3A_629 = arith.constant 2304 : i32
        %add3A_630 = arith.addi %mul3A_628, %add3A_629 : i32
        %mul3A_631 = arith.constant 16 : i32
        %mul3A_632 = arith.muli %scan3A_107, %mul3A_631 : i32
        %add3A_633 = arith.addi %add3A_630, %mul3A_632 : i32
        %get3A_634 = arith.index_cast %add3A_633 : i32 to index
        %get3A_635 = tpu.vector_load %arg7[%get3A_634] {strides = array<i32>} : memref<16384xi32, #tpu.memory_space<vmem>>, vector<16xi32>,
        %and3A_636 = arith.constant 65535 : i32
        %and3A_637 = vector.broadcast %and3A_636 : i32 to vector<16xi32>
        %and3A_638 = arith.andi %get3A_635, %and3A_637 : vector<16xi32>
        %shift_right_logical3A_639 = arith.constant 16 : i32
        %shift_right_logical3A_640 = vector.broadcast %shift_right_logical3A_639 : i32 to vector<16xi32>
        %shift_right_logical3A_641 = arith.shrui %get3A_635, %shift_right_logical3A_640 : vector<16xi32>
        %add3A_642 = arith.constant 0 : i32
        %add3A_643 = vector.broadcast %add3A_642 : i32 to vector<16xi32>
        %add3A_644 = arith.addi %and3A_638, %add3A_643 : vector<16xi32>
        %gather3A_645 = tpu.vector_load_idx %arg6[%add3A_644] : memref<20480xi32, #tpu.memory_space<vmem>>[vector<16xi32>], vector<16xi32>,
        %add3A_646 = arith.constant 0 : i32
        %add3A_647 = vector.broadcast %add3A_646 : i32 to vector<16xi32>
        %add3A_648 = arith.addi %shift_right_logical3A_641, %add3A_647 : vector<16xi32>
        %gather3A_649 = tpu.vector_load_idx %arg6[%add3A_648] : memref<20480xi32, #tpu.memory_space<vmem>>[vector<16xi32>], vector<16xi32>,
        %shift_left3A_650 = arith.constant 16 : i32
        %shift_left3A_651 = vector.broadcast %shift_left3A_650 : i32 to vector<16xi32>
        %shift_left3A_652 = arith.shli %gather3A_645, %shift_left3A_651 : vector<16xi32>
        %bitcast3A_653 = vector.bitcast %shift_left3A_652 : vector<16xi32> to vector<16xf32>
        %shift_left3A_654 = arith.constant 16 : i32
        %shift_left3A_655 = vector.broadcast %shift_left3A_654 : i32 to vector<16xi32>
        %shift_left3A_656 = arith.shli %gather3A_649, %shift_left3A_655 : vector<16xi32>
        %bitcast3A_657 = vector.bitcast %shift_left3A_656 : vector<16xi32> to vector<16xf32>
        %bitcast3A_658 = vector.bitcast %gather3A_645 : vector<16xi32> to vector<16xf32>
        %bitcast3A_659 = vector.bitcast %gather3A_649 : vector<16xi32> to vector<16xf32>
        %add3A_660 = arith.addf %add3A_601, %bitcast3A_653 : vector<16xf32>
        %add3A_661 = arith.addf %add3A_602, %bitcast3A_657 : vector<16xf32>
        %add3A_662 = arith.addf %add3A_603, %bitcast3A_658 : vector<16xf32>
        %add3A_663 = arith.addf %add3A_604, %bitcast3A_659 : vector<16xf32>
        %add3A_664 = arith.constant 10240 : i32
        %add3A_665 = vector.broadcast %add3A_664 : i32 to vector<16xi32>
        %add3A_666 = arith.addi %and3A_638, %add3A_665 : vector<16xi32>
        %gather3A_667 = tpu.vector_load_idx %arg6[%add3A_666] : memref<20480xi32, #tpu.memory_space<vmem>>[vector<16xi32>], vector<16xi32>,
        %add3A_668 = arith.constant 10240 : i32
        %add3A_669 = vector.broadcast %add3A_668 : i32 to vector<16xi32>
        %add3A_670 = arith.addi %shift_right_logical3A_641, %add3A_669 : vector<16xi32>
        %gather3A_671 = tpu.vector_load_idx %arg6[%add3A_670] : memref<20480xi32, #tpu.memory_space<vmem>>[vector<16xi32>], vector<16xi32>,
        %shift_left3A_672 = arith.constant 16 : i32
        %shift_left3A_673 = vector.broadcast %shift_left3A_672 : i32 to vector<16xi32>
        %shift_left3A_674 = arith.shli %gather3A_667, %shift_left3A_673 : vector<16xi32>
        %bitcast3A_675 = vector.bitcast %shift_left3A_674 : vector<16xi32> to vector<16xf32>
        %shift_left3A_676 = arith.constant 16 : i32
        %shift_left3A_677 = vector.broadcast %shift_left3A_676 : i32 to vector<16xi32>
        %shift_left3A_678 = arith.shli %gather3A_671, %shift_left3A_677 : vector<16xi32>
        %bitcast3A_679 = vector.bitcast %shift_left3A_678 : vector<16xi32> to vector<16xf32>
        %bitcast3A_680 = vector.bitcast %gather3A_667 : vector<16xi32> to vector<16xf32>
        %bitcast3A_681 = vector.bitcast %gather3A_671 : vector<16xi32> to vector<16xf32>
        %add3A_682 = arith.addf %add3A_623, %bitcast3A_675 : vector<16xf32>
        %add3A_683 = arith.addf %add3A_624, %bitcast3A_679 : vector<16xf32>
        %add3A_684 = arith.addf %add3A_625, %bitcast3A_680 : vector<16xf32>
        %add3A_685 = arith.addf %add3A_626, %bitcast3A_681 : vector<16xf32>
        %mul3A_686 = arith.constant 8192 : i32
        %mul3A_687 = arith.muli %and3A_66, %mul3A_686 : i32
        %add3A_688 = arith.constant 2560 : i32
        %add3A_689 = arith.addi %mul3A_687, %add3A_688 : i32
        %mul3A_690 = arith.constant 16 : i32
        %mul3A_691 = arith.muli %scan3A_107, %mul3A_690 : i32
        %add3A_692 = arith.addi %add3A_689, %mul3A_691 : i32
        %get3A_693 = arith.index_cast %add3A_692 : i32 to index
        %get3A_694 = tpu.vector_load %arg7[%get3A_693] {strides = array<i32>} : memref<16384xi32, #tpu.memory_space<vmem>>, vector<16xi32>,
        %and3A_695 = arith.constant 65535 : i32
        %and3A_696 = vector.broadcast %and3A_695 : i32 to vector<16xi32>
        %and3A_697 = arith.andi %get3A_694, %and3A_696 : vector<16xi32>
        %shift_right_logical3A_698 = arith.constant 16 : i32
        %shift_right_logical3A_699 = vector.broadcast %shift_right_logical3A_698 : i32 to vector<16xi32>
        %shift_right_logical3A_700 = arith.shrui %get3A_694, %shift_right_logical3A_699 : vector<16xi32>
        %add3A_701 = arith.constant 0 : i32
        %add3A_702 = vector.broadcast %add3A_701 : i32 to vector<16xi32>
        %add3A_703 = arith.addi %and3A_697, %add3A_702 : vector<16xi32>
        %gather3A_704 = tpu.vector_load_idx %arg6[%add3A_703] : memref<20480xi32, #tpu.memory_space<vmem>>[vector<16xi32>], vector<16xi32>,
        %add3A_705 = arith.constant 0 : i32
        %add3A_706 = vector.broadcast %add3A_705 : i32 to vector<16xi32>
        %add3A_707 = arith.addi %shift_right_logical3A_700, %add3A_706 : vector<16xi32>
        %gather3A_708 = tpu.vector_load_idx %arg6[%add3A_707] : memref<20480xi32, #tpu.memory_space<vmem>>[vector<16xi32>], vector<16xi32>,
        %shift_left3A_709 = arith.constant 16 : i32
        %shift_left3A_710 = vector.broadcast %shift_left3A_709 : i32 to vector<16xi32>
        %shift_left3A_711 = arith.shli %gather3A_704, %shift_left3A_710 : vector<16xi32>
        %bitcast3A_712 = vector.bitcast %shift_left3A_711 : vector<16xi32> to vector<16xf32>
        %shift_left3A_713 = arith.constant 16 : i32
        %shift_left3A_714 = vector.broadcast %shift_left3A_713 : i32 to vector<16xi32>
        %shift_left3A_715 = arith.shli %gather3A_708, %shift_left3A_714 : vector<16xi32>
        %bitcast3A_716 = vector.bitcast %shift_left3A_715 : vector<16xi32> to vector<16xf32>
        %bitcast3A_717 = vector.bitcast %gather3A_704 : vector<16xi32> to vector<16xf32>
        %bitcast3A_718 = vector.bitcast %gather3A_708 : vector<16xi32> to vector<16xf32>
        %add3A_719 = arith.addf %add3A_660, %bitcast3A_712 : vector<16xf32>
        %add3A_720 = arith.addf %add3A_661, %bitcast3A_716 : vector<16xf32>
        %add3A_721 = arith.addf %add3A_662, %bitcast3A_717 : vector<16xf32>
        %add3A_722 = arith.addf %add3A_663, %bitcast3A_718 : vector<16xf32>
        %add3A_723 = arith.constant 10240 : i32
        %add3A_724 = vector.broadcast %add3A_723 : i32 to vector<16xi32>
        %add3A_725 = arith.addi %and3A_697, %add3A_724 : vector<16xi32>
        %gather3A_726 = tpu.vector_load_idx %arg6[%add3A_725] : memref<20480xi32, #tpu.memory_space<vmem>>[vector<16xi32>], vector<16xi32>,
        %add3A_727 = arith.constant 10240 : i32
        %add3A_728 = vector.broadcast %add3A_727 : i32 to vector<16xi32>
        %add3A_729 = arith.addi %shift_right_logical3A_700, %add3A_728 : vector<16xi32>
        %gather3A_730 = tpu.vector_load_idx %arg6[%add3A_729] : memref<20480xi32, #tpu.memory_space<vmem>>[vector<16xi32>], vector<16xi32>,
        %shift_left3A_731 = arith.constant 16 : i32
        %shift_left3A_732 = vector.broadcast %shift_left3A_731 : i32 to vector<16xi32>
        %shift_left3A_733 = arith.shli %gather3A_726, %shift_left3A_732 : vector<16xi32>
        %bitcast3A_734 = vector.bitcast %shift_left3A_733 : vector<16xi32> to vector<16xf32>
        %shift_left3A_735 = arith.constant 16 : i32
        %shift_left3A_736 = vector.broadcast %shift_left3A_735 : i32 to vector<16xi32>
        %shift_left3A_737 = arith.shli %gather3A_730, %shift_left3A_736 : vector<16xi32>
        %bitcast3A_738 = vector.bitcast %shift_left3A_737 : vector<16xi32> to vector<16xf32>
        %bitcast3A_739 = vector.bitcast %gather3A_726 : vector<16xi32> to vector<16xf32>
        %bitcast3A_740 = vector.bitcast %gather3A_730 : vector<16xi32> to vector<16xf32>
        %add3A_741 = arith.addf %add3A_682, %bitcast3A_734 : vector<16xf32>
        %add3A_742 = arith.addf %add3A_683, %bitcast3A_738 : vector<16xf32>
        %add3A_743 = arith.addf %add3A_684, %bitcast3A_739 : vector<16xf32>
        %add3A_744 = arith.addf %add3A_685, %bitcast3A_740 : vector<16xf32>
        %mul3A_745 = arith.constant 8192 : i32
        %mul3A_746 = arith.muli %and3A_66, %mul3A_745 : i32
        %add3A_747 = arith.constant 2816 : i32
        %add3A_748 = arith.addi %mul3A_746, %add3A_747 : i32
        %mul3A_749 = arith.constant 16 : i32
        %mul3A_750 = arith.muli %scan3A_107, %mul3A_749 : i32
        %add3A_751 = arith.addi %add3A_748, %mul3A_750 : i32
        %get3A_752 = arith.index_cast %add3A_751 : i32 to index
        %get3A_753 = tpu.vector_load %arg7[%get3A_752] {strides = array<i32>} : memref<16384xi32, #tpu.memory_space<vmem>>, vector<16xi32>,
        %and3A_754 = arith.constant 65535 : i32
        %and3A_755 = vector.broadcast %and3A_754 : i32 to vector<16xi32>
        %and3A_756 = arith.andi %get3A_753, %and3A_755 : vector<16xi32>
        %shift_right_logical3A_757 = arith.constant 16 : i32
        %shift_right_logical3A_758 = vector.broadcast %shift_right_logical3A_757 : i32 to vector<16xi32>
        %shift_right_logical3A_759 = arith.shrui %get3A_753, %shift_right_logical3A_758 : vector<16xi32>
        %add3A_760 = arith.constant 0 : i32
        %add3A_761 = vector.broadcast %add3A_760 : i32 to vector<16xi32>
        %add3A_762 = arith.addi %and3A_756, %add3A_761 : vector<16xi32>
        %gather3A_763 = tpu.vector_load_idx %arg6[%add3A_762] : memref<20480xi32, #tpu.memory_space<vmem>>[vector<16xi32>], vector<16xi32>,
        %add3A_764 = arith.constant 0 : i32
        %add3A_765 = vector.broadcast %add3A_764 : i32 to vector<16xi32>
        %add3A_766 = arith.addi %shift_right_logical3A_759, %add3A_765 : vector<16xi32>
        %gather3A_767 = tpu.vector_load_idx %arg6[%add3A_766] : memref<20480xi32, #tpu.memory_space<vmem>>[vector<16xi32>], vector<16xi32>,
        %shift_left3A_768 = arith.constant 16 : i32
        %shift_left3A_769 = vector.broadcast %shift_left3A_768 : i32 to vector<16xi32>
        %shift_left3A_770 = arith.shli %gather3A_763, %shift_left3A_769 : vector<16xi32>
        %bitcast3A_771 = vector.bitcast %shift_left3A_770 : vector<16xi32> to vector<16xf32>
        %shift_left3A_772 = arith.constant 16 : i32
        %shift_left3A_773 = vector.broadcast %shift_left3A_772 : i32 to vector<16xi32>
        %shift_left3A_774 = arith.shli %gather3A_767, %shift_left3A_773 : vector<16xi32>
        %bitcast3A_775 = vector.bitcast %shift_left3A_774 : vector<16xi32> to vector<16xf32>
        %bitcast3A_776 = vector.bitcast %gather3A_763 : vector<16xi32> to vector<16xf32>
        %bitcast3A_777 = vector.bitcast %gather3A_767 : vector<16xi32> to vector<16xf32>
        %add3A_778 = arith.addf %add3A_719, %bitcast3A_771 : vector<16xf32>
        %add3A_779 = arith.addf %add3A_720, %bitcast3A_775 : vector<16xf32>
        %add3A_780 = arith.addf %add3A_721, %bitcast3A_776 : vector<16xf32>
        %add3A_781 = arith.addf %add3A_722, %bitcast3A_777 : vector<16xf32>
        %add3A_782 = arith.constant 10240 : i32
        %add3A_783 = vector.broadcast %add3A_782 : i32 to vector<16xi32>
        %add3A_784 = arith.addi %and3A_756, %add3A_783 : vector<16xi32>
        %gather3A_785 = tpu.vector_load_idx %arg6[%add3A_784] : memref<20480xi32, #tpu.memory_space<vmem>>[vector<16xi32>], vector<16xi32>,
        %add3A_786 = arith.constant 10240 : i32
        %add3A_787 = vector.broadcast %add3A_786 : i32 to vector<16xi32>
        %add3A_788 = arith.addi %shift_right_logical3A_759, %add3A_787 : vector<16xi32>
        %gather3A_789 = tpu.vector_load_idx %arg6[%add3A_788] : memref<20480xi32, #tpu.memory_space<vmem>>[vector<16xi32>], vector<16xi32>,
        %shift_left3A_790 = arith.constant 16 : i32
        %shift_left3A_791 = vector.broadcast %shift_left3A_790 : i32 to vector<16xi32>
        %shift_left3A_792 = arith.shli %gather3A_785, %shift_left3A_791 : vector<16xi32>
        %bitcast3A_793 = vector.bitcast %shift_left3A_792 : vector<16xi32> to vector<16xf32>
        %shift_left3A_794 = arith.constant 16 : i32
        %shift_left3A_795 = vector.broadcast %shift_left3A_794 : i32 to vector<16xi32>
        %shift_left3A_796 = arith.shli %gather3A_789, %shift_left3A_795 : vector<16xi32>
        %bitcast3A_797 = vector.bitcast %shift_left3A_796 : vector<16xi32> to vector<16xf32>
        %bitcast3A_798 = vector.bitcast %gather3A_785 : vector<16xi32> to vector<16xf32>
        %bitcast3A_799 = vector.bitcast %gather3A_789 : vector<16xi32> to vector<16xf32>
        %add3A_800 = arith.addf %add3A_741, %bitcast3A_793 : vector<16xf32>
        %add3A_801 = arith.addf %add3A_742, %bitcast3A_797 : vector<16xf32>
        %add3A_802 = arith.addf %add3A_743, %bitcast3A_798 : vector<16xf32>
        %add3A_803 = arith.addf %add3A_744, %bitcast3A_799 : vector<16xf32>
        %mul3A_804 = arith.constant 8192 : i32
        %mul3A_805 = arith.muli %and3A_66, %mul3A_804 : i32
        %add3A_806 = arith.constant 3072 : i32
        %add3A_807 = arith.addi %mul3A_805, %add3A_806 : i32
        %mul3A_808 = arith.constant 16 : i32
        %mul3A_809 = arith.muli %scan3A_107, %mul3A_808 : i32
        %add3A_810 = arith.addi %add3A_807, %mul3A_809 : i32
        %get3A_811 = arith.index_cast %add3A_810 : i32 to index
        %get3A_812 = tpu.vector_load %arg7[%get3A_811] {strides = array<i32>} : memref<16384xi32, #tpu.memory_space<vmem>>, vector<16xi32>,
        %and3A_813 = arith.constant 65535 : i32
        %and3A_814 = vector.broadcast %and3A_813 : i32 to vector<16xi32>
        %and3A_815 = arith.andi %get3A_812, %and3A_814 : vector<16xi32>
        %shift_right_logical3A_816 = arith.constant 16 : i32
        %shift_right_logical3A_817 = vector.broadcast %shift_right_logical3A_816 : i32 to vector<16xi32>
        %shift_right_logical3A_818 = arith.shrui %get3A_812, %shift_right_logical3A_817 : vector<16xi32>
        %add3A_819 = arith.constant 0 : i32
        %add3A_820 = vector.broadcast %add3A_819 : i32 to vector<16xi32>
        %add3A_821 = arith.addi %and3A_815, %add3A_820 : vector<16xi32>
        %gather3A_822 = tpu.vector_load_idx %arg6[%add3A_821] : memref<20480xi32, #tpu.memory_space<vmem>>[vector<16xi32>], vector<16xi32>,
        %add3A_823 = arith.constant 0 : i32
        %add3A_824 = vector.broadcast %add3A_823 : i32 to vector<16xi32>
        %add3A_825 = arith.addi %shift_right_logical3A_818, %add3A_824 : vector<16xi32>
        %gather3A_826 = tpu.vector_load_idx %arg6[%add3A_825] : memref<20480xi32, #tpu.memory_space<vmem>>[vector<16xi32>], vector<16xi32>,
        %shift_left3A_827 = arith.constant 16 : i32
        %shift_left3A_828 = vector.broadcast %shift_left3A_827 : i32 to vector<16xi32>
        %shift_left3A_829 = arith.shli %gather3A_822, %shift_left3A_828 : vector<16xi32>
        %bitcast3A_830 = vector.bitcast %shift_left3A_829 : vector<16xi32> to vector<16xf32>
        %shift_left3A_831 = arith.constant 16 : i32
        %shift_left3A_832 = vector.broadcast %shift_left3A_831 : i32 to vector<16xi32>
        %shift_left3A_833 = arith.shli %gather3A_826, %shift_left3A_832 : vector<16xi32>
        %bitcast3A_834 = vector.bitcast %shift_left3A_833 : vector<16xi32> to vector<16xf32>
        %bitcast3A_835 = vector.bitcast %gather3A_822 : vector<16xi32> to vector<16xf32>
        %bitcast3A_836 = vector.bitcast %gather3A_826 : vector<16xi32> to vector<16xf32>
        %add3A_837 = arith.addf %add3A_778, %bitcast3A_830 : vector<16xf32>
        %add3A_838 = arith.addf %add3A_779, %bitcast3A_834 : vector<16xf32>
        %add3A_839 = arith.addf %add3A_780, %bitcast3A_835 : vector<16xf32>
        %add3A_840 = arith.addf %add3A_781, %bitcast3A_836 : vector<16xf32>
        %add3A_841 = arith.constant 10240 : i32
        %add3A_842 = vector.broadcast %add3A_841 : i32 to vector<16xi32>
        %add3A_843 = arith.addi %and3A_815, %add3A_842 : vector<16xi32>
        %gather3A_844 = tpu.vector_load_idx %arg6[%add3A_843] : memref<20480xi32, #tpu.memory_space<vmem>>[vector<16xi32>], vector<16xi32>,
        %add3A_845 = arith.constant 10240 : i32
        %add3A_846 = vector.broadcast %add3A_845 : i32 to vector<16xi32>
        %add3A_847 = arith.addi %shift_right_logical3A_818, %add3A_846 : vector<16xi32>
        %gather3A_848 = tpu.vector_load_idx %arg6[%add3A_847] : memref<20480xi32, #tpu.memory_space<vmem>>[vector<16xi32>], vector<16xi32>,
        %shift_left3A_849 = arith.constant 16 : i32
        %shift_left3A_850 = vector.broadcast %shift_left3A_849 : i32 to vector<16xi32>
        %shift_left3A_851 = arith.shli %gather3A_844, %shift_left3A_850 : vector<16xi32>
        %bitcast3A_852 = vector.bitcast %shift_left3A_851 : vector<16xi32> to vector<16xf32>
        %shift_left3A_853 = arith.constant 16 : i32
        %shift_left3A_854 = vector.broadcast %shift_left3A_853 : i32 to vector<16xi32>
        %shift_left3A_855 = arith.shli %gather3A_848, %shift_left3A_854 : vector<16xi32>
        %bitcast3A_856 = vector.bitcast %shift_left3A_855 : vector<16xi32> to vector<16xf32>
        %bitcast3A_857 = vector.bitcast %gather3A_844 : vector<16xi32> to vector<16xf32>
        %bitcast3A_858 = vector.bitcast %gather3A_848 : vector<16xi32> to vector<16xf32>
        %add3A_859 = arith.addf %add3A_800, %bitcast3A_852 : vector<16xf32>
        %add3A_860 = arith.addf %add3A_801, %bitcast3A_856 : vector<16xf32>
        %add3A_861 = arith.addf %add3A_802, %bitcast3A_857 : vector<16xf32>
        %add3A_862 = arith.addf %add3A_803, %bitcast3A_858 : vector<16xf32>
        %mul3A_863 = arith.constant 8192 : i32
        %mul3A_864 = arith.muli %and3A_66, %mul3A_863 : i32
        %add3A_865 = arith.constant 3328 : i32
        %add3A_866 = arith.addi %mul3A_864, %add3A_865 : i32
        %mul3A_867 = arith.constant 16 : i32
        %mul3A_868 = arith.muli %scan3A_107, %mul3A_867 : i32
        %add3A_869 = arith.addi %add3A_866, %mul3A_868 : i32
        %get3A_870 = arith.index_cast %add3A_869 : i32 to index
        %get3A_871 = tpu.vector_load %arg7[%get3A_870] {strides = array<i32>} : memref<16384xi32, #tpu.memory_space<vmem>>, vector<16xi32>,
        %and3A_872 = arith.constant 65535 : i32
        %and3A_873 = vector.broadcast %and3A_872 : i32 to vector<16xi32>
        %and3A_874 = arith.andi %get3A_871, %and3A_873 : vector<16xi32>
        %shift_right_logical3A_875 = arith.constant 16 : i32
        %shift_right_logical3A_876 = vector.broadcast %shift_right_logical3A_875 : i32 to vector<16xi32>
        %shift_right_logical3A_877 = arith.shrui %get3A_871, %shift_right_logical3A_876 : vector<16xi32>
        %add3A_878 = arith.constant 0 : i32
        %add3A_879 = vector.broadcast %add3A_878 : i32 to vector<16xi32>
        %add3A_880 = arith.addi %and3A_874, %add3A_879 : vector<16xi32>
        %gather3A_881 = tpu.vector_load_idx %arg6[%add3A_880] : memref<20480xi32, #tpu.memory_space<vmem>>[vector<16xi32>], vector<16xi32>,
        %add3A_882 = arith.constant 0 : i32
        %add3A_883 = vector.broadcast %add3A_882 : i32 to vector<16xi32>
        %add3A_884 = arith.addi %shift_right_logical3A_877, %add3A_883 : vector<16xi32>
        %gather3A_885 = tpu.vector_load_idx %arg6[%add3A_884] : memref<20480xi32, #tpu.memory_space<vmem>>[vector<16xi32>], vector<16xi32>,
        %shift_left3A_886 = arith.constant 16 : i32
        %shift_left3A_887 = vector.broadcast %shift_left3A_886 : i32 to vector<16xi32>
        %shift_left3A_888 = arith.shli %gather3A_881, %shift_left3A_887 : vector<16xi32>
        %bitcast3A_889 = vector.bitcast %shift_left3A_888 : vector<16xi32> to vector<16xf32>
        %shift_left3A_890 = arith.constant 16 : i32
        %shift_left3A_891 = vector.broadcast %shift_left3A_890 : i32 to vector<16xi32>
        %shift_left3A_892 = arith.shli %gather3A_885, %shift_left3A_891 : vector<16xi32>
        %bitcast3A_893 = vector.bitcast %shift_left3A_892 : vector<16xi32> to vector<16xf32>
        %bitcast3A_894 = vector.bitcast %gather3A_881 : vector<16xi32> to vector<16xf32>
        %bitcast3A_895 = vector.bitcast %gather3A_885 : vector<16xi32> to vector<16xf32>
        %add3A_896 = arith.addf %add3A_837, %bitcast3A_889 : vector<16xf32>
        %add3A_897 = arith.addf %add3A_838, %bitcast3A_893 : vector<16xf32>
        %add3A_898 = arith.addf %add3A_839, %bitcast3A_894 : vector<16xf32>
        %add3A_899 = arith.addf %add3A_840, %bitcast3A_895 : vector<16xf32>
        %add3A_900 = arith.constant 10240 : i32
        %add3A_901 = vector.broadcast %add3A_900 : i32 to vector<16xi32>
        %add3A_902 = arith.addi %and3A_874, %add3A_901 : vector<16xi32>
        %gather3A_903 = tpu.vector_load_idx %arg6[%add3A_902] : memref<20480xi32, #tpu.memory_space<vmem>>[vector<16xi32>], vector<16xi32>,
        %add3A_904 = arith.constant 10240 : i32
        %add3A_905 = vector.broadcast %add3A_904 : i32 to vector<16xi32>
        %add3A_906 = arith.addi %shift_right_logical3A_877, %add3A_905 : vector<16xi32>
        %gather3A_907 = tpu.vector_load_idx %arg6[%add3A_906] : memref<20480xi32, #tpu.memory_space<vmem>>[vector<16xi32>], vector<16xi32>,
        %shift_left3A_908 = arith.constant 16 : i32
        %shift_left3A_909 = vector.broadcast %shift_left3A_908 : i32 to vector<16xi32>
        %shift_left3A_910 = arith.shli %gather3A_903, %shift_left3A_909 : vector<16xi32>
        %bitcast3A_911 = vector.bitcast %shift_left3A_910 : vector<16xi32> to vector<16xf32>
        %shift_left3A_912 = arith.constant 16 : i32
        %shift_left3A_913 = vector.broadcast %shift_left3A_912 : i32 to vector<16xi32>
        %shift_left3A_914 = arith.shli %gather3A_907, %shift_left3A_913 : vector<16xi32>
        %bitcast3A_915 = vector.bitcast %shift_left3A_914 : vector<16xi32> to vector<16xf32>
        %bitcast3A_916 = vector.bitcast %gather3A_903 : vector<16xi32> to vector<16xf32>
        %bitcast3A_917 = vector.bitcast %gather3A_907 : vector<16xi32> to vector<16xf32>
        %add3A_918 = arith.addf %add3A_859, %bitcast3A_911 : vector<16xf32>
        %add3A_919 = arith.addf %add3A_860, %bitcast3A_915 : vector<16xf32>
        %add3A_920 = arith.addf %add3A_861, %bitcast3A_916 : vector<16xf32>
        %add3A_921 = arith.addf %add3A_862, %bitcast3A_917 : vector<16xf32>
        %mul3A_922 = arith.constant 8192 : i32
        %mul3A_923 = arith.muli %and3A_66, %mul3A_922 : i32
        %add3A_924 = arith.constant 3584 : i32
        %add3A_925 = arith.addi %mul3A_923, %add3A_924 : i32
        %mul3A_926 = arith.constant 16 : i32
        %mul3A_927 = arith.muli %scan3A_107, %mul3A_926 : i32
        %add3A_928 = arith.addi %add3A_925, %mul3A_927 : i32
        %get3A_929 = arith.index_cast %add3A_928 : i32 to index
        %get3A_930 = tpu.vector_load %arg7[%get3A_929] {strides = array<i32>} : memref<16384xi32, #tpu.memory_space<vmem>>, vector<16xi32>,
        %and3A_931 = arith.constant 65535 : i32
        %and3A_932 = vector.broadcast %and3A_931 : i32 to vector<16xi32>
        %and3A_933 = arith.andi %get3A_930, %and3A_932 : vector<16xi32>
        %shift_right_logical3A_934 = arith.constant 16 : i32
        %shift_right_logical3A_935 = vector.broadcast %shift_right_logical3A_934 : i32 to vector<16xi32>
        %shift_right_logical3A_936 = arith.shrui %get3A_930, %shift_right_logical3A_935 : vector<16xi32>
        %add3A_937 = arith.constant 0 : i32
        %add3A_938 = vector.broadcast %add3A_937 : i32 to vector<16xi32>
        %add3A_939 = arith.addi %and3A_933, %add3A_938 : vector<16xi32>
        %gather3A_940 = tpu.vector_load_idx %arg6[%add3A_939] : memref<20480xi32, #tpu.memory_space<vmem>>[vector<16xi32>], vector<16xi32>,
        %add3A_941 = arith.constant 0 : i32
        %add3A_942 = vector.broadcast %add3A_941 : i32 to vector<16xi32>
        %add3A_943 = arith.addi %shift_right_logical3A_936, %add3A_942 : vector<16xi32>
        %gather3A_944 = tpu.vector_load_idx %arg6[%add3A_943] : memref<20480xi32, #tpu.memory_space<vmem>>[vector<16xi32>], vector<16xi32>,
        %shift_left3A_945 = arith.constant 16 : i32
        %shift_left3A_946 = vector.broadcast %shift_left3A_945 : i32 to vector<16xi32>
        %shift_left3A_947 = arith.shli %gather3A_940, %shift_left3A_946 : vector<16xi32>
        %bitcast3A_948 = vector.bitcast %shift_left3A_947 : vector<16xi32> to vector<16xf32>
        %shift_left3A_949 = arith.constant 16 : i32
        %shift_left3A_950 = vector.broadcast %shift_left3A_949 : i32 to vector<16xi32>
        %shift_left3A_951 = arith.shli %gather3A_944, %shift_left3A_950 : vector<16xi32>
        %bitcast3A_952 = vector.bitcast %shift_left3A_951 : vector<16xi32> to vector<16xf32>
        %bitcast3A_953 = vector.bitcast %gather3A_940 : vector<16xi32> to vector<16xf32>
        %bitcast3A_954 = vector.bitcast %gather3A_944 : vector<16xi32> to vector<16xf32>
        %add3A_955 = arith.addf %add3A_896, %bitcast3A_948 : vector<16xf32>
        %add3A_956 = arith.addf %add3A_897, %bitcast3A_952 : vector<16xf32>
        %add3A_957 = arith.addf %add3A_898, %bitcast3A_953 : vector<16xf32>
        %add3A_958 = arith.addf %add3A_899, %bitcast3A_954 : vector<16xf32>
        %add3A_959 = arith.constant 10240 : i32
        %add3A_960 = vector.broadcast %add3A_959 : i32 to vector<16xi32>
        %add3A_961 = arith.addi %and3A_933, %add3A_960 : vector<16xi32>
        %gather3A_962 = tpu.vector_load_idx %arg6[%add3A_961] : memref<20480xi32, #tpu.memory_space<vmem>>[vector<16xi32>], vector<16xi32>,
        %add3A_963 = arith.constant 10240 : i32
        %add3A_964 = vector.broadcast %add3A_963 : i32 to vector<16xi32>
        %add3A_965 = arith.addi %shift_right_logical3A_936, %add3A_964 : vector<16xi32>
        %gather3A_966 = tpu.vector_load_idx %arg6[%add3A_965] : memref<20480xi32, #tpu.memory_space<vmem>>[vector<16xi32>], vector<16xi32>,
        %shift_left3A_967 = arith.constant 16 : i32
        %shift_left3A_968 = vector.broadcast %shift_left3A_967 : i32 to vector<16xi32>
        %shift_left3A_969 = arith.shli %gather3A_962, %shift_left3A_968 : vector<16xi32>
        %bitcast3A_970 = vector.bitcast %shift_left3A_969 : vector<16xi32> to vector<16xf32>
        %shift_left3A_971 = arith.constant 16 : i32
        %shift_left3A_972 = vector.broadcast %shift_left3A_971 : i32 to vector<16xi32>
        %shift_left3A_973 = arith.shli %gather3A_966, %shift_left3A_972 : vector<16xi32>
        %bitcast3A_974 = vector.bitcast %shift_left3A_973 : vector<16xi32> to vector<16xf32>
        %bitcast3A_975 = vector.bitcast %gather3A_962 : vector<16xi32> to vector<16xf32>
        %bitcast3A_976 = vector.bitcast %gather3A_966 : vector<16xi32> to vector<16xf32>
        %add3A_977 = arith.addf %add3A_918, %bitcast3A_970 : vector<16xf32>
        %add3A_978 = arith.addf %add3A_919, %bitcast3A_974 : vector<16xf32>
        %add3A_979 = arith.addf %add3A_920, %bitcast3A_975 : vector<16xf32>
        %add3A_980 = arith.addf %add3A_921, %bitcast3A_976 : vector<16xf32>
        %mul3A_981 = arith.constant 8192 : i32
        %mul3A_982 = arith.muli %and3A_66, %mul3A_981 : i32
        %add3A_983 = arith.constant 3840 : i32
        %add3A_984 = arith.addi %mul3A_982, %add3A_983 : i32
        %mul3A_985 = arith.constant 16 : i32
        %mul3A_986 = arith.muli %scan3A_107, %mul3A_985 : i32
        %add3A_987 = arith.addi %add3A_984, %mul3A_986 : i32
        %get3A_988 = arith.index_cast %add3A_987 : i32 to index
        %get3A_989 = tpu.vector_load %arg7[%get3A_988] {strides = array<i32>} : memref<16384xi32, #tpu.memory_space<vmem>>, vector<16xi32>,
        %and3A_990 = arith.constant 65535 : i32
        %and3A_991 = vector.broadcast %and3A_990 : i32 to vector<16xi32>
        %and3A_992 = arith.andi %get3A_989, %and3A_991 : vector<16xi32>
        %shift_right_logical3A_993 = arith.constant 16 : i32
        %shift_right_logical3A_994 = vector.broadcast %shift_right_logical3A_993 : i32 to vector<16xi32>
        %shift_right_logical3A_995 = arith.shrui %get3A_989, %shift_right_logical3A_994 : vector<16xi32>
        %add3A_996 = arith.constant 0 : i32
        %add3A_997 = vector.broadcast %add3A_996 : i32 to vector<16xi32>
        %add3A_998 = arith.addi %and3A_992, %add3A_997 : vector<16xi32>
        %gather3A_999 = tpu.vector_load_idx %arg6[%add3A_998] : memref<20480xi32, #tpu.memory_space<vmem>>[vector<16xi32>], vector<16xi32>,
        %add3A_1000 = arith.constant 0 : i32
        %add3A_1001 = vector.broadcast %add3A_1000 : i32 to vector<16xi32>
        %add3A_1002 = arith.addi %shift_right_logical3A_995, %add3A_1001 : vector<16xi32>
        %gather3A_1003 = tpu.vector_load_idx %arg6[%add3A_1002] : memref<20480xi32, #tpu.memory_space<vmem>>[vector<16xi32>], vector<16xi32>,
        %shift_left3A_1004 = arith.constant 16 : i32
        %shift_left3A_1005 = vector.broadcast %shift_left3A_1004 : i32 to vector<16xi32>
        %shift_left3A_1006 = arith.shli %gather3A_999, %shift_left3A_1005 : vector<16xi32>
        %bitcast3A_1007 = vector.bitcast %shift_left3A_1006 : vector<16xi32> to vector<16xf32>
        %shift_left3A_1008 = arith.constant 16 : i32
        %shift_left3A_1009 = vector.broadcast %shift_left3A_1008 : i32 to vector<16xi32>
        %shift_left3A_1010 = arith.shli %gather3A_1003, %shift_left3A_1009 : vector<16xi32>
        %bitcast3A_1011 = vector.bitcast %shift_left3A_1010 : vector<16xi32> to vector<16xf32>
        %bitcast3A_1012 = vector.bitcast %gather3A_999 : vector<16xi32> to vector<16xf32>
        %bitcast3A_1013 = vector.bitcast %gather3A_1003 : vector<16xi32> to vector<16xf32>
        %add3A_1014 = arith.addf %add3A_955, %bitcast3A_1007 : vector<16xf32>
        %add3A_1015 = arith.addf %add3A_956, %bitcast3A_1011 : vector<16xf32>
        %add3A_1016 = arith.addf %add3A_957, %bitcast3A_1012 : vector<16xf32>
        %add3A_1017 = arith.addf %add3A_958, %bitcast3A_1013 : vector<16xf32>
        %add3A_1018 = arith.constant 10240 : i32
        %add3A_1019 = vector.broadcast %add3A_1018 : i32 to vector<16xi32>
        %add3A_1020 = arith.addi %and3A_992, %add3A_1019 : vector<16xi32>
        %gather3A_1021 = tpu.vector_load_idx %arg6[%add3A_1020] : memref<20480xi32, #tpu.memory_space<vmem>>[vector<16xi32>], vector<16xi32>,
        %add3A_1022 = arith.constant 10240 : i32
        %add3A_1023 = vector.broadcast %add3A_1022 : i32 to vector<16xi32>
        %add3A_1024 = arith.addi %shift_right_logical3A_995, %add3A_1023 : vector<16xi32>
        %gather3A_1025 = tpu.vector_load_idx %arg6[%add3A_1024] : memref<20480xi32, #tpu.memory_space<vmem>>[vector<16xi32>], vector<16xi32>,
        %shift_left3A_1026 = arith.constant 16 : i32
        %shift_left3A_1027 = vector.broadcast %shift_left3A_1026 : i32 to vector<16xi32>
        %shift_left3A_1028 = arith.shli %gather3A_1021, %shift_left3A_1027 : vector<16xi32>
        %bitcast3A_1029 = vector.bitcast %shift_left3A_1028 : vector<16xi32> to vector<16xf32>
        %shift_left3A_1030 = arith.constant 16 : i32
        %shift_left3A_1031 = vector.broadcast %shift_left3A_1030 : i32 to vector<16xi32>
        %shift_left3A_1032 = arith.shli %gather3A_1025, %shift_left3A_1031 : vector<16xi32>
        %bitcast3A_1033 = vector.bitcast %shift_left3A_1032 : vector<16xi32> to vector<16xf32>
        %bitcast3A_1034 = vector.bitcast %gather3A_1021 : vector<16xi32> to vector<16xf32>
        %bitcast3A_1035 = vector.bitcast %gather3A_1025 : vector<16xi32> to vector<16xf32>
        %add3A_1036 = arith.addf %add3A_977, %bitcast3A_1029 : vector<16xf32>
        %add3A_1037 = arith.addf %add3A_978, %bitcast3A_1033 : vector<16xf32>
        %add3A_1038 = arith.addf %add3A_979, %bitcast3A_1034 : vector<16xf32>
        %add3A_1039 = arith.addf %add3A_980, %bitcast3A_1035 : vector<16xf32>
        %mul3A_1040 = arith.constant 8192 : i32
        %mul3A_1041 = arith.muli %and3A_66, %mul3A_1040 : i32
        %add3A_1042 = arith.constant 4096 : i32
        %add3A_1043 = arith.addi %mul3A_1041, %add3A_1042 : i32
        %mul3A_1044 = arith.constant 16 : i32
        %mul3A_1045 = arith.muli %scan3A_107, %mul3A_1044 : i32
        %add3A_1046 = arith.addi %add3A_1043, %mul3A_1045 : i32
        %get3A_1047 = arith.index_cast %add3A_1046 : i32 to index
        %get3A_1048 = tpu.vector_load %arg7[%get3A_1047] {strides = array<i32>} : memref<16384xi32, #tpu.memory_space<vmem>>, vector<16xi32>,
        %and3A_1049 = arith.constant 65535 : i32
        %and3A_1050 = vector.broadcast %and3A_1049 : i32 to vector<16xi32>
        %and3A_1051 = arith.andi %get3A_1048, %and3A_1050 : vector<16xi32>
        %shift_right_logical3A_1052 = arith.constant 16 : i32
        %shift_right_logical3A_1053 = vector.broadcast %shift_right_logical3A_1052 : i32 to vector<16xi32>
        %shift_right_logical3A_1054 = arith.shrui %get3A_1048, %shift_right_logical3A_1053 : vector<16xi32>
        %add3A_1055 = arith.constant 0 : i32
        %add3A_1056 = vector.broadcast %add3A_1055 : i32 to vector<16xi32>
        %add3A_1057 = arith.addi %and3A_1051, %add3A_1056 : vector<16xi32>
        %gather3A_1058 = tpu.vector_load_idx %arg6[%add3A_1057] : memref<20480xi32, #tpu.memory_space<vmem>>[vector<16xi32>], vector<16xi32>,
        %add3A_1059 = arith.constant 0 : i32
        %add3A_1060 = vector.broadcast %add3A_1059 : i32 to vector<16xi32>
        %add3A_1061 = arith.addi %shift_right_logical3A_1054, %add3A_1060 : vector<16xi32>
        %gather3A_1062 = tpu.vector_load_idx %arg6[%add3A_1061] : memref<20480xi32, #tpu.memory_space<vmem>>[vector<16xi32>], vector<16xi32>,
        %shift_left3A_1063 = arith.constant 16 : i32
        %shift_left3A_1064 = vector.broadcast %shift_left3A_1063 : i32 to vector<16xi32>
        %shift_left3A_1065 = arith.shli %gather3A_1058, %shift_left3A_1064 : vector<16xi32>
        %bitcast3A_1066 = vector.bitcast %shift_left3A_1065 : vector<16xi32> to vector<16xf32>
        %shift_left3A_1067 = arith.constant 16 : i32
        %shift_left3A_1068 = vector.broadcast %shift_left3A_1067 : i32 to vector<16xi32>
        %shift_left3A_1069 = arith.shli %gather3A_1062, %shift_left3A_1068 : vector<16xi32>
        %bitcast3A_1070 = vector.bitcast %shift_left3A_1069 : vector<16xi32> to vector<16xf32>
        %bitcast3A_1071 = vector.bitcast %gather3A_1058 : vector<16xi32> to vector<16xf32>
        %bitcast3A_1072 = vector.bitcast %gather3A_1062 : vector<16xi32> to vector<16xf32>
        %add3A_1073 = arith.addf %add3A_1014, %bitcast3A_1066 : vector<16xf32>
        %add3A_1074 = arith.addf %add3A_1015, %bitcast3A_1070 : vector<16xf32>
        %add3A_1075 = arith.addf %add3A_1016, %bitcast3A_1071 : vector<16xf32>
        %add3A_1076 = arith.addf %add3A_1017, %bitcast3A_1072 : vector<16xf32>
        %add3A_1077 = arith.constant 10240 : i32
        %add3A_1078 = vector.broadcast %add3A_1077 : i32 to vector<16xi32>
        %add3A_1079 = arith.addi %and3A_1051, %add3A_1078 : vector<16xi32>
        %gather3A_1080 = tpu.vector_load_idx %arg6[%add3A_1079] : memref<20480xi32, #tpu.memory_space<vmem>>[vector<16xi32>], vector<16xi32>,
        %add3A_1081 = arith.constant 10240 : i32
        %add3A_1082 = vector.broadcast %add3A_1081 : i32 to vector<16xi32>
        %add3A_1083 = arith.addi %shift_right_logical3A_1054, %add3A_1082 : vector<16xi32>
        %gather3A_1084 = tpu.vector_load_idx %arg6[%add3A_1083] : memref<20480xi32, #tpu.memory_space<vmem>>[vector<16xi32>], vector<16xi32>,
        %shift_left3A_1085 = arith.constant 16 : i32
        %shift_left3A_1086 = vector.broadcast %shift_left3A_1085 : i32 to vector<16xi32>
        %shift_left3A_1087 = arith.shli %gather3A_1080, %shift_left3A_1086 : vector<16xi32>
        %bitcast3A_1088 = vector.bitcast %shift_left3A_1087 : vector<16xi32> to vector<16xf32>
        %shift_left3A_1089 = arith.constant 16 : i32
        %shift_left3A_1090 = vector.broadcast %shift_left3A_1089 : i32 to vector<16xi32>
        %shift_left3A_1091 = arith.shli %gather3A_1084, %shift_left3A_1090 : vector<16xi32>
        %bitcast3A_1092 = vector.bitcast %shift_left3A_1091 : vector<16xi32> to vector<16xf32>
        %bitcast3A_1093 = vector.bitcast %gather3A_1080 : vector<16xi32> to vector<16xf32>
        %bitcast3A_1094 = vector.bitcast %gather3A_1084 : vector<16xi32> to vector<16xf32>
        %add3A_1095 = arith.addf %add3A_1036, %bitcast3A_1088 : vector<16xf32>
        %add3A_1096 = arith.addf %add3A_1037, %bitcast3A_1092 : vector<16xf32>
        %add3A_1097 = arith.addf %add3A_1038, %bitcast3A_1093 : vector<16xf32>
        %add3A_1098 = arith.addf %add3A_1039, %bitcast3A_1094 : vector<16xf32>
        %mul3A_1099 = arith.constant 8192 : i32
        %mul3A_1100 = arith.muli %and3A_66, %mul3A_1099 : i32
        %add3A_1101 = arith.constant 4352 : i32
        %add3A_1102 = arith.addi %mul3A_1100, %add3A_1101 : i32
        %mul3A_1103 = arith.constant 16 : i32
        %mul3A_1104 = arith.muli %scan3A_107, %mul3A_1103 : i32
        %add3A_1105 = arith.addi %add3A_1102, %mul3A_1104 : i32
        %get3A_1106 = arith.index_cast %add3A_1105 : i32 to index
        %get3A_1107 = tpu.vector_load %arg7[%get3A_1106] {strides = array<i32>} : memref<16384xi32, #tpu.memory_space<vmem>>, vector<16xi32>,
        %and3A_1108 = arith.constant 65535 : i32
        %and3A_1109 = vector.broadcast %and3A_1108 : i32 to vector<16xi32>
        %and3A_1110 = arith.andi %get3A_1107, %and3A_1109 : vector<16xi32>
        %shift_right_logical3A_1111 = arith.constant 16 : i32
        %shift_right_logical3A_1112 = vector.broadcast %shift_right_logical3A_1111 : i32 to vector<16xi32>
        %shift_right_logical3A_1113 = arith.shrui %get3A_1107, %shift_right_logical3A_1112 : vector<16xi32>
        %add3A_1114 = arith.constant 0 : i32
        %add3A_1115 = vector.broadcast %add3A_1114 : i32 to vector<16xi32>
        %add3A_1116 = arith.addi %and3A_1110, %add3A_1115 : vector<16xi32>
        %gather3A_1117 = tpu.vector_load_idx %arg6[%add3A_1116] : memref<20480xi32, #tpu.memory_space<vmem>>[vector<16xi32>], vector<16xi32>,
        %add3A_1118 = arith.constant 0 : i32
        %add3A_1119 = vector.broadcast %add3A_1118 : i32 to vector<16xi32>
        %add3A_1120 = arith.addi %shift_right_logical3A_1113, %add3A_1119 : vector<16xi32>
        %gather3A_1121 = tpu.vector_load_idx %arg6[%add3A_1120] : memref<20480xi32, #tpu.memory_space<vmem>>[vector<16xi32>], vector<16xi32>,
        %shift_left3A_1122 = arith.constant 16 : i32
        %shift_left3A_1123 = vector.broadcast %shift_left3A_1122 : i32 to vector<16xi32>
        %shift_left3A_1124 = arith.shli %gather3A_1117, %shift_left3A_1123 : vector<16xi32>
        %bitcast3A_1125 = vector.bitcast %shift_left3A_1124 : vector<16xi32> to vector<16xf32>
        %shift_left3A_1126 = arith.constant 16 : i32
        %shift_left3A_1127 = vector.broadcast %shift_left3A_1126 : i32 to vector<16xi32>
        %shift_left3A_1128 = arith.shli %gather3A_1121, %shift_left3A_1127 : vector<16xi32>
        %bitcast3A_1129 = vector.bitcast %shift_left3A_1128 : vector<16xi32> to vector<16xf32>
        %bitcast3A_1130 = vector.bitcast %gather3A_1117 : vector<16xi32> to vector<16xf32>
        %bitcast3A_1131 = vector.bitcast %gather3A_1121 : vector<16xi32> to vector<16xf32>
        %add3A_1132 = arith.addf %add3A_1073, %bitcast3A_1125 : vector<16xf32>
        %add3A_1133 = arith.addf %add3A_1074, %bitcast3A_1129 : vector<16xf32>
        %add3A_1134 = arith.addf %add3A_1075, %bitcast3A_1130 : vector<16xf32>
        %add3A_1135 = arith.addf %add3A_1076, %bitcast3A_1131 : vector<16xf32>
        %add3A_1136 = arith.constant 10240 : i32
        %add3A_1137 = vector.broadcast %add3A_1136 : i32 to vector<16xi32>
        %add3A_1138 = arith.addi %and3A_1110, %add3A_1137 : vector<16xi32>
        %gather3A_1139 = tpu.vector_load_idx %arg6[%add3A_1138] : memref<20480xi32, #tpu.memory_space<vmem>>[vector<16xi32>], vector<16xi32>,
        %add3A_1140 = arith.constant 10240 : i32
        %add3A_1141 = vector.broadcast %add3A_1140 : i32 to vector<16xi32>
        %add3A_1142 = arith.addi %shift_right_logical3A_1113, %add3A_1141 : vector<16xi32>
        %gather3A_1143 = tpu.vector_load_idx %arg6[%add3A_1142] : memref<20480xi32, #tpu.memory_space<vmem>>[vector<16xi32>], vector<16xi32>,
        %shift_left3A_1144 = arith.constant 16 : i32
        %shift_left3A_1145 = vector.broadcast %shift_left3A_1144 : i32 to vector<16xi32>
        %shift_left3A_1146 = arith.shli %gather3A_1139, %shift_left3A_1145 : vector<16xi32>
        %bitcast3A_1147 = vector.bitcast %shift_left3A_1146 : vector<16xi32> to vector<16xf32>
        %shift_left3A_1148 = arith.constant 16 : i32
        %shift_left3A_1149 = vector.broadcast %shift_left3A_1148 : i32 to vector<16xi32>
        %shift_left3A_1150 = arith.shli %gather3A_1143, %shift_left3A_1149 : vector<16xi32>
        %bitcast3A_1151 = vector.bitcast %shift_left3A_1150 : vector<16xi32> to vector<16xf32>
        %bitcast3A_1152 = vector.bitcast %gather3A_1139 : vector<16xi32> to vector<16xf32>
        %bitcast3A_1153 = vector.bitcast %gather3A_1143 : vector<16xi32> to vector<16xf32>
        %add3A_1154 = arith.addf %add3A_1095, %bitcast3A_1147 : vector<16xf32>
        %add3A_1155 = arith.addf %add3A_1096, %bitcast3A_1151 : vector<16xf32>
        %add3A_1156 = arith.addf %add3A_1097, %bitcast3A_1152 : vector<16xf32>
        %add3A_1157 = arith.addf %add3A_1098, %bitcast3A_1153 : vector<16xf32>
        %mul3A_1158 = arith.constant 8192 : i32
        %mul3A_1159 = arith.muli %and3A_66, %mul3A_1158 : i32
        %add3A_1160 = arith.constant 4608 : i32
        %add3A_1161 = arith.addi %mul3A_1159, %add3A_1160 : i32
        %mul3A_1162 = arith.constant 16 : i32
        %mul3A_1163 = arith.muli %scan3A_107, %mul3A_1162 : i32
        %add3A_1164 = arith.addi %add3A_1161, %mul3A_1163 : i32
        %get3A_1165 = arith.index_cast %add3A_1164 : i32 to index
        %get3A_1166 = tpu.vector_load %arg7[%get3A_1165] {strides = array<i32>} : memref<16384xi32, #tpu.memory_space<vmem>>, vector<16xi32>,
        %and3A_1167 = arith.constant 65535 : i32
        %and3A_1168 = vector.broadcast %and3A_1167 : i32 to vector<16xi32>
        %and3A_1169 = arith.andi %get3A_1166, %and3A_1168 : vector<16xi32>
        %shift_right_logical3A_1170 = arith.constant 16 : i32
        %shift_right_logical3A_1171 = vector.broadcast %shift_right_logical3A_1170 : i32 to vector<16xi32>
        %shift_right_logical3A_1172 = arith.shrui %get3A_1166, %shift_right_logical3A_1171 : vector<16xi32>
        %add3A_1173 = arith.constant 0 : i32
        %add3A_1174 = vector.broadcast %add3A_1173 : i32 to vector<16xi32>
        %add3A_1175 = arith.addi %and3A_1169, %add3A_1174 : vector<16xi32>
        %gather3A_1176 = tpu.vector_load_idx %arg6[%add3A_1175] : memref<20480xi32, #tpu.memory_space<vmem>>[vector<16xi32>], vector<16xi32>,
        %add3A_1177 = arith.constant 0 : i32
        %add3A_1178 = vector.broadcast %add3A_1177 : i32 to vector<16xi32>
        %add3A_1179 = arith.addi %shift_right_logical3A_1172, %add3A_1178 : vector<16xi32>
        %gather3A_1180 = tpu.vector_load_idx %arg6[%add3A_1179] : memref<20480xi32, #tpu.memory_space<vmem>>[vector<16xi32>], vector<16xi32>,
        %shift_left3A_1181 = arith.constant 16 : i32
        %shift_left3A_1182 = vector.broadcast %shift_left3A_1181 : i32 to vector<16xi32>
        %shift_left3A_1183 = arith.shli %gather3A_1176, %shift_left3A_1182 : vector<16xi32>
        %bitcast3A_1184 = vector.bitcast %shift_left3A_1183 : vector<16xi32> to vector<16xf32>
        %shift_left3A_1185 = arith.constant 16 : i32
        %shift_left3A_1186 = vector.broadcast %shift_left3A_1185 : i32 to vector<16xi32>
        %shift_left3A_1187 = arith.shli %gather3A_1180, %shift_left3A_1186 : vector<16xi32>
        %bitcast3A_1188 = vector.bitcast %shift_left3A_1187 : vector<16xi32> to vector<16xf32>
        %bitcast3A_1189 = vector.bitcast %gather3A_1176 : vector<16xi32> to vector<16xf32>
        %bitcast3A_1190 = vector.bitcast %gather3A_1180 : vector<16xi32> to vector<16xf32>
        %add3A_1191 = arith.addf %add3A_1132, %bitcast3A_1184 : vector<16xf32>
        %add3A_1192 = arith.addf %add3A_1133, %bitcast3A_1188 : vector<16xf32>
        %add3A_1193 = arith.addf %add3A_1134, %bitcast3A_1189 : vector<16xf32>
        %add3A_1194 = arith.addf %add3A_1135, %bitcast3A_1190 : vector<16xf32>
        %add3A_1195 = arith.constant 10240 : i32
        %add3A_1196 = vector.broadcast %add3A_1195 : i32 to vector<16xi32>
        %add3A_1197 = arith.addi %and3A_1169, %add3A_1196 : vector<16xi32>
        %gather3A_1198 = tpu.vector_load_idx %arg6[%add3A_1197] : memref<20480xi32, #tpu.memory_space<vmem>>[vector<16xi32>], vector<16xi32>,
        %add3A_1199 = arith.constant 10240 : i32
        %add3A_1200 = vector.broadcast %add3A_1199 : i32 to vector<16xi32>
        %add3A_1201 = arith.addi %shift_right_logical3A_1172, %add3A_1200 : vector<16xi32>
        %gather3A_1202 = tpu.vector_load_idx %arg6[%add3A_1201] : memref<20480xi32, #tpu.memory_space<vmem>>[vector<16xi32>], vector<16xi32>,
        %shift_left3A_1203 = arith.constant 16 : i32
        %shift_left3A_1204 = vector.broadcast %shift_left3A_1203 : i32 to vector<16xi32>
        %shift_left3A_1205 = arith.shli %gather3A_1198, %shift_left3A_1204 : vector<16xi32>
        %bitcast3A_1206 = vector.bitcast %shift_left3A_1205 : vector<16xi32> to vector<16xf32>
        %shift_left3A_1207 = arith.constant 16 : i32
        %shift_left3A_1208 = vector.broadcast %shift_left3A_1207 : i32 to vector<16xi32>
        %shift_left3A_1209 = arith.shli %gather3A_1202, %shift_left3A_1208 : vector<16xi32>
        %bitcast3A_1210 = vector.bitcast %shift_left3A_1209 : vector<16xi32> to vector<16xf32>
        %bitcast3A_1211 = vector.bitcast %gather3A_1198 : vector<16xi32> to vector<16xf32>
        %bitcast3A_1212 = vector.bitcast %gather3A_1202 : vector<16xi32> to vector<16xf32>
        %add3A_1213 = arith.addf %add3A_1154, %bitcast3A_1206 : vector<16xf32>
        %add3A_1214 = arith.addf %add3A_1155, %bitcast3A_1210 : vector<16xf32>
        %add3A_1215 = arith.addf %add3A_1156, %bitcast3A_1211 : vector<16xf32>
        %add3A_1216 = arith.addf %add3A_1157, %bitcast3A_1212 : vector<16xf32>
        %mul3A_1217 = arith.constant 8192 : i32
        %mul3A_1218 = arith.muli %and3A_66, %mul3A_1217 : i32
        %add3A_1219 = arith.constant 4864 : i32
        %add3A_1220 = arith.addi %mul3A_1218, %add3A_1219 : i32
        %mul3A_1221 = arith.constant 16 : i32
        %mul3A_1222 = arith.muli %scan3A_107, %mul3A_1221 : i32
        %add3A_1223 = arith.addi %add3A_1220, %mul3A_1222 : i32
        %get3A_1224 = arith.index_cast %add3A_1223 : i32 to index
        %get3A_1225 = tpu.vector_load %arg7[%get3A_1224] {strides = array<i32>} : memref<16384xi32, #tpu.memory_space<vmem>>, vector<16xi32>,
        %and3A_1226 = arith.constant 65535 : i32
        %and3A_1227 = vector.broadcast %and3A_1226 : i32 to vector<16xi32>
        %and3A_1228 = arith.andi %get3A_1225, %and3A_1227 : vector<16xi32>
        %shift_right_logical3A_1229 = arith.constant 16 : i32
        %shift_right_logical3A_1230 = vector.broadcast %shift_right_logical3A_1229 : i32 to vector<16xi32>
        %shift_right_logical3A_1231 = arith.shrui %get3A_1225, %shift_right_logical3A_1230 : vector<16xi32>
        %add3A_1232 = arith.constant 0 : i32
        %add3A_1233 = vector.broadcast %add3A_1232 : i32 to vector<16xi32>
        %add3A_1234 = arith.addi %and3A_1228, %add3A_1233 : vector<16xi32>
        %gather3A_1235 = tpu.vector_load_idx %arg6[%add3A_1234] : memref<20480xi32, #tpu.memory_space<vmem>>[vector<16xi32>], vector<16xi32>,
        %add3A_1236 = arith.constant 0 : i32
        %add3A_1237 = vector.broadcast %add3A_1236 : i32 to vector<16xi32>
        %add3A_1238 = arith.addi %shift_right_logical3A_1231, %add3A_1237 : vector<16xi32>
        %gather3A_1239 = tpu.vector_load_idx %arg6[%add3A_1238] : memref<20480xi32, #tpu.memory_space<vmem>>[vector<16xi32>], vector<16xi32>,
        %shift_left3A_1240 = arith.constant 16 : i32
        %shift_left3A_1241 = vector.broadcast %shift_left3A_1240 : i32 to vector<16xi32>
        %shift_left3A_1242 = arith.shli %gather3A_1235, %shift_left3A_1241 : vector<16xi32>
        %bitcast3A_1243 = vector.bitcast %shift_left3A_1242 : vector<16xi32> to vector<16xf32>
        %shift_left3A_1244 = arith.constant 16 : i32
        %shift_left3A_1245 = vector.broadcast %shift_left3A_1244 : i32 to vector<16xi32>
        %shift_left3A_1246 = arith.shli %gather3A_1239, %shift_left3A_1245 : vector<16xi32>
        %bitcast3A_1247 = vector.bitcast %shift_left3A_1246 : vector<16xi32> to vector<16xf32>
        %bitcast3A_1248 = vector.bitcast %gather3A_1235 : vector<16xi32> to vector<16xf32>
        %bitcast3A_1249 = vector.bitcast %gather3A_1239 : vector<16xi32> to vector<16xf32>
        %add3A_1250 = arith.addf %add3A_1191, %bitcast3A_1243 : vector<16xf32>
        %add3A_1251 = arith.addf %add3A_1192, %bitcast3A_1247 : vector<16xf32>
        %add3A_1252 = arith.addf %add3A_1193, %bitcast3A_1248 : vector<16xf32>
        %add3A_1253 = arith.addf %add3A_1194, %bitcast3A_1249 : vector<16xf32>
        %add3A_1254 = arith.constant 10240 : i32
        %add3A_1255 = vector.broadcast %add3A_1254 : i32 to vector<16xi32>
        %add3A_1256 = arith.addi %and3A_1228, %add3A_1255 : vector<16xi32>
        %gather3A_1257 = tpu.vector_load_idx %arg6[%add3A_1256] : memref<20480xi32, #tpu.memory_space<vmem>>[vector<16xi32>], vector<16xi32>,
        %add3A_1258 = arith.constant 10240 : i32
        %add3A_1259 = vector.broadcast %add3A_1258 : i32 to vector<16xi32>
        %add3A_1260 = arith.addi %shift_right_logical3A_1231, %add3A_1259 : vector<16xi32>
        %gather3A_1261 = tpu.vector_load_idx %arg6[%add3A_1260] : memref<20480xi32, #tpu.memory_space<vmem>>[vector<16xi32>], vector<16xi32>,
        %shift_left3A_1262 = arith.constant 16 : i32
        %shift_left3A_1263 = vector.broadcast %shift_left3A_1262 : i32 to vector<16xi32>
        %shift_left3A_1264 = arith.shli %gather3A_1257, %shift_left3A_1263 : vector<16xi32>
        %bitcast3A_1265 = vector.bitcast %shift_left3A_1264 : vector<16xi32> to vector<16xf32>
        %shift_left3A_1266 = arith.constant 16 : i32
        %shift_left3A_1267 = vector.broadcast %shift_left3A_1266 : i32 to vector<16xi32>
        %shift_left3A_1268 = arith.shli %gather3A_1261, %shift_left3A_1267 : vector<16xi32>
        %bitcast3A_1269 = vector.bitcast %shift_left3A_1268 : vector<16xi32> to vector<16xf32>
        %bitcast3A_1270 = vector.bitcast %gather3A_1257 : vector<16xi32> to vector<16xf32>
        %bitcast3A_1271 = vector.bitcast %gather3A_1261 : vector<16xi32> to vector<16xf32>
        %add3A_1272 = arith.addf %add3A_1213, %bitcast3A_1265 : vector<16xf32>
        %add3A_1273 = arith.addf %add3A_1214, %bitcast3A_1269 : vector<16xf32>
        %add3A_1274 = arith.addf %add3A_1215, %bitcast3A_1270 : vector<16xf32>
        %add3A_1275 = arith.addf %add3A_1216, %bitcast3A_1271 : vector<16xf32>
        %mul3A_1276 = arith.constant 8192 : i32
        %mul3A_1277 = arith.muli %and3A_66, %mul3A_1276 : i32
        %add3A_1278 = arith.constant 5120 : i32
        %add3A_1279 = arith.addi %mul3A_1277, %add3A_1278 : i32
        %mul3A_1280 = arith.constant 16 : i32
        %mul3A_1281 = arith.muli %scan3A_107, %mul3A_1280 : i32
        %add3A_1282 = arith.addi %add3A_1279, %mul3A_1281 : i32
        %get3A_1283 = arith.index_cast %add3A_1282 : i32 to index
        %get3A_1284 = tpu.vector_load %arg7[%get3A_1283] {strides = array<i32>} : memref<16384xi32, #tpu.memory_space<vmem>>, vector<16xi32>,
        %and3A_1285 = arith.constant 65535 : i32
        %and3A_1286 = vector.broadcast %and3A_1285 : i32 to vector<16xi32>
        %and3A_1287 = arith.andi %get3A_1284, %and3A_1286 : vector<16xi32>
        %shift_right_logical3A_1288 = arith.constant 16 : i32
        %shift_right_logical3A_1289 = vector.broadcast %shift_right_logical3A_1288 : i32 to vector<16xi32>
        %shift_right_logical3A_1290 = arith.shrui %get3A_1284, %shift_right_logical3A_1289 : vector<16xi32>
        %add3A_1291 = arith.constant 0 : i32
        %add3A_1292 = vector.broadcast %add3A_1291 : i32 to vector<16xi32>
        %add3A_1293 = arith.addi %and3A_1287, %add3A_1292 : vector<16xi32>
        %gather3A_1294 = tpu.vector_load_idx %arg6[%add3A_1293] : memref<20480xi32, #tpu.memory_space<vmem>>[vector<16xi32>], vector<16xi32>,
        %add3A_1295 = arith.constant 0 : i32
        %add3A_1296 = vector.broadcast %add3A_1295 : i32 to vector<16xi32>
        %add3A_1297 = arith.addi %shift_right_logical3A_1290, %add3A_1296 : vector<16xi32>
        %gather3A_1298 = tpu.vector_load_idx %arg6[%add3A_1297] : memref<20480xi32, #tpu.memory_space<vmem>>[vector<16xi32>], vector<16xi32>,
        %shift_left3A_1299 = arith.constant 16 : i32
        %shift_left3A_1300 = vector.broadcast %shift_left3A_1299 : i32 to vector<16xi32>
        %shift_left3A_1301 = arith.shli %gather3A_1294, %shift_left3A_1300 : vector<16xi32>
        %bitcast3A_1302 = vector.bitcast %shift_left3A_1301 : vector<16xi32> to vector<16xf32>
        %shift_left3A_1303 = arith.constant 16 : i32
        %shift_left3A_1304 = vector.broadcast %shift_left3A_1303 : i32 to vector<16xi32>
        %shift_left3A_1305 = arith.shli %gather3A_1298, %shift_left3A_1304 : vector<16xi32>
        %bitcast3A_1306 = vector.bitcast %shift_left3A_1305 : vector<16xi32> to vector<16xf32>
        %bitcast3A_1307 = vector.bitcast %gather3A_1294 : vector<16xi32> to vector<16xf32>
        %bitcast3A_1308 = vector.bitcast %gather3A_1298 : vector<16xi32> to vector<16xf32>
        %add3A_1309 = arith.addf %add3A_1250, %bitcast3A_1302 : vector<16xf32>
        %add3A_1310 = arith.addf %add3A_1251, %bitcast3A_1306 : vector<16xf32>
        %add3A_1311 = arith.addf %add3A_1252, %bitcast3A_1307 : vector<16xf32>
        %add3A_1312 = arith.addf %add3A_1253, %bitcast3A_1308 : vector<16xf32>
        %add3A_1313 = arith.constant 10240 : i32
        %add3A_1314 = vector.broadcast %add3A_1313 : i32 to vector<16xi32>
        %add3A_1315 = arith.addi %and3A_1287, %add3A_1314 : vector<16xi32>
        %gather3A_1316 = tpu.vector_load_idx %arg6[%add3A_1315] : memref<20480xi32, #tpu.memory_space<vmem>>[vector<16xi32>], vector<16xi32>,
        %add3A_1317 = arith.constant 10240 : i32
        %add3A_1318 = vector.broadcast %add3A_1317 : i32 to vector<16xi32>
        %add3A_1319 = arith.addi %shift_right_logical3A_1290, %add3A_1318 : vector<16xi32>
        %gather3A_1320 = tpu.vector_load_idx %arg6[%add3A_1319] : memref<20480xi32, #tpu.memory_space<vmem>>[vector<16xi32>], vector<16xi32>,
        %shift_left3A_1321 = arith.constant 16 : i32
        %shift_left3A_1322 = vector.broadcast %shift_left3A_1321 : i32 to vector<16xi32>
        %shift_left3A_1323 = arith.shli %gather3A_1316, %shift_left3A_1322 : vector<16xi32>
        %bitcast3A_1324 = vector.bitcast %shift_left3A_1323 : vector<16xi32> to vector<16xf32>
        %shift_left3A_1325 = arith.constant 16 : i32
        %shift_left3A_1326 = vector.broadcast %shift_left3A_1325 : i32 to vector<16xi32>
        %shift_left3A_1327 = arith.shli %gather3A_1320, %shift_left3A_1326 : vector<16xi32>
        %bitcast3A_1328 = vector.bitcast %shift_left3A_1327 : vector<16xi32> to vector<16xf32>
        %bitcast3A_1329 = vector.bitcast %gather3A_1316 : vector<16xi32> to vector<16xf32>
        %bitcast3A_1330 = vector.bitcast %gather3A_1320 : vector<16xi32> to vector<16xf32>
        %add3A_1331 = arith.addf %add3A_1272, %bitcast3A_1324 : vector<16xf32>
        %add3A_1332 = arith.addf %add3A_1273, %bitcast3A_1328 : vector<16xf32>
        %add3A_1333 = arith.addf %add3A_1274, %bitcast3A_1329 : vector<16xf32>
        %add3A_1334 = arith.addf %add3A_1275, %bitcast3A_1330 : vector<16xf32>
        %mul3A_1335 = arith.constant 8192 : i32
        %mul3A_1336 = arith.muli %and3A_66, %mul3A_1335 : i32
        %add3A_1337 = arith.constant 5376 : i32
        %add3A_1338 = arith.addi %mul3A_1336, %add3A_1337 : i32
        %mul3A_1339 = arith.constant 16 : i32
        %mul3A_1340 = arith.muli %scan3A_107, %mul3A_1339 : i32
        %add3A_1341 = arith.addi %add3A_1338, %mul3A_1340 : i32
        %get3A_1342 = arith.index_cast %add3A_1341 : i32 to index
        %get3A_1343 = tpu.vector_load %arg7[%get3A_1342] {strides = array<i32>} : memref<16384xi32, #tpu.memory_space<vmem>>, vector<16xi32>,
        %and3A_1344 = arith.constant 65535 : i32
        %and3A_1345 = vector.broadcast %and3A_1344 : i32 to vector<16xi32>
        %and3A_1346 = arith.andi %get3A_1343, %and3A_1345 : vector<16xi32>
        %shift_right_logical3A_1347 = arith.constant 16 : i32
        %shift_right_logical3A_1348 = vector.broadcast %shift_right_logical3A_1347 : i32 to vector<16xi32>
        %shift_right_logical3A_1349 = arith.shrui %get3A_1343, %shift_right_logical3A_1348 : vector<16xi32>
        %add3A_1350 = arith.constant 0 : i32
        %add3A_1351 = vector.broadcast %add3A_1350 : i32 to vector<16xi32>
        %add3A_1352 = arith.addi %and3A_1346, %add3A_1351 : vector<16xi32>
        %gather3A_1353 = tpu.vector_load_idx %arg6[%add3A_1352] : memref<20480xi32, #tpu.memory_space<vmem>>[vector<16xi32>], vector<16xi32>,
        %add3A_1354 = arith.constant 0 : i32
        %add3A_1355 = vector.broadcast %add3A_1354 : i32 to vector<16xi32>
        %add3A_1356 = arith.addi %shift_right_logical3A_1349, %add3A_1355 : vector<16xi32>
        %gather3A_1357 = tpu.vector_load_idx %arg6[%add3A_1356] : memref<20480xi32, #tpu.memory_space<vmem>>[vector<16xi32>], vector<16xi32>,
        %shift_left3A_1358 = arith.constant 16 : i32
        %shift_left3A_1359 = vector.broadcast %shift_left3A_1358 : i32 to vector<16xi32>
        %shift_left3A_1360 = arith.shli %gather3A_1353, %shift_left3A_1359 : vector<16xi32>
        %bitcast3A_1361 = vector.bitcast %shift_left3A_1360 : vector<16xi32> to vector<16xf32>
        %shift_left3A_1362 = arith.constant 16 : i32
        %shift_left3A_1363 = vector.broadcast %shift_left3A_1362 : i32 to vector<16xi32>
        %shift_left3A_1364 = arith.shli %gather3A_1357, %shift_left3A_1363 : vector<16xi32>
        %bitcast3A_1365 = vector.bitcast %shift_left3A_1364 : vector<16xi32> to vector<16xf32>
        %bitcast3A_1366 = vector.bitcast %gather3A_1353 : vector<16xi32> to vector<16xf32>
        %bitcast3A_1367 = vector.bitcast %gather3A_1357 : vector<16xi32> to vector<16xf32>
        %add3A_1368 = arith.addf %add3A_1309, %bitcast3A_1361 : vector<16xf32>
        %add3A_1369 = arith.addf %add3A_1310, %bitcast3A_1365 : vector<16xf32>
        %add3A_1370 = arith.addf %add3A_1311, %bitcast3A_1366 : vector<16xf32>
        %add3A_1371 = arith.addf %add3A_1312, %bitcast3A_1367 : vector<16xf32>
        %add3A_1372 = arith.constant 10240 : i32
        %add3A_1373 = vector.broadcast %add3A_1372 : i32 to vector<16xi32>
        %add3A_1374 = arith.addi %and3A_1346, %add3A_1373 : vector<16xi32>
        %gather3A_1375 = tpu.vector_load_idx %arg6[%add3A_1374] : memref<20480xi32, #tpu.memory_space<vmem>>[vector<16xi32>], vector<16xi32>,
        %add3A_1376 = arith.constant 10240 : i32
        %add3A_1377 = vector.broadcast %add3A_1376 : i32 to vector<16xi32>
        %add3A_1378 = arith.addi %shift_right_logical3A_1349, %add3A_1377 : vector<16xi32>
        %gather3A_1379 = tpu.vector_load_idx %arg6[%add3A_1378] : memref<20480xi32, #tpu.memory_space<vmem>>[vector<16xi32>], vector<16xi32>,
        %shift_left3A_1380 = arith.constant 16 : i32
        %shift_left3A_1381 = vector.broadcast %shift_left3A_1380 : i32 to vector<16xi32>
        %shift_left3A_1382 = arith.shli %gather3A_1375, %shift_left3A_1381 : vector<16xi32>
        %bitcast3A_1383 = vector.bitcast %shift_left3A_1382 : vector<16xi32> to vector<16xf32>
        %shift_left3A_1384 = arith.constant 16 : i32
        %shift_left3A_1385 = vector.broadcast %shift_left3A_1384 : i32 to vector<16xi32>
        %shift_left3A_1386 = arith.shli %gather3A_1379, %shift_left3A_1385 : vector<16xi32>
        %bitcast3A_1387 = vector.bitcast %shift_left3A_1386 : vector<16xi32> to vector<16xf32>
        %bitcast3A_1388 = vector.bitcast %gather3A_1375 : vector<16xi32> to vector<16xf32>
        %bitcast3A_1389 = vector.bitcast %gather3A_1379 : vector<16xi32> to vector<16xf32>
        %add3A_1390 = arith.addf %add3A_1331, %bitcast3A_1383 : vector<16xf32>
        %add3A_1391 = arith.addf %add3A_1332, %bitcast3A_1387 : vector<16xf32>
        %add3A_1392 = arith.addf %add3A_1333, %bitcast3A_1388 : vector<16xf32>
        %add3A_1393 = arith.addf %add3A_1334, %bitcast3A_1389 : vector<16xf32>
        %mul3A_1394 = arith.constant 8192 : i32
        %mul3A_1395 = arith.muli %and3A_66, %mul3A_1394 : i32
        %add3A_1396 = arith.constant 5632 : i32
        %add3A_1397 = arith.addi %mul3A_1395, %add3A_1396 : i32
        %mul3A_1398 = arith.constant 16 : i32
        %mul3A_1399 = arith.muli %scan3A_107, %mul3A_1398 : i32
        %add3A_1400 = arith.addi %add3A_1397, %mul3A_1399 : i32
        %get3A_1401 = arith.index_cast %add3A_1400 : i32 to index
        %get3A_1402 = tpu.vector_load %arg7[%get3A_1401] {strides = array<i32>} : memref<16384xi32, #tpu.memory_space<vmem>>, vector<16xi32>,
        %and3A_1403 = arith.constant 65535 : i32
        %and3A_1404 = vector.broadcast %and3A_1403 : i32 to vector<16xi32>
        %and3A_1405 = arith.andi %get3A_1402, %and3A_1404 : vector<16xi32>
        %shift_right_logical3A_1406 = arith.constant 16 : i32
        %shift_right_logical3A_1407 = vector.broadcast %shift_right_logical3A_1406 : i32 to vector<16xi32>
        %shift_right_logical3A_1408 = arith.shrui %get3A_1402, %shift_right_logical3A_1407 : vector<16xi32>
        %add3A_1409 = arith.constant 0 : i32
        %add3A_1410 = vector.broadcast %add3A_1409 : i32 to vector<16xi32>
        %add3A_1411 = arith.addi %and3A_1405, %add3A_1410 : vector<16xi32>
        %gather3A_1412 = tpu.vector_load_idx %arg6[%add3A_1411] : memref<20480xi32, #tpu.memory_space<vmem>>[vector<16xi32>], vector<16xi32>,
        %add3A_1413 = arith.constant 0 : i32
        %add3A_1414 = vector.broadcast %add3A_1413 : i32 to vector<16xi32>
        %add3A_1415 = arith.addi %shift_right_logical3A_1408, %add3A_1414 : vector<16xi32>
        %gather3A_1416 = tpu.vector_load_idx %arg6[%add3A_1415] : memref<20480xi32, #tpu.memory_space<vmem>>[vector<16xi32>], vector<16xi32>,
        %shift_left3A_1417 = arith.constant 16 : i32
        %shift_left3A_1418 = vector.broadcast %shift_left3A_1417 : i32 to vector<16xi32>
        %shift_left3A_1419 = arith.shli %gather3A_1412, %shift_left3A_1418 : vector<16xi32>
        %bitcast3A_1420 = vector.bitcast %shift_left3A_1419 : vector<16xi32> to vector<16xf32>
        %shift_left3A_1421 = arith.constant 16 : i32
        %shift_left3A_1422 = vector.broadcast %shift_left3A_1421 : i32 to vector<16xi32>
        %shift_left3A_1423 = arith.shli %gather3A_1416, %shift_left3A_1422 : vector<16xi32>
        %bitcast3A_1424 = vector.bitcast %shift_left3A_1423 : vector<16xi32> to vector<16xf32>
        %bitcast3A_1425 = vector.bitcast %gather3A_1412 : vector<16xi32> to vector<16xf32>
        %bitcast3A_1426 = vector.bitcast %gather3A_1416 : vector<16xi32> to vector<16xf32>
        %add3A_1427 = arith.addf %add3A_1368, %bitcast3A_1420 : vector<16xf32>
        %add3A_1428 = arith.addf %add3A_1369, %bitcast3A_1424 : vector<16xf32>
        %add3A_1429 = arith.addf %add3A_1370, %bitcast3A_1425 : vector<16xf32>
        %add3A_1430 = arith.addf %add3A_1371, %bitcast3A_1426 : vector<16xf32>
        %add3A_1431 = arith.constant 10240 : i32
        %add3A_1432 = vector.broadcast %add3A_1431 : i32 to vector<16xi32>
        %add3A_1433 = arith.addi %and3A_1405, %add3A_1432 : vector<16xi32>
        %gather3A_1434 = tpu.vector_load_idx %arg6[%add3A_1433] : memref<20480xi32, #tpu.memory_space<vmem>>[vector<16xi32>], vector<16xi32>,
        %add3A_1435 = arith.constant 10240 : i32
        %add3A_1436 = vector.broadcast %add3A_1435 : i32 to vector<16xi32>
        %add3A_1437 = arith.addi %shift_right_logical3A_1408, %add3A_1436 : vector<16xi32>
        %gather3A_1438 = tpu.vector_load_idx %arg6[%add3A_1437] : memref<20480xi32, #tpu.memory_space<vmem>>[vector<16xi32>], vector<16xi32>,
        %shift_left3A_1439 = arith.constant 16 : i32
        %shift_left3A_1440 = vector.broadcast %shift_left3A_1439 : i32 to vector<16xi32>
        %shift_left3A_1441 = arith.shli %gather3A_1434, %shift_left3A_1440 : vector<16xi32>
        %bitcast3A_1442 = vector.bitcast %shift_left3A_1441 : vector<16xi32> to vector<16xf32>
        %shift_left3A_1443 = arith.constant 16 : i32
        %shift_left3A_1444 = vector.broadcast %shift_left3A_1443 : i32 to vector<16xi32>
        %shift_left3A_1445 = arith.shli %gather3A_1438, %shift_left3A_1444 : vector<16xi32>
        %bitcast3A_1446 = vector.bitcast %shift_left3A_1445 : vector<16xi32> to vector<16xf32>
        %bitcast3A_1447 = vector.bitcast %gather3A_1434 : vector<16xi32> to vector<16xf32>
        %bitcast3A_1448 = vector.bitcast %gather3A_1438 : vector<16xi32> to vector<16xf32>
        %add3A_1449 = arith.addf %add3A_1390, %bitcast3A_1442 : vector<16xf32>
        %add3A_1450 = arith.addf %add3A_1391, %bitcast3A_1446 : vector<16xf32>
        %add3A_1451 = arith.addf %add3A_1392, %bitcast3A_1447 : vector<16xf32>
        %add3A_1452 = arith.addf %add3A_1393, %bitcast3A_1448 : vector<16xf32>
        %mul3A_1453 = arith.constant 8192 : i32
        %mul3A_1454 = arith.muli %and3A_66, %mul3A_1453 : i32
        %add3A_1455 = arith.constant 5888 : i32
        %add3A_1456 = arith.addi %mul3A_1454, %add3A_1455 : i32
        %mul3A_1457 = arith.constant 16 : i32
        %mul3A_1458 = arith.muli %scan3A_107, %mul3A_1457 : i32
        %add3A_1459 = arith.addi %add3A_1456, %mul3A_1458 : i32
        %get3A_1460 = arith.index_cast %add3A_1459 : i32 to index
        %get3A_1461 = tpu.vector_load %arg7[%get3A_1460] {strides = array<i32>} : memref<16384xi32, #tpu.memory_space<vmem>>, vector<16xi32>,
        %and3A_1462 = arith.constant 65535 : i32
        %and3A_1463 = vector.broadcast %and3A_1462 : i32 to vector<16xi32>
        %and3A_1464 = arith.andi %get3A_1461, %and3A_1463 : vector<16xi32>
        %shift_right_logical3A_1465 = arith.constant 16 : i32
        %shift_right_logical3A_1466 = vector.broadcast %shift_right_logical3A_1465 : i32 to vector<16xi32>
        %shift_right_logical3A_1467 = arith.shrui %get3A_1461, %shift_right_logical3A_1466 : vector<16xi32>
        %add3A_1468 = arith.constant 0 : i32
        %add3A_1469 = vector.broadcast %add3A_1468 : i32 to vector<16xi32>
        %add3A_1470 = arith.addi %and3A_1464, %add3A_1469 : vector<16xi32>
        %gather3A_1471 = tpu.vector_load_idx %arg6[%add3A_1470] : memref<20480xi32, #tpu.memory_space<vmem>>[vector<16xi32>], vector<16xi32>,
        %add3A_1472 = arith.constant 0 : i32
        %add3A_1473 = vector.broadcast %add3A_1472 : i32 to vector<16xi32>
        %add3A_1474 = arith.addi %shift_right_logical3A_1467, %add3A_1473 : vector<16xi32>
        %gather3A_1475 = tpu.vector_load_idx %arg6[%add3A_1474] : memref<20480xi32, #tpu.memory_space<vmem>>[vector<16xi32>], vector<16xi32>,
        %shift_left3A_1476 = arith.constant 16 : i32
        %shift_left3A_1477 = vector.broadcast %shift_left3A_1476 : i32 to vector<16xi32>
        %shift_left3A_1478 = arith.shli %gather3A_1471, %shift_left3A_1477 : vector<16xi32>
        %bitcast3A_1479 = vector.bitcast %shift_left3A_1478 : vector<16xi32> to vector<16xf32>
        %shift_left3A_1480 = arith.constant 16 : i32
        %shift_left3A_1481 = vector.broadcast %shift_left3A_1480 : i32 to vector<16xi32>
        %shift_left3A_1482 = arith.shli %gather3A_1475, %shift_left3A_1481 : vector<16xi32>
        %bitcast3A_1483 = vector.bitcast %shift_left3A_1482 : vector<16xi32> to vector<16xf32>
        %bitcast3A_1484 = vector.bitcast %gather3A_1471 : vector<16xi32> to vector<16xf32>
        %bitcast3A_1485 = vector.bitcast %gather3A_1475 : vector<16xi32> to vector<16xf32>
        %add3A_1486 = arith.addf %add3A_1427, %bitcast3A_1479 : vector<16xf32>
        %add3A_1487 = arith.addf %add3A_1428, %bitcast3A_1483 : vector<16xf32>
        %add3A_1488 = arith.addf %add3A_1429, %bitcast3A_1484 : vector<16xf32>
        %add3A_1489 = arith.addf %add3A_1430, %bitcast3A_1485 : vector<16xf32>
        %add3A_1490 = arith.constant 10240 : i32
        %add3A_1491 = vector.broadcast %add3A_1490 : i32 to vector<16xi32>
        %add3A_1492 = arith.addi %and3A_1464, %add3A_1491 : vector<16xi32>
        %gather3A_1493 = tpu.vector_load_idx %arg6[%add3A_1492] : memref<20480xi32, #tpu.memory_space<vmem>>[vector<16xi32>], vector<16xi32>,
        %add3A_1494 = arith.constant 10240 : i32
        %add3A_1495 = vector.broadcast %add3A_1494 : i32 to vector<16xi32>
        %add3A_1496 = arith.addi %shift_right_logical3A_1467, %add3A_1495 : vector<16xi32>
        %gather3A_1497 = tpu.vector_load_idx %arg6[%add3A_1496] : memref<20480xi32, #tpu.memory_space<vmem>>[vector<16xi32>], vector<16xi32>,
        %shift_left3A_1498 = arith.constant 16 : i32
        %shift_left3A_1499 = vector.broadcast %shift_left3A_1498 : i32 to vector<16xi32>
        %shift_left3A_1500 = arith.shli %gather3A_1493, %shift_left3A_1499 : vector<16xi32>
        %bitcast3A_1501 = vector.bitcast %shift_left3A_1500 : vector<16xi32> to vector<16xf32>
        %shift_left3A_1502 = arith.constant 16 : i32
        %shift_left3A_1503 = vector.broadcast %shift_left3A_1502 : i32 to vector<16xi32>
        %shift_left3A_1504 = arith.shli %gather3A_1497, %shift_left3A_1503 : vector<16xi32>
        %bitcast3A_1505 = vector.bitcast %shift_left3A_1504 : vector<16xi32> to vector<16xf32>
        %bitcast3A_1506 = vector.bitcast %gather3A_1493 : vector<16xi32> to vector<16xf32>
        %bitcast3A_1507 = vector.bitcast %gather3A_1497 : vector<16xi32> to vector<16xf32>
        %add3A_1508 = arith.addf %add3A_1449, %bitcast3A_1501 : vector<16xf32>
        %add3A_1509 = arith.addf %add3A_1450, %bitcast3A_1505 : vector<16xf32>
        %add3A_1510 = arith.addf %add3A_1451, %bitcast3A_1506 : vector<16xf32>
        %add3A_1511 = arith.addf %add3A_1452, %bitcast3A_1507 : vector<16xf32>
        %mul3A_1512 = arith.constant 8192 : i32
        %mul3A_1513 = arith.muli %and3A_66, %mul3A_1512 : i32
        %add3A_1514 = arith.constant 6144 : i32
        %add3A_1515 = arith.addi %mul3A_1513, %add3A_1514 : i32
        %mul3A_1516 = arith.constant 16 : i32
        %mul3A_1517 = arith.muli %scan3A_107, %mul3A_1516 : i32
        %add3A_1518 = arith.addi %add3A_1515, %mul3A_1517 : i32
        %get3A_1519 = arith.index_cast %add3A_1518 : i32 to index
        %get3A_1520 = tpu.vector_load %arg7[%get3A_1519] {strides = array<i32>} : memref<16384xi32, #tpu.memory_space<vmem>>, vector<16xi32>,
        %and3A_1521 = arith.constant 65535 : i32
        %and3A_1522 = vector.broadcast %and3A_1521 : i32 to vector<16xi32>
        %and3A_1523 = arith.andi %get3A_1520, %and3A_1522 : vector<16xi32>
        %shift_right_logical3A_1524 = arith.constant 16 : i32
        %shift_right_logical3A_1525 = vector.broadcast %shift_right_logical3A_1524 : i32 to vector<16xi32>
        %shift_right_logical3A_1526 = arith.shrui %get3A_1520, %shift_right_logical3A_1525 : vector<16xi32>
        %add3A_1527 = arith.constant 0 : i32
        %add3A_1528 = vector.broadcast %add3A_1527 : i32 to vector<16xi32>
        %add3A_1529 = arith.addi %and3A_1523, %add3A_1528 : vector<16xi32>
        %gather3A_1530 = tpu.vector_load_idx %arg6[%add3A_1529] : memref<20480xi32, #tpu.memory_space<vmem>>[vector<16xi32>], vector<16xi32>,
        %add3A_1531 = arith.constant 0 : i32
        %add3A_1532 = vector.broadcast %add3A_1531 : i32 to vector<16xi32>
        %add3A_1533 = arith.addi %shift_right_logical3A_1526, %add3A_1532 : vector<16xi32>
        %gather3A_1534 = tpu.vector_load_idx %arg6[%add3A_1533] : memref<20480xi32, #tpu.memory_space<vmem>>[vector<16xi32>], vector<16xi32>,
        %shift_left3A_1535 = arith.constant 16 : i32
        %shift_left3A_1536 = vector.broadcast %shift_left3A_1535 : i32 to vector<16xi32>
        %shift_left3A_1537 = arith.shli %gather3A_1530, %shift_left3A_1536 : vector<16xi32>
        %bitcast3A_1538 = vector.bitcast %shift_left3A_1537 : vector<16xi32> to vector<16xf32>
        %shift_left3A_1539 = arith.constant 16 : i32
        %shift_left3A_1540 = vector.broadcast %shift_left3A_1539 : i32 to vector<16xi32>
        %shift_left3A_1541 = arith.shli %gather3A_1534, %shift_left3A_1540 : vector<16xi32>
        %bitcast3A_1542 = vector.bitcast %shift_left3A_1541 : vector<16xi32> to vector<16xf32>
        %bitcast3A_1543 = vector.bitcast %gather3A_1530 : vector<16xi32> to vector<16xf32>
        %bitcast3A_1544 = vector.bitcast %gather3A_1534 : vector<16xi32> to vector<16xf32>
        %add3A_1545 = arith.addf %add3A_1486, %bitcast3A_1538 : vector<16xf32>
        %add3A_1546 = arith.addf %add3A_1487, %bitcast3A_1542 : vector<16xf32>
        %add3A_1547 = arith.addf %add3A_1488, %bitcast3A_1543 : vector<16xf32>
        %add3A_1548 = arith.addf %add3A_1489, %bitcast3A_1544 : vector<16xf32>
        %add3A_1549 = arith.constant 10240 : i32
        %add3A_1550 = vector.broadcast %add3A_1549 : i32 to vector<16xi32>
        %add3A_1551 = arith.addi %and3A_1523, %add3A_1550 : vector<16xi32>
        %gather3A_1552 = tpu.vector_load_idx %arg6[%add3A_1551] : memref<20480xi32, #tpu.memory_space<vmem>>[vector<16xi32>], vector<16xi32>,
        %add3A_1553 = arith.constant 10240 : i32
        %add3A_1554 = vector.broadcast %add3A_1553 : i32 to vector<16xi32>
        %add3A_1555 = arith.addi %shift_right_logical3A_1526, %add3A_1554 : vector<16xi32>
        %gather3A_1556 = tpu.vector_load_idx %arg6[%add3A_1555] : memref<20480xi32, #tpu.memory_space<vmem>>[vector<16xi32>], vector<16xi32>,
        %shift_left3A_1557 = arith.constant 16 : i32
        %shift_left3A_1558 = vector.broadcast %shift_left3A_1557 : i32 to vector<16xi32>
        %shift_left3A_1559 = arith.shli %gather3A_1552, %shift_left3A_1558 : vector<16xi32>
        %bitcast3A_1560 = vector.bitcast %shift_left3A_1559 : vector<16xi32> to vector<16xf32>
        %shift_left3A_1561 = arith.constant 16 : i32
        %shift_left3A_1562 = vector.broadcast %shift_left3A_1561 : i32 to vector<16xi32>
        %shift_left3A_1563 = arith.shli %gather3A_1556, %shift_left3A_1562 : vector<16xi32>
        %bitcast3A_1564 = vector.bitcast %shift_left3A_1563 : vector<16xi32> to vector<16xf32>
        %bitcast3A_1565 = vector.bitcast %gather3A_1552 : vector<16xi32> to vector<16xf32>
        %bitcast3A_1566 = vector.bitcast %gather3A_1556 : vector<16xi32> to vector<16xf32>
        %add3A_1567 = arith.addf %add3A_1508, %bitcast3A_1560 : vector<16xf32>
        %add3A_1568 = arith.addf %add3A_1509, %bitcast3A_1564 : vector<16xf32>
        %add3A_1569 = arith.addf %add3A_1510, %bitcast3A_1565 : vector<16xf32>
        %add3A_1570 = arith.addf %add3A_1511, %bitcast3A_1566 : vector<16xf32>
        %mul3A_1571 = arith.constant 8192 : i32
        %mul3A_1572 = arith.muli %and3A_66, %mul3A_1571 : i32
        %add3A_1573 = arith.constant 6400 : i32
        %add3A_1574 = arith.addi %mul3A_1572, %add3A_1573 : i32
        %mul3A_1575 = arith.constant 16 : i32
        %mul3A_1576 = arith.muli %scan3A_107, %mul3A_1575 : i32
        %add3A_1577 = arith.addi %add3A_1574, %mul3A_1576 : i32
        %get3A_1578 = arith.index_cast %add3A_1577 : i32 to index
        %get3A_1579 = tpu.vector_load %arg7[%get3A_1578] {strides = array<i32>} : memref<16384xi32, #tpu.memory_space<vmem>>, vector<16xi32>,
        %and3A_1580 = arith.constant 65535 : i32
        %and3A_1581 = vector.broadcast %and3A_1580 : i32 to vector<16xi32>
        %and3A_1582 = arith.andi %get3A_1579, %and3A_1581 : vector<16xi32>
        %shift_right_logical3A_1583 = arith.constant 16 : i32
        %shift_right_logical3A_1584 = vector.broadcast %shift_right_logical3A_1583 : i32 to vector<16xi32>
        %shift_right_logical3A_1585 = arith.shrui %get3A_1579, %shift_right_logical3A_1584 : vector<16xi32>
        %add3A_1586 = arith.constant 0 : i32
        %add3A_1587 = vector.broadcast %add3A_1586 : i32 to vector<16xi32>
        %add3A_1588 = arith.addi %and3A_1582, %add3A_1587 : vector<16xi32>
        %gather3A_1589 = tpu.vector_load_idx %arg6[%add3A_1588] : memref<20480xi32, #tpu.memory_space<vmem>>[vector<16xi32>], vector<16xi32>,
        %add3A_1590 = arith.constant 0 : i32
        %add3A_1591 = vector.broadcast %add3A_1590 : i32 to vector<16xi32>
        %add3A_1592 = arith.addi %shift_right_logical3A_1585, %add3A_1591 : vector<16xi32>
        %gather3A_1593 = tpu.vector_load_idx %arg6[%add3A_1592] : memref<20480xi32, #tpu.memory_space<vmem>>[vector<16xi32>], vector<16xi32>,
        %shift_left3A_1594 = arith.constant 16 : i32
        %shift_left3A_1595 = vector.broadcast %shift_left3A_1594 : i32 to vector<16xi32>
        %shift_left3A_1596 = arith.shli %gather3A_1589, %shift_left3A_1595 : vector<16xi32>
        %bitcast3A_1597 = vector.bitcast %shift_left3A_1596 : vector<16xi32> to vector<16xf32>
        %shift_left3A_1598 = arith.constant 16 : i32
        %shift_left3A_1599 = vector.broadcast %shift_left3A_1598 : i32 to vector<16xi32>
        %shift_left3A_1600 = arith.shli %gather3A_1593, %shift_left3A_1599 : vector<16xi32>
        %bitcast3A_1601 = vector.bitcast %shift_left3A_1600 : vector<16xi32> to vector<16xf32>
        %bitcast3A_1602 = vector.bitcast %gather3A_1589 : vector<16xi32> to vector<16xf32>
        %bitcast3A_1603 = vector.bitcast %gather3A_1593 : vector<16xi32> to vector<16xf32>
        %add3A_1604 = arith.addf %add3A_1545, %bitcast3A_1597 : vector<16xf32>
        %add3A_1605 = arith.addf %add3A_1546, %bitcast3A_1601 : vector<16xf32>
        %add3A_1606 = arith.addf %add3A_1547, %bitcast3A_1602 : vector<16xf32>
        %add3A_1607 = arith.addf %add3A_1548, %bitcast3A_1603 : vector<16xf32>
        %add3A_1608 = arith.constant 10240 : i32
        %add3A_1609 = vector.broadcast %add3A_1608 : i32 to vector<16xi32>
        %add3A_1610 = arith.addi %and3A_1582, %add3A_1609 : vector<16xi32>
        %gather3A_1611 = tpu.vector_load_idx %arg6[%add3A_1610] : memref<20480xi32, #tpu.memory_space<vmem>>[vector<16xi32>], vector<16xi32>,
        %add3A_1612 = arith.constant 10240 : i32
        %add3A_1613 = vector.broadcast %add3A_1612 : i32 to vector<16xi32>
        %add3A_1614 = arith.addi %shift_right_logical3A_1585, %add3A_1613 : vector<16xi32>
        %gather3A_1615 = tpu.vector_load_idx %arg6[%add3A_1614] : memref<20480xi32, #tpu.memory_space<vmem>>[vector<16xi32>], vector<16xi32>,
        %shift_left3A_1616 = arith.constant 16 : i32
        %shift_left3A_1617 = vector.broadcast %shift_left3A_1616 : i32 to vector<16xi32>
        %shift_left3A_1618 = arith.shli %gather3A_1611, %shift_left3A_1617 : vector<16xi32>
        %bitcast3A_1619 = vector.bitcast %shift_left3A_1618 : vector<16xi32> to vector<16xf32>
        %shift_left3A_1620 = arith.constant 16 : i32
        %shift_left3A_1621 = vector.broadcast %shift_left3A_1620 : i32 to vector<16xi32>
        %shift_left3A_1622 = arith.shli %gather3A_1615, %shift_left3A_1621 : vector<16xi32>
        %bitcast3A_1623 = vector.bitcast %shift_left3A_1622 : vector<16xi32> to vector<16xf32>
        %bitcast3A_1624 = vector.bitcast %gather3A_1611 : vector<16xi32> to vector<16xf32>
        %bitcast3A_1625 = vector.bitcast %gather3A_1615 : vector<16xi32> to vector<16xf32>
        %add3A_1626 = arith.addf %add3A_1567, %bitcast3A_1619 : vector<16xf32>
        %add3A_1627 = arith.addf %add3A_1568, %bitcast3A_1623 : vector<16xf32>
        %add3A_1628 = arith.addf %add3A_1569, %bitcast3A_1624 : vector<16xf32>
        %add3A_1629 = arith.addf %add3A_1570, %bitcast3A_1625 : vector<16xf32>
        %mul3A_1630 = arith.constant 8192 : i32
        %mul3A_1631 = arith.muli %and3A_66, %mul3A_1630 : i32
        %add3A_1632 = arith.constant 6656 : i32
        %add3A_1633 = arith.addi %mul3A_1631, %add3A_1632 : i32
        %mul3A_1634 = arith.constant 16 : i32
        %mul3A_1635 = arith.muli %scan3A_107, %mul3A_1634 : i32
        %add3A_1636 = arith.addi %add3A_1633, %mul3A_1635 : i32
        %get3A_1637 = arith.index_cast %add3A_1636 : i32 to index
        %get3A_1638 = tpu.vector_load %arg7[%get3A_1637] {strides = array<i32>} : memref<16384xi32, #tpu.memory_space<vmem>>, vector<16xi32>,
        %and3A_1639 = arith.constant 65535 : i32
        %and3A_1640 = vector.broadcast %and3A_1639 : i32 to vector<16xi32>
        %and3A_1641 = arith.andi %get3A_1638, %and3A_1640 : vector<16xi32>
        %shift_right_logical3A_1642 = arith.constant 16 : i32
        %shift_right_logical3A_1643 = vector.broadcast %shift_right_logical3A_1642 : i32 to vector<16xi32>
        %shift_right_logical3A_1644 = arith.shrui %get3A_1638, %shift_right_logical3A_1643 : vector<16xi32>
        %add3A_1645 = arith.constant 0 : i32
        %add3A_1646 = vector.broadcast %add3A_1645 : i32 to vector<16xi32>
        %add3A_1647 = arith.addi %and3A_1641, %add3A_1646 : vector<16xi32>
        %gather3A_1648 = tpu.vector_load_idx %arg6[%add3A_1647] : memref<20480xi32, #tpu.memory_space<vmem>>[vector<16xi32>], vector<16xi32>,
        %add3A_1649 = arith.constant 0 : i32
        %add3A_1650 = vector.broadcast %add3A_1649 : i32 to vector<16xi32>
        %add3A_1651 = arith.addi %shift_right_logical3A_1644, %add3A_1650 : vector<16xi32>
        %gather3A_1652 = tpu.vector_load_idx %arg6[%add3A_1651] : memref<20480xi32, #tpu.memory_space<vmem>>[vector<16xi32>], vector<16xi32>,
        %shift_left3A_1653 = arith.constant 16 : i32
        %shift_left3A_1654 = vector.broadcast %shift_left3A_1653 : i32 to vector<16xi32>
        %shift_left3A_1655 = arith.shli %gather3A_1648, %shift_left3A_1654 : vector<16xi32>
        %bitcast3A_1656 = vector.bitcast %shift_left3A_1655 : vector<16xi32> to vector<16xf32>
        %shift_left3A_1657 = arith.constant 16 : i32
        %shift_left3A_1658 = vector.broadcast %shift_left3A_1657 : i32 to vector<16xi32>
        %shift_left3A_1659 = arith.shli %gather3A_1652, %shift_left3A_1658 : vector<16xi32>
        %bitcast3A_1660 = vector.bitcast %shift_left3A_1659 : vector<16xi32> to vector<16xf32>
        %bitcast3A_1661 = vector.bitcast %gather3A_1648 : vector<16xi32> to vector<16xf32>
        %bitcast3A_1662 = vector.bitcast %gather3A_1652 : vector<16xi32> to vector<16xf32>
        %add3A_1663 = arith.addf %add3A_1604, %bitcast3A_1656 : vector<16xf32>
        %add3A_1664 = arith.addf %add3A_1605, %bitcast3A_1660 : vector<16xf32>
        %add3A_1665 = arith.addf %add3A_1606, %bitcast3A_1661 : vector<16xf32>
        %add3A_1666 = arith.addf %add3A_1607, %bitcast3A_1662 : vector<16xf32>
        %add3A_1667 = arith.constant 10240 : i32
        %add3A_1668 = vector.broadcast %add3A_1667 : i32 to vector<16xi32>
        %add3A_1669 = arith.addi %and3A_1641, %add3A_1668 : vector<16xi32>
        %gather3A_1670 = tpu.vector_load_idx %arg6[%add3A_1669] : memref<20480xi32, #tpu.memory_space<vmem>>[vector<16xi32>], vector<16xi32>,
        %add3A_1671 = arith.constant 10240 : i32
        %add3A_1672 = vector.broadcast %add3A_1671 : i32 to vector<16xi32>
        %add3A_1673 = arith.addi %shift_right_logical3A_1644, %add3A_1672 : vector<16xi32>
        %gather3A_1674 = tpu.vector_load_idx %arg6[%add3A_1673] : memref<20480xi32, #tpu.memory_space<vmem>>[vector<16xi32>], vector<16xi32>,
        %shift_left3A_1675 = arith.constant 16 : i32
        %shift_left3A_1676 = vector.broadcast %shift_left3A_1675 : i32 to vector<16xi32>
        %shift_left3A_1677 = arith.shli %gather3A_1670, %shift_left3A_1676 : vector<16xi32>
        %bitcast3A_1678 = vector.bitcast %shift_left3A_1677 : vector<16xi32> to vector<16xf32>
        %shift_left3A_1679 = arith.constant 16 : i32
        %shift_left3A_1680 = vector.broadcast %shift_left3A_1679 : i32 to vector<16xi32>
        %shift_left3A_1681 = arith.shli %gather3A_1674, %shift_left3A_1680 : vector<16xi32>
        %bitcast3A_1682 = vector.bitcast %shift_left3A_1681 : vector<16xi32> to vector<16xf32>
        %bitcast3A_1683 = vector.bitcast %gather3A_1670 : vector<16xi32> to vector<16xf32>
        %bitcast3A_1684 = vector.bitcast %gather3A_1674 : vector<16xi32> to vector<16xf32>
        %add3A_1685 = arith.addf %add3A_1626, %bitcast3A_1678 : vector<16xf32>
        %add3A_1686 = arith.addf %add3A_1627, %bitcast3A_1682 : vector<16xf32>
        %add3A_1687 = arith.addf %add3A_1628, %bitcast3A_1683 : vector<16xf32>
        %add3A_1688 = arith.addf %add3A_1629, %bitcast3A_1684 : vector<16xf32>
        %mul3A_1689 = arith.constant 8192 : i32
        %mul3A_1690 = arith.muli %and3A_66, %mul3A_1689 : i32
        %add3A_1691 = arith.constant 6912 : i32
        %add3A_1692 = arith.addi %mul3A_1690, %add3A_1691 : i32
        %mul3A_1693 = arith.constant 16 : i32
        %mul3A_1694 = arith.muli %scan3A_107, %mul3A_1693 : i32
        %add3A_1695 = arith.addi %add3A_1692, %mul3A_1694 : i32
        %get3A_1696 = arith.index_cast %add3A_1695 : i32 to index
        %get3A_1697 = tpu.vector_load %arg7[%get3A_1696] {strides = array<i32>} : memref<16384xi32, #tpu.memory_space<vmem>>, vector<16xi32>,
        %and3A_1698 = arith.constant 65535 : i32
        %and3A_1699 = vector.broadcast %and3A_1698 : i32 to vector<16xi32>
        %and3A_1700 = arith.andi %get3A_1697, %and3A_1699 : vector<16xi32>
        %shift_right_logical3A_1701 = arith.constant 16 : i32
        %shift_right_logical3A_1702 = vector.broadcast %shift_right_logical3A_1701 : i32 to vector<16xi32>
        %shift_right_logical3A_1703 = arith.shrui %get3A_1697, %shift_right_logical3A_1702 : vector<16xi32>
        %add3A_1704 = arith.constant 0 : i32
        %add3A_1705 = vector.broadcast %add3A_1704 : i32 to vector<16xi32>
        %add3A_1706 = arith.addi %and3A_1700, %add3A_1705 : vector<16xi32>
        %gather3A_1707 = tpu.vector_load_idx %arg6[%add3A_1706] : memref<20480xi32, #tpu.memory_space<vmem>>[vector<16xi32>], vector<16xi32>,
        %add3A_1708 = arith.constant 0 : i32
        %add3A_1709 = vector.broadcast %add3A_1708 : i32 to vector<16xi32>
        %add3A_1710 = arith.addi %shift_right_logical3A_1703, %add3A_1709 : vector<16xi32>
        %gather3A_1711 = tpu.vector_load_idx %arg6[%add3A_1710] : memref<20480xi32, #tpu.memory_space<vmem>>[vector<16xi32>], vector<16xi32>,
        %shift_left3A_1712 = arith.constant 16 : i32
        %shift_left3A_1713 = vector.broadcast %shift_left3A_1712 : i32 to vector<16xi32>
        %shift_left3A_1714 = arith.shli %gather3A_1707, %shift_left3A_1713 : vector<16xi32>
        %bitcast3A_1715 = vector.bitcast %shift_left3A_1714 : vector<16xi32> to vector<16xf32>
        %shift_left3A_1716 = arith.constant 16 : i32
        %shift_left3A_1717 = vector.broadcast %shift_left3A_1716 : i32 to vector<16xi32>
        %shift_left3A_1718 = arith.shli %gather3A_1711, %shift_left3A_1717 : vector<16xi32>
        %bitcast3A_1719 = vector.bitcast %shift_left3A_1718 : vector<16xi32> to vector<16xf32>
        %bitcast3A_1720 = vector.bitcast %gather3A_1707 : vector<16xi32> to vector<16xf32>
        %bitcast3A_1721 = vector.bitcast %gather3A_1711 : vector<16xi32> to vector<16xf32>
        %add3A_1722 = arith.addf %add3A_1663, %bitcast3A_1715 : vector<16xf32>
        %add3A_1723 = arith.addf %add3A_1664, %bitcast3A_1719 : vector<16xf32>
        %add3A_1724 = arith.addf %add3A_1665, %bitcast3A_1720 : vector<16xf32>
        %add3A_1725 = arith.addf %add3A_1666, %bitcast3A_1721 : vector<16xf32>
        %add3A_1726 = arith.constant 10240 : i32
        %add3A_1727 = vector.broadcast %add3A_1726 : i32 to vector<16xi32>
        %add3A_1728 = arith.addi %and3A_1700, %add3A_1727 : vector<16xi32>
        %gather3A_1729 = tpu.vector_load_idx %arg6[%add3A_1728] : memref<20480xi32, #tpu.memory_space<vmem>>[vector<16xi32>], vector<16xi32>,
        %add3A_1730 = arith.constant 10240 : i32
        %add3A_1731 = vector.broadcast %add3A_1730 : i32 to vector<16xi32>
        %add3A_1732 = arith.addi %shift_right_logical3A_1703, %add3A_1731 : vector<16xi32>
        %gather3A_1733 = tpu.vector_load_idx %arg6[%add3A_1732] : memref<20480xi32, #tpu.memory_space<vmem>>[vector<16xi32>], vector<16xi32>,
        %shift_left3A_1734 = arith.constant 16 : i32
        %shift_left3A_1735 = vector.broadcast %shift_left3A_1734 : i32 to vector<16xi32>
        %shift_left3A_1736 = arith.shli %gather3A_1729, %shift_left3A_1735 : vector<16xi32>
        %bitcast3A_1737 = vector.bitcast %shift_left3A_1736 : vector<16xi32> to vector<16xf32>
        %shift_left3A_1738 = arith.constant 16 : i32
        %shift_left3A_1739 = vector.broadcast %shift_left3A_1738 : i32 to vector<16xi32>
        %shift_left3A_1740 = arith.shli %gather3A_1733, %shift_left3A_1739 : vector<16xi32>
        %bitcast3A_1741 = vector.bitcast %shift_left3A_1740 : vector<16xi32> to vector<16xf32>
        %bitcast3A_1742 = vector.bitcast %gather3A_1729 : vector<16xi32> to vector<16xf32>
        %bitcast3A_1743 = vector.bitcast %gather3A_1733 : vector<16xi32> to vector<16xf32>
        %add3A_1744 = arith.addf %add3A_1685, %bitcast3A_1737 : vector<16xf32>
        %add3A_1745 = arith.addf %add3A_1686, %bitcast3A_1741 : vector<16xf32>
        %add3A_1746 = arith.addf %add3A_1687, %bitcast3A_1742 : vector<16xf32>
        %add3A_1747 = arith.addf %add3A_1688, %bitcast3A_1743 : vector<16xf32>
        %mul3A_1748 = arith.constant 8192 : i32
        %mul3A_1749 = arith.muli %and3A_66, %mul3A_1748 : i32
        %add3A_1750 = arith.constant 7168 : i32
        %add3A_1751 = arith.addi %mul3A_1749, %add3A_1750 : i32
        %mul3A_1752 = arith.constant 16 : i32
        %mul3A_1753 = arith.muli %scan3A_107, %mul3A_1752 : i32
        %add3A_1754 = arith.addi %add3A_1751, %mul3A_1753 : i32
        %get3A_1755 = arith.index_cast %add3A_1754 : i32 to index
        %get3A_1756 = tpu.vector_load %arg7[%get3A_1755] {strides = array<i32>} : memref<16384xi32, #tpu.memory_space<vmem>>, vector<16xi32>,
        %and3A_1757 = arith.constant 65535 : i32
        %and3A_1758 = vector.broadcast %and3A_1757 : i32 to vector<16xi32>
        %and3A_1759 = arith.andi %get3A_1756, %and3A_1758 : vector<16xi32>
        %shift_right_logical3A_1760 = arith.constant 16 : i32
        %shift_right_logical3A_1761 = vector.broadcast %shift_right_logical3A_1760 : i32 to vector<16xi32>
        %shift_right_logical3A_1762 = arith.shrui %get3A_1756, %shift_right_logical3A_1761 : vector<16xi32>
        %add3A_1763 = arith.constant 0 : i32
        %add3A_1764 = vector.broadcast %add3A_1763 : i32 to vector<16xi32>
        %add3A_1765 = arith.addi %and3A_1759, %add3A_1764 : vector<16xi32>
        %gather3A_1766 = tpu.vector_load_idx %arg6[%add3A_1765] : memref<20480xi32, #tpu.memory_space<vmem>>[vector<16xi32>], vector<16xi32>,
        %add3A_1767 = arith.constant 0 : i32
        %add3A_1768 = vector.broadcast %add3A_1767 : i32 to vector<16xi32>
        %add3A_1769 = arith.addi %shift_right_logical3A_1762, %add3A_1768 : vector<16xi32>
        %gather3A_1770 = tpu.vector_load_idx %arg6[%add3A_1769] : memref<20480xi32, #tpu.memory_space<vmem>>[vector<16xi32>], vector<16xi32>,
        %shift_left3A_1771 = arith.constant 16 : i32
        %shift_left3A_1772 = vector.broadcast %shift_left3A_1771 : i32 to vector<16xi32>
        %shift_left3A_1773 = arith.shli %gather3A_1766, %shift_left3A_1772 : vector<16xi32>
        %bitcast3A_1774 = vector.bitcast %shift_left3A_1773 : vector<16xi32> to vector<16xf32>
        %shift_left3A_1775 = arith.constant 16 : i32
        %shift_left3A_1776 = vector.broadcast %shift_left3A_1775 : i32 to vector<16xi32>
        %shift_left3A_1777 = arith.shli %gather3A_1770, %shift_left3A_1776 : vector<16xi32>
        %bitcast3A_1778 = vector.bitcast %shift_left3A_1777 : vector<16xi32> to vector<16xf32>
        %bitcast3A_1779 = vector.bitcast %gather3A_1766 : vector<16xi32> to vector<16xf32>
        %bitcast3A_1780 = vector.bitcast %gather3A_1770 : vector<16xi32> to vector<16xf32>
        %add3A_1781 = arith.addf %add3A_1722, %bitcast3A_1774 : vector<16xf32>
        %add3A_1782 = arith.addf %add3A_1723, %bitcast3A_1778 : vector<16xf32>
        %add3A_1783 = arith.addf %add3A_1724, %bitcast3A_1779 : vector<16xf32>
        %add3A_1784 = arith.addf %add3A_1725, %bitcast3A_1780 : vector<16xf32>
        %add3A_1785 = arith.constant 10240 : i32
        %add3A_1786 = vector.broadcast %add3A_1785 : i32 to vector<16xi32>
        %add3A_1787 = arith.addi %and3A_1759, %add3A_1786 : vector<16xi32>
        %gather3A_1788 = tpu.vector_load_idx %arg6[%add3A_1787] : memref<20480xi32, #tpu.memory_space<vmem>>[vector<16xi32>], vector<16xi32>,
        %add3A_1789 = arith.constant 10240 : i32
        %add3A_1790 = vector.broadcast %add3A_1789 : i32 to vector<16xi32>
        %add3A_1791 = arith.addi %shift_right_logical3A_1762, %add3A_1790 : vector<16xi32>
        %gather3A_1792 = tpu.vector_load_idx %arg6[%add3A_1791] : memref<20480xi32, #tpu.memory_space<vmem>>[vector<16xi32>], vector<16xi32>,
        %shift_left3A_1793 = arith.constant 16 : i32
        %shift_left3A_1794 = vector.broadcast %shift_left3A_1793 : i32 to vector<16xi32>
        %shift_left3A_1795 = arith.shli %gather3A_1788, %shift_left3A_1794 : vector<16xi32>
        %bitcast3A_1796 = vector.bitcast %shift_left3A_1795 : vector<16xi32> to vector<16xf32>
        %shift_left3A_1797 = arith.constant 16 : i32
        %shift_left3A_1798 = vector.broadcast %shift_left3A_1797 : i32 to vector<16xi32>
        %shift_left3A_1799 = arith.shli %gather3A_1792, %shift_left3A_1798 : vector<16xi32>
        %bitcast3A_1800 = vector.bitcast %shift_left3A_1799 : vector<16xi32> to vector<16xf32>
        %bitcast3A_1801 = vector.bitcast %gather3A_1788 : vector<16xi32> to vector<16xf32>
        %bitcast3A_1802 = vector.bitcast %gather3A_1792 : vector<16xi32> to vector<16xf32>
        %add3A_1803 = arith.addf %add3A_1744, %bitcast3A_1796 : vector<16xf32>
        %add3A_1804 = arith.addf %add3A_1745, %bitcast3A_1800 : vector<16xf32>
        %add3A_1805 = arith.addf %add3A_1746, %bitcast3A_1801 : vector<16xf32>
        %add3A_1806 = arith.addf %add3A_1747, %bitcast3A_1802 : vector<16xf32>
        %mul3A_1807 = arith.constant 8192 : i32
        %mul3A_1808 = arith.muli %and3A_66, %mul3A_1807 : i32
        %add3A_1809 = arith.constant 7424 : i32
        %add3A_1810 = arith.addi %mul3A_1808, %add3A_1809 : i32
        %mul3A_1811 = arith.constant 16 : i32
        %mul3A_1812 = arith.muli %scan3A_107, %mul3A_1811 : i32
        %add3A_1813 = arith.addi %add3A_1810, %mul3A_1812 : i32
        %get3A_1814 = arith.index_cast %add3A_1813 : i32 to index
        %get3A_1815 = tpu.vector_load %arg7[%get3A_1814] {strides = array<i32>} : memref<16384xi32, #tpu.memory_space<vmem>>, vector<16xi32>,
        %and3A_1816 = arith.constant 65535 : i32
        %and3A_1817 = vector.broadcast %and3A_1816 : i32 to vector<16xi32>
        %and3A_1818 = arith.andi %get3A_1815, %and3A_1817 : vector<16xi32>
        %shift_right_logical3A_1819 = arith.constant 16 : i32
        %shift_right_logical3A_1820 = vector.broadcast %shift_right_logical3A_1819 : i32 to vector<16xi32>
        %shift_right_logical3A_1821 = arith.shrui %get3A_1815, %shift_right_logical3A_1820 : vector<16xi32>
        %add3A_1822 = arith.constant 0 : i32
        %add3A_1823 = vector.broadcast %add3A_1822 : i32 to vector<16xi32>
        %add3A_1824 = arith.addi %and3A_1818, %add3A_1823 : vector<16xi32>
        %gather3A_1825 = tpu.vector_load_idx %arg6[%add3A_1824] : memref<20480xi32, #tpu.memory_space<vmem>>[vector<16xi32>], vector<16xi32>,
        %add3A_1826 = arith.constant 0 : i32
        %add3A_1827 = vector.broadcast %add3A_1826 : i32 to vector<16xi32>
        %add3A_1828 = arith.addi %shift_right_logical3A_1821, %add3A_1827 : vector<16xi32>
        %gather3A_1829 = tpu.vector_load_idx %arg6[%add3A_1828] : memref<20480xi32, #tpu.memory_space<vmem>>[vector<16xi32>], vector<16xi32>,
        %shift_left3A_1830 = arith.constant 16 : i32
        %shift_left3A_1831 = vector.broadcast %shift_left3A_1830 : i32 to vector<16xi32>
        %shift_left3A_1832 = arith.shli %gather3A_1825, %shift_left3A_1831 : vector<16xi32>
        %bitcast3A_1833 = vector.bitcast %shift_left3A_1832 : vector<16xi32> to vector<16xf32>
        %shift_left3A_1834 = arith.constant 16 : i32
        %shift_left3A_1835 = vector.broadcast %shift_left3A_1834 : i32 to vector<16xi32>
        %shift_left3A_1836 = arith.shli %gather3A_1829, %shift_left3A_1835 : vector<16xi32>
        %bitcast3A_1837 = vector.bitcast %shift_left3A_1836 : vector<16xi32> to vector<16xf32>
        %bitcast3A_1838 = vector.bitcast %gather3A_1825 : vector<16xi32> to vector<16xf32>
        %bitcast3A_1839 = vector.bitcast %gather3A_1829 : vector<16xi32> to vector<16xf32>
        %add3A_1840 = arith.addf %add3A_1781, %bitcast3A_1833 : vector<16xf32>
        %add3A_1841 = arith.addf %add3A_1782, %bitcast3A_1837 : vector<16xf32>
        %add3A_1842 = arith.addf %add3A_1783, %bitcast3A_1838 : vector<16xf32>
        %add3A_1843 = arith.addf %add3A_1784, %bitcast3A_1839 : vector<16xf32>
        %add3A_1844 = arith.constant 10240 : i32
        %add3A_1845 = vector.broadcast %add3A_1844 : i32 to vector<16xi32>
        %add3A_1846 = arith.addi %and3A_1818, %add3A_1845 : vector<16xi32>
        %gather3A_1847 = tpu.vector_load_idx %arg6[%add3A_1846] : memref<20480xi32, #tpu.memory_space<vmem>>[vector<16xi32>], vector<16xi32>,
        %add3A_1848 = arith.constant 10240 : i32
        %add3A_1849 = vector.broadcast %add3A_1848 : i32 to vector<16xi32>
        %add3A_1850 = arith.addi %shift_right_logical3A_1821, %add3A_1849 : vector<16xi32>
        %gather3A_1851 = tpu.vector_load_idx %arg6[%add3A_1850] : memref<20480xi32, #tpu.memory_space<vmem>>[vector<16xi32>], vector<16xi32>,
        %shift_left3A_1852 = arith.constant 16 : i32
        %shift_left3A_1853 = vector.broadcast %shift_left3A_1852 : i32 to vector<16xi32>
        %shift_left3A_1854 = arith.shli %gather3A_1847, %shift_left3A_1853 : vector<16xi32>
        %bitcast3A_1855 = vector.bitcast %shift_left3A_1854 : vector<16xi32> to vector<16xf32>
        %shift_left3A_1856 = arith.constant 16 : i32
        %shift_left3A_1857 = vector.broadcast %shift_left3A_1856 : i32 to vector<16xi32>
        %shift_left3A_1858 = arith.shli %gather3A_1851, %shift_left3A_1857 : vector<16xi32>
        %bitcast3A_1859 = vector.bitcast %shift_left3A_1858 : vector<16xi32> to vector<16xf32>
        %bitcast3A_1860 = vector.bitcast %gather3A_1847 : vector<16xi32> to vector<16xf32>
        %bitcast3A_1861 = vector.bitcast %gather3A_1851 : vector<16xi32> to vector<16xf32>
        %add3A_1862 = arith.addf %add3A_1803, %bitcast3A_1855 : vector<16xf32>
        %add3A_1863 = arith.addf %add3A_1804, %bitcast3A_1859 : vector<16xf32>
        %add3A_1864 = arith.addf %add3A_1805, %bitcast3A_1860 : vector<16xf32>
        %add3A_1865 = arith.addf %add3A_1806, %bitcast3A_1861 : vector<16xf32>
        %mul3A_1866 = arith.constant 8192 : i32
        %mul3A_1867 = arith.muli %and3A_66, %mul3A_1866 : i32
        %add3A_1868 = arith.constant 7680 : i32
        %add3A_1869 = arith.addi %mul3A_1867, %add3A_1868 : i32
        %mul3A_1870 = arith.constant 16 : i32
        %mul3A_1871 = arith.muli %scan3A_107, %mul3A_1870 : i32
        %add3A_1872 = arith.addi %add3A_1869, %mul3A_1871 : i32
        %get3A_1873 = arith.index_cast %add3A_1872 : i32 to index
        %get3A_1874 = tpu.vector_load %arg7[%get3A_1873] {strides = array<i32>} : memref<16384xi32, #tpu.memory_space<vmem>>, vector<16xi32>,
        %and3A_1875 = arith.constant 65535 : i32
        %and3A_1876 = vector.broadcast %and3A_1875 : i32 to vector<16xi32>
        %and3A_1877 = arith.andi %get3A_1874, %and3A_1876 : vector<16xi32>
        %shift_right_logical3A_1878 = arith.constant 16 : i32
        %shift_right_logical3A_1879 = vector.broadcast %shift_right_logical3A_1878 : i32 to vector<16xi32>
        %shift_right_logical3A_1880 = arith.shrui %get3A_1874, %shift_right_logical3A_1879 : vector<16xi32>
        %add3A_1881 = arith.constant 0 : i32
        %add3A_1882 = vector.broadcast %add3A_1881 : i32 to vector<16xi32>
        %add3A_1883 = arith.addi %and3A_1877, %add3A_1882 : vector<16xi32>
        %gather3A_1884 = tpu.vector_load_idx %arg6[%add3A_1883] : memref<20480xi32, #tpu.memory_space<vmem>>[vector<16xi32>], vector<16xi32>,
        %add3A_1885 = arith.constant 0 : i32
        %add3A_1886 = vector.broadcast %add3A_1885 : i32 to vector<16xi32>
        %add3A_1887 = arith.addi %shift_right_logical3A_1880, %add3A_1886 : vector<16xi32>
        %gather3A_1888 = tpu.vector_load_idx %arg6[%add3A_1887] : memref<20480xi32, #tpu.memory_space<vmem>>[vector<16xi32>], vector<16xi32>,
        %shift_left3A_1889 = arith.constant 16 : i32
        %shift_left3A_1890 = vector.broadcast %shift_left3A_1889 : i32 to vector<16xi32>
        %shift_left3A_1891 = arith.shli %gather3A_1884, %shift_left3A_1890 : vector<16xi32>
        %bitcast3A_1892 = vector.bitcast %shift_left3A_1891 : vector<16xi32> to vector<16xf32>
        %shift_left3A_1893 = arith.constant 16 : i32
        %shift_left3A_1894 = vector.broadcast %shift_left3A_1893 : i32 to vector<16xi32>
        %shift_left3A_1895 = arith.shli %gather3A_1888, %shift_left3A_1894 : vector<16xi32>
        %bitcast3A_1896 = vector.bitcast %shift_left3A_1895 : vector<16xi32> to vector<16xf32>
        %bitcast3A_1897 = vector.bitcast %gather3A_1884 : vector<16xi32> to vector<16xf32>
        %bitcast3A_1898 = vector.bitcast %gather3A_1888 : vector<16xi32> to vector<16xf32>
        %add3A_1899 = arith.addf %add3A_1840, %bitcast3A_1892 : vector<16xf32>
        %add3A_1900 = arith.addf %add3A_1841, %bitcast3A_1896 : vector<16xf32>
        %add3A_1901 = arith.addf %add3A_1842, %bitcast3A_1897 : vector<16xf32>
        %add3A_1902 = arith.addf %add3A_1843, %bitcast3A_1898 : vector<16xf32>
        %add3A_1903 = arith.constant 10240 : i32
        %add3A_1904 = vector.broadcast %add3A_1903 : i32 to vector<16xi32>
        %add3A_1905 = arith.addi %and3A_1877, %add3A_1904 : vector<16xi32>
        %gather3A_1906 = tpu.vector_load_idx %arg6[%add3A_1905] : memref<20480xi32, #tpu.memory_space<vmem>>[vector<16xi32>], vector<16xi32>,
        %add3A_1907 = arith.constant 10240 : i32
        %add3A_1908 = vector.broadcast %add3A_1907 : i32 to vector<16xi32>
        %add3A_1909 = arith.addi %shift_right_logical3A_1880, %add3A_1908 : vector<16xi32>
        %gather3A_1910 = tpu.vector_load_idx %arg6[%add3A_1909] : memref<20480xi32, #tpu.memory_space<vmem>>[vector<16xi32>], vector<16xi32>,
        %shift_left3A_1911 = arith.constant 16 : i32
        %shift_left3A_1912 = vector.broadcast %shift_left3A_1911 : i32 to vector<16xi32>
        %shift_left3A_1913 = arith.shli %gather3A_1906, %shift_left3A_1912 : vector<16xi32>
        %bitcast3A_1914 = vector.bitcast %shift_left3A_1913 : vector<16xi32> to vector<16xf32>
        %shift_left3A_1915 = arith.constant 16 : i32
        %shift_left3A_1916 = vector.broadcast %shift_left3A_1915 : i32 to vector<16xi32>
        %shift_left3A_1917 = arith.shli %gather3A_1910, %shift_left3A_1916 : vector<16xi32>
        %bitcast3A_1918 = vector.bitcast %shift_left3A_1917 : vector<16xi32> to vector<16xf32>
        %bitcast3A_1919 = vector.bitcast %gather3A_1906 : vector<16xi32> to vector<16xf32>
        %bitcast3A_1920 = vector.bitcast %gather3A_1910 : vector<16xi32> to vector<16xf32>
        %add3A_1921 = arith.addf %add3A_1862, %bitcast3A_1914 : vector<16xf32>
        %add3A_1922 = arith.addf %add3A_1863, %bitcast3A_1918 : vector<16xf32>
        %add3A_1923 = arith.addf %add3A_1864, %bitcast3A_1919 : vector<16xf32>
        %add3A_1924 = arith.addf %add3A_1865, %bitcast3A_1920 : vector<16xf32>
        %mul3A_1925 = arith.constant 8192 : i32
        %mul3A_1926 = arith.muli %and3A_66, %mul3A_1925 : i32
        %add3A_1927 = arith.constant 7936 : i32
        %add3A_1928 = arith.addi %mul3A_1926, %add3A_1927 : i32
        %mul3A_1929 = arith.constant 16 : i32
        %mul3A_1930 = arith.muli %scan3A_107, %mul3A_1929 : i32
        %add3A_1931 = arith.addi %add3A_1928, %mul3A_1930 : i32
        %get3A_1932 = arith.index_cast %add3A_1931 : i32 to index
        %get3A_1933 = tpu.vector_load %arg7[%get3A_1932] {strides = array<i32>} : memref<16384xi32, #tpu.memory_space<vmem>>, vector<16xi32>,
        %and3A_1934 = arith.constant 65535 : i32
        %and3A_1935 = vector.broadcast %and3A_1934 : i32 to vector<16xi32>
        %and3A_1936 = arith.andi %get3A_1933, %and3A_1935 : vector<16xi32>
        %shift_right_logical3A_1937 = arith.constant 16 : i32
        %shift_right_logical3A_1938 = vector.broadcast %shift_right_logical3A_1937 : i32 to vector<16xi32>
        %shift_right_logical3A_1939 = arith.shrui %get3A_1933, %shift_right_logical3A_1938 : vector<16xi32>
        %add3A_1940 = arith.constant 0 : i32
        %add3A_1941 = vector.broadcast %add3A_1940 : i32 to vector<16xi32>
        %add3A_1942 = arith.addi %and3A_1936, %add3A_1941 : vector<16xi32>
        %gather3A_1943 = tpu.vector_load_idx %arg6[%add3A_1942] : memref<20480xi32, #tpu.memory_space<vmem>>[vector<16xi32>], vector<16xi32>,
        %add3A_1944 = arith.constant 0 : i32
        %add3A_1945 = vector.broadcast %add3A_1944 : i32 to vector<16xi32>
        %add3A_1946 = arith.addi %shift_right_logical3A_1939, %add3A_1945 : vector<16xi32>
        %gather3A_1947 = tpu.vector_load_idx %arg6[%add3A_1946] : memref<20480xi32, #tpu.memory_space<vmem>>[vector<16xi32>], vector<16xi32>,
        %shift_left3A_1948 = arith.constant 16 : i32
        %shift_left3A_1949 = vector.broadcast %shift_left3A_1948 : i32 to vector<16xi32>
        %shift_left3A_1950 = arith.shli %gather3A_1943, %shift_left3A_1949 : vector<16xi32>
        %bitcast3A_1951 = vector.bitcast %shift_left3A_1950 : vector<16xi32> to vector<16xf32>
        %shift_left3A_1952 = arith.constant 16 : i32
        %shift_left3A_1953 = vector.broadcast %shift_left3A_1952 : i32 to vector<16xi32>
        %shift_left3A_1954 = arith.shli %gather3A_1947, %shift_left3A_1953 : vector<16xi32>
        %bitcast3A_1955 = vector.bitcast %shift_left3A_1954 : vector<16xi32> to vector<16xf32>
        %bitcast3A_1956 = vector.bitcast %gather3A_1943 : vector<16xi32> to vector<16xf32>
        %bitcast3A_1957 = vector.bitcast %gather3A_1947 : vector<16xi32> to vector<16xf32>
        %add3A_1958 = arith.addf %add3A_1899, %bitcast3A_1951 : vector<16xf32>
        %add3A_1959 = arith.addf %add3A_1900, %bitcast3A_1955 : vector<16xf32>
        %add3A_1960 = arith.addf %add3A_1901, %bitcast3A_1956 : vector<16xf32>
        %add3A_1961 = arith.addf %add3A_1902, %bitcast3A_1957 : vector<16xf32>
        %add3A_1962 = arith.constant 10240 : i32
        %add3A_1963 = vector.broadcast %add3A_1962 : i32 to vector<16xi32>
        %add3A_1964 = arith.addi %and3A_1936, %add3A_1963 : vector<16xi32>
        %gather3A_1965 = tpu.vector_load_idx %arg6[%add3A_1964] : memref<20480xi32, #tpu.memory_space<vmem>>[vector<16xi32>], vector<16xi32>,
        %add3A_1966 = arith.constant 10240 : i32
        %add3A_1967 = vector.broadcast %add3A_1966 : i32 to vector<16xi32>
        %add3A_1968 = arith.addi %shift_right_logical3A_1939, %add3A_1967 : vector<16xi32>
        %gather3A_1969 = tpu.vector_load_idx %arg6[%add3A_1968] : memref<20480xi32, #tpu.memory_space<vmem>>[vector<16xi32>], vector<16xi32>,
        %shift_left3A_1970 = arith.constant 16 : i32
        %shift_left3A_1971 = vector.broadcast %shift_left3A_1970 : i32 to vector<16xi32>
        %shift_left3A_1972 = arith.shli %gather3A_1965, %shift_left3A_1971 : vector<16xi32>
        %bitcast3A_1973 = vector.bitcast %shift_left3A_1972 : vector<16xi32> to vector<16xf32>
        %shift_left3A_1974 = arith.constant 16 : i32
        %shift_left3A_1975 = vector.broadcast %shift_left3A_1974 : i32 to vector<16xi32>
        %shift_left3A_1976 = arith.shli %gather3A_1969, %shift_left3A_1975 : vector<16xi32>
        %bitcast3A_1977 = vector.bitcast %shift_left3A_1976 : vector<16xi32> to vector<16xf32>
        %bitcast3A_1978 = vector.bitcast %gather3A_1965 : vector<16xi32> to vector<16xf32>
        %bitcast3A_1979 = vector.bitcast %gather3A_1969 : vector<16xi32> to vector<16xf32>
        %add3A_1980 = arith.addf %add3A_1921, %bitcast3A_1973 : vector<16xf32>
        %add3A_1981 = arith.addf %add3A_1922, %bitcast3A_1977 : vector<16xf32>
        %add3A_1982 = arith.addf %add3A_1923, %bitcast3A_1978 : vector<16xf32>
        %add3A_1983 = arith.addf %add3A_1924, %bitcast3A_1979 : vector<16xf32>
        %mul3A_1984 = arith.constant 2 : i32
        %mul3A_1985 = arith.muli %scan3A_107, %mul3A_1984 : i32
        %mul3A_1986 = arith.constant 16 : i32
        %mul3A_1987 = arith.muli %mul3A_1985, %mul3A_1986 : i32
        %swap3A = arith.constant 0 : i32
        %swap3A_1988 = arith.index_cast %and3A_66 : i32 to index
        %swap3A_1989 = arith.index_cast %swap3A : i32 to index
        %swap3A_1990 = arith.index_cast %mul3A_1987 : i32 to index
        %swap3A_1991 = tpu.vector_load %arg8[%swap3A_1988, %swap3A_1989, %swap3A_1990] {strides = array<i32>} : memref<2x4x512xf32, #tpu.memory_space<vmem>>, vector<16xf32>,
        tpu.vector_store %arg8[%swap3A_1988, %swap3A_1989, %swap3A_1990], %add3A_1958 {strides = array<i32>} : memref<2x4x512xf32, #tpu.memory_space<vmem>>, vector<16xf32>,
        %mul3A_1992 = arith.constant 2 : i32
        %mul3A_1993 = arith.muli %scan3A_107, %mul3A_1992 : i32
        %mul3A_1994 = arith.constant 16 : i32
        %mul3A_1995 = arith.muli %mul3A_1993, %mul3A_1994 : i32
        %add3A_1996 = arith.constant 16 : i32
        %add3A_1997 = arith.addi %mul3A_1995, %add3A_1996 : i32
        %swap3A_1998 = arith.constant 0 : i32
        %swap3A_1999 = arith.index_cast %and3A_66 : i32 to index
        %swap3A_2000 = arith.index_cast %swap3A_1998 : i32 to index
        %swap3A_2001 = arith.index_cast %add3A_1997 : i32 to index
        %swap3A_2002 = tpu.vector_load %arg8[%swap3A_1999, %swap3A_2000, %swap3A_2001] {strides = array<i32>} : memref<2x4x512xf32, #tpu.memory_space<vmem>>, vector<16xf32>,
        tpu.vector_store %arg8[%swap3A_1999, %swap3A_2000, %swap3A_2001], %add3A_1959 {strides = array<i32>} : memref<2x4x512xf32, #tpu.memory_space<vmem>>, vector<16xf32>,
        %mul3A_2003 = arith.constant 2 : i32
        %mul3A_2004 = arith.muli %scan3A_107, %mul3A_2003 : i32
        %mul3A_2005 = arith.constant 16 : i32
        %mul3A_2006 = arith.muli %mul3A_2004, %mul3A_2005 : i32
        %swap3A_2007 = arith.constant 1 : i32
        %swap3A_2008 = arith.index_cast %and3A_66 : i32 to index
        %swap3A_2009 = arith.index_cast %swap3A_2007 : i32 to index
        %swap3A_2010 = arith.index_cast %mul3A_2006 : i32 to index
        %swap3A_2011 = tpu.vector_load %arg8[%swap3A_2008, %swap3A_2009, %swap3A_2010] {strides = array<i32>} : memref<2x4x512xf32, #tpu.memory_space<vmem>>, vector<16xf32>,
        tpu.vector_store %arg8[%swap3A_2008, %swap3A_2009, %swap3A_2010], %add3A_1960 {strides = array<i32>} : memref<2x4x512xf32, #tpu.memory_space<vmem>>, vector<16xf32>,
        %mul3A_2012 = arith.constant 2 : i32
        %mul3A_2013 = arith.muli %scan3A_107, %mul3A_2012 : i32
        %mul3A_2014 = arith.constant 16 : i32
        %mul3A_2015 = arith.muli %mul3A_2013, %mul3A_2014 : i32
        %add3A_2016 = arith.constant 16 : i32
        %add3A_2017 = arith.addi %mul3A_2015, %add3A_2016 : i32
        %swap3A_2018 = arith.constant 1 : i32
        %swap3A_2019 = arith.index_cast %and3A_66 : i32 to index
        %swap3A_2020 = arith.index_cast %swap3A_2018 : i32 to index
        %swap3A_2021 = arith.index_cast %add3A_2017 : i32 to index
        %swap3A_2022 = tpu.vector_load %arg8[%swap3A_2019, %swap3A_2020, %swap3A_2021] {strides = array<i32>} : memref<2x4x512xf32, #tpu.memory_space<vmem>>, vector<16xf32>,
        tpu.vector_store %arg8[%swap3A_2019, %swap3A_2020, %swap3A_2021], %add3A_1961 {strides = array<i32>} : memref<2x4x512xf32, #tpu.memory_space<vmem>>, vector<16xf32>,
        %mul3A_2023 = arith.constant 2 : i32
        %mul3A_2024 = arith.muli %scan3A_107, %mul3A_2023 : i32
        %mul3A_2025 = arith.constant 16 : i32
        %mul3A_2026 = arith.muli %mul3A_2024, %mul3A_2025 : i32
        %swap3A_2027 = arith.constant 2 : i32
        %swap3A_2028 = arith.index_cast %and3A_66 : i32 to index
        %swap3A_2029 = arith.index_cast %swap3A_2027 : i32 to index
        %swap3A_2030 = arith.index_cast %mul3A_2026 : i32 to index
        %swap3A_2031 = tpu.vector_load %arg8[%swap3A_2028, %swap3A_2029, %swap3A_2030] {strides = array<i32>} : memref<2x4x512xf32, #tpu.memory_space<vmem>>, vector<16xf32>,
        tpu.vector_store %arg8[%swap3A_2028, %swap3A_2029, %swap3A_2030], %add3A_1980 {strides = array<i32>} : memref<2x4x512xf32, #tpu.memory_space<vmem>>, vector<16xf32>,
        %mul3A_2032 = arith.constant 2 : i32
        %mul3A_2033 = arith.muli %scan3A_107, %mul3A_2032 : i32
        %mul3A_2034 = arith.constant 16 : i32
        %mul3A_2035 = arith.muli %mul3A_2033, %mul3A_2034 : i32
        %add3A_2036 = arith.constant 16 : i32
        %add3A_2037 = arith.addi %mul3A_2035, %add3A_2036 : i32
        %swap3A_2038 = arith.constant 2 : i32
        %swap3A_2039 = arith.index_cast %and3A_66 : i32 to index
        %swap3A_2040 = arith.index_cast %swap3A_2038 : i32 to index
        %swap3A_2041 = arith.index_cast %add3A_2037 : i32 to index
        %swap3A_2042 = tpu.vector_load %arg8[%swap3A_2039, %swap3A_2040, %swap3A_2041] {strides = array<i32>} : memref<2x4x512xf32, #tpu.memory_space<vmem>>, vector<16xf32>,
        tpu.vector_store %arg8[%swap3A_2039, %swap3A_2040, %swap3A_2041], %add3A_1981 {strides = array<i32>} : memref<2x4x512xf32, #tpu.memory_space<vmem>>, vector<16xf32>,
        %mul3A_2043 = arith.constant 2 : i32
        %mul3A_2044 = arith.muli %scan3A_107, %mul3A_2043 : i32
        %mul3A_2045 = arith.constant 16 : i32
        %mul3A_2046 = arith.muli %mul3A_2044, %mul3A_2045 : i32
        %swap3A_2047 = arith.constant 3 : i32
        %swap3A_2048 = arith.index_cast %and3A_66 : i32 to index
        %swap3A_2049 = arith.index_cast %swap3A_2047 : i32 to index
        %swap3A_2050 = arith.index_cast %mul3A_2046 : i32 to index
        %swap3A_2051 = tpu.vector_load %arg8[%swap3A_2048, %swap3A_2049, %swap3A_2050] {strides = array<i32>} : memref<2x4x512xf32, #tpu.memory_space<vmem>>, vector<16xf32>,
        tpu.vector_store %arg8[%swap3A_2048, %swap3A_2049, %swap3A_2050], %add3A_1982 {strides = array<i32>} : memref<2x4x512xf32, #tpu.memory_space<vmem>>, vector<16xf32>,
        %mul3A_2052 = arith.constant 2 : i32
        %mul3A_2053 = arith.muli %scan3A_107, %mul3A_2052 : i32
        %mul3A_2054 = arith.constant 16 : i32
        %mul3A_2055 = arith.muli %mul3A_2053, %mul3A_2054 : i32
        %add3A_2056 = arith.constant 16 : i32
        %add3A_2057 = arith.addi %mul3A_2055, %add3A_2056 : i32
        %swap3A_2058 = arith.constant 3 : i32
        %swap3A_2059 = arith.index_cast %and3A_66 : i32 to index
        %swap3A_2060 = arith.index_cast %swap3A_2058 : i32 to index
        %swap3A_2061 = arith.index_cast %add3A_2057 : i32 to index
        %swap3A_2062 = tpu.vector_load %arg8[%swap3A_2059, %swap3A_2060, %swap3A_2061] {strides = array<i32>} : memref<2x4x512xf32, #tpu.memory_space<vmem>>, vector<16xf32>,
        tpu.vector_store %arg8[%swap3A_2059, %swap3A_2060, %swap3A_2061], %add3A_1983 {strides = array<i32>} : memref<2x4x512xf32, #tpu.memory_space<vmem>>, vector<16xf32>,
        %scan3A_2063 = arith.constant 0 : i32
        scf.yield %scan3A_2063 : i32
      }
      %scan3A_89 = arith.constant 16 : i32
      %dma_start3A_90 = arith.constant 0 : i32
      %dma_start3A_91 = arith.constant 0 : i32
      %dma_start3A_92 = tpu.memref_slice %arg8[%and3A_66, %dma_start3A_90, %dma_start3A_91] : memref<2x4x512xf32, #tpu.memory_space<vmem>> -> memref<1x4x512xf32, #tpu.memory_space<vmem>>
      %dma_start3A_93 = tpu.memref_squeeze %dma_start3A_92 : memref<1x4x512xf32, #tpu.memory_space<vmem>> -> memref<4x512xf32, #tpu.memory_space<vmem>>
      %dma_start3A_94 = arith.constant 0 : i32
      %dma_start3A_95 = arith.constant 0 : i32
      %dma_start3A_96 = tpu.memref_slice %arg4[%add3A, %scan3A_64, %dma_start3A_94, %dma_start3A_95] : memref<32x20x4x512xf32, #tpu.memory_space<hbm>> -> memref<1x1x4x512xf32, #tpu.memory_space<hbm>>
      %dma_start3A_97 = tpu.memref_squeeze %dma_start3A_96 : memref<1x1x4x512xf32, #tpu.memory_space<hbm>> -> memref<4x512xf32, #tpu.memory_space<hbm>>
      %dma_start3A_98 = arith.constant 0 : i32
      %dma_start3A_99 = arith.constant 0 : i32
      %dma_start3A_100 = tpu.memref_slice %arg4[%add3A, %scan3A_64, %dma_start3A_98, %dma_start3A_99] : memref<32x20x4x512xf32, #tpu.memory_space<hbm>> -> memref<1x1x4x512xf32, #tpu.memory_space<hbm>>
      %dma_start3A_101 = tpu.memref_squeeze %dma_start3A_100 : memref<1x1x4x512xf32, #tpu.memory_space<hbm>> -> memref<4x512xf32, #tpu.memory_space<hbm>>
      %dma_start3A_102 = arith.constant 0 : i32
      %dma_start3A_103 = arith.constant 0 : i32
      %dma_start3A_104 = tpu.memref_slice %arg8[%and3A_66, %dma_start3A_102, %dma_start3A_103] : memref<2x4x512xf32, #tpu.memory_space<vmem>> -> memref<1x4x512xf32, #tpu.memory_space<vmem>>
      %dma_start3A_105 = tpu.memref_squeeze %dma_start3A_104 : memref<1x4x512xf32, #tpu.memory_space<vmem>> -> memref<4x512xf32, #tpu.memory_space<vmem>>
      tpu.enqueue_dma source(%dma_start3A_105 : memref<4x512xf32, #tpu.memory_space<vmem>>) target(%dma_start3A_101 : memref<4x512xf32, #tpu.memory_space<hbm>>) target_semaphore(%arg11 : memref<!tpu.dma_semaphore, #tpu.memory_space<semaphore_mem>>)
      %scan3A_106 = arith.constant 0 : i32
      scf.yield %scan3A_106 : i32
    }
    %scan3A_27 = arith.constant 20 : i32
    %dma_wait3A_28 = arith.constant 0 : i32
    %dma_wait3A_29 = arith.constant 18 : i32
    %dma_wait3A_30 = arith.constant 0 : i32
    %dma_wait3A_31 = arith.constant 0 : i32
    %dma_wait3A_32 = tpu.memref_slice %arg8[%dma_wait3A_28, %dma_wait3A_30, %dma_wait3A_31] : memref<2x4x512xf32, #tpu.memory_space<vmem>> -> memref<1x4x512xf32, #tpu.memory_space<vmem>>
    %dma_wait3A_33 = tpu.memref_squeeze %dma_wait3A_32 : memref<1x4x512xf32, #tpu.memory_space<vmem>> -> memref<4x512xf32, #tpu.memory_space<vmem>>
    %dma_wait3A_34 = arith.constant 0 : i32
    %dma_wait3A_35 = arith.constant 0 : i32
    %dma_wait3A_36 = tpu.memref_slice %arg4[%add3A, %dma_wait3A_29, %dma_wait3A_34, %dma_wait3A_35] : memref<32x20x4x512xf32, #tpu.memory_space<hbm>> -> memref<1x1x4x512xf32, #tpu.memory_space<hbm>>
    %dma_wait3A_37 = tpu.memref_squeeze %dma_wait3A_36 : memref<1x1x4x512xf32, #tpu.memory_space<hbm>> -> memref<4x512xf32, #tpu.memory_space<hbm>>
    %dma_wait3A_38 = arith.constant 0 : i32
    %dma_wait3A_39 = arith.constant 0 : i32
    %dma_wait3A_40 = tpu.memref_slice %arg4[%add3A, %dma_wait3A_29, %dma_wait3A_38, %dma_wait3A_39] : memref<32x20x4x512xf32, #tpu.memory_space<hbm>> -> memref<1x1x4x512xf32, #tpu.memory_space<hbm>>
    %dma_wait3A_41 = tpu.memref_squeeze %dma_wait3A_40 : memref<1x1x4x512xf32, #tpu.memory_space<hbm>> -> memref<4x512xf32, #tpu.memory_space<hbm>>
    %dma_wait3A_42 = arith.constant 0 : i32
    %dma_wait3A_43 = arith.constant 0 : i32
    %dma_wait3A_44 = tpu.memref_slice %arg8[%dma_wait3A_28, %dma_wait3A_42, %dma_wait3A_43] : memref<2x4x512xf32, #tpu.memory_space<vmem>> -> memref<1x4x512xf32, #tpu.memory_space<vmem>>
    %dma_wait3A_45 = tpu.memref_squeeze %dma_wait3A_44 : memref<1x4x512xf32, #tpu.memory_space<vmem>> -> memref<4x512xf32, #tpu.memory_space<vmem>>
    tpu.wait_dma2 semaphore(%arg11 : memref<!tpu.dma_semaphore, #tpu.memory_space<semaphore_mem>>) src(%dma_wait3A_45 : memref<4x512xf32, #tpu.memory_space<vmem>>) dst(%dma_wait3A_41 : memref<4x512xf32, #tpu.memory_space<hbm>>)
    %dma_wait3A_46 = arith.constant 1 : i32
    %dma_wait3A_47 = arith.constant 19 : i32
    %dma_wait3A_48 = arith.constant 0 : i32
    %dma_wait3A_49 = arith.constant 0 : i32
    %dma_wait3A_50 = tpu.memref_slice %arg8[%dma_wait3A_46, %dma_wait3A_48, %dma_wait3A_49] : memref<2x4x512xf32, #tpu.memory_space<vmem>> -> memref<1x4x512xf32, #tpu.memory_space<vmem>>
    %dma_wait3A_51 = tpu.memref_squeeze %dma_wait3A_50 : memref<1x4x512xf32, #tpu.memory_space<vmem>> -> memref<4x512xf32, #tpu.memory_space<vmem>>
    %dma_wait3A_52 = arith.constant 0 : i32
    %dma_wait3A_53 = arith.constant 0 : i32
    %dma_wait3A_54 = tpu.memref_slice %arg4[%add3A, %dma_wait3A_47, %dma_wait3A_52, %dma_wait3A_53] : memref<32x20x4x512xf32, #tpu.memory_space<hbm>> -> memref<1x1x4x512xf32, #tpu.memory_space<hbm>>
    %dma_wait3A_55 = tpu.memref_squeeze %dma_wait3A_54 : memref<1x1x4x512xf32, #tpu.memory_space<hbm>> -> memref<4x512xf32, #tpu.memory_space<hbm>>
    %dma_wait3A_56 = arith.constant 0 : i32
    %dma_wait3A_57 = arith.constant 0 : i32
    %dma_wait3A_58 = tpu.memref_slice %arg4[%add3A, %dma_wait3A_47, %dma_wait3A_56, %dma_wait3A_57] : memref<32x20x4x512xf32, #tpu.memory_space<hbm>> -> memref<1x1x4x512xf32, #tpu.memory_space<hbm>>
    %dma_wait3A_59 = tpu.memref_squeeze %dma_wait3A_58 : memref<1x1x4x512xf32, #tpu.memory_space<hbm>> -> memref<4x512xf32, #tpu.memory_space<hbm>>
    %dma_wait3A_60 = arith.constant 0 : i32
    %dma_wait3A_61 = arith.constant 0 : i32
    %dma_wait3A_62 = tpu.memref_slice %arg8[%dma_wait3A_46, %dma_wait3A_60, %dma_wait3A_61] : memref<2x4x512xf32, #tpu.memory_space<vmem>> -> memref<1x4x512xf32, #tpu.memory_space<vmem>>
    %dma_wait3A_63 = tpu.memref_squeeze %dma_wait3A_62 : memref<1x4x512xf32, #tpu.memory_space<vmem>> -> memref<4x512xf32, #tpu.memory_space<vmem>>
    tpu.wait_dma2 semaphore(%arg11 : memref<!tpu.dma_semaphore, #tpu.memory_space<semaphore_mem>>) src(%dma_wait3A_63 : memref<4x512xf32, #tpu.memory_space<vmem>>) dst(%dma_wait3A_59 : memref<4x512xf32, #tpu.memory_space<hbm>>)
    return
  }
}

#map = affine_map<(d0, d1) -> (0, 0, 0)>
#map1 = affine_map<(d0, d1) -> (0)>
#map2 = affine_map<(d0, d1) -> (0, 0, 0, 0)>
module attributes {stable_mosaic.version = 14 : i64} {
  func.func @_mean_body(%arg0: i32, %arg1: i32, %arg2: memref<32x2x10240xi32, #tpu.memory_space<hbm>>, %arg3: memref<163840xi32, #tpu.memory_space<hbm>>, %arg4: memref<32x20x4x512xf32, #tpu.memory_space<hbm>>, %arg5: memref<20480xi32, #tpu.memory_space<vmem>>, %arg6: memref<16384xi32, #tpu.memory_space<vmem>>, %arg7: memref<2x4x512xf32, #tpu.memory_space<vmem>>, %arg8: memref<!tpu.dma_semaphore, #tpu.memory_space<semaphore_mem>>, %arg9: memref<!tpu.dma_semaphore, #tpu.memory_space<semaphore_mem>>, %arg10: memref<!tpu.dma_semaphore, #tpu.memory_space<semaphore_mem>>) attributes {dimension_semantics = [#tpu.dimension_semantics<core_parallel>, #tpu.dimension_semantics<subcore_parallel>], iteration_bounds = array<i64: 2, 16>, scalar_prefetch = 0 : i64, scratch_operands = 6 : i64, tpu.core_type = #tpu.core_type<sc_vector_subcore>, window_params = [{transform_indices = #map}, {transform_indices = #map1}, {transform_indices = #map2}]} {
    %mul3A = arith.constant 2 : i32
    %mul3A_0 = arith.muli %arg1, %mul3A : i32
    %add3A = arith.addi %mul3A_0, %arg0 : i32
    %dma_start3A = arith.constant 0 : i32
    %dma_start3A_1 = arith.constant 0 : i32
    %dma_start3A_2 = tpu.memref_slice %arg5[%dma_start3A_1] : memref<20480xi32, #tpu.memory_space<vmem>> -> memref<10240xi32, #tpu.memory_space<vmem>>
    %dma_start3A_3 = arith.constant 0 : i32
    %dma_start3A_4 = tpu.memref_slice %arg2[%add3A, %dma_start3A, %dma_start3A_3] : memref<32x2x10240xi32, #tpu.memory_space<hbm>> -> memref<1x1x10240xi32, #tpu.memory_space<hbm>>
    %dma_start3A_5 = tpu.memref_squeeze %dma_start3A_4 : memref<1x1x10240xi32, #tpu.memory_space<hbm>> -> memref<10240xi32, #tpu.memory_space<hbm>>
    %dma_start3A_6 = arith.constant 0 : i32
    %dma_start3A_7 = tpu.memref_slice %arg5[%dma_start3A_6] : memref<20480xi32, #tpu.memory_space<vmem>> -> memref<10240xi32, #tpu.memory_space<vmem>>
    %dma_start3A_8 = arith.constant 0 : i32
    %dma_start3A_9 = tpu.memref_slice %arg2[%add3A, %dma_start3A, %dma_start3A_8] : memref<32x2x10240xi32, #tpu.memory_space<hbm>> -> memref<1x1x10240xi32, #tpu.memory_space<hbm>>
    %dma_start3A_10 = tpu.memref_squeeze %dma_start3A_9 : memref<1x1x10240xi32, #tpu.memory_space<hbm>> -> memref<10240xi32, #tpu.memory_space<hbm>>
    tpu.enqueue_dma source(%dma_start3A_10 : memref<10240xi32, #tpu.memory_space<hbm>>) target(%dma_start3A_7 : memref<10240xi32, #tpu.memory_space<vmem>>) target_semaphore(%arg8 : memref<!tpu.dma_semaphore, #tpu.memory_space<semaphore_mem>>)
    %dma_start3A_11 = arith.constant 1 : i32
    %dma_start3A_12 = arith.constant 10240 : i32
    %dma_start3A_13 = tpu.memref_slice %arg5[%dma_start3A_12] : memref<20480xi32, #tpu.memory_space<vmem>> -> memref<10240xi32, #tpu.memory_space<vmem>>
    %dma_start3A_14 = arith.constant 0 : i32
    %dma_start3A_15 = tpu.memref_slice %arg2[%add3A, %dma_start3A_11, %dma_start3A_14] : memref<32x2x10240xi32, #tpu.memory_space<hbm>> -> memref<1x1x10240xi32, #tpu.memory_space<hbm>>
    %dma_start3A_16 = tpu.memref_squeeze %dma_start3A_15 : memref<1x1x10240xi32, #tpu.memory_space<hbm>> -> memref<10240xi32, #tpu.memory_space<hbm>>
    %dma_start3A_17 = arith.constant 10240 : i32
    %dma_start3A_18 = tpu.memref_slice %arg5[%dma_start3A_17] : memref<20480xi32, #tpu.memory_space<vmem>> -> memref<10240xi32, #tpu.memory_space<vmem>>
    %dma_start3A_19 = arith.constant 0 : i32
    %dma_start3A_20 = tpu.memref_slice %arg2[%add3A, %dma_start3A_11, %dma_start3A_19] : memref<32x2x10240xi32, #tpu.memory_space<hbm>> -> memref<1x1x10240xi32, #tpu.memory_space<hbm>>
    %dma_start3A_21 = tpu.memref_squeeze %dma_start3A_20 : memref<1x1x10240xi32, #tpu.memory_space<hbm>> -> memref<10240xi32, #tpu.memory_space<hbm>>
    tpu.enqueue_dma source(%dma_start3A_21 : memref<10240xi32, #tpu.memory_space<hbm>>) target(%dma_start3A_18 : memref<10240xi32, #tpu.memory_space<vmem>>) target_semaphore(%arg8 : memref<!tpu.dma_semaphore, #tpu.memory_space<semaphore_mem>>)
    %dma_start3A_22 = arith.constant 0 : i32
    %dma_start3A_23 = tpu.memref_slice %arg6[%dma_start3A_22] : memref<16384xi32, #tpu.memory_space<vmem>> -> memref<8192xi32, #tpu.memory_space<vmem>>
    %dma_start3A_24 = arith.constant 0 : i32
    %dma_start3A_25 = tpu.memref_slice %arg3[%dma_start3A_24] : memref<163840xi32, #tpu.memory_space<hbm>> -> memref<8192xi32, #tpu.memory_space<hbm>>
    %dma_start3A_26 = arith.constant 0 : i32
    %dma_start3A_27 = tpu.memref_slice %arg6[%dma_start3A_26] : memref<16384xi32, #tpu.memory_space<vmem>> -> memref<8192xi32, #tpu.memory_space<vmem>>
    %dma_start3A_28 = arith.constant 0 : i32
    %dma_start3A_29 = tpu.memref_slice %arg3[%dma_start3A_28] : memref<163840xi32, #tpu.memory_space<hbm>> -> memref<8192xi32, #tpu.memory_space<hbm>>
    tpu.enqueue_dma source(%dma_start3A_29 : memref<8192xi32, #tpu.memory_space<hbm>>) target(%dma_start3A_27 : memref<8192xi32, #tpu.memory_space<vmem>>) target_semaphore(%arg9 : memref<!tpu.dma_semaphore, #tpu.memory_space<semaphore_mem>>)
    %dma_wait3A = arith.constant 0 : i32
    %dma_wait3A_30 = arith.constant 0 : i32
    %dma_wait3A_31 = tpu.memref_slice %arg5[%dma_wait3A_30] : memref<20480xi32, #tpu.memory_space<vmem>> -> memref<10240xi32, #tpu.memory_space<vmem>>
    %dma_wait3A_32 = arith.constant 0 : i32
    %dma_wait3A_33 = tpu.memref_slice %arg2[%add3A, %dma_wait3A, %dma_wait3A_32] : memref<32x2x10240xi32, #tpu.memory_space<hbm>> -> memref<1x1x10240xi32, #tpu.memory_space<hbm>>
    %dma_wait3A_34 = tpu.memref_squeeze %dma_wait3A_33 : memref<1x1x10240xi32, #tpu.memory_space<hbm>> -> memref<10240xi32, #tpu.memory_space<hbm>>
    %dma_wait3A_35 = arith.constant 0 : i32
    %dma_wait3A_36 = tpu.memref_slice %arg5[%dma_wait3A_35] : memref<20480xi32, #tpu.memory_space<vmem>> -> memref<10240xi32, #tpu.memory_space<vmem>>
    %dma_wait3A_37 = arith.constant 0 : i32
    %dma_wait3A_38 = tpu.memref_slice %arg2[%add3A, %dma_wait3A, %dma_wait3A_37] : memref<32x2x10240xi32, #tpu.memory_space<hbm>> -> memref<1x1x10240xi32, #tpu.memory_space<hbm>>
    %dma_wait3A_39 = tpu.memref_squeeze %dma_wait3A_38 : memref<1x1x10240xi32, #tpu.memory_space<hbm>> -> memref<10240xi32, #tpu.memory_space<hbm>>
    tpu.wait_dma2 semaphore(%arg8 : memref<!tpu.dma_semaphore, #tpu.memory_space<semaphore_mem>>) src(%dma_wait3A_39 : memref<10240xi32, #tpu.memory_space<hbm>>) dst(%dma_wait3A_36 : memref<10240xi32, #tpu.memory_space<vmem>>)
    %dma_wait3A_40 = arith.constant 1 : i32
    %dma_wait3A_41 = arith.constant 10240 : i32
    %dma_wait3A_42 = tpu.memref_slice %arg5[%dma_wait3A_41] : memref<20480xi32, #tpu.memory_space<vmem>> -> memref<10240xi32, #tpu.memory_space<vmem>>
    %dma_wait3A_43 = arith.constant 0 : i32
    %dma_wait3A_44 = tpu.memref_slice %arg2[%add3A, %dma_wait3A_40, %dma_wait3A_43] : memref<32x2x10240xi32, #tpu.memory_space<hbm>> -> memref<1x1x10240xi32, #tpu.memory_space<hbm>>
    %dma_wait3A_45 = tpu.memref_squeeze %dma_wait3A_44 : memref<1x1x10240xi32, #tpu.memory_space<hbm>> -> memref<10240xi32, #tpu.memory_space<hbm>>
    %dma_wait3A_46 = arith.constant 10240 : i32
    %dma_wait3A_47 = tpu.memref_slice %arg5[%dma_wait3A_46] : memref<20480xi32, #tpu.memory_space<vmem>> -> memref<10240xi32, #tpu.memory_space<vmem>>
    %dma_wait3A_48 = arith.constant 0 : i32
    %dma_wait3A_49 = tpu.memref_slice %arg2[%add3A, %dma_wait3A_40, %dma_wait3A_48] : memref<32x2x10240xi32, #tpu.memory_space<hbm>> -> memref<1x1x10240xi32, #tpu.memory_space<hbm>>
    %dma_wait3A_50 = tpu.memref_squeeze %dma_wait3A_49 : memref<1x1x10240xi32, #tpu.memory_space<hbm>> -> memref<10240xi32, #tpu.memory_space<hbm>>
    tpu.wait_dma2 semaphore(%arg8 : memref<!tpu.dma_semaphore, #tpu.memory_space<semaphore_mem>>) src(%dma_wait3A_50 : memref<10240xi32, #tpu.memory_space<hbm>>) dst(%dma_wait3A_47 : memref<10240xi32, #tpu.memory_space<vmem>>)
    %scan3A = arith.constant 0 : i32
    %scan3A_51 = arith.constant 0 : i32
    %scan3A_52 = arith.constant 20 : i32
    %scan3A_53 = arith.addi %scan3A_51, %scan3A_52 : i32
    %scan3A_54 = arith.constant 1 : i32
    %scan3A_55 = scf.for %scan3A_93 = %scan3A_51 to %scan3A_53 step %scan3A_54 iter_args(%scan3A_94 = %scan3A) -> (i32)  : i32 {
      %and3A = arith.constant 1 : i32
      %and3A_95 = arith.andi %scan3A_93, %and3A : i32
      %mul3A_96 = arith.constant 8192 : i32
      %mul3A_97 = arith.muli %scan3A_93, %mul3A_96 : i32
      %mul3A_98 = arith.constant 8192 : i32
      %mul3A_99 = arith.muli %and3A_95, %mul3A_98 : i32
      %dma_wait3A_100 = tpu.memref_slice %arg6[%mul3A_99] : memref<16384xi32, #tpu.memory_space<vmem>> -> memref<8192xi32, #tpu.memory_space<vmem>>
      %dma_wait3A_101 = tpu.memref_slice %arg3[%mul3A_97] : memref<163840xi32, #tpu.memory_space<hbm>> -> memref<8192xi32, #tpu.memory_space<hbm>>
      %dma_wait3A_102 = tpu.memref_slice %arg6[%mul3A_99] : memref<16384xi32, #tpu.memory_space<vmem>> -> memref<8192xi32, #tpu.memory_space<vmem>>
      %dma_wait3A_103 = tpu.memref_slice %arg3[%mul3A_97] : memref<163840xi32, #tpu.memory_space<hbm>> -> memref<8192xi32, #tpu.memory_space<hbm>>
      tpu.wait_dma2 semaphore(%arg9 : memref<!tpu.dma_semaphore, #tpu.memory_space<semaphore_mem>>) src(%dma_wait3A_103 : memref<8192xi32, #tpu.memory_space<hbm>>) dst(%dma_wait3A_102 : memref<8192xi32, #tpu.memory_space<vmem>>)
      %add3A_104 = arith.constant 1 : i32
      %add3A_105 = arith.addi %scan3A_93, %add3A_104 : i32
      %lt3A = arith.constant 20 : i32
      %lt3A_106 = arith.cmpi slt, %add3A_105, %lt3A : i32
      %convert_element_type3A = arith.extui %lt3A_106 : i1 to i32
      %cond3A = arith.constant 0 : i32
      %cond3A_107 = arith.cmpi ne, %convert_element_type3A, %cond3A : i32
      scf.if %cond3A_107 {
        %add3A_136 = arith.constant 1 : i32
        %add3A_137 = arith.addi %scan3A_93, %add3A_136 : i32
        %mul3A_138 = arith.constant 8192 : i32
        %mul3A_139 = arith.muli %add3A_137, %mul3A_138 : i32
        %sub3A = arith.constant 1 : i32
        %sub3A_140 = arith.subi %sub3A, %and3A_95 : i32
        %mul3A_141 = arith.constant 8192 : i32
        %mul3A_142 = arith.muli %sub3A_140, %mul3A_141 : i32
        %dma_start3A_143 = tpu.memref_slice %arg6[%mul3A_142] : memref<16384xi32, #tpu.memory_space<vmem>> -> memref<8192xi32, #tpu.memory_space<vmem>>
        %dma_start3A_144 = tpu.memref_slice %arg3[%mul3A_139] : memref<163840xi32, #tpu.memory_space<hbm>> -> memref<8192xi32, #tpu.memory_space<hbm>>
        %dma_start3A_145 = tpu.memref_slice %arg6[%mul3A_142] : memref<16384xi32, #tpu.memory_space<vmem>> -> memref<8192xi32, #tpu.memory_space<vmem>>
        %dma_start3A_146 = tpu.memref_slice %arg3[%mul3A_139] : memref<163840xi32, #tpu.memory_space<hbm>> -> memref<8192xi32, #tpu.memory_space<hbm>>
        tpu.enqueue_dma source(%dma_start3A_146 : memref<8192xi32, #tpu.memory_space<hbm>>) target(%dma_start3A_145 : memref<8192xi32, #tpu.memory_space<vmem>>) target_semaphore(%arg9 : memref<!tpu.dma_semaphore, #tpu.memory_space<semaphore_mem>>)
      } else {
      }
      %ge3A = arith.constant 2 : i32
      %ge3A_108 = arith.cmpi sge, %scan3A_93, %ge3A : i32
      %convert_element_type3A_109 = arith.extui %ge3A_108 : i1 to i32
      %cond3A_110 = arith.constant 0 : i32
      %cond3A_111 = arith.cmpi ne, %convert_element_type3A_109, %cond3A_110 : i32
      scf.if %cond3A_111 {
        %sub3A = arith.constant 2 : i32
        %sub3A_136 = arith.subi %scan3A_93, %sub3A : i32
        %dma_wait3A_137 = arith.constant 0 : i32
        %dma_wait3A_138 = arith.constant 0 : i32
        %dma_wait3A_139 = tpu.memref_slice %arg7[%and3A_95, %dma_wait3A_137, %dma_wait3A_138] : memref<2x4x512xf32, #tpu.memory_space<vmem>> -> memref<1x4x512xf32, #tpu.memory_space<vmem>>
        %dma_wait3A_140 = tpu.memref_squeeze %dma_wait3A_139 : memref<1x4x512xf32, #tpu.memory_space<vmem>> -> memref<4x512xf32, #tpu.memory_space<vmem>>
        %dma_wait3A_141 = arith.constant 0 : i32
        %dma_wait3A_142 = arith.constant 0 : i32
        %dma_wait3A_143 = tpu.memref_slice %arg4[%add3A, %sub3A_136, %dma_wait3A_141, %dma_wait3A_142] : memref<32x20x4x512xf32, #tpu.memory_space<hbm>> -> memref<1x1x4x512xf32, #tpu.memory_space<hbm>>
        %dma_wait3A_144 = tpu.memref_squeeze %dma_wait3A_143 : memref<1x1x4x512xf32, #tpu.memory_space<hbm>> -> memref<4x512xf32, #tpu.memory_space<hbm>>
        %dma_wait3A_145 = arith.constant 0 : i32
        %dma_wait3A_146 = arith.constant 0 : i32
        %dma_wait3A_147 = tpu.memref_slice %arg4[%add3A, %sub3A_136, %dma_wait3A_145, %dma_wait3A_146] : memref<32x20x4x512xf32, #tpu.memory_space<hbm>> -> memref<1x1x4x512xf32, #tpu.memory_space<hbm>>
        %dma_wait3A_148 = tpu.memref_squeeze %dma_wait3A_147 : memref<1x1x4x512xf32, #tpu.memory_space<hbm>> -> memref<4x512xf32, #tpu.memory_space<hbm>>
        %dma_wait3A_149 = arith.constant 0 : i32
        %dma_wait3A_150 = arith.constant 0 : i32
        %dma_wait3A_151 = tpu.memref_slice %arg7[%and3A_95, %dma_wait3A_149, %dma_wait3A_150] : memref<2x4x512xf32, #tpu.memory_space<vmem>> -> memref<1x4x512xf32, #tpu.memory_space<vmem>>
        %dma_wait3A_152 = tpu.memref_squeeze %dma_wait3A_151 : memref<1x4x512xf32, #tpu.memory_space<vmem>> -> memref<4x512xf32, #tpu.memory_space<vmem>>
        tpu.wait_dma2 semaphore(%arg10 : memref<!tpu.dma_semaphore, #tpu.memory_space<semaphore_mem>>) src(%dma_wait3A_152 : memref<4x512xf32, #tpu.memory_space<vmem>>) dst(%dma_wait3A_148 : memref<4x512xf32, #tpu.memory_space<hbm>>)
      } else {
      }
      %scan3A_112 = arith.constant 0 : i32
      %scan3A_113 = arith.constant 0 : i32
      %scan3A_114 = arith.constant 16 : i32
      %scan3A_115 = arith.addi %scan3A_113, %scan3A_114 : i32
      %scan3A_116 = arith.constant 1 : i32
      %scan3A_117 = scf.for %scan3A_136 = %scan3A_113 to %scan3A_115 step %scan3A_116 iter_args(%scan3A_137 = %scan3A_112) -> (i32)  : i32 {
        %mul3A_138 = arith.constant 8192 : i32
        %mul3A_139 = arith.muli %and3A_95, %mul3A_138 : i32
        %add3A_140 = arith.constant 0 : i32
        %add3A_141 = arith.addi %mul3A_139, %add3A_140 : i32
        %mul3A_142 = arith.constant 16 : i32
        %mul3A_143 = arith.muli %scan3A_136, %mul3A_142 : i32
        %add3A_144 = arith.addi %add3A_141, %mul3A_143 : i32
        %get3A = arith.index_cast %add3A_144 : i32 to index
        %get3A_145 = tpu.vector_load %arg6[%get3A] {strides = array<i32>} : memref<16384xi32, #tpu.memory_space<vmem>>, vector<16xi32>,
        %and3A_146 = arith.constant 65535 : i32
        %and3A_147 = vector.broadcast %and3A_146 : i32 to vector<16xi32>
        %and3A_148 = arith.andi %get3A_145, %and3A_147 : vector<16xi32>
        %shift_right_logical3A = arith.constant 16 : i32
        %shift_right_logical3A_149 = vector.broadcast %shift_right_logical3A : i32 to vector<16xi32>
        %shift_right_logical3A_150 = arith.shrui %get3A_145, %shift_right_logical3A_149 : vector<16xi32>
        %add3A_151 = arith.constant 0 : i32
        %add3A_152 = vector.broadcast %add3A_151 : i32 to vector<16xi32>
        %add3A_153 = arith.addi %and3A_148, %add3A_152 : vector<16xi32>
        %gather3A = tpu.vector_load_idx %arg5[%add3A_153] : memref<20480xi32, #tpu.memory_space<vmem>>[vector<16xi32>], vector<16xi32>,
        %add3A_154 = arith.constant 0 : i32
        %add3A_155 = vector.broadcast %add3A_154 : i32 to vector<16xi32>
        %add3A_156 = arith.addi %shift_right_logical3A_150, %add3A_155 : vector<16xi32>
        %gather3A_157 = tpu.vector_load_idx %arg5[%add3A_156] : memref<20480xi32, #tpu.memory_space<vmem>>[vector<16xi32>], vector<16xi32>,
        %shift_left3A = arith.constant 16 : i32
        %shift_left3A_158 = vector.broadcast %shift_left3A : i32 to vector<16xi32>
        %shift_left3A_159 = arith.shli %gather3A, %shift_left3A_158 : vector<16xi32>
        %bitcast3A = vector.bitcast %shift_left3A_159 : vector<16xi32> to vector<16xf32>
        %shift_left3A_160 = arith.constant 16 : i32
        %shift_left3A_161 = vector.broadcast %shift_left3A_160 : i32 to vector<16xi32>
        %shift_left3A_162 = arith.shli %gather3A_157, %shift_left3A_161 : vector<16xi32>
        %bitcast3A_163 = vector.bitcast %shift_left3A_162 : vector<16xi32> to vector<16xf32>
        %bitcast3A_164 = vector.bitcast %gather3A : vector<16xi32> to vector<16xf32>
        %bitcast3A_165 = vector.bitcast %gather3A_157 : vector<16xi32> to vector<16xf32>
        %add3A_166 = arith.constant 10240 : i32
        %add3A_167 = vector.broadcast %add3A_166 : i32 to vector<16xi32>
        %add3A_168 = arith.addi %and3A_148, %add3A_167 : vector<16xi32>
        %gather3A_169 = tpu.vector_load_idx %arg5[%add3A_168] : memref<20480xi32, #tpu.memory_space<vmem>>[vector<16xi32>], vector<16xi32>,
        %add3A_170 = arith.constant 10240 : i32
        %add3A_171 = vector.broadcast %add3A_170 : i32 to vector<16xi32>
        %add3A_172 = arith.addi %shift_right_logical3A_150, %add3A_171 : vector<16xi32>
        %gather3A_173 = tpu.vector_load_idx %arg5[%add3A_172] : memref<20480xi32, #tpu.memory_space<vmem>>[vector<16xi32>], vector<16xi32>,
        %shift_left3A_174 = arith.constant 16 : i32
        %shift_left3A_175 = vector.broadcast %shift_left3A_174 : i32 to vector<16xi32>
        %shift_left3A_176 = arith.shli %gather3A_169, %shift_left3A_175 : vector<16xi32>
        %bitcast3A_177 = vector.bitcast %shift_left3A_176 : vector<16xi32> to vector<16xf32>
        %shift_left3A_178 = arith.constant 16 : i32
        %shift_left3A_179 = vector.broadcast %shift_left3A_178 : i32 to vector<16xi32>
        %shift_left3A_180 = arith.shli %gather3A_173, %shift_left3A_179 : vector<16xi32>
        %bitcast3A_181 = vector.bitcast %shift_left3A_180 : vector<16xi32> to vector<16xf32>
        %bitcast3A_182 = vector.bitcast %gather3A_169 : vector<16xi32> to vector<16xf32>
        %bitcast3A_183 = vector.bitcast %gather3A_173 : vector<16xi32> to vector<16xf32>
        %mul3A_184 = arith.constant 8192 : i32
        %mul3A_185 = arith.muli %and3A_95, %mul3A_184 : i32
        %add3A_186 = arith.constant 256 : i32
        %add3A_187 = arith.addi %mul3A_185, %add3A_186 : i32
        %mul3A_188 = arith.constant 16 : i32
        %mul3A_189 = arith.muli %scan3A_136, %mul3A_188 : i32
        %add3A_190 = arith.addi %add3A_187, %mul3A_189 : i32
        %get3A_191 = arith.index_cast %add3A_190 : i32 to index
        %get3A_192 = tpu.vector_load %arg6[%get3A_191] {strides = array<i32>} : memref<16384xi32, #tpu.memory_space<vmem>>, vector<16xi32>,
        %and3A_193 = arith.constant 65535 : i32
        %and3A_194 = vector.broadcast %and3A_193 : i32 to vector<16xi32>
        %and3A_195 = arith.andi %get3A_192, %and3A_194 : vector<16xi32>
        %shift_right_logical3A_196 = arith.constant 16 : i32
        %shift_right_logical3A_197 = vector.broadcast %shift_right_logical3A_196 : i32 to vector<16xi32>
        %shift_right_logical3A_198 = arith.shrui %get3A_192, %shift_right_logical3A_197 : vector<16xi32>
        %add3A_199 = arith.constant 0 : i32
        %add3A_200 = vector.broadcast %add3A_199 : i32 to vector<16xi32>
        %add3A_201 = arith.addi %and3A_195, %add3A_200 : vector<16xi32>
        %gather3A_202 = tpu.vector_load_idx %arg5[%add3A_201] : memref<20480xi32, #tpu.memory_space<vmem>>[vector<16xi32>], vector<16xi32>,
        %add3A_203 = arith.constant 0 : i32
        %add3A_204 = vector.broadcast %add3A_203 : i32 to vector<16xi32>
        %add3A_205 = arith.addi %shift_right_logical3A_198, %add3A_204 : vector<16xi32>
        %gather3A_206 = tpu.vector_load_idx %arg5[%add3A_205] : memref<20480xi32, #tpu.memory_space<vmem>>[vector<16xi32>], vector<16xi32>,
        %shift_left3A_207 = arith.constant 16 : i32
        %shift_left3A_208 = vector.broadcast %shift_left3A_207 : i32 to vector<16xi32>
        %shift_left3A_209 = arith.shli %gather3A_202, %shift_left3A_208 : vector<16xi32>
        %bitcast3A_210 = vector.bitcast %shift_left3A_209 : vector<16xi32> to vector<16xf32>
        %shift_left3A_211 = arith.constant 16 : i32
        %shift_left3A_212 = vector.broadcast %shift_left3A_211 : i32 to vector<16xi32>
        %shift_left3A_213 = arith.shli %gather3A_206, %shift_left3A_212 : vector<16xi32>
        %bitcast3A_214 = vector.bitcast %shift_left3A_213 : vector<16xi32> to vector<16xf32>
        %bitcast3A_215 = vector.bitcast %gather3A_202 : vector<16xi32> to vector<16xf32>
        %bitcast3A_216 = vector.bitcast %gather3A_206 : vector<16xi32> to vector<16xf32>
        %add3A_217 = arith.addf %bitcast3A, %bitcast3A_210 : vector<16xf32>
        %add3A_218 = arith.addf %bitcast3A_163, %bitcast3A_214 : vector<16xf32>
        %add3A_219 = arith.addf %bitcast3A_164, %bitcast3A_215 : vector<16xf32>
        %add3A_220 = arith.addf %bitcast3A_165, %bitcast3A_216 : vector<16xf32>
        %add3A_221 = arith.constant 10240 : i32
        %add3A_222 = vector.broadcast %add3A_221 : i32 to vector<16xi32>
        %add3A_223 = arith.addi %and3A_195, %add3A_222 : vector<16xi32>
        %gather3A_224 = tpu.vector_load_idx %arg5[%add3A_223] : memref<20480xi32, #tpu.memory_space<vmem>>[vector<16xi32>], vector<16xi32>,
        %add3A_225 = arith.constant 10240 : i32
        %add3A_226 = vector.broadcast %add3A_225 : i32 to vector<16xi32>
        %add3A_227 = arith.addi %shift_right_logical3A_198, %add3A_226 : vector<16xi32>
        %gather3A_228 = tpu.vector_load_idx %arg5[%add3A_227] : memref<20480xi32, #tpu.memory_space<vmem>>[vector<16xi32>], vector<16xi32>,
        %shift_left3A_229 = arith.constant 16 : i32
        %shift_left3A_230 = vector.broadcast %shift_left3A_229 : i32 to vector<16xi32>
        %shift_left3A_231 = arith.shli %gather3A_224, %shift_left3A_230 : vector<16xi32>
        %bitcast3A_232 = vector.bitcast %shift_left3A_231 : vector<16xi32> to vector<16xf32>
        %shift_left3A_233 = arith.constant 16 : i32
        %shift_left3A_234 = vector.broadcast %shift_left3A_233 : i32 to vector<16xi32>
        %shift_left3A_235 = arith.shli %gather3A_228, %shift_left3A_234 : vector<16xi32>
        %bitcast3A_236 = vector.bitcast %shift_left3A_235 : vector<16xi32> to vector<16xf32>
        %bitcast3A_237 = vector.bitcast %gather3A_224 : vector<16xi32> to vector<16xf32>
        %bitcast3A_238 = vector.bitcast %gather3A_228 : vector<16xi32> to vector<16xf32>
        %add3A_239 = arith.addf %bitcast3A_177, %bitcast3A_232 : vector<16xf32>
        %add3A_240 = arith.addf %bitcast3A_181, %bitcast3A_236 : vector<16xf32>
        %add3A_241 = arith.addf %bitcast3A_182, %bitcast3A_237 : vector<16xf32>
        %add3A_242 = arith.addf %bitcast3A_183, %bitcast3A_238 : vector<16xf32>
        %mul3A_243 = arith.constant 8192 : i32
        %mul3A_244 = arith.muli %and3A_95, %mul3A_243 : i32
        %add3A_245 = arith.constant 512 : i32
        %add3A_246 = arith.addi %mul3A_244, %add3A_245 : i32
        %mul3A_247 = arith.constant 16 : i32
        %mul3A_248 = arith.muli %scan3A_136, %mul3A_247 : i32
        %add3A_249 = arith.addi %add3A_246, %mul3A_248 : i32
        %get3A_250 = arith.index_cast %add3A_249 : i32 to index
        %get3A_251 = tpu.vector_load %arg6[%get3A_250] {strides = array<i32>} : memref<16384xi32, #tpu.memory_space<vmem>>, vector<16xi32>,
        %and3A_252 = arith.constant 65535 : i32
        %and3A_253 = vector.broadcast %and3A_252 : i32 to vector<16xi32>
        %and3A_254 = arith.andi %get3A_251, %and3A_253 : vector<16xi32>
        %shift_right_logical3A_255 = arith.constant 16 : i32
        %shift_right_logical3A_256 = vector.broadcast %shift_right_logical3A_255 : i32 to vector<16xi32>
        %shift_right_logical3A_257 = arith.shrui %get3A_251, %shift_right_logical3A_256 : vector<16xi32>
        %add3A_258 = arith.constant 0 : i32
        %add3A_259 = vector.broadcast %add3A_258 : i32 to vector<16xi32>
        %add3A_260 = arith.addi %and3A_254, %add3A_259 : vector<16xi32>
        %gather3A_261 = tpu.vector_load_idx %arg5[%add3A_260] : memref<20480xi32, #tpu.memory_space<vmem>>[vector<16xi32>], vector<16xi32>,
        %add3A_262 = arith.constant 0 : i32
        %add3A_263 = vector.broadcast %add3A_262 : i32 to vector<16xi32>
        %add3A_264 = arith.addi %shift_right_logical3A_257, %add3A_263 : vector<16xi32>
        %gather3A_265 = tpu.vector_load_idx %arg5[%add3A_264] : memref<20480xi32, #tpu.memory_space<vmem>>[vector<16xi32>], vector<16xi32>,
        %shift_left3A_266 = arith.constant 16 : i32
        %shift_left3A_267 = vector.broadcast %shift_left3A_266 : i32 to vector<16xi32>
        %shift_left3A_268 = arith.shli %gather3A_261, %shift_left3A_267 : vector<16xi32>
        %bitcast3A_269 = vector.bitcast %shift_left3A_268 : vector<16xi32> to vector<16xf32>
        %shift_left3A_270 = arith.constant 16 : i32
        %shift_left3A_271 = vector.broadcast %shift_left3A_270 : i32 to vector<16xi32>
        %shift_left3A_272 = arith.shli %gather3A_265, %shift_left3A_271 : vector<16xi32>
        %bitcast3A_273 = vector.bitcast %shift_left3A_272 : vector<16xi32> to vector<16xf32>
        %bitcast3A_274 = vector.bitcast %gather3A_261 : vector<16xi32> to vector<16xf32>
        %bitcast3A_275 = vector.bitcast %gather3A_265 : vector<16xi32> to vector<16xf32>
        %add3A_276 = arith.addf %add3A_217, %bitcast3A_269 : vector<16xf32>
        %add3A_277 = arith.addf %add3A_218, %bitcast3A_273 : vector<16xf32>
        %add3A_278 = arith.addf %add3A_219, %bitcast3A_274 : vector<16xf32>
        %add3A_279 = arith.addf %add3A_220, %bitcast3A_275 : vector<16xf32>
        %add3A_280 = arith.constant 10240 : i32
        %add3A_281 = vector.broadcast %add3A_280 : i32 to vector<16xi32>
        %add3A_282 = arith.addi %and3A_254, %add3A_281 : vector<16xi32>
        %gather3A_283 = tpu.vector_load_idx %arg5[%add3A_282] : memref<20480xi32, #tpu.memory_space<vmem>>[vector<16xi32>], vector<16xi32>,
        %add3A_284 = arith.constant 10240 : i32
        %add3A_285 = vector.broadcast %add3A_284 : i32 to vector<16xi32>
        %add3A_286 = arith.addi %shift_right_logical3A_257, %add3A_285 : vector<16xi32>
        %gather3A_287 = tpu.vector_load_idx %arg5[%add3A_286] : memref<20480xi32, #tpu.memory_space<vmem>>[vector<16xi32>], vector<16xi32>,
        %shift_left3A_288 = arith.constant 16 : i32
        %shift_left3A_289 = vector.broadcast %shift_left3A_288 : i32 to vector<16xi32>
        %shift_left3A_290 = arith.shli %gather3A_283, %shift_left3A_289 : vector<16xi32>
        %bitcast3A_291 = vector.bitcast %shift_left3A_290 : vector<16xi32> to vector<16xf32>
        %shift_left3A_292 = arith.constant 16 : i32
        %shift_left3A_293 = vector.broadcast %shift_left3A_292 : i32 to vector<16xi32>
        %shift_left3A_294 = arith.shli %gather3A_287, %shift_left3A_293 : vector<16xi32>
        %bitcast3A_295 = vector.bitcast %shift_left3A_294 : vector<16xi32> to vector<16xf32>
        %bitcast3A_296 = vector.bitcast %gather3A_283 : vector<16xi32> to vector<16xf32>
        %bitcast3A_297 = vector.bitcast %gather3A_287 : vector<16xi32> to vector<16xf32>
        %add3A_298 = arith.addf %add3A_239, %bitcast3A_291 : vector<16xf32>
        %add3A_299 = arith.addf %add3A_240, %bitcast3A_295 : vector<16xf32>
        %add3A_300 = arith.addf %add3A_241, %bitcast3A_296 : vector<16xf32>
        %add3A_301 = arith.addf %add3A_242, %bitcast3A_297 : vector<16xf32>
        %mul3A_302 = arith.constant 8192 : i32
        %mul3A_303 = arith.muli %and3A_95, %mul3A_302 : i32
        %add3A_304 = arith.constant 768 : i32
        %add3A_305 = arith.addi %mul3A_303, %add3A_304 : i32
        %mul3A_306 = arith.constant 16 : i32
        %mul3A_307 = arith.muli %scan3A_136, %mul3A_306 : i32
        %add3A_308 = arith.addi %add3A_305, %mul3A_307 : i32
        %get3A_309 = arith.index_cast %add3A_308 : i32 to index
        %get3A_310 = tpu.vector_load %arg6[%get3A_309] {strides = array<i32>} : memref<16384xi32, #tpu.memory_space<vmem>>, vector<16xi32>,
        %and3A_311 = arith.constant 65535 : i32
        %and3A_312 = vector.broadcast %and3A_311 : i32 to vector<16xi32>
        %and3A_313 = arith.andi %get3A_310, %and3A_312 : vector<16xi32>
        %shift_right_logical3A_314 = arith.constant 16 : i32
        %shift_right_logical3A_315 = vector.broadcast %shift_right_logical3A_314 : i32 to vector<16xi32>
        %shift_right_logical3A_316 = arith.shrui %get3A_310, %shift_right_logical3A_315 : vector<16xi32>
        %add3A_317 = arith.constant 0 : i32
        %add3A_318 = vector.broadcast %add3A_317 : i32 to vector<16xi32>
        %add3A_319 = arith.addi %and3A_313, %add3A_318 : vector<16xi32>
        %gather3A_320 = tpu.vector_load_idx %arg5[%add3A_319] : memref<20480xi32, #tpu.memory_space<vmem>>[vector<16xi32>], vector<16xi32>,
        %add3A_321 = arith.constant 0 : i32
        %add3A_322 = vector.broadcast %add3A_321 : i32 to vector<16xi32>
        %add3A_323 = arith.addi %shift_right_logical3A_316, %add3A_322 : vector<16xi32>
        %gather3A_324 = tpu.vector_load_idx %arg5[%add3A_323] : memref<20480xi32, #tpu.memory_space<vmem>>[vector<16xi32>], vector<16xi32>,
        %shift_left3A_325 = arith.constant 16 : i32
        %shift_left3A_326 = vector.broadcast %shift_left3A_325 : i32 to vector<16xi32>
        %shift_left3A_327 = arith.shli %gather3A_320, %shift_left3A_326 : vector<16xi32>
        %bitcast3A_328 = vector.bitcast %shift_left3A_327 : vector<16xi32> to vector<16xf32>
        %shift_left3A_329 = arith.constant 16 : i32
        %shift_left3A_330 = vector.broadcast %shift_left3A_329 : i32 to vector<16xi32>
        %shift_left3A_331 = arith.shli %gather3A_324, %shift_left3A_330 : vector<16xi32>
        %bitcast3A_332 = vector.bitcast %shift_left3A_331 : vector<16xi32> to vector<16xf32>
        %bitcast3A_333 = vector.bitcast %gather3A_320 : vector<16xi32> to vector<16xf32>
        %bitcast3A_334 = vector.bitcast %gather3A_324 : vector<16xi32> to vector<16xf32>
        %add3A_335 = arith.addf %add3A_276, %bitcast3A_328 : vector<16xf32>
        %add3A_336 = arith.addf %add3A_277, %bitcast3A_332 : vector<16xf32>
        %add3A_337 = arith.addf %add3A_278, %bitcast3A_333 : vector<16xf32>
        %add3A_338 = arith.addf %add3A_279, %bitcast3A_334 : vector<16xf32>
        %add3A_339 = arith.constant 10240 : i32
        %add3A_340 = vector.broadcast %add3A_339 : i32 to vector<16xi32>
        %add3A_341 = arith.addi %and3A_313, %add3A_340 : vector<16xi32>
        %gather3A_342 = tpu.vector_load_idx %arg5[%add3A_341] : memref<20480xi32, #tpu.memory_space<vmem>>[vector<16xi32>], vector<16xi32>,
        %add3A_343 = arith.constant 10240 : i32
        %add3A_344 = vector.broadcast %add3A_343 : i32 to vector<16xi32>
        %add3A_345 = arith.addi %shift_right_logical3A_316, %add3A_344 : vector<16xi32>
        %gather3A_346 = tpu.vector_load_idx %arg5[%add3A_345] : memref<20480xi32, #tpu.memory_space<vmem>>[vector<16xi32>], vector<16xi32>,
        %shift_left3A_347 = arith.constant 16 : i32
        %shift_left3A_348 = vector.broadcast %shift_left3A_347 : i32 to vector<16xi32>
        %shift_left3A_349 = arith.shli %gather3A_342, %shift_left3A_348 : vector<16xi32>
        %bitcast3A_350 = vector.bitcast %shift_left3A_349 : vector<16xi32> to vector<16xf32>
        %shift_left3A_351 = arith.constant 16 : i32
        %shift_left3A_352 = vector.broadcast %shift_left3A_351 : i32 to vector<16xi32>
        %shift_left3A_353 = arith.shli %gather3A_346, %shift_left3A_352 : vector<16xi32>
        %bitcast3A_354 = vector.bitcast %shift_left3A_353 : vector<16xi32> to vector<16xf32>
        %bitcast3A_355 = vector.bitcast %gather3A_342 : vector<16xi32> to vector<16xf32>
        %bitcast3A_356 = vector.bitcast %gather3A_346 : vector<16xi32> to vector<16xf32>
        %add3A_357 = arith.addf %add3A_298, %bitcast3A_350 : vector<16xf32>
        %add3A_358 = arith.addf %add3A_299, %bitcast3A_354 : vector<16xf32>
        %add3A_359 = arith.addf %add3A_300, %bitcast3A_355 : vector<16xf32>
        %add3A_360 = arith.addf %add3A_301, %bitcast3A_356 : vector<16xf32>
        %mul3A_361 = arith.constant 8192 : i32
        %mul3A_362 = arith.muli %and3A_95, %mul3A_361 : i32
        %add3A_363 = arith.constant 1024 : i32
        %add3A_364 = arith.addi %mul3A_362, %add3A_363 : i32
        %mul3A_365 = arith.constant 16 : i32
        %mul3A_366 = arith.muli %scan3A_136, %mul3A_365 : i32
        %add3A_367 = arith.addi %add3A_364, %mul3A_366 : i32
        %get3A_368 = arith.index_cast %add3A_367 : i32 to index
        %get3A_369 = tpu.vector_load %arg6[%get3A_368] {strides = array<i32>} : memref<16384xi32, #tpu.memory_space<vmem>>, vector<16xi32>,
        %and3A_370 = arith.constant 65535 : i32
        %and3A_371 = vector.broadcast %and3A_370 : i32 to vector<16xi32>
        %and3A_372 = arith.andi %get3A_369, %and3A_371 : vector<16xi32>
        %shift_right_logical3A_373 = arith.constant 16 : i32
        %shift_right_logical3A_374 = vector.broadcast %shift_right_logical3A_373 : i32 to vector<16xi32>
        %shift_right_logical3A_375 = arith.shrui %get3A_369, %shift_right_logical3A_374 : vector<16xi32>
        %add3A_376 = arith.constant 0 : i32
        %add3A_377 = vector.broadcast %add3A_376 : i32 to vector<16xi32>
        %add3A_378 = arith.addi %and3A_372, %add3A_377 : vector<16xi32>
        %gather3A_379 = tpu.vector_load_idx %arg5[%add3A_378] : memref<20480xi32, #tpu.memory_space<vmem>>[vector<16xi32>], vector<16xi32>,
        %add3A_380 = arith.constant 0 : i32
        %add3A_381 = vector.broadcast %add3A_380 : i32 to vector<16xi32>
        %add3A_382 = arith.addi %shift_right_logical3A_375, %add3A_381 : vector<16xi32>
        %gather3A_383 = tpu.vector_load_idx %arg5[%add3A_382] : memref<20480xi32, #tpu.memory_space<vmem>>[vector<16xi32>], vector<16xi32>,
        %shift_left3A_384 = arith.constant 16 : i32
        %shift_left3A_385 = vector.broadcast %shift_left3A_384 : i32 to vector<16xi32>
        %shift_left3A_386 = arith.shli %gather3A_379, %shift_left3A_385 : vector<16xi32>
        %bitcast3A_387 = vector.bitcast %shift_left3A_386 : vector<16xi32> to vector<16xf32>
        %shift_left3A_388 = arith.constant 16 : i32
        %shift_left3A_389 = vector.broadcast %shift_left3A_388 : i32 to vector<16xi32>
        %shift_left3A_390 = arith.shli %gather3A_383, %shift_left3A_389 : vector<16xi32>
        %bitcast3A_391 = vector.bitcast %shift_left3A_390 : vector<16xi32> to vector<16xf32>
        %bitcast3A_392 = vector.bitcast %gather3A_379 : vector<16xi32> to vector<16xf32>
        %bitcast3A_393 = vector.bitcast %gather3A_383 : vector<16xi32> to vector<16xf32>
        %add3A_394 = arith.addf %add3A_335, %bitcast3A_387 : vector<16xf32>
        %add3A_395 = arith.addf %add3A_336, %bitcast3A_391 : vector<16xf32>
        %add3A_396 = arith.addf %add3A_337, %bitcast3A_392 : vector<16xf32>
        %add3A_397 = arith.addf %add3A_338, %bitcast3A_393 : vector<16xf32>
        %add3A_398 = arith.constant 10240 : i32
        %add3A_399 = vector.broadcast %add3A_398 : i32 to vector<16xi32>
        %add3A_400 = arith.addi %and3A_372, %add3A_399 : vector<16xi32>
        %gather3A_401 = tpu.vector_load_idx %arg5[%add3A_400] : memref<20480xi32, #tpu.memory_space<vmem>>[vector<16xi32>], vector<16xi32>,
        %add3A_402 = arith.constant 10240 : i32
        %add3A_403 = vector.broadcast %add3A_402 : i32 to vector<16xi32>
        %add3A_404 = arith.addi %shift_right_logical3A_375, %add3A_403 : vector<16xi32>
        %gather3A_405 = tpu.vector_load_idx %arg5[%add3A_404] : memref<20480xi32, #tpu.memory_space<vmem>>[vector<16xi32>], vector<16xi32>,
        %shift_left3A_406 = arith.constant 16 : i32
        %shift_left3A_407 = vector.broadcast %shift_left3A_406 : i32 to vector<16xi32>
        %shift_left3A_408 = arith.shli %gather3A_401, %shift_left3A_407 : vector<16xi32>
        %bitcast3A_409 = vector.bitcast %shift_left3A_408 : vector<16xi32> to vector<16xf32>
        %shift_left3A_410 = arith.constant 16 : i32
        %shift_left3A_411 = vector.broadcast %shift_left3A_410 : i32 to vector<16xi32>
        %shift_left3A_412 = arith.shli %gather3A_405, %shift_left3A_411 : vector<16xi32>
        %bitcast3A_413 = vector.bitcast %shift_left3A_412 : vector<16xi32> to vector<16xf32>
        %bitcast3A_414 = vector.bitcast %gather3A_401 : vector<16xi32> to vector<16xf32>
        %bitcast3A_415 = vector.bitcast %gather3A_405 : vector<16xi32> to vector<16xf32>
        %add3A_416 = arith.addf %add3A_357, %bitcast3A_409 : vector<16xf32>
        %add3A_417 = arith.addf %add3A_358, %bitcast3A_413 : vector<16xf32>
        %add3A_418 = arith.addf %add3A_359, %bitcast3A_414 : vector<16xf32>
        %add3A_419 = arith.addf %add3A_360, %bitcast3A_415 : vector<16xf32>
        %mul3A_420 = arith.constant 8192 : i32
        %mul3A_421 = arith.muli %and3A_95, %mul3A_420 : i32
        %add3A_422 = arith.constant 1280 : i32
        %add3A_423 = arith.addi %mul3A_421, %add3A_422 : i32
        %mul3A_424 = arith.constant 16 : i32
        %mul3A_425 = arith.muli %scan3A_136, %mul3A_424 : i32
        %add3A_426 = arith.addi %add3A_423, %mul3A_425 : i32
        %get3A_427 = arith.index_cast %add3A_426 : i32 to index
        %get3A_428 = tpu.vector_load %arg6[%get3A_427] {strides = array<i32>} : memref<16384xi32, #tpu.memory_space<vmem>>, vector<16xi32>,
        %and3A_429 = arith.constant 65535 : i32
        %and3A_430 = vector.broadcast %and3A_429 : i32 to vector<16xi32>
        %and3A_431 = arith.andi %get3A_428, %and3A_430 : vector<16xi32>
        %shift_right_logical3A_432 = arith.constant 16 : i32
        %shift_right_logical3A_433 = vector.broadcast %shift_right_logical3A_432 : i32 to vector<16xi32>
        %shift_right_logical3A_434 = arith.shrui %get3A_428, %shift_right_logical3A_433 : vector<16xi32>
        %add3A_435 = arith.constant 0 : i32
        %add3A_436 = vector.broadcast %add3A_435 : i32 to vector<16xi32>
        %add3A_437 = arith.addi %and3A_431, %add3A_436 : vector<16xi32>
        %gather3A_438 = tpu.vector_load_idx %arg5[%add3A_437] : memref<20480xi32, #tpu.memory_space<vmem>>[vector<16xi32>], vector<16xi32>,
        %add3A_439 = arith.constant 0 : i32
        %add3A_440 = vector.broadcast %add3A_439 : i32 to vector<16xi32>
        %add3A_441 = arith.addi %shift_right_logical3A_434, %add3A_440 : vector<16xi32>
        %gather3A_442 = tpu.vector_load_idx %arg5[%add3A_441] : memref<20480xi32, #tpu.memory_space<vmem>>[vector<16xi32>], vector<16xi32>,
        %shift_left3A_443 = arith.constant 16 : i32
        %shift_left3A_444 = vector.broadcast %shift_left3A_443 : i32 to vector<16xi32>
        %shift_left3A_445 = arith.shli %gather3A_438, %shift_left3A_444 : vector<16xi32>
        %bitcast3A_446 = vector.bitcast %shift_left3A_445 : vector<16xi32> to vector<16xf32>
        %shift_left3A_447 = arith.constant 16 : i32
        %shift_left3A_448 = vector.broadcast %shift_left3A_447 : i32 to vector<16xi32>
        %shift_left3A_449 = arith.shli %gather3A_442, %shift_left3A_448 : vector<16xi32>
        %bitcast3A_450 = vector.bitcast %shift_left3A_449 : vector<16xi32> to vector<16xf32>
        %bitcast3A_451 = vector.bitcast %gather3A_438 : vector<16xi32> to vector<16xf32>
        %bitcast3A_452 = vector.bitcast %gather3A_442 : vector<16xi32> to vector<16xf32>
        %add3A_453 = arith.addf %add3A_394, %bitcast3A_446 : vector<16xf32>
        %add3A_454 = arith.addf %add3A_395, %bitcast3A_450 : vector<16xf32>
        %add3A_455 = arith.addf %add3A_396, %bitcast3A_451 : vector<16xf32>
        %add3A_456 = arith.addf %add3A_397, %bitcast3A_452 : vector<16xf32>
        %add3A_457 = arith.constant 10240 : i32
        %add3A_458 = vector.broadcast %add3A_457 : i32 to vector<16xi32>
        %add3A_459 = arith.addi %and3A_431, %add3A_458 : vector<16xi32>
        %gather3A_460 = tpu.vector_load_idx %arg5[%add3A_459] : memref<20480xi32, #tpu.memory_space<vmem>>[vector<16xi32>], vector<16xi32>,
        %add3A_461 = arith.constant 10240 : i32
        %add3A_462 = vector.broadcast %add3A_461 : i32 to vector<16xi32>
        %add3A_463 = arith.addi %shift_right_logical3A_434, %add3A_462 : vector<16xi32>
        %gather3A_464 = tpu.vector_load_idx %arg5[%add3A_463] : memref<20480xi32, #tpu.memory_space<vmem>>[vector<16xi32>], vector<16xi32>,
        %shift_left3A_465 = arith.constant 16 : i32
        %shift_left3A_466 = vector.broadcast %shift_left3A_465 : i32 to vector<16xi32>
        %shift_left3A_467 = arith.shli %gather3A_460, %shift_left3A_466 : vector<16xi32>
        %bitcast3A_468 = vector.bitcast %shift_left3A_467 : vector<16xi32> to vector<16xf32>
        %shift_left3A_469 = arith.constant 16 : i32
        %shift_left3A_470 = vector.broadcast %shift_left3A_469 : i32 to vector<16xi32>
        %shift_left3A_471 = arith.shli %gather3A_464, %shift_left3A_470 : vector<16xi32>
        %bitcast3A_472 = vector.bitcast %shift_left3A_471 : vector<16xi32> to vector<16xf32>
        %bitcast3A_473 = vector.bitcast %gather3A_460 : vector<16xi32> to vector<16xf32>
        %bitcast3A_474 = vector.bitcast %gather3A_464 : vector<16xi32> to vector<16xf32>
        %add3A_475 = arith.addf %add3A_416, %bitcast3A_468 : vector<16xf32>
        %add3A_476 = arith.addf %add3A_417, %bitcast3A_472 : vector<16xf32>
        %add3A_477 = arith.addf %add3A_418, %bitcast3A_473 : vector<16xf32>
        %add3A_478 = arith.addf %add3A_419, %bitcast3A_474 : vector<16xf32>
        %mul3A_479 = arith.constant 8192 : i32
        %mul3A_480 = arith.muli %and3A_95, %mul3A_479 : i32
        %add3A_481 = arith.constant 1536 : i32
        %add3A_482 = arith.addi %mul3A_480, %add3A_481 : i32
        %mul3A_483 = arith.constant 16 : i32
        %mul3A_484 = arith.muli %scan3A_136, %mul3A_483 : i32
        %add3A_485 = arith.addi %add3A_482, %mul3A_484 : i32
        %get3A_486 = arith.index_cast %add3A_485 : i32 to index
        %get3A_487 = tpu.vector_load %arg6[%get3A_486] {strides = array<i32>} : memref<16384xi32, #tpu.memory_space<vmem>>, vector<16xi32>,
        %and3A_488 = arith.constant 65535 : i32
        %and3A_489 = vector.broadcast %and3A_488 : i32 to vector<16xi32>
        %and3A_490 = arith.andi %get3A_487, %and3A_489 : vector<16xi32>
        %shift_right_logical3A_491 = arith.constant 16 : i32
        %shift_right_logical3A_492 = vector.broadcast %shift_right_logical3A_491 : i32 to vector<16xi32>
        %shift_right_logical3A_493 = arith.shrui %get3A_487, %shift_right_logical3A_492 : vector<16xi32>
        %add3A_494 = arith.constant 0 : i32
        %add3A_495 = vector.broadcast %add3A_494 : i32 to vector<16xi32>
        %add3A_496 = arith.addi %and3A_490, %add3A_495 : vector<16xi32>
        %gather3A_497 = tpu.vector_load_idx %arg5[%add3A_496] : memref<20480xi32, #tpu.memory_space<vmem>>[vector<16xi32>], vector<16xi32>,
        %add3A_498 = arith.constant 0 : i32
        %add3A_499 = vector.broadcast %add3A_498 : i32 to vector<16xi32>
        %add3A_500 = arith.addi %shift_right_logical3A_493, %add3A_499 : vector<16xi32>
        %gather3A_501 = tpu.vector_load_idx %arg5[%add3A_500] : memref<20480xi32, #tpu.memory_space<vmem>>[vector<16xi32>], vector<16xi32>,
        %shift_left3A_502 = arith.constant 16 : i32
        %shift_left3A_503 = vector.broadcast %shift_left3A_502 : i32 to vector<16xi32>
        %shift_left3A_504 = arith.shli %gather3A_497, %shift_left3A_503 : vector<16xi32>
        %bitcast3A_505 = vector.bitcast %shift_left3A_504 : vector<16xi32> to vector<16xf32>
        %shift_left3A_506 = arith.constant 16 : i32
        %shift_left3A_507 = vector.broadcast %shift_left3A_506 : i32 to vector<16xi32>
        %shift_left3A_508 = arith.shli %gather3A_501, %shift_left3A_507 : vector<16xi32>
        %bitcast3A_509 = vector.bitcast %shift_left3A_508 : vector<16xi32> to vector<16xf32>
        %bitcast3A_510 = vector.bitcast %gather3A_497 : vector<16xi32> to vector<16xf32>
        %bitcast3A_511 = vector.bitcast %gather3A_501 : vector<16xi32> to vector<16xf32>
        %add3A_512 = arith.addf %add3A_453, %bitcast3A_505 : vector<16xf32>
        %add3A_513 = arith.addf %add3A_454, %bitcast3A_509 : vector<16xf32>
        %add3A_514 = arith.addf %add3A_455, %bitcast3A_510 : vector<16xf32>
        %add3A_515 = arith.addf %add3A_456, %bitcast3A_511 : vector<16xf32>
        %add3A_516 = arith.constant 10240 : i32
        %add3A_517 = vector.broadcast %add3A_516 : i32 to vector<16xi32>
        %add3A_518 = arith.addi %and3A_490, %add3A_517 : vector<16xi32>
        %gather3A_519 = tpu.vector_load_idx %arg5[%add3A_518] : memref<20480xi32, #tpu.memory_space<vmem>>[vector<16xi32>], vector<16xi32>,
        %add3A_520 = arith.constant 10240 : i32
        %add3A_521 = vector.broadcast %add3A_520 : i32 to vector<16xi32>
        %add3A_522 = arith.addi %shift_right_logical3A_493, %add3A_521 : vector<16xi32>
        %gather3A_523 = tpu.vector_load_idx %arg5[%add3A_522] : memref<20480xi32, #tpu.memory_space<vmem>>[vector<16xi32>], vector<16xi32>,
        %shift_left3A_524 = arith.constant 16 : i32
        %shift_left3A_525 = vector.broadcast %shift_left3A_524 : i32 to vector<16xi32>
        %shift_left3A_526 = arith.shli %gather3A_519, %shift_left3A_525 : vector<16xi32>
        %bitcast3A_527 = vector.bitcast %shift_left3A_526 : vector<16xi32> to vector<16xf32>
        %shift_left3A_528 = arith.constant 16 : i32
        %shift_left3A_529 = vector.broadcast %shift_left3A_528 : i32 to vector<16xi32>
        %shift_left3A_530 = arith.shli %gather3A_523, %shift_left3A_529 : vector<16xi32>
        %bitcast3A_531 = vector.bitcast %shift_left3A_530 : vector<16xi32> to vector<16xf32>
        %bitcast3A_532 = vector.bitcast %gather3A_519 : vector<16xi32> to vector<16xf32>
        %bitcast3A_533 = vector.bitcast %gather3A_523 : vector<16xi32> to vector<16xf32>
        %add3A_534 = arith.addf %add3A_475, %bitcast3A_527 : vector<16xf32>
        %add3A_535 = arith.addf %add3A_476, %bitcast3A_531 : vector<16xf32>
        %add3A_536 = arith.addf %add3A_477, %bitcast3A_532 : vector<16xf32>
        %add3A_537 = arith.addf %add3A_478, %bitcast3A_533 : vector<16xf32>
        %mul3A_538 = arith.constant 8192 : i32
        %mul3A_539 = arith.muli %and3A_95, %mul3A_538 : i32
        %add3A_540 = arith.constant 1792 : i32
        %add3A_541 = arith.addi %mul3A_539, %add3A_540 : i32
        %mul3A_542 = arith.constant 16 : i32
        %mul3A_543 = arith.muli %scan3A_136, %mul3A_542 : i32
        %add3A_544 = arith.addi %add3A_541, %mul3A_543 : i32
        %get3A_545 = arith.index_cast %add3A_544 : i32 to index
        %get3A_546 = tpu.vector_load %arg6[%get3A_545] {strides = array<i32>} : memref<16384xi32, #tpu.memory_space<vmem>>, vector<16xi32>,
        %and3A_547 = arith.constant 65535 : i32
        %and3A_548 = vector.broadcast %and3A_547 : i32 to vector<16xi32>
        %and3A_549 = arith.andi %get3A_546, %and3A_548 : vector<16xi32>
        %shift_right_logical3A_550 = arith.constant 16 : i32
        %shift_right_logical3A_551 = vector.broadcast %shift_right_logical3A_550 : i32 to vector<16xi32>
        %shift_right_logical3A_552 = arith.shrui %get3A_546, %shift_right_logical3A_551 : vector<16xi32>
        %add3A_553 = arith.constant 0 : i32
        %add3A_554 = vector.broadcast %add3A_553 : i32 to vector<16xi32>
        %add3A_555 = arith.addi %and3A_549, %add3A_554 : vector<16xi32>
        %gather3A_556 = tpu.vector_load_idx %arg5[%add3A_555] : memref<20480xi32, #tpu.memory_space<vmem>>[vector<16xi32>], vector<16xi32>,
        %add3A_557 = arith.constant 0 : i32
        %add3A_558 = vector.broadcast %add3A_557 : i32 to vector<16xi32>
        %add3A_559 = arith.addi %shift_right_logical3A_552, %add3A_558 : vector<16xi32>
        %gather3A_560 = tpu.vector_load_idx %arg5[%add3A_559] : memref<20480xi32, #tpu.memory_space<vmem>>[vector<16xi32>], vector<16xi32>,
        %shift_left3A_561 = arith.constant 16 : i32
        %shift_left3A_562 = vector.broadcast %shift_left3A_561 : i32 to vector<16xi32>
        %shift_left3A_563 = arith.shli %gather3A_556, %shift_left3A_562 : vector<16xi32>
        %bitcast3A_564 = vector.bitcast %shift_left3A_563 : vector<16xi32> to vector<16xf32>
        %shift_left3A_565 = arith.constant 16 : i32
        %shift_left3A_566 = vector.broadcast %shift_left3A_565 : i32 to vector<16xi32>
        %shift_left3A_567 = arith.shli %gather3A_560, %shift_left3A_566 : vector<16xi32>
        %bitcast3A_568 = vector.bitcast %shift_left3A_567 : vector<16xi32> to vector<16xf32>
        %bitcast3A_569 = vector.bitcast %gather3A_556 : vector<16xi32> to vector<16xf32>
        %bitcast3A_570 = vector.bitcast %gather3A_560 : vector<16xi32> to vector<16xf32>
        %add3A_571 = arith.addf %add3A_512, %bitcast3A_564 : vector<16xf32>
        %add3A_572 = arith.addf %add3A_513, %bitcast3A_568 : vector<16xf32>
        %add3A_573 = arith.addf %add3A_514, %bitcast3A_569 : vector<16xf32>
        %add3A_574 = arith.addf %add3A_515, %bitcast3A_570 : vector<16xf32>
        %add3A_575 = arith.constant 10240 : i32
        %add3A_576 = vector.broadcast %add3A_575 : i32 to vector<16xi32>
        %add3A_577 = arith.addi %and3A_549, %add3A_576 : vector<16xi32>
        %gather3A_578 = tpu.vector_load_idx %arg5[%add3A_577] : memref<20480xi32, #tpu.memory_space<vmem>>[vector<16xi32>], vector<16xi32>,
        %add3A_579 = arith.constant 10240 : i32
        %add3A_580 = vector.broadcast %add3A_579 : i32 to vector<16xi32>
        %add3A_581 = arith.addi %shift_right_logical3A_552, %add3A_580 : vector<16xi32>
        %gather3A_582 = tpu.vector_load_idx %arg5[%add3A_581] : memref<20480xi32, #tpu.memory_space<vmem>>[vector<16xi32>], vector<16xi32>,
        %shift_left3A_583 = arith.constant 16 : i32
        %shift_left3A_584 = vector.broadcast %shift_left3A_583 : i32 to vector<16xi32>
        %shift_left3A_585 = arith.shli %gather3A_578, %shift_left3A_584 : vector<16xi32>
        %bitcast3A_586 = vector.bitcast %shift_left3A_585 : vector<16xi32> to vector<16xf32>
        %shift_left3A_587 = arith.constant 16 : i32
        %shift_left3A_588 = vector.broadcast %shift_left3A_587 : i32 to vector<16xi32>
        %shift_left3A_589 = arith.shli %gather3A_582, %shift_left3A_588 : vector<16xi32>
        %bitcast3A_590 = vector.bitcast %shift_left3A_589 : vector<16xi32> to vector<16xf32>
        %bitcast3A_591 = vector.bitcast %gather3A_578 : vector<16xi32> to vector<16xf32>
        %bitcast3A_592 = vector.bitcast %gather3A_582 : vector<16xi32> to vector<16xf32>
        %add3A_593 = arith.addf %add3A_534, %bitcast3A_586 : vector<16xf32>
        %add3A_594 = arith.addf %add3A_535, %bitcast3A_590 : vector<16xf32>
        %add3A_595 = arith.addf %add3A_536, %bitcast3A_591 : vector<16xf32>
        %add3A_596 = arith.addf %add3A_537, %bitcast3A_592 : vector<16xf32>
        %mul3A_597 = arith.constant 8192 : i32
        %mul3A_598 = arith.muli %and3A_95, %mul3A_597 : i32
        %add3A_599 = arith.constant 2048 : i32
        %add3A_600 = arith.addi %mul3A_598, %add3A_599 : i32
        %mul3A_601 = arith.constant 16 : i32
        %mul3A_602 = arith.muli %scan3A_136, %mul3A_601 : i32
        %add3A_603 = arith.addi %add3A_600, %mul3A_602 : i32
        %get3A_604 = arith.index_cast %add3A_603 : i32 to index
        %get3A_605 = tpu.vector_load %arg6[%get3A_604] {strides = array<i32>} : memref<16384xi32, #tpu.memory_space<vmem>>, vector<16xi32>,
        %and3A_606 = arith.constant 65535 : i32
        %and3A_607 = vector.broadcast %and3A_606 : i32 to vector<16xi32>
        %and3A_608 = arith.andi %get3A_605, %and3A_607 : vector<16xi32>
        %shift_right_logical3A_609 = arith.constant 16 : i32
        %shift_right_logical3A_610 = vector.broadcast %shift_right_logical3A_609 : i32 to vector<16xi32>
        %shift_right_logical3A_611 = arith.shrui %get3A_605, %shift_right_logical3A_610 : vector<16xi32>
        %add3A_612 = arith.constant 0 : i32
        %add3A_613 = vector.broadcast %add3A_612 : i32 to vector<16xi32>
        %add3A_614 = arith.addi %and3A_608, %add3A_613 : vector<16xi32>
        %gather3A_615 = tpu.vector_load_idx %arg5[%add3A_614] : memref<20480xi32, #tpu.memory_space<vmem>>[vector<16xi32>], vector<16xi32>,
        %add3A_616 = arith.constant 0 : i32
        %add3A_617 = vector.broadcast %add3A_616 : i32 to vector<16xi32>
        %add3A_618 = arith.addi %shift_right_logical3A_611, %add3A_617 : vector<16xi32>
        %gather3A_619 = tpu.vector_load_idx %arg5[%add3A_618] : memref<20480xi32, #tpu.memory_space<vmem>>[vector<16xi32>], vector<16xi32>,
        %shift_left3A_620 = arith.constant 16 : i32
        %shift_left3A_621 = vector.broadcast %shift_left3A_620 : i32 to vector<16xi32>
        %shift_left3A_622 = arith.shli %gather3A_615, %shift_left3A_621 : vector<16xi32>
        %bitcast3A_623 = vector.bitcast %shift_left3A_622 : vector<16xi32> to vector<16xf32>
        %shift_left3A_624 = arith.constant 16 : i32
        %shift_left3A_625 = vector.broadcast %shift_left3A_624 : i32 to vector<16xi32>
        %shift_left3A_626 = arith.shli %gather3A_619, %shift_left3A_625 : vector<16xi32>
        %bitcast3A_627 = vector.bitcast %shift_left3A_626 : vector<16xi32> to vector<16xf32>
        %bitcast3A_628 = vector.bitcast %gather3A_615 : vector<16xi32> to vector<16xf32>
        %bitcast3A_629 = vector.bitcast %gather3A_619 : vector<16xi32> to vector<16xf32>
        %add3A_630 = arith.addf %add3A_571, %bitcast3A_623 : vector<16xf32>
        %add3A_631 = arith.addf %add3A_572, %bitcast3A_627 : vector<16xf32>
        %add3A_632 = arith.addf %add3A_573, %bitcast3A_628 : vector<16xf32>
        %add3A_633 = arith.addf %add3A_574, %bitcast3A_629 : vector<16xf32>
        %add3A_634 = arith.constant 10240 : i32
        %add3A_635 = vector.broadcast %add3A_634 : i32 to vector<16xi32>
        %add3A_636 = arith.addi %and3A_608, %add3A_635 : vector<16xi32>
        %gather3A_637 = tpu.vector_load_idx %arg5[%add3A_636] : memref<20480xi32, #tpu.memory_space<vmem>>[vector<16xi32>], vector<16xi32>,
        %add3A_638 = arith.constant 10240 : i32
        %add3A_639 = vector.broadcast %add3A_638 : i32 to vector<16xi32>
        %add3A_640 = arith.addi %shift_right_logical3A_611, %add3A_639 : vector<16xi32>
        %gather3A_641 = tpu.vector_load_idx %arg5[%add3A_640] : memref<20480xi32, #tpu.memory_space<vmem>>[vector<16xi32>], vector<16xi32>,
        %shift_left3A_642 = arith.constant 16 : i32
        %shift_left3A_643 = vector.broadcast %shift_left3A_642 : i32 to vector<16xi32>
        %shift_left3A_644 = arith.shli %gather3A_637, %shift_left3A_643 : vector<16xi32>
        %bitcast3A_645 = vector.bitcast %shift_left3A_644 : vector<16xi32> to vector<16xf32>
        %shift_left3A_646 = arith.constant 16 : i32
        %shift_left3A_647 = vector.broadcast %shift_left3A_646 : i32 to vector<16xi32>
        %shift_left3A_648 = arith.shli %gather3A_641, %shift_left3A_647 : vector<16xi32>
        %bitcast3A_649 = vector.bitcast %shift_left3A_648 : vector<16xi32> to vector<16xf32>
        %bitcast3A_650 = vector.bitcast %gather3A_637 : vector<16xi32> to vector<16xf32>
        %bitcast3A_651 = vector.bitcast %gather3A_641 : vector<16xi32> to vector<16xf32>
        %add3A_652 = arith.addf %add3A_593, %bitcast3A_645 : vector<16xf32>
        %add3A_653 = arith.addf %add3A_594, %bitcast3A_649 : vector<16xf32>
        %add3A_654 = arith.addf %add3A_595, %bitcast3A_650 : vector<16xf32>
        %add3A_655 = arith.addf %add3A_596, %bitcast3A_651 : vector<16xf32>
        %mul3A_656 = arith.constant 8192 : i32
        %mul3A_657 = arith.muli %and3A_95, %mul3A_656 : i32
        %add3A_658 = arith.constant 2304 : i32
        %add3A_659 = arith.addi %mul3A_657, %add3A_658 : i32
        %mul3A_660 = arith.constant 16 : i32
        %mul3A_661 = arith.muli %scan3A_136, %mul3A_660 : i32
        %add3A_662 = arith.addi %add3A_659, %mul3A_661 : i32
        %get3A_663 = arith.index_cast %add3A_662 : i32 to index
        %get3A_664 = tpu.vector_load %arg6[%get3A_663] {strides = array<i32>} : memref<16384xi32, #tpu.memory_space<vmem>>, vector<16xi32>,
        %and3A_665 = arith.constant 65535 : i32
        %and3A_666 = vector.broadcast %and3A_665 : i32 to vector<16xi32>
        %and3A_667 = arith.andi %get3A_664, %and3A_666 : vector<16xi32>
        %shift_right_logical3A_668 = arith.constant 16 : i32
        %shift_right_logical3A_669 = vector.broadcast %shift_right_logical3A_668 : i32 to vector<16xi32>
        %shift_right_logical3A_670 = arith.shrui %get3A_664, %shift_right_logical3A_669 : vector<16xi32>
        %add3A_671 = arith.constant 0 : i32
        %add3A_672 = vector.broadcast %add3A_671 : i32 to vector<16xi32>
        %add3A_673 = arith.addi %and3A_667, %add3A_672 : vector<16xi32>
        %gather3A_674 = tpu.vector_load_idx %arg5[%add3A_673] : memref<20480xi32, #tpu.memory_space<vmem>>[vector<16xi32>], vector<16xi32>,
        %add3A_675 = arith.constant 0 : i32
        %add3A_676 = vector.broadcast %add3A_675 : i32 to vector<16xi32>
        %add3A_677 = arith.addi %shift_right_logical3A_670, %add3A_676 : vector<16xi32>
        %gather3A_678 = tpu.vector_load_idx %arg5[%add3A_677] : memref<20480xi32, #tpu.memory_space<vmem>>[vector<16xi32>], vector<16xi32>,
        %shift_left3A_679 = arith.constant 16 : i32
        %shift_left3A_680 = vector.broadcast %shift_left3A_679 : i32 to vector<16xi32>
        %shift_left3A_681 = arith.shli %gather3A_674, %shift_left3A_680 : vector<16xi32>
        %bitcast3A_682 = vector.bitcast %shift_left3A_681 : vector<16xi32> to vector<16xf32>
        %shift_left3A_683 = arith.constant 16 : i32
        %shift_left3A_684 = vector.broadcast %shift_left3A_683 : i32 to vector<16xi32>
        %shift_left3A_685 = arith.shli %gather3A_678, %shift_left3A_684 : vector<16xi32>
        %bitcast3A_686 = vector.bitcast %shift_left3A_685 : vector<16xi32> to vector<16xf32>
        %bitcast3A_687 = vector.bitcast %gather3A_674 : vector<16xi32> to vector<16xf32>
        %bitcast3A_688 = vector.bitcast %gather3A_678 : vector<16xi32> to vector<16xf32>
        %add3A_689 = arith.addf %add3A_630, %bitcast3A_682 : vector<16xf32>
        %add3A_690 = arith.addf %add3A_631, %bitcast3A_686 : vector<16xf32>
        %add3A_691 = arith.addf %add3A_632, %bitcast3A_687 : vector<16xf32>
        %add3A_692 = arith.addf %add3A_633, %bitcast3A_688 : vector<16xf32>
        %add3A_693 = arith.constant 10240 : i32
        %add3A_694 = vector.broadcast %add3A_693 : i32 to vector<16xi32>
        %add3A_695 = arith.addi %and3A_667, %add3A_694 : vector<16xi32>
        %gather3A_696 = tpu.vector_load_idx %arg5[%add3A_695] : memref<20480xi32, #tpu.memory_space<vmem>>[vector<16xi32>], vector<16xi32>,
        %add3A_697 = arith.constant 10240 : i32
        %add3A_698 = vector.broadcast %add3A_697 : i32 to vector<16xi32>
        %add3A_699 = arith.addi %shift_right_logical3A_670, %add3A_698 : vector<16xi32>
        %gather3A_700 = tpu.vector_load_idx %arg5[%add3A_699] : memref<20480xi32, #tpu.memory_space<vmem>>[vector<16xi32>], vector<16xi32>,
        %shift_left3A_701 = arith.constant 16 : i32
        %shift_left3A_702 = vector.broadcast %shift_left3A_701 : i32 to vector<16xi32>
        %shift_left3A_703 = arith.shli %gather3A_696, %shift_left3A_702 : vector<16xi32>
        %bitcast3A_704 = vector.bitcast %shift_left3A_703 : vector<16xi32> to vector<16xf32>
        %shift_left3A_705 = arith.constant 16 : i32
        %shift_left3A_706 = vector.broadcast %shift_left3A_705 : i32 to vector<16xi32>
        %shift_left3A_707 = arith.shli %gather3A_700, %shift_left3A_706 : vector<16xi32>
        %bitcast3A_708 = vector.bitcast %shift_left3A_707 : vector<16xi32> to vector<16xf32>
        %bitcast3A_709 = vector.bitcast %gather3A_696 : vector<16xi32> to vector<16xf32>
        %bitcast3A_710 = vector.bitcast %gather3A_700 : vector<16xi32> to vector<16xf32>
        %add3A_711 = arith.addf %add3A_652, %bitcast3A_704 : vector<16xf32>
        %add3A_712 = arith.addf %add3A_653, %bitcast3A_708 : vector<16xf32>
        %add3A_713 = arith.addf %add3A_654, %bitcast3A_709 : vector<16xf32>
        %add3A_714 = arith.addf %add3A_655, %bitcast3A_710 : vector<16xf32>
        %mul3A_715 = arith.constant 8192 : i32
        %mul3A_716 = arith.muli %and3A_95, %mul3A_715 : i32
        %add3A_717 = arith.constant 2560 : i32
        %add3A_718 = arith.addi %mul3A_716, %add3A_717 : i32
        %mul3A_719 = arith.constant 16 : i32
        %mul3A_720 = arith.muli %scan3A_136, %mul3A_719 : i32
        %add3A_721 = arith.addi %add3A_718, %mul3A_720 : i32
        %get3A_722 = arith.index_cast %add3A_721 : i32 to index
        %get3A_723 = tpu.vector_load %arg6[%get3A_722] {strides = array<i32>} : memref<16384xi32, #tpu.memory_space<vmem>>, vector<16xi32>,
        %and3A_724 = arith.constant 65535 : i32
        %and3A_725 = vector.broadcast %and3A_724 : i32 to vector<16xi32>
        %and3A_726 = arith.andi %get3A_723, %and3A_725 : vector<16xi32>
        %shift_right_logical3A_727 = arith.constant 16 : i32
        %shift_right_logical3A_728 = vector.broadcast %shift_right_logical3A_727 : i32 to vector<16xi32>
        %shift_right_logical3A_729 = arith.shrui %get3A_723, %shift_right_logical3A_728 : vector<16xi32>
        %add3A_730 = arith.constant 0 : i32
        %add3A_731 = vector.broadcast %add3A_730 : i32 to vector<16xi32>
        %add3A_732 = arith.addi %and3A_726, %add3A_731 : vector<16xi32>
        %gather3A_733 = tpu.vector_load_idx %arg5[%add3A_732] : memref<20480xi32, #tpu.memory_space<vmem>>[vector<16xi32>], vector<16xi32>,
        %add3A_734 = arith.constant 0 : i32
        %add3A_735 = vector.broadcast %add3A_734 : i32 to vector<16xi32>
        %add3A_736 = arith.addi %shift_right_logical3A_729, %add3A_735 : vector<16xi32>
        %gather3A_737 = tpu.vector_load_idx %arg5[%add3A_736] : memref<20480xi32, #tpu.memory_space<vmem>>[vector<16xi32>], vector<16xi32>,
        %shift_left3A_738 = arith.constant 16 : i32
        %shift_left3A_739 = vector.broadcast %shift_left3A_738 : i32 to vector<16xi32>
        %shift_left3A_740 = arith.shli %gather3A_733, %shift_left3A_739 : vector<16xi32>
        %bitcast3A_741 = vector.bitcast %shift_left3A_740 : vector<16xi32> to vector<16xf32>
        %shift_left3A_742 = arith.constant 16 : i32
        %shift_left3A_743 = vector.broadcast %shift_left3A_742 : i32 to vector<16xi32>
        %shift_left3A_744 = arith.shli %gather3A_737, %shift_left3A_743 : vector<16xi32>
        %bitcast3A_745 = vector.bitcast %shift_left3A_744 : vector<16xi32> to vector<16xf32>
        %bitcast3A_746 = vector.bitcast %gather3A_733 : vector<16xi32> to vector<16xf32>
        %bitcast3A_747 = vector.bitcast %gather3A_737 : vector<16xi32> to vector<16xf32>
        %add3A_748 = arith.addf %add3A_689, %bitcast3A_741 : vector<16xf32>
        %add3A_749 = arith.addf %add3A_690, %bitcast3A_745 : vector<16xf32>
        %add3A_750 = arith.addf %add3A_691, %bitcast3A_746 : vector<16xf32>
        %add3A_751 = arith.addf %add3A_692, %bitcast3A_747 : vector<16xf32>
        %add3A_752 = arith.constant 10240 : i32
        %add3A_753 = vector.broadcast %add3A_752 : i32 to vector<16xi32>
        %add3A_754 = arith.addi %and3A_726, %add3A_753 : vector<16xi32>
        %gather3A_755 = tpu.vector_load_idx %arg5[%add3A_754] : memref<20480xi32, #tpu.memory_space<vmem>>[vector<16xi32>], vector<16xi32>,
        %add3A_756 = arith.constant 10240 : i32
        %add3A_757 = vector.broadcast %add3A_756 : i32 to vector<16xi32>
        %add3A_758 = arith.addi %shift_right_logical3A_729, %add3A_757 : vector<16xi32>
        %gather3A_759 = tpu.vector_load_idx %arg5[%add3A_758] : memref<20480xi32, #tpu.memory_space<vmem>>[vector<16xi32>], vector<16xi32>,
        %shift_left3A_760 = arith.constant 16 : i32
        %shift_left3A_761 = vector.broadcast %shift_left3A_760 : i32 to vector<16xi32>
        %shift_left3A_762 = arith.shli %gather3A_755, %shift_left3A_761 : vector<16xi32>
        %bitcast3A_763 = vector.bitcast %shift_left3A_762 : vector<16xi32> to vector<16xf32>
        %shift_left3A_764 = arith.constant 16 : i32
        %shift_left3A_765 = vector.broadcast %shift_left3A_764 : i32 to vector<16xi32>
        %shift_left3A_766 = arith.shli %gather3A_759, %shift_left3A_765 : vector<16xi32>
        %bitcast3A_767 = vector.bitcast %shift_left3A_766 : vector<16xi32> to vector<16xf32>
        %bitcast3A_768 = vector.bitcast %gather3A_755 : vector<16xi32> to vector<16xf32>
        %bitcast3A_769 = vector.bitcast %gather3A_759 : vector<16xi32> to vector<16xf32>
        %add3A_770 = arith.addf %add3A_711, %bitcast3A_763 : vector<16xf32>
        %add3A_771 = arith.addf %add3A_712, %bitcast3A_767 : vector<16xf32>
        %add3A_772 = arith.addf %add3A_713, %bitcast3A_768 : vector<16xf32>
        %add3A_773 = arith.addf %add3A_714, %bitcast3A_769 : vector<16xf32>
        %mul3A_774 = arith.constant 8192 : i32
        %mul3A_775 = arith.muli %and3A_95, %mul3A_774 : i32
        %add3A_776 = arith.constant 2816 : i32
        %add3A_777 = arith.addi %mul3A_775, %add3A_776 : i32
        %mul3A_778 = arith.constant 16 : i32
        %mul3A_779 = arith.muli %scan3A_136, %mul3A_778 : i32
        %add3A_780 = arith.addi %add3A_777, %mul3A_779 : i32
        %get3A_781 = arith.index_cast %add3A_780 : i32 to index
        %get3A_782 = tpu.vector_load %arg6[%get3A_781] {strides = array<i32>} : memref<16384xi32, #tpu.memory_space<vmem>>, vector<16xi32>,
        %and3A_783 = arith.constant 65535 : i32
        %and3A_784 = vector.broadcast %and3A_783 : i32 to vector<16xi32>
        %and3A_785 = arith.andi %get3A_782, %and3A_784 : vector<16xi32>
        %shift_right_logical3A_786 = arith.constant 16 : i32
        %shift_right_logical3A_787 = vector.broadcast %shift_right_logical3A_786 : i32 to vector<16xi32>
        %shift_right_logical3A_788 = arith.shrui %get3A_782, %shift_right_logical3A_787 : vector<16xi32>
        %add3A_789 = arith.constant 0 : i32
        %add3A_790 = vector.broadcast %add3A_789 : i32 to vector<16xi32>
        %add3A_791 = arith.addi %and3A_785, %add3A_790 : vector<16xi32>
        %gather3A_792 = tpu.vector_load_idx %arg5[%add3A_791] : memref<20480xi32, #tpu.memory_space<vmem>>[vector<16xi32>], vector<16xi32>,
        %add3A_793 = arith.constant 0 : i32
        %add3A_794 = vector.broadcast %add3A_793 : i32 to vector<16xi32>
        %add3A_795 = arith.addi %shift_right_logical3A_788, %add3A_794 : vector<16xi32>
        %gather3A_796 = tpu.vector_load_idx %arg5[%add3A_795] : memref<20480xi32, #tpu.memory_space<vmem>>[vector<16xi32>], vector<16xi32>,
        %shift_left3A_797 = arith.constant 16 : i32
        %shift_left3A_798 = vector.broadcast %shift_left3A_797 : i32 to vector<16xi32>
        %shift_left3A_799 = arith.shli %gather3A_792, %shift_left3A_798 : vector<16xi32>
        %bitcast3A_800 = vector.bitcast %shift_left3A_799 : vector<16xi32> to vector<16xf32>
        %shift_left3A_801 = arith.constant 16 : i32
        %shift_left3A_802 = vector.broadcast %shift_left3A_801 : i32 to vector<16xi32>
        %shift_left3A_803 = arith.shli %gather3A_796, %shift_left3A_802 : vector<16xi32>
        %bitcast3A_804 = vector.bitcast %shift_left3A_803 : vector<16xi32> to vector<16xf32>
        %bitcast3A_805 = vector.bitcast %gather3A_792 : vector<16xi32> to vector<16xf32>
        %bitcast3A_806 = vector.bitcast %gather3A_796 : vector<16xi32> to vector<16xf32>
        %add3A_807 = arith.addf %add3A_748, %bitcast3A_800 : vector<16xf32>
        %add3A_808 = arith.addf %add3A_749, %bitcast3A_804 : vector<16xf32>
        %add3A_809 = arith.addf %add3A_750, %bitcast3A_805 : vector<16xf32>
        %add3A_810 = arith.addf %add3A_751, %bitcast3A_806 : vector<16xf32>
        %add3A_811 = arith.constant 10240 : i32
        %add3A_812 = vector.broadcast %add3A_811 : i32 to vector<16xi32>
        %add3A_813 = arith.addi %and3A_785, %add3A_812 : vector<16xi32>
        %gather3A_814 = tpu.vector_load_idx %arg5[%add3A_813] : memref<20480xi32, #tpu.memory_space<vmem>>[vector<16xi32>], vector<16xi32>,
        %add3A_815 = arith.constant 10240 : i32
        %add3A_816 = vector.broadcast %add3A_815 : i32 to vector<16xi32>
        %add3A_817 = arith.addi %shift_right_logical3A_788, %add3A_816 : vector<16xi32>
        %gather3A_818 = tpu.vector_load_idx %arg5[%add3A_817] : memref<20480xi32, #tpu.memory_space<vmem>>[vector<16xi32>], vector<16xi32>,
        %shift_left3A_819 = arith.constant 16 : i32
        %shift_left3A_820 = vector.broadcast %shift_left3A_819 : i32 to vector<16xi32>
        %shift_left3A_821 = arith.shli %gather3A_814, %shift_left3A_820 : vector<16xi32>
        %bitcast3A_822 = vector.bitcast %shift_left3A_821 : vector<16xi32> to vector<16xf32>
        %shift_left3A_823 = arith.constant 16 : i32
        %shift_left3A_824 = vector.broadcast %shift_left3A_823 : i32 to vector<16xi32>
        %shift_left3A_825 = arith.shli %gather3A_818, %shift_left3A_824 : vector<16xi32>
        %bitcast3A_826 = vector.bitcast %shift_left3A_825 : vector<16xi32> to vector<16xf32>
        %bitcast3A_827 = vector.bitcast %gather3A_814 : vector<16xi32> to vector<16xf32>
        %bitcast3A_828 = vector.bitcast %gather3A_818 : vector<16xi32> to vector<16xf32>
        %add3A_829 = arith.addf %add3A_770, %bitcast3A_822 : vector<16xf32>
        %add3A_830 = arith.addf %add3A_771, %bitcast3A_826 : vector<16xf32>
        %add3A_831 = arith.addf %add3A_772, %bitcast3A_827 : vector<16xf32>
        %add3A_832 = arith.addf %add3A_773, %bitcast3A_828 : vector<16xf32>
        %mul3A_833 = arith.constant 8192 : i32
        %mul3A_834 = arith.muli %and3A_95, %mul3A_833 : i32
        %add3A_835 = arith.constant 3072 : i32
        %add3A_836 = arith.addi %mul3A_834, %add3A_835 : i32
        %mul3A_837 = arith.constant 16 : i32
        %mul3A_838 = arith.muli %scan3A_136, %mul3A_837 : i32
        %add3A_839 = arith.addi %add3A_836, %mul3A_838 : i32
        %get3A_840 = arith.index_cast %add3A_839 : i32 to index
        %get3A_841 = tpu.vector_load %arg6[%get3A_840] {strides = array<i32>} : memref<16384xi32, #tpu.memory_space<vmem>>, vector<16xi32>,
        %and3A_842 = arith.constant 65535 : i32
        %and3A_843 = vector.broadcast %and3A_842 : i32 to vector<16xi32>
        %and3A_844 = arith.andi %get3A_841, %and3A_843 : vector<16xi32>
        %shift_right_logical3A_845 = arith.constant 16 : i32
        %shift_right_logical3A_846 = vector.broadcast %shift_right_logical3A_845 : i32 to vector<16xi32>
        %shift_right_logical3A_847 = arith.shrui %get3A_841, %shift_right_logical3A_846 : vector<16xi32>
        %add3A_848 = arith.constant 0 : i32
        %add3A_849 = vector.broadcast %add3A_848 : i32 to vector<16xi32>
        %add3A_850 = arith.addi %and3A_844, %add3A_849 : vector<16xi32>
        %gather3A_851 = tpu.vector_load_idx %arg5[%add3A_850] : memref<20480xi32, #tpu.memory_space<vmem>>[vector<16xi32>], vector<16xi32>,
        %add3A_852 = arith.constant 0 : i32
        %add3A_853 = vector.broadcast %add3A_852 : i32 to vector<16xi32>
        %add3A_854 = arith.addi %shift_right_logical3A_847, %add3A_853 : vector<16xi32>
        %gather3A_855 = tpu.vector_load_idx %arg5[%add3A_854] : memref<20480xi32, #tpu.memory_space<vmem>>[vector<16xi32>], vector<16xi32>,
        %shift_left3A_856 = arith.constant 16 : i32
        %shift_left3A_857 = vector.broadcast %shift_left3A_856 : i32 to vector<16xi32>
        %shift_left3A_858 = arith.shli %gather3A_851, %shift_left3A_857 : vector<16xi32>
        %bitcast3A_859 = vector.bitcast %shift_left3A_858 : vector<16xi32> to vector<16xf32>
        %shift_left3A_860 = arith.constant 16 : i32
        %shift_left3A_861 = vector.broadcast %shift_left3A_860 : i32 to vector<16xi32>
        %shift_left3A_862 = arith.shli %gather3A_855, %shift_left3A_861 : vector<16xi32>
        %bitcast3A_863 = vector.bitcast %shift_left3A_862 : vector<16xi32> to vector<16xf32>
        %bitcast3A_864 = vector.bitcast %gather3A_851 : vector<16xi32> to vector<16xf32>
        %bitcast3A_865 = vector.bitcast %gather3A_855 : vector<16xi32> to vector<16xf32>
        %add3A_866 = arith.addf %add3A_807, %bitcast3A_859 : vector<16xf32>
        %add3A_867 = arith.addf %add3A_808, %bitcast3A_863 : vector<16xf32>
        %add3A_868 = arith.addf %add3A_809, %bitcast3A_864 : vector<16xf32>
        %add3A_869 = arith.addf %add3A_810, %bitcast3A_865 : vector<16xf32>
        %add3A_870 = arith.constant 10240 : i32
        %add3A_871 = vector.broadcast %add3A_870 : i32 to vector<16xi32>
        %add3A_872 = arith.addi %and3A_844, %add3A_871 : vector<16xi32>
        %gather3A_873 = tpu.vector_load_idx %arg5[%add3A_872] : memref<20480xi32, #tpu.memory_space<vmem>>[vector<16xi32>], vector<16xi32>,
        %add3A_874 = arith.constant 10240 : i32
        %add3A_875 = vector.broadcast %add3A_874 : i32 to vector<16xi32>
        %add3A_876 = arith.addi %shift_right_logical3A_847, %add3A_875 : vector<16xi32>
        %gather3A_877 = tpu.vector_load_idx %arg5[%add3A_876] : memref<20480xi32, #tpu.memory_space<vmem>>[vector<16xi32>], vector<16xi32>,
        %shift_left3A_878 = arith.constant 16 : i32
        %shift_left3A_879 = vector.broadcast %shift_left3A_878 : i32 to vector<16xi32>
        %shift_left3A_880 = arith.shli %gather3A_873, %shift_left3A_879 : vector<16xi32>
        %bitcast3A_881 = vector.bitcast %shift_left3A_880 : vector<16xi32> to vector<16xf32>
        %shift_left3A_882 = arith.constant 16 : i32
        %shift_left3A_883 = vector.broadcast %shift_left3A_882 : i32 to vector<16xi32>
        %shift_left3A_884 = arith.shli %gather3A_877, %shift_left3A_883 : vector<16xi32>
        %bitcast3A_885 = vector.bitcast %shift_left3A_884 : vector<16xi32> to vector<16xf32>
        %bitcast3A_886 = vector.bitcast %gather3A_873 : vector<16xi32> to vector<16xf32>
        %bitcast3A_887 = vector.bitcast %gather3A_877 : vector<16xi32> to vector<16xf32>
        %add3A_888 = arith.addf %add3A_829, %bitcast3A_881 : vector<16xf32>
        %add3A_889 = arith.addf %add3A_830, %bitcast3A_885 : vector<16xf32>
        %add3A_890 = arith.addf %add3A_831, %bitcast3A_886 : vector<16xf32>
        %add3A_891 = arith.addf %add3A_832, %bitcast3A_887 : vector<16xf32>
        %mul3A_892 = arith.constant 8192 : i32
        %mul3A_893 = arith.muli %and3A_95, %mul3A_892 : i32
        %add3A_894 = arith.constant 3328 : i32
        %add3A_895 = arith.addi %mul3A_893, %add3A_894 : i32
        %mul3A_896 = arith.constant 16 : i32
        %mul3A_897 = arith.muli %scan3A_136, %mul3A_896 : i32
        %add3A_898 = arith.addi %add3A_895, %mul3A_897 : i32
        %get3A_899 = arith.index_cast %add3A_898 : i32 to index
        %get3A_900 = tpu.vector_load %arg6[%get3A_899] {strides = array<i32>} : memref<16384xi32, #tpu.memory_space<vmem>>, vector<16xi32>,
        %and3A_901 = arith.constant 65535 : i32
        %and3A_902 = vector.broadcast %and3A_901 : i32 to vector<16xi32>
        %and3A_903 = arith.andi %get3A_900, %and3A_902 : vector<16xi32>
        %shift_right_logical3A_904 = arith.constant 16 : i32
        %shift_right_logical3A_905 = vector.broadcast %shift_right_logical3A_904 : i32 to vector<16xi32>
        %shift_right_logical3A_906 = arith.shrui %get3A_900, %shift_right_logical3A_905 : vector<16xi32>
        %add3A_907 = arith.constant 0 : i32
        %add3A_908 = vector.broadcast %add3A_907 : i32 to vector<16xi32>
        %add3A_909 = arith.addi %and3A_903, %add3A_908 : vector<16xi32>
        %gather3A_910 = tpu.vector_load_idx %arg5[%add3A_909] : memref<20480xi32, #tpu.memory_space<vmem>>[vector<16xi32>], vector<16xi32>,
        %add3A_911 = arith.constant 0 : i32
        %add3A_912 = vector.broadcast %add3A_911 : i32 to vector<16xi32>
        %add3A_913 = arith.addi %shift_right_logical3A_906, %add3A_912 : vector<16xi32>
        %gather3A_914 = tpu.vector_load_idx %arg5[%add3A_913] : memref<20480xi32, #tpu.memory_space<vmem>>[vector<16xi32>], vector<16xi32>,
        %shift_left3A_915 = arith.constant 16 : i32
        %shift_left3A_916 = vector.broadcast %shift_left3A_915 : i32 to vector<16xi32>
        %shift_left3A_917 = arith.shli %gather3A_910, %shift_left3A_916 : vector<16xi32>
        %bitcast3A_918 = vector.bitcast %shift_left3A_917 : vector<16xi32> to vector<16xf32>
        %shift_left3A_919 = arith.constant 16 : i32
        %shift_left3A_920 = vector.broadcast %shift_left3A_919 : i32 to vector<16xi32>
        %shift_left3A_921 = arith.shli %gather3A_914, %shift_left3A_920 : vector<16xi32>
        %bitcast3A_922 = vector.bitcast %shift_left3A_921 : vector<16xi32> to vector<16xf32>
        %bitcast3A_923 = vector.bitcast %gather3A_910 : vector<16xi32> to vector<16xf32>
        %bitcast3A_924 = vector.bitcast %gather3A_914 : vector<16xi32> to vector<16xf32>
        %add3A_925 = arith.addf %add3A_866, %bitcast3A_918 : vector<16xf32>
        %add3A_926 = arith.addf %add3A_867, %bitcast3A_922 : vector<16xf32>
        %add3A_927 = arith.addf %add3A_868, %bitcast3A_923 : vector<16xf32>
        %add3A_928 = arith.addf %add3A_869, %bitcast3A_924 : vector<16xf32>
        %add3A_929 = arith.constant 10240 : i32
        %add3A_930 = vector.broadcast %add3A_929 : i32 to vector<16xi32>
        %add3A_931 = arith.addi %and3A_903, %add3A_930 : vector<16xi32>
        %gather3A_932 = tpu.vector_load_idx %arg5[%add3A_931] : memref<20480xi32, #tpu.memory_space<vmem>>[vector<16xi32>], vector<16xi32>,
        %add3A_933 = arith.constant 10240 : i32
        %add3A_934 = vector.broadcast %add3A_933 : i32 to vector<16xi32>
        %add3A_935 = arith.addi %shift_right_logical3A_906, %add3A_934 : vector<16xi32>
        %gather3A_936 = tpu.vector_load_idx %arg5[%add3A_935] : memref<20480xi32, #tpu.memory_space<vmem>>[vector<16xi32>], vector<16xi32>,
        %shift_left3A_937 = arith.constant 16 : i32
        %shift_left3A_938 = vector.broadcast %shift_left3A_937 : i32 to vector<16xi32>
        %shift_left3A_939 = arith.shli %gather3A_932, %shift_left3A_938 : vector<16xi32>
        %bitcast3A_940 = vector.bitcast %shift_left3A_939 : vector<16xi32> to vector<16xf32>
        %shift_left3A_941 = arith.constant 16 : i32
        %shift_left3A_942 = vector.broadcast %shift_left3A_941 : i32 to vector<16xi32>
        %shift_left3A_943 = arith.shli %gather3A_936, %shift_left3A_942 : vector<16xi32>
        %bitcast3A_944 = vector.bitcast %shift_left3A_943 : vector<16xi32> to vector<16xf32>
        %bitcast3A_945 = vector.bitcast %gather3A_932 : vector<16xi32> to vector<16xf32>
        %bitcast3A_946 = vector.bitcast %gather3A_936 : vector<16xi32> to vector<16xf32>
        %add3A_947 = arith.addf %add3A_888, %bitcast3A_940 : vector<16xf32>
        %add3A_948 = arith.addf %add3A_889, %bitcast3A_944 : vector<16xf32>
        %add3A_949 = arith.addf %add3A_890, %bitcast3A_945 : vector<16xf32>
        %add3A_950 = arith.addf %add3A_891, %bitcast3A_946 : vector<16xf32>
        %mul3A_951 = arith.constant 8192 : i32
        %mul3A_952 = arith.muli %and3A_95, %mul3A_951 : i32
        %add3A_953 = arith.constant 3584 : i32
        %add3A_954 = arith.addi %mul3A_952, %add3A_953 : i32
        %mul3A_955 = arith.constant 16 : i32
        %mul3A_956 = arith.muli %scan3A_136, %mul3A_955 : i32
        %add3A_957 = arith.addi %add3A_954, %mul3A_956 : i32
        %get3A_958 = arith.index_cast %add3A_957 : i32 to index
        %get3A_959 = tpu.vector_load %arg6[%get3A_958] {strides = array<i32>} : memref<16384xi32, #tpu.memory_space<vmem>>, vector<16xi32>,
        %and3A_960 = arith.constant 65535 : i32
        %and3A_961 = vector.broadcast %and3A_960 : i32 to vector<16xi32>
        %and3A_962 = arith.andi %get3A_959, %and3A_961 : vector<16xi32>
        %shift_right_logical3A_963 = arith.constant 16 : i32
        %shift_right_logical3A_964 = vector.broadcast %shift_right_logical3A_963 : i32 to vector<16xi32>
        %shift_right_logical3A_965 = arith.shrui %get3A_959, %shift_right_logical3A_964 : vector<16xi32>
        %add3A_966 = arith.constant 0 : i32
        %add3A_967 = vector.broadcast %add3A_966 : i32 to vector<16xi32>
        %add3A_968 = arith.addi %and3A_962, %add3A_967 : vector<16xi32>
        %gather3A_969 = tpu.vector_load_idx %arg5[%add3A_968] : memref<20480xi32, #tpu.memory_space<vmem>>[vector<16xi32>], vector<16xi32>,
        %add3A_970 = arith.constant 0 : i32
        %add3A_971 = vector.broadcast %add3A_970 : i32 to vector<16xi32>
        %add3A_972 = arith.addi %shift_right_logical3A_965, %add3A_971 : vector<16xi32>
        %gather3A_973 = tpu.vector_load_idx %arg5[%add3A_972] : memref<20480xi32, #tpu.memory_space<vmem>>[vector<16xi32>], vector<16xi32>,
        %shift_left3A_974 = arith.constant 16 : i32
        %shift_left3A_975 = vector.broadcast %shift_left3A_974 : i32 to vector<16xi32>
        %shift_left3A_976 = arith.shli %gather3A_969, %shift_left3A_975 : vector<16xi32>
        %bitcast3A_977 = vector.bitcast %shift_left3A_976 : vector<16xi32> to vector<16xf32>
        %shift_left3A_978 = arith.constant 16 : i32
        %shift_left3A_979 = vector.broadcast %shift_left3A_978 : i32 to vector<16xi32>
        %shift_left3A_980 = arith.shli %gather3A_973, %shift_left3A_979 : vector<16xi32>
        %bitcast3A_981 = vector.bitcast %shift_left3A_980 : vector<16xi32> to vector<16xf32>
        %bitcast3A_982 = vector.bitcast %gather3A_969 : vector<16xi32> to vector<16xf32>
        %bitcast3A_983 = vector.bitcast %gather3A_973 : vector<16xi32> to vector<16xf32>
        %add3A_984 = arith.addf %add3A_925, %bitcast3A_977 : vector<16xf32>
        %add3A_985 = arith.addf %add3A_926, %bitcast3A_981 : vector<16xf32>
        %add3A_986 = arith.addf %add3A_927, %bitcast3A_982 : vector<16xf32>
        %add3A_987 = arith.addf %add3A_928, %bitcast3A_983 : vector<16xf32>
        %add3A_988 = arith.constant 10240 : i32
        %add3A_989 = vector.broadcast %add3A_988 : i32 to vector<16xi32>
        %add3A_990 = arith.addi %and3A_962, %add3A_989 : vector<16xi32>
        %gather3A_991 = tpu.vector_load_idx %arg5[%add3A_990] : memref<20480xi32, #tpu.memory_space<vmem>>[vector<16xi32>], vector<16xi32>,
        %add3A_992 = arith.constant 10240 : i32
        %add3A_993 = vector.broadcast %add3A_992 : i32 to vector<16xi32>
        %add3A_994 = arith.addi %shift_right_logical3A_965, %add3A_993 : vector<16xi32>
        %gather3A_995 = tpu.vector_load_idx %arg5[%add3A_994] : memref<20480xi32, #tpu.memory_space<vmem>>[vector<16xi32>], vector<16xi32>,
        %shift_left3A_996 = arith.constant 16 : i32
        %shift_left3A_997 = vector.broadcast %shift_left3A_996 : i32 to vector<16xi32>
        %shift_left3A_998 = arith.shli %gather3A_991, %shift_left3A_997 : vector<16xi32>
        %bitcast3A_999 = vector.bitcast %shift_left3A_998 : vector<16xi32> to vector<16xf32>
        %shift_left3A_1000 = arith.constant 16 : i32
        %shift_left3A_1001 = vector.broadcast %shift_left3A_1000 : i32 to vector<16xi32>
        %shift_left3A_1002 = arith.shli %gather3A_995, %shift_left3A_1001 : vector<16xi32>
        %bitcast3A_1003 = vector.bitcast %shift_left3A_1002 : vector<16xi32> to vector<16xf32>
        %bitcast3A_1004 = vector.bitcast %gather3A_991 : vector<16xi32> to vector<16xf32>
        %bitcast3A_1005 = vector.bitcast %gather3A_995 : vector<16xi32> to vector<16xf32>
        %add3A_1006 = arith.addf %add3A_947, %bitcast3A_999 : vector<16xf32>
        %add3A_1007 = arith.addf %add3A_948, %bitcast3A_1003 : vector<16xf32>
        %add3A_1008 = arith.addf %add3A_949, %bitcast3A_1004 : vector<16xf32>
        %add3A_1009 = arith.addf %add3A_950, %bitcast3A_1005 : vector<16xf32>
        %mul3A_1010 = arith.constant 8192 : i32
        %mul3A_1011 = arith.muli %and3A_95, %mul3A_1010 : i32
        %add3A_1012 = arith.constant 3840 : i32
        %add3A_1013 = arith.addi %mul3A_1011, %add3A_1012 : i32
        %mul3A_1014 = arith.constant 16 : i32
        %mul3A_1015 = arith.muli %scan3A_136, %mul3A_1014 : i32
        %add3A_1016 = arith.addi %add3A_1013, %mul3A_1015 : i32
        %get3A_1017 = arith.index_cast %add3A_1016 : i32 to index
        %get3A_1018 = tpu.vector_load %arg6[%get3A_1017] {strides = array<i32>} : memref<16384xi32, #tpu.memory_space<vmem>>, vector<16xi32>,
        %and3A_1019 = arith.constant 65535 : i32
        %and3A_1020 = vector.broadcast %and3A_1019 : i32 to vector<16xi32>
        %and3A_1021 = arith.andi %get3A_1018, %and3A_1020 : vector<16xi32>
        %shift_right_logical3A_1022 = arith.constant 16 : i32
        %shift_right_logical3A_1023 = vector.broadcast %shift_right_logical3A_1022 : i32 to vector<16xi32>
        %shift_right_logical3A_1024 = arith.shrui %get3A_1018, %shift_right_logical3A_1023 : vector<16xi32>
        %add3A_1025 = arith.constant 0 : i32
        %add3A_1026 = vector.broadcast %add3A_1025 : i32 to vector<16xi32>
        %add3A_1027 = arith.addi %and3A_1021, %add3A_1026 : vector<16xi32>
        %gather3A_1028 = tpu.vector_load_idx %arg5[%add3A_1027] : memref<20480xi32, #tpu.memory_space<vmem>>[vector<16xi32>], vector<16xi32>,
        %add3A_1029 = arith.constant 0 : i32
        %add3A_1030 = vector.broadcast %add3A_1029 : i32 to vector<16xi32>
        %add3A_1031 = arith.addi %shift_right_logical3A_1024, %add3A_1030 : vector<16xi32>
        %gather3A_1032 = tpu.vector_load_idx %arg5[%add3A_1031] : memref<20480xi32, #tpu.memory_space<vmem>>[vector<16xi32>], vector<16xi32>,
        %shift_left3A_1033 = arith.constant 16 : i32
        %shift_left3A_1034 = vector.broadcast %shift_left3A_1033 : i32 to vector<16xi32>
        %shift_left3A_1035 = arith.shli %gather3A_1028, %shift_left3A_1034 : vector<16xi32>
        %bitcast3A_1036 = vector.bitcast %shift_left3A_1035 : vector<16xi32> to vector<16xf32>
        %shift_left3A_1037 = arith.constant 16 : i32
        %shift_left3A_1038 = vector.broadcast %shift_left3A_1037 : i32 to vector<16xi32>
        %shift_left3A_1039 = arith.shli %gather3A_1032, %shift_left3A_1038 : vector<16xi32>
        %bitcast3A_1040 = vector.bitcast %shift_left3A_1039 : vector<16xi32> to vector<16xf32>
        %bitcast3A_1041 = vector.bitcast %gather3A_1028 : vector<16xi32> to vector<16xf32>
        %bitcast3A_1042 = vector.bitcast %gather3A_1032 : vector<16xi32> to vector<16xf32>
        %add3A_1043 = arith.addf %add3A_984, %bitcast3A_1036 : vector<16xf32>
        %add3A_1044 = arith.addf %add3A_985, %bitcast3A_1040 : vector<16xf32>
        %add3A_1045 = arith.addf %add3A_986, %bitcast3A_1041 : vector<16xf32>
        %add3A_1046 = arith.addf %add3A_987, %bitcast3A_1042 : vector<16xf32>
        %add3A_1047 = arith.constant 10240 : i32
        %add3A_1048 = vector.broadcast %add3A_1047 : i32 to vector<16xi32>
        %add3A_1049 = arith.addi %and3A_1021, %add3A_1048 : vector<16xi32>
        %gather3A_1050 = tpu.vector_load_idx %arg5[%add3A_1049] : memref<20480xi32, #tpu.memory_space<vmem>>[vector<16xi32>], vector<16xi32>,
        %add3A_1051 = arith.constant 10240 : i32
        %add3A_1052 = vector.broadcast %add3A_1051 : i32 to vector<16xi32>
        %add3A_1053 = arith.addi %shift_right_logical3A_1024, %add3A_1052 : vector<16xi32>
        %gather3A_1054 = tpu.vector_load_idx %arg5[%add3A_1053] : memref<20480xi32, #tpu.memory_space<vmem>>[vector<16xi32>], vector<16xi32>,
        %shift_left3A_1055 = arith.constant 16 : i32
        %shift_left3A_1056 = vector.broadcast %shift_left3A_1055 : i32 to vector<16xi32>
        %shift_left3A_1057 = arith.shli %gather3A_1050, %shift_left3A_1056 : vector<16xi32>
        %bitcast3A_1058 = vector.bitcast %shift_left3A_1057 : vector<16xi32> to vector<16xf32>
        %shift_left3A_1059 = arith.constant 16 : i32
        %shift_left3A_1060 = vector.broadcast %shift_left3A_1059 : i32 to vector<16xi32>
        %shift_left3A_1061 = arith.shli %gather3A_1054, %shift_left3A_1060 : vector<16xi32>
        %bitcast3A_1062 = vector.bitcast %shift_left3A_1061 : vector<16xi32> to vector<16xf32>
        %bitcast3A_1063 = vector.bitcast %gather3A_1050 : vector<16xi32> to vector<16xf32>
        %bitcast3A_1064 = vector.bitcast %gather3A_1054 : vector<16xi32> to vector<16xf32>
        %add3A_1065 = arith.addf %add3A_1006, %bitcast3A_1058 : vector<16xf32>
        %add3A_1066 = arith.addf %add3A_1007, %bitcast3A_1062 : vector<16xf32>
        %add3A_1067 = arith.addf %add3A_1008, %bitcast3A_1063 : vector<16xf32>
        %add3A_1068 = arith.addf %add3A_1009, %bitcast3A_1064 : vector<16xf32>
        %mul3A_1069 = arith.constant 8192 : i32
        %mul3A_1070 = arith.muli %and3A_95, %mul3A_1069 : i32
        %add3A_1071 = arith.constant 4096 : i32
        %add3A_1072 = arith.addi %mul3A_1070, %add3A_1071 : i32
        %mul3A_1073 = arith.constant 16 : i32
        %mul3A_1074 = arith.muli %scan3A_136, %mul3A_1073 : i32
        %add3A_1075 = arith.addi %add3A_1072, %mul3A_1074 : i32
        %get3A_1076 = arith.index_cast %add3A_1075 : i32 to index
        %get3A_1077 = tpu.vector_load %arg6[%get3A_1076] {strides = array<i32>} : memref<16384xi32, #tpu.memory_space<vmem>>, vector<16xi32>,
        %and3A_1078 = arith.constant 65535 : i32
        %and3A_1079 = vector.broadcast %and3A_1078 : i32 to vector<16xi32>
        %and3A_1080 = arith.andi %get3A_1077, %and3A_1079 : vector<16xi32>
        %shift_right_logical3A_1081 = arith.constant 16 : i32
        %shift_right_logical3A_1082 = vector.broadcast %shift_right_logical3A_1081 : i32 to vector<16xi32>
        %shift_right_logical3A_1083 = arith.shrui %get3A_1077, %shift_right_logical3A_1082 : vector<16xi32>
        %add3A_1084 = arith.constant 0 : i32
        %add3A_1085 = vector.broadcast %add3A_1084 : i32 to vector<16xi32>
        %add3A_1086 = arith.addi %and3A_1080, %add3A_1085 : vector<16xi32>
        %gather3A_1087 = tpu.vector_load_idx %arg5[%add3A_1086] : memref<20480xi32, #tpu.memory_space<vmem>>[vector<16xi32>], vector<16xi32>,
        %add3A_1088 = arith.constant 0 : i32
        %add3A_1089 = vector.broadcast %add3A_1088 : i32 to vector<16xi32>
        %add3A_1090 = arith.addi %shift_right_logical3A_1083, %add3A_1089 : vector<16xi32>
        %gather3A_1091 = tpu.vector_load_idx %arg5[%add3A_1090] : memref<20480xi32, #tpu.memory_space<vmem>>[vector<16xi32>], vector<16xi32>,
        %shift_left3A_1092 = arith.constant 16 : i32
        %shift_left3A_1093 = vector.broadcast %shift_left3A_1092 : i32 to vector<16xi32>
        %shift_left3A_1094 = arith.shli %gather3A_1087, %shift_left3A_1093 : vector<16xi32>
        %bitcast3A_1095 = vector.bitcast %shift_left3A_1094 : vector<16xi32> to vector<16xf32>
        %shift_left3A_1096 = arith.constant 16 : i32
        %shift_left3A_1097 = vector.broadcast %shift_left3A_1096 : i32 to vector<16xi32>
        %shift_left3A_1098 = arith.shli %gather3A_1091, %shift_left3A_1097 : vector<16xi32>
        %bitcast3A_1099 = vector.bitcast %shift_left3A_1098 : vector<16xi32> to vector<16xf32>
        %bitcast3A_1100 = vector.bitcast %gather3A_1087 : vector<16xi32> to vector<16xf32>
        %bitcast3A_1101 = vector.bitcast %gather3A_1091 : vector<16xi32> to vector<16xf32>
        %add3A_1102 = arith.addf %add3A_1043, %bitcast3A_1095 : vector<16xf32>
        %add3A_1103 = arith.addf %add3A_1044, %bitcast3A_1099 : vector<16xf32>
        %add3A_1104 = arith.addf %add3A_1045, %bitcast3A_1100 : vector<16xf32>
        %add3A_1105 = arith.addf %add3A_1046, %bitcast3A_1101 : vector<16xf32>
        %add3A_1106 = arith.constant 10240 : i32
        %add3A_1107 = vector.broadcast %add3A_1106 : i32 to vector<16xi32>
        %add3A_1108 = arith.addi %and3A_1080, %add3A_1107 : vector<16xi32>
        %gather3A_1109 = tpu.vector_load_idx %arg5[%add3A_1108] : memref<20480xi32, #tpu.memory_space<vmem>>[vector<16xi32>], vector<16xi32>,
        %add3A_1110 = arith.constant 10240 : i32
        %add3A_1111 = vector.broadcast %add3A_1110 : i32 to vector<16xi32>
        %add3A_1112 = arith.addi %shift_right_logical3A_1083, %add3A_1111 : vector<16xi32>
        %gather3A_1113 = tpu.vector_load_idx %arg5[%add3A_1112] : memref<20480xi32, #tpu.memory_space<vmem>>[vector<16xi32>], vector<16xi32>,
        %shift_left3A_1114 = arith.constant 16 : i32
        %shift_left3A_1115 = vector.broadcast %shift_left3A_1114 : i32 to vector<16xi32>
        %shift_left3A_1116 = arith.shli %gather3A_1109, %shift_left3A_1115 : vector<16xi32>
        %bitcast3A_1117 = vector.bitcast %shift_left3A_1116 : vector<16xi32> to vector<16xf32>
        %shift_left3A_1118 = arith.constant 16 : i32
        %shift_left3A_1119 = vector.broadcast %shift_left3A_1118 : i32 to vector<16xi32>
        %shift_left3A_1120 = arith.shli %gather3A_1113, %shift_left3A_1119 : vector<16xi32>
        %bitcast3A_1121 = vector.bitcast %shift_left3A_1120 : vector<16xi32> to vector<16xf32>
        %bitcast3A_1122 = vector.bitcast %gather3A_1109 : vector<16xi32> to vector<16xf32>
        %bitcast3A_1123 = vector.bitcast %gather3A_1113 : vector<16xi32> to vector<16xf32>
        %add3A_1124 = arith.addf %add3A_1065, %bitcast3A_1117 : vector<16xf32>
        %add3A_1125 = arith.addf %add3A_1066, %bitcast3A_1121 : vector<16xf32>
        %add3A_1126 = arith.addf %add3A_1067, %bitcast3A_1122 : vector<16xf32>
        %add3A_1127 = arith.addf %add3A_1068, %bitcast3A_1123 : vector<16xf32>
        %mul3A_1128 = arith.constant 8192 : i32
        %mul3A_1129 = arith.muli %and3A_95, %mul3A_1128 : i32
        %add3A_1130 = arith.constant 4352 : i32
        %add3A_1131 = arith.addi %mul3A_1129, %add3A_1130 : i32
        %mul3A_1132 = arith.constant 16 : i32
        %mul3A_1133 = arith.muli %scan3A_136, %mul3A_1132 : i32
        %add3A_1134 = arith.addi %add3A_1131, %mul3A_1133 : i32
        %get3A_1135 = arith.index_cast %add3A_1134 : i32 to index
        %get3A_1136 = tpu.vector_load %arg6[%get3A_1135] {strides = array<i32>} : memref<16384xi32, #tpu.memory_space<vmem>>, vector<16xi32>,
        %and3A_1137 = arith.constant 65535 : i32
        %and3A_1138 = vector.broadcast %and3A_1137 : i32 to vector<16xi32>
        %and3A_1139 = arith.andi %get3A_1136, %and3A_1138 : vector<16xi32>
        %shift_right_logical3A_1140 = arith.constant 16 : i32
        %shift_right_logical3A_1141 = vector.broadcast %shift_right_logical3A_1140 : i32 to vector<16xi32>
        %shift_right_logical3A_1142 = arith.shrui %get3A_1136, %shift_right_logical3A_1141 : vector<16xi32>
        %add3A_1143 = arith.constant 0 : i32
        %add3A_1144 = vector.broadcast %add3A_1143 : i32 to vector<16xi32>
        %add3A_1145 = arith.addi %and3A_1139, %add3A_1144 : vector<16xi32>
        %gather3A_1146 = tpu.vector_load_idx %arg5[%add3A_1145] : memref<20480xi32, #tpu.memory_space<vmem>>[vector<16xi32>], vector<16xi32>,
        %add3A_1147 = arith.constant 0 : i32
        %add3A_1148 = vector.broadcast %add3A_1147 : i32 to vector<16xi32>
        %add3A_1149 = arith.addi %shift_right_logical3A_1142, %add3A_1148 : vector<16xi32>
        %gather3A_1150 = tpu.vector_load_idx %arg5[%add3A_1149] : memref<20480xi32, #tpu.memory_space<vmem>>[vector<16xi32>], vector<16xi32>,
        %shift_left3A_1151 = arith.constant 16 : i32
        %shift_left3A_1152 = vector.broadcast %shift_left3A_1151 : i32 to vector<16xi32>
        %shift_left3A_1153 = arith.shli %gather3A_1146, %shift_left3A_1152 : vector<16xi32>
        %bitcast3A_1154 = vector.bitcast %shift_left3A_1153 : vector<16xi32> to vector<16xf32>
        %shift_left3A_1155 = arith.constant 16 : i32
        %shift_left3A_1156 = vector.broadcast %shift_left3A_1155 : i32 to vector<16xi32>
        %shift_left3A_1157 = arith.shli %gather3A_1150, %shift_left3A_1156 : vector<16xi32>
        %bitcast3A_1158 = vector.bitcast %shift_left3A_1157 : vector<16xi32> to vector<16xf32>
        %bitcast3A_1159 = vector.bitcast %gather3A_1146 : vector<16xi32> to vector<16xf32>
        %bitcast3A_1160 = vector.bitcast %gather3A_1150 : vector<16xi32> to vector<16xf32>
        %add3A_1161 = arith.addf %add3A_1102, %bitcast3A_1154 : vector<16xf32>
        %add3A_1162 = arith.addf %add3A_1103, %bitcast3A_1158 : vector<16xf32>
        %add3A_1163 = arith.addf %add3A_1104, %bitcast3A_1159 : vector<16xf32>
        %add3A_1164 = arith.addf %add3A_1105, %bitcast3A_1160 : vector<16xf32>
        %add3A_1165 = arith.constant 10240 : i32
        %add3A_1166 = vector.broadcast %add3A_1165 : i32 to vector<16xi32>
        %add3A_1167 = arith.addi %and3A_1139, %add3A_1166 : vector<16xi32>
        %gather3A_1168 = tpu.vector_load_idx %arg5[%add3A_1167] : memref<20480xi32, #tpu.memory_space<vmem>>[vector<16xi32>], vector<16xi32>,
        %add3A_1169 = arith.constant 10240 : i32
        %add3A_1170 = vector.broadcast %add3A_1169 : i32 to vector<16xi32>
        %add3A_1171 = arith.addi %shift_right_logical3A_1142, %add3A_1170 : vector<16xi32>
        %gather3A_1172 = tpu.vector_load_idx %arg5[%add3A_1171] : memref<20480xi32, #tpu.memory_space<vmem>>[vector<16xi32>], vector<16xi32>,
        %shift_left3A_1173 = arith.constant 16 : i32
        %shift_left3A_1174 = vector.broadcast %shift_left3A_1173 : i32 to vector<16xi32>
        %shift_left3A_1175 = arith.shli %gather3A_1168, %shift_left3A_1174 : vector<16xi32>
        %bitcast3A_1176 = vector.bitcast %shift_left3A_1175 : vector<16xi32> to vector<16xf32>
        %shift_left3A_1177 = arith.constant 16 : i32
        %shift_left3A_1178 = vector.broadcast %shift_left3A_1177 : i32 to vector<16xi32>
        %shift_left3A_1179 = arith.shli %gather3A_1172, %shift_left3A_1178 : vector<16xi32>
        %bitcast3A_1180 = vector.bitcast %shift_left3A_1179 : vector<16xi32> to vector<16xf32>
        %bitcast3A_1181 = vector.bitcast %gather3A_1168 : vector<16xi32> to vector<16xf32>
        %bitcast3A_1182 = vector.bitcast %gather3A_1172 : vector<16xi32> to vector<16xf32>
        %add3A_1183 = arith.addf %add3A_1124, %bitcast3A_1176 : vector<16xf32>
        %add3A_1184 = arith.addf %add3A_1125, %bitcast3A_1180 : vector<16xf32>
        %add3A_1185 = arith.addf %add3A_1126, %bitcast3A_1181 : vector<16xf32>
        %add3A_1186 = arith.addf %add3A_1127, %bitcast3A_1182 : vector<16xf32>
        %mul3A_1187 = arith.constant 8192 : i32
        %mul3A_1188 = arith.muli %and3A_95, %mul3A_1187 : i32
        %add3A_1189 = arith.constant 4608 : i32
        %add3A_1190 = arith.addi %mul3A_1188, %add3A_1189 : i32
        %mul3A_1191 = arith.constant 16 : i32
        %mul3A_1192 = arith.muli %scan3A_136, %mul3A_1191 : i32
        %add3A_1193 = arith.addi %add3A_1190, %mul3A_1192 : i32
        %get3A_1194 = arith.index_cast %add3A_1193 : i32 to index
        %get3A_1195 = tpu.vector_load %arg6[%get3A_1194] {strides = array<i32>} : memref<16384xi32, #tpu.memory_space<vmem>>, vector<16xi32>,
        %and3A_1196 = arith.constant 65535 : i32
        %and3A_1197 = vector.broadcast %and3A_1196 : i32 to vector<16xi32>
        %and3A_1198 = arith.andi %get3A_1195, %and3A_1197 : vector<16xi32>
        %shift_right_logical3A_1199 = arith.constant 16 : i32
        %shift_right_logical3A_1200 = vector.broadcast %shift_right_logical3A_1199 : i32 to vector<16xi32>
        %shift_right_logical3A_1201 = arith.shrui %get3A_1195, %shift_right_logical3A_1200 : vector<16xi32>
        %add3A_1202 = arith.constant 0 : i32
        %add3A_1203 = vector.broadcast %add3A_1202 : i32 to vector<16xi32>
        %add3A_1204 = arith.addi %and3A_1198, %add3A_1203 : vector<16xi32>
        %gather3A_1205 = tpu.vector_load_idx %arg5[%add3A_1204] : memref<20480xi32, #tpu.memory_space<vmem>>[vector<16xi32>], vector<16xi32>,
        %add3A_1206 = arith.constant 0 : i32
        %add3A_1207 = vector.broadcast %add3A_1206 : i32 to vector<16xi32>
        %add3A_1208 = arith.addi %shift_right_logical3A_1201, %add3A_1207 : vector<16xi32>
        %gather3A_1209 = tpu.vector_load_idx %arg5[%add3A_1208] : memref<20480xi32, #tpu.memory_space<vmem>>[vector<16xi32>], vector<16xi32>,
        %shift_left3A_1210 = arith.constant 16 : i32
        %shift_left3A_1211 = vector.broadcast %shift_left3A_1210 : i32 to vector<16xi32>
        %shift_left3A_1212 = arith.shli %gather3A_1205, %shift_left3A_1211 : vector<16xi32>
        %bitcast3A_1213 = vector.bitcast %shift_left3A_1212 : vector<16xi32> to vector<16xf32>
        %shift_left3A_1214 = arith.constant 16 : i32
        %shift_left3A_1215 = vector.broadcast %shift_left3A_1214 : i32 to vector<16xi32>
        %shift_left3A_1216 = arith.shli %gather3A_1209, %shift_left3A_1215 : vector<16xi32>
        %bitcast3A_1217 = vector.bitcast %shift_left3A_1216 : vector<16xi32> to vector<16xf32>
        %bitcast3A_1218 = vector.bitcast %gather3A_1205 : vector<16xi32> to vector<16xf32>
        %bitcast3A_1219 = vector.bitcast %gather3A_1209 : vector<16xi32> to vector<16xf32>
        %add3A_1220 = arith.addf %add3A_1161, %bitcast3A_1213 : vector<16xf32>
        %add3A_1221 = arith.addf %add3A_1162, %bitcast3A_1217 : vector<16xf32>
        %add3A_1222 = arith.addf %add3A_1163, %bitcast3A_1218 : vector<16xf32>
        %add3A_1223 = arith.addf %add3A_1164, %bitcast3A_1219 : vector<16xf32>
        %add3A_1224 = arith.constant 10240 : i32
        %add3A_1225 = vector.broadcast %add3A_1224 : i32 to vector<16xi32>
        %add3A_1226 = arith.addi %and3A_1198, %add3A_1225 : vector<16xi32>
        %gather3A_1227 = tpu.vector_load_idx %arg5[%add3A_1226] : memref<20480xi32, #tpu.memory_space<vmem>>[vector<16xi32>], vector<16xi32>,
        %add3A_1228 = arith.constant 10240 : i32
        %add3A_1229 = vector.broadcast %add3A_1228 : i32 to vector<16xi32>
        %add3A_1230 = arith.addi %shift_right_logical3A_1201, %add3A_1229 : vector<16xi32>
        %gather3A_1231 = tpu.vector_load_idx %arg5[%add3A_1230] : memref<20480xi32, #tpu.memory_space<vmem>>[vector<16xi32>], vector<16xi32>,
        %shift_left3A_1232 = arith.constant 16 : i32
        %shift_left3A_1233 = vector.broadcast %shift_left3A_1232 : i32 to vector<16xi32>
        %shift_left3A_1234 = arith.shli %gather3A_1227, %shift_left3A_1233 : vector<16xi32>
        %bitcast3A_1235 = vector.bitcast %shift_left3A_1234 : vector<16xi32> to vector<16xf32>
        %shift_left3A_1236 = arith.constant 16 : i32
        %shift_left3A_1237 = vector.broadcast %shift_left3A_1236 : i32 to vector<16xi32>
        %shift_left3A_1238 = arith.shli %gather3A_1231, %shift_left3A_1237 : vector<16xi32>
        %bitcast3A_1239 = vector.bitcast %shift_left3A_1238 : vector<16xi32> to vector<16xf32>
        %bitcast3A_1240 = vector.bitcast %gather3A_1227 : vector<16xi32> to vector<16xf32>
        %bitcast3A_1241 = vector.bitcast %gather3A_1231 : vector<16xi32> to vector<16xf32>
        %add3A_1242 = arith.addf %add3A_1183, %bitcast3A_1235 : vector<16xf32>
        %add3A_1243 = arith.addf %add3A_1184, %bitcast3A_1239 : vector<16xf32>
        %add3A_1244 = arith.addf %add3A_1185, %bitcast3A_1240 : vector<16xf32>
        %add3A_1245 = arith.addf %add3A_1186, %bitcast3A_1241 : vector<16xf32>
        %mul3A_1246 = arith.constant 8192 : i32
        %mul3A_1247 = arith.muli %and3A_95, %mul3A_1246 : i32
        %add3A_1248 = arith.constant 4864 : i32
        %add3A_1249 = arith.addi %mul3A_1247, %add3A_1248 : i32
        %mul3A_1250 = arith.constant 16 : i32
        %mul3A_1251 = arith.muli %scan3A_136, %mul3A_1250 : i32
        %add3A_1252 = arith.addi %add3A_1249, %mul3A_1251 : i32
        %get3A_1253 = arith.index_cast %add3A_1252 : i32 to index
        %get3A_1254 = tpu.vector_load %arg6[%get3A_1253] {strides = array<i32>} : memref<16384xi32, #tpu.memory_space<vmem>>, vector<16xi32>,
        %and3A_1255 = arith.constant 65535 : i32
        %and3A_1256 = vector.broadcast %and3A_1255 : i32 to vector<16xi32>
        %and3A_1257 = arith.andi %get3A_1254, %and3A_1256 : vector<16xi32>
        %shift_right_logical3A_1258 = arith.constant 16 : i32
        %shift_right_logical3A_1259 = vector.broadcast %shift_right_logical3A_1258 : i32 to vector<16xi32>
        %shift_right_logical3A_1260 = arith.shrui %get3A_1254, %shift_right_logical3A_1259 : vector<16xi32>
        %add3A_1261 = arith.constant 0 : i32
        %add3A_1262 = vector.broadcast %add3A_1261 : i32 to vector<16xi32>
        %add3A_1263 = arith.addi %and3A_1257, %add3A_1262 : vector<16xi32>
        %gather3A_1264 = tpu.vector_load_idx %arg5[%add3A_1263] : memref<20480xi32, #tpu.memory_space<vmem>>[vector<16xi32>], vector<16xi32>,
        %add3A_1265 = arith.constant 0 : i32
        %add3A_1266 = vector.broadcast %add3A_1265 : i32 to vector<16xi32>
        %add3A_1267 = arith.addi %shift_right_logical3A_1260, %add3A_1266 : vector<16xi32>
        %gather3A_1268 = tpu.vector_load_idx %arg5[%add3A_1267] : memref<20480xi32, #tpu.memory_space<vmem>>[vector<16xi32>], vector<16xi32>,
        %shift_left3A_1269 = arith.constant 16 : i32
        %shift_left3A_1270 = vector.broadcast %shift_left3A_1269 : i32 to vector<16xi32>
        %shift_left3A_1271 = arith.shli %gather3A_1264, %shift_left3A_1270 : vector<16xi32>
        %bitcast3A_1272 = vector.bitcast %shift_left3A_1271 : vector<16xi32> to vector<16xf32>
        %shift_left3A_1273 = arith.constant 16 : i32
        %shift_left3A_1274 = vector.broadcast %shift_left3A_1273 : i32 to vector<16xi32>
        %shift_left3A_1275 = arith.shli %gather3A_1268, %shift_left3A_1274 : vector<16xi32>
        %bitcast3A_1276 = vector.bitcast %shift_left3A_1275 : vector<16xi32> to vector<16xf32>
        %bitcast3A_1277 = vector.bitcast %gather3A_1264 : vector<16xi32> to vector<16xf32>
        %bitcast3A_1278 = vector.bitcast %gather3A_1268 : vector<16xi32> to vector<16xf32>
        %add3A_1279 = arith.addf %add3A_1220, %bitcast3A_1272 : vector<16xf32>
        %add3A_1280 = arith.addf %add3A_1221, %bitcast3A_1276 : vector<16xf32>
        %add3A_1281 = arith.addf %add3A_1222, %bitcast3A_1277 : vector<16xf32>
        %add3A_1282 = arith.addf %add3A_1223, %bitcast3A_1278 : vector<16xf32>
        %add3A_1283 = arith.constant 10240 : i32
        %add3A_1284 = vector.broadcast %add3A_1283 : i32 to vector<16xi32>
        %add3A_1285 = arith.addi %and3A_1257, %add3A_1284 : vector<16xi32>
        %gather3A_1286 = tpu.vector_load_idx %arg5[%add3A_1285] : memref<20480xi32, #tpu.memory_space<vmem>>[vector<16xi32>], vector<16xi32>,
        %add3A_1287 = arith.constant 10240 : i32
        %add3A_1288 = vector.broadcast %add3A_1287 : i32 to vector<16xi32>
        %add3A_1289 = arith.addi %shift_right_logical3A_1260, %add3A_1288 : vector<16xi32>
        %gather3A_1290 = tpu.vector_load_idx %arg5[%add3A_1289] : memref<20480xi32, #tpu.memory_space<vmem>>[vector<16xi32>], vector<16xi32>,
        %shift_left3A_1291 = arith.constant 16 : i32
        %shift_left3A_1292 = vector.broadcast %shift_left3A_1291 : i32 to vector<16xi32>
        %shift_left3A_1293 = arith.shli %gather3A_1286, %shift_left3A_1292 : vector<16xi32>
        %bitcast3A_1294 = vector.bitcast %shift_left3A_1293 : vector<16xi32> to vector<16xf32>
        %shift_left3A_1295 = arith.constant 16 : i32
        %shift_left3A_1296 = vector.broadcast %shift_left3A_1295 : i32 to vector<16xi32>
        %shift_left3A_1297 = arith.shli %gather3A_1290, %shift_left3A_1296 : vector<16xi32>
        %bitcast3A_1298 = vector.bitcast %shift_left3A_1297 : vector<16xi32> to vector<16xf32>
        %bitcast3A_1299 = vector.bitcast %gather3A_1286 : vector<16xi32> to vector<16xf32>
        %bitcast3A_1300 = vector.bitcast %gather3A_1290 : vector<16xi32> to vector<16xf32>
        %add3A_1301 = arith.addf %add3A_1242, %bitcast3A_1294 : vector<16xf32>
        %add3A_1302 = arith.addf %add3A_1243, %bitcast3A_1298 : vector<16xf32>
        %add3A_1303 = arith.addf %add3A_1244, %bitcast3A_1299 : vector<16xf32>
        %add3A_1304 = arith.addf %add3A_1245, %bitcast3A_1300 : vector<16xf32>
        %mul3A_1305 = arith.constant 8192 : i32
        %mul3A_1306 = arith.muli %and3A_95, %mul3A_1305 : i32
        %add3A_1307 = arith.constant 5120 : i32
        %add3A_1308 = arith.addi %mul3A_1306, %add3A_1307 : i32
        %mul3A_1309 = arith.constant 16 : i32
        %mul3A_1310 = arith.muli %scan3A_136, %mul3A_1309 : i32
        %add3A_1311 = arith.addi %add3A_1308, %mul3A_1310 : i32
        %get3A_1312 = arith.index_cast %add3A_1311 : i32 to index
        %get3A_1313 = tpu.vector_load %arg6[%get3A_1312] {strides = array<i32>} : memref<16384xi32, #tpu.memory_space<vmem>>, vector<16xi32>,
        %and3A_1314 = arith.constant 65535 : i32
        %and3A_1315 = vector.broadcast %and3A_1314 : i32 to vector<16xi32>
        %and3A_1316 = arith.andi %get3A_1313, %and3A_1315 : vector<16xi32>
        %shift_right_logical3A_1317 = arith.constant 16 : i32
        %shift_right_logical3A_1318 = vector.broadcast %shift_right_logical3A_1317 : i32 to vector<16xi32>
        %shift_right_logical3A_1319 = arith.shrui %get3A_1313, %shift_right_logical3A_1318 : vector<16xi32>
        %add3A_1320 = arith.constant 0 : i32
        %add3A_1321 = vector.broadcast %add3A_1320 : i32 to vector<16xi32>
        %add3A_1322 = arith.addi %and3A_1316, %add3A_1321 : vector<16xi32>
        %gather3A_1323 = tpu.vector_load_idx %arg5[%add3A_1322] : memref<20480xi32, #tpu.memory_space<vmem>>[vector<16xi32>], vector<16xi32>,
        %add3A_1324 = arith.constant 0 : i32
        %add3A_1325 = vector.broadcast %add3A_1324 : i32 to vector<16xi32>
        %add3A_1326 = arith.addi %shift_right_logical3A_1319, %add3A_1325 : vector<16xi32>
        %gather3A_1327 = tpu.vector_load_idx %arg5[%add3A_1326] : memref<20480xi32, #tpu.memory_space<vmem>>[vector<16xi32>], vector<16xi32>,
        %shift_left3A_1328 = arith.constant 16 : i32
        %shift_left3A_1329 = vector.broadcast %shift_left3A_1328 : i32 to vector<16xi32>
        %shift_left3A_1330 = arith.shli %gather3A_1323, %shift_left3A_1329 : vector<16xi32>
        %bitcast3A_1331 = vector.bitcast %shift_left3A_1330 : vector<16xi32> to vector<16xf32>
        %shift_left3A_1332 = arith.constant 16 : i32
        %shift_left3A_1333 = vector.broadcast %shift_left3A_1332 : i32 to vector<16xi32>
        %shift_left3A_1334 = arith.shli %gather3A_1327, %shift_left3A_1333 : vector<16xi32>
        %bitcast3A_1335 = vector.bitcast %shift_left3A_1334 : vector<16xi32> to vector<16xf32>
        %bitcast3A_1336 = vector.bitcast %gather3A_1323 : vector<16xi32> to vector<16xf32>
        %bitcast3A_1337 = vector.bitcast %gather3A_1327 : vector<16xi32> to vector<16xf32>
        %add3A_1338 = arith.addf %add3A_1279, %bitcast3A_1331 : vector<16xf32>
        %add3A_1339 = arith.addf %add3A_1280, %bitcast3A_1335 : vector<16xf32>
        %add3A_1340 = arith.addf %add3A_1281, %bitcast3A_1336 : vector<16xf32>
        %add3A_1341 = arith.addf %add3A_1282, %bitcast3A_1337 : vector<16xf32>
        %add3A_1342 = arith.constant 10240 : i32
        %add3A_1343 = vector.broadcast %add3A_1342 : i32 to vector<16xi32>
        %add3A_1344 = arith.addi %and3A_1316, %add3A_1343 : vector<16xi32>
        %gather3A_1345 = tpu.vector_load_idx %arg5[%add3A_1344] : memref<20480xi32, #tpu.memory_space<vmem>>[vector<16xi32>], vector<16xi32>,
        %add3A_1346 = arith.constant 10240 : i32
        %add3A_1347 = vector.broadcast %add3A_1346 : i32 to vector<16xi32>
        %add3A_1348 = arith.addi %shift_right_logical3A_1319, %add3A_1347 : vector<16xi32>
        %gather3A_1349 = tpu.vector_load_idx %arg5[%add3A_1348] : memref<20480xi32, #tpu.memory_space<vmem>>[vector<16xi32>], vector<16xi32>,
        %shift_left3A_1350 = arith.constant 16 : i32
        %shift_left3A_1351 = vector.broadcast %shift_left3A_1350 : i32 to vector<16xi32>
        %shift_left3A_1352 = arith.shli %gather3A_1345, %shift_left3A_1351 : vector<16xi32>
        %bitcast3A_1353 = vector.bitcast %shift_left3A_1352 : vector<16xi32> to vector<16xf32>
        %shift_left3A_1354 = arith.constant 16 : i32
        %shift_left3A_1355 = vector.broadcast %shift_left3A_1354 : i32 to vector<16xi32>
        %shift_left3A_1356 = arith.shli %gather3A_1349, %shift_left3A_1355 : vector<16xi32>
        %bitcast3A_1357 = vector.bitcast %shift_left3A_1356 : vector<16xi32> to vector<16xf32>
        %bitcast3A_1358 = vector.bitcast %gather3A_1345 : vector<16xi32> to vector<16xf32>
        %bitcast3A_1359 = vector.bitcast %gather3A_1349 : vector<16xi32> to vector<16xf32>
        %add3A_1360 = arith.addf %add3A_1301, %bitcast3A_1353 : vector<16xf32>
        %add3A_1361 = arith.addf %add3A_1302, %bitcast3A_1357 : vector<16xf32>
        %add3A_1362 = arith.addf %add3A_1303, %bitcast3A_1358 : vector<16xf32>
        %add3A_1363 = arith.addf %add3A_1304, %bitcast3A_1359 : vector<16xf32>
        %mul3A_1364 = arith.constant 8192 : i32
        %mul3A_1365 = arith.muli %and3A_95, %mul3A_1364 : i32
        %add3A_1366 = arith.constant 5376 : i32
        %add3A_1367 = arith.addi %mul3A_1365, %add3A_1366 : i32
        %mul3A_1368 = arith.constant 16 : i32
        %mul3A_1369 = arith.muli %scan3A_136, %mul3A_1368 : i32
        %add3A_1370 = arith.addi %add3A_1367, %mul3A_1369 : i32
        %get3A_1371 = arith.index_cast %add3A_1370 : i32 to index
        %get3A_1372 = tpu.vector_load %arg6[%get3A_1371] {strides = array<i32>} : memref<16384xi32, #tpu.memory_space<vmem>>, vector<16xi32>,
        %and3A_1373 = arith.constant 65535 : i32
        %and3A_1374 = vector.broadcast %and3A_1373 : i32 to vector<16xi32>
        %and3A_1375 = arith.andi %get3A_1372, %and3A_1374 : vector<16xi32>
        %shift_right_logical3A_1376 = arith.constant 16 : i32
        %shift_right_logical3A_1377 = vector.broadcast %shift_right_logical3A_1376 : i32 to vector<16xi32>
        %shift_right_logical3A_1378 = arith.shrui %get3A_1372, %shift_right_logical3A_1377 : vector<16xi32>
        %add3A_1379 = arith.constant 0 : i32
        %add3A_1380 = vector.broadcast %add3A_1379 : i32 to vector<16xi32>
        %add3A_1381 = arith.addi %and3A_1375, %add3A_1380 : vector<16xi32>
        %gather3A_1382 = tpu.vector_load_idx %arg5[%add3A_1381] : memref<20480xi32, #tpu.memory_space<vmem>>[vector<16xi32>], vector<16xi32>,
        %add3A_1383 = arith.constant 0 : i32
        %add3A_1384 = vector.broadcast %add3A_1383 : i32 to vector<16xi32>
        %add3A_1385 = arith.addi %shift_right_logical3A_1378, %add3A_1384 : vector<16xi32>
        %gather3A_1386 = tpu.vector_load_idx %arg5[%add3A_1385] : memref<20480xi32, #tpu.memory_space<vmem>>[vector<16xi32>], vector<16xi32>,
        %shift_left3A_1387 = arith.constant 16 : i32
        %shift_left3A_1388 = vector.broadcast %shift_left3A_1387 : i32 to vector<16xi32>
        %shift_left3A_1389 = arith.shli %gather3A_1382, %shift_left3A_1388 : vector<16xi32>
        %bitcast3A_1390 = vector.bitcast %shift_left3A_1389 : vector<16xi32> to vector<16xf32>
        %shift_left3A_1391 = arith.constant 16 : i32
        %shift_left3A_1392 = vector.broadcast %shift_left3A_1391 : i32 to vector<16xi32>
        %shift_left3A_1393 = arith.shli %gather3A_1386, %shift_left3A_1392 : vector<16xi32>
        %bitcast3A_1394 = vector.bitcast %shift_left3A_1393 : vector<16xi32> to vector<16xf32>
        %bitcast3A_1395 = vector.bitcast %gather3A_1382 : vector<16xi32> to vector<16xf32>
        %bitcast3A_1396 = vector.bitcast %gather3A_1386 : vector<16xi32> to vector<16xf32>
        %add3A_1397 = arith.addf %add3A_1338, %bitcast3A_1390 : vector<16xf32>
        %add3A_1398 = arith.addf %add3A_1339, %bitcast3A_1394 : vector<16xf32>
        %add3A_1399 = arith.addf %add3A_1340, %bitcast3A_1395 : vector<16xf32>
        %add3A_1400 = arith.addf %add3A_1341, %bitcast3A_1396 : vector<16xf32>
        %add3A_1401 = arith.constant 10240 : i32
        %add3A_1402 = vector.broadcast %add3A_1401 : i32 to vector<16xi32>
        %add3A_1403 = arith.addi %and3A_1375, %add3A_1402 : vector<16xi32>
        %gather3A_1404 = tpu.vector_load_idx %arg5[%add3A_1403] : memref<20480xi32, #tpu.memory_space<vmem>>[vector<16xi32>], vector<16xi32>,
        %add3A_1405 = arith.constant 10240 : i32
        %add3A_1406 = vector.broadcast %add3A_1405 : i32 to vector<16xi32>
        %add3A_1407 = arith.addi %shift_right_logical3A_1378, %add3A_1406 : vector<16xi32>
        %gather3A_1408 = tpu.vector_load_idx %arg5[%add3A_1407] : memref<20480xi32, #tpu.memory_space<vmem>>[vector<16xi32>], vector<16xi32>,
        %shift_left3A_1409 = arith.constant 16 : i32
        %shift_left3A_1410 = vector.broadcast %shift_left3A_1409 : i32 to vector<16xi32>
        %shift_left3A_1411 = arith.shli %gather3A_1404, %shift_left3A_1410 : vector<16xi32>
        %bitcast3A_1412 = vector.bitcast %shift_left3A_1411 : vector<16xi32> to vector<16xf32>
        %shift_left3A_1413 = arith.constant 16 : i32
        %shift_left3A_1414 = vector.broadcast %shift_left3A_1413 : i32 to vector<16xi32>
        %shift_left3A_1415 = arith.shli %gather3A_1408, %shift_left3A_1414 : vector<16xi32>
        %bitcast3A_1416 = vector.bitcast %shift_left3A_1415 : vector<16xi32> to vector<16xf32>
        %bitcast3A_1417 = vector.bitcast %gather3A_1404 : vector<16xi32> to vector<16xf32>
        %bitcast3A_1418 = vector.bitcast %gather3A_1408 : vector<16xi32> to vector<16xf32>
        %add3A_1419 = arith.addf %add3A_1360, %bitcast3A_1412 : vector<16xf32>
        %add3A_1420 = arith.addf %add3A_1361, %bitcast3A_1416 : vector<16xf32>
        %add3A_1421 = arith.addf %add3A_1362, %bitcast3A_1417 : vector<16xf32>
        %add3A_1422 = arith.addf %add3A_1363, %bitcast3A_1418 : vector<16xf32>
        %mul3A_1423 = arith.constant 8192 : i32
        %mul3A_1424 = arith.muli %and3A_95, %mul3A_1423 : i32
        %add3A_1425 = arith.constant 5632 : i32
        %add3A_1426 = arith.addi %mul3A_1424, %add3A_1425 : i32
        %mul3A_1427 = arith.constant 16 : i32
        %mul3A_1428 = arith.muli %scan3A_136, %mul3A_1427 : i32
        %add3A_1429 = arith.addi %add3A_1426, %mul3A_1428 : i32
        %get3A_1430 = arith.index_cast %add3A_1429 : i32 to index
        %get3A_1431 = tpu.vector_load %arg6[%get3A_1430] {strides = array<i32>} : memref<16384xi32, #tpu.memory_space<vmem>>, vector<16xi32>,
        %and3A_1432 = arith.constant 65535 : i32
        %and3A_1433 = vector.broadcast %and3A_1432 : i32 to vector<16xi32>
        %and3A_1434 = arith.andi %get3A_1431, %and3A_1433 : vector<16xi32>
        %shift_right_logical3A_1435 = arith.constant 16 : i32
        %shift_right_logical3A_1436 = vector.broadcast %shift_right_logical3A_1435 : i32 to vector<16xi32>
        %shift_right_logical3A_1437 = arith.shrui %get3A_1431, %shift_right_logical3A_1436 : vector<16xi32>
        %add3A_1438 = arith.constant 0 : i32
        %add3A_1439 = vector.broadcast %add3A_1438 : i32 to vector<16xi32>
        %add3A_1440 = arith.addi %and3A_1434, %add3A_1439 : vector<16xi32>
        %gather3A_1441 = tpu.vector_load_idx %arg5[%add3A_1440] : memref<20480xi32, #tpu.memory_space<vmem>>[vector<16xi32>], vector<16xi32>,
        %add3A_1442 = arith.constant 0 : i32
        %add3A_1443 = vector.broadcast %add3A_1442 : i32 to vector<16xi32>
        %add3A_1444 = arith.addi %shift_right_logical3A_1437, %add3A_1443 : vector<16xi32>
        %gather3A_1445 = tpu.vector_load_idx %arg5[%add3A_1444] : memref<20480xi32, #tpu.memory_space<vmem>>[vector<16xi32>], vector<16xi32>,
        %shift_left3A_1446 = arith.constant 16 : i32
        %shift_left3A_1447 = vector.broadcast %shift_left3A_1446 : i32 to vector<16xi32>
        %shift_left3A_1448 = arith.shli %gather3A_1441, %shift_left3A_1447 : vector<16xi32>
        %bitcast3A_1449 = vector.bitcast %shift_left3A_1448 : vector<16xi32> to vector<16xf32>
        %shift_left3A_1450 = arith.constant 16 : i32
        %shift_left3A_1451 = vector.broadcast %shift_left3A_1450 : i32 to vector<16xi32>
        %shift_left3A_1452 = arith.shli %gather3A_1445, %shift_left3A_1451 : vector<16xi32>
        %bitcast3A_1453 = vector.bitcast %shift_left3A_1452 : vector<16xi32> to vector<16xf32>
        %bitcast3A_1454 = vector.bitcast %gather3A_1441 : vector<16xi32> to vector<16xf32>
        %bitcast3A_1455 = vector.bitcast %gather3A_1445 : vector<16xi32> to vector<16xf32>
        %add3A_1456 = arith.addf %add3A_1397, %bitcast3A_1449 : vector<16xf32>
        %add3A_1457 = arith.addf %add3A_1398, %bitcast3A_1453 : vector<16xf32>
        %add3A_1458 = arith.addf %add3A_1399, %bitcast3A_1454 : vector<16xf32>
        %add3A_1459 = arith.addf %add3A_1400, %bitcast3A_1455 : vector<16xf32>
        %add3A_1460 = arith.constant 10240 : i32
        %add3A_1461 = vector.broadcast %add3A_1460 : i32 to vector<16xi32>
        %add3A_1462 = arith.addi %and3A_1434, %add3A_1461 : vector<16xi32>
        %gather3A_1463 = tpu.vector_load_idx %arg5[%add3A_1462] : memref<20480xi32, #tpu.memory_space<vmem>>[vector<16xi32>], vector<16xi32>,
        %add3A_1464 = arith.constant 10240 : i32
        %add3A_1465 = vector.broadcast %add3A_1464 : i32 to vector<16xi32>
        %add3A_1466 = arith.addi %shift_right_logical3A_1437, %add3A_1465 : vector<16xi32>
        %gather3A_1467 = tpu.vector_load_idx %arg5[%add3A_1466] : memref<20480xi32, #tpu.memory_space<vmem>>[vector<16xi32>], vector<16xi32>,
        %shift_left3A_1468 = arith.constant 16 : i32
        %shift_left3A_1469 = vector.broadcast %shift_left3A_1468 : i32 to vector<16xi32>
        %shift_left3A_1470 = arith.shli %gather3A_1463, %shift_left3A_1469 : vector<16xi32>
        %bitcast3A_1471 = vector.bitcast %shift_left3A_1470 : vector<16xi32> to vector<16xf32>
        %shift_left3A_1472 = arith.constant 16 : i32
        %shift_left3A_1473 = vector.broadcast %shift_left3A_1472 : i32 to vector<16xi32>
        %shift_left3A_1474 = arith.shli %gather3A_1467, %shift_left3A_1473 : vector<16xi32>
        %bitcast3A_1475 = vector.bitcast %shift_left3A_1474 : vector<16xi32> to vector<16xf32>
        %bitcast3A_1476 = vector.bitcast %gather3A_1463 : vector<16xi32> to vector<16xf32>
        %bitcast3A_1477 = vector.bitcast %gather3A_1467 : vector<16xi32> to vector<16xf32>
        %add3A_1478 = arith.addf %add3A_1419, %bitcast3A_1471 : vector<16xf32>
        %add3A_1479 = arith.addf %add3A_1420, %bitcast3A_1475 : vector<16xf32>
        %add3A_1480 = arith.addf %add3A_1421, %bitcast3A_1476 : vector<16xf32>
        %add3A_1481 = arith.addf %add3A_1422, %bitcast3A_1477 : vector<16xf32>
        %mul3A_1482 = arith.constant 8192 : i32
        %mul3A_1483 = arith.muli %and3A_95, %mul3A_1482 : i32
        %add3A_1484 = arith.constant 5888 : i32
        %add3A_1485 = arith.addi %mul3A_1483, %add3A_1484 : i32
        %mul3A_1486 = arith.constant 16 : i32
        %mul3A_1487 = arith.muli %scan3A_136, %mul3A_1486 : i32
        %add3A_1488 = arith.addi %add3A_1485, %mul3A_1487 : i32
        %get3A_1489 = arith.index_cast %add3A_1488 : i32 to index
        %get3A_1490 = tpu.vector_load %arg6[%get3A_1489] {strides = array<i32>} : memref<16384xi32, #tpu.memory_space<vmem>>, vector<16xi32>,
        %and3A_1491 = arith.constant 65535 : i32
        %and3A_1492 = vector.broadcast %and3A_1491 : i32 to vector<16xi32>
        %and3A_1493 = arith.andi %get3A_1490, %and3A_1492 : vector<16xi32>
        %shift_right_logical3A_1494 = arith.constant 16 : i32
        %shift_right_logical3A_1495 = vector.broadcast %shift_right_logical3A_1494 : i32 to vector<16xi32>
        %shift_right_logical3A_1496 = arith.shrui %get3A_1490, %shift_right_logical3A_1495 : vector<16xi32>
        %add3A_1497 = arith.constant 0 : i32
        %add3A_1498 = vector.broadcast %add3A_1497 : i32 to vector<16xi32>
        %add3A_1499 = arith.addi %and3A_1493, %add3A_1498 : vector<16xi32>
        %gather3A_1500 = tpu.vector_load_idx %arg5[%add3A_1499] : memref<20480xi32, #tpu.memory_space<vmem>>[vector<16xi32>], vector<16xi32>,
        %add3A_1501 = arith.constant 0 : i32
        %add3A_1502 = vector.broadcast %add3A_1501 : i32 to vector<16xi32>
        %add3A_1503 = arith.addi %shift_right_logical3A_1496, %add3A_1502 : vector<16xi32>
        %gather3A_1504 = tpu.vector_load_idx %arg5[%add3A_1503] : memref<20480xi32, #tpu.memory_space<vmem>>[vector<16xi32>], vector<16xi32>,
        %shift_left3A_1505 = arith.constant 16 : i32
        %shift_left3A_1506 = vector.broadcast %shift_left3A_1505 : i32 to vector<16xi32>
        %shift_left3A_1507 = arith.shli %gather3A_1500, %shift_left3A_1506 : vector<16xi32>
        %bitcast3A_1508 = vector.bitcast %shift_left3A_1507 : vector<16xi32> to vector<16xf32>
        %shift_left3A_1509 = arith.constant 16 : i32
        %shift_left3A_1510 = vector.broadcast %shift_left3A_1509 : i32 to vector<16xi32>
        %shift_left3A_1511 = arith.shli %gather3A_1504, %shift_left3A_1510 : vector<16xi32>
        %bitcast3A_1512 = vector.bitcast %shift_left3A_1511 : vector<16xi32> to vector<16xf32>
        %bitcast3A_1513 = vector.bitcast %gather3A_1500 : vector<16xi32> to vector<16xf32>
        %bitcast3A_1514 = vector.bitcast %gather3A_1504 : vector<16xi32> to vector<16xf32>
        %add3A_1515 = arith.addf %add3A_1456, %bitcast3A_1508 : vector<16xf32>
        %add3A_1516 = arith.addf %add3A_1457, %bitcast3A_1512 : vector<16xf32>
        %add3A_1517 = arith.addf %add3A_1458, %bitcast3A_1513 : vector<16xf32>
        %add3A_1518 = arith.addf %add3A_1459, %bitcast3A_1514 : vector<16xf32>
        %add3A_1519 = arith.constant 10240 : i32
        %add3A_1520 = vector.broadcast %add3A_1519 : i32 to vector<16xi32>
        %add3A_1521 = arith.addi %and3A_1493, %add3A_1520 : vector<16xi32>
        %gather3A_1522 = tpu.vector_load_idx %arg5[%add3A_1521] : memref<20480xi32, #tpu.memory_space<vmem>>[vector<16xi32>], vector<16xi32>,
        %add3A_1523 = arith.constant 10240 : i32
        %add3A_1524 = vector.broadcast %add3A_1523 : i32 to vector<16xi32>
        %add3A_1525 = arith.addi %shift_right_logical3A_1496, %add3A_1524 : vector<16xi32>
        %gather3A_1526 = tpu.vector_load_idx %arg5[%add3A_1525] : memref<20480xi32, #tpu.memory_space<vmem>>[vector<16xi32>], vector<16xi32>,
        %shift_left3A_1527 = arith.constant 16 : i32
        %shift_left3A_1528 = vector.broadcast %shift_left3A_1527 : i32 to vector<16xi32>
        %shift_left3A_1529 = arith.shli %gather3A_1522, %shift_left3A_1528 : vector<16xi32>
        %bitcast3A_1530 = vector.bitcast %shift_left3A_1529 : vector<16xi32> to vector<16xf32>
        %shift_left3A_1531 = arith.constant 16 : i32
        %shift_left3A_1532 = vector.broadcast %shift_left3A_1531 : i32 to vector<16xi32>
        %shift_left3A_1533 = arith.shli %gather3A_1526, %shift_left3A_1532 : vector<16xi32>
        %bitcast3A_1534 = vector.bitcast %shift_left3A_1533 : vector<16xi32> to vector<16xf32>
        %bitcast3A_1535 = vector.bitcast %gather3A_1522 : vector<16xi32> to vector<16xf32>
        %bitcast3A_1536 = vector.bitcast %gather3A_1526 : vector<16xi32> to vector<16xf32>
        %add3A_1537 = arith.addf %add3A_1478, %bitcast3A_1530 : vector<16xf32>
        %add3A_1538 = arith.addf %add3A_1479, %bitcast3A_1534 : vector<16xf32>
        %add3A_1539 = arith.addf %add3A_1480, %bitcast3A_1535 : vector<16xf32>
        %add3A_1540 = arith.addf %add3A_1481, %bitcast3A_1536 : vector<16xf32>
        %mul3A_1541 = arith.constant 8192 : i32
        %mul3A_1542 = arith.muli %and3A_95, %mul3A_1541 : i32
        %add3A_1543 = arith.constant 6144 : i32
        %add3A_1544 = arith.addi %mul3A_1542, %add3A_1543 : i32
        %mul3A_1545 = arith.constant 16 : i32
        %mul3A_1546 = arith.muli %scan3A_136, %mul3A_1545 : i32
        %add3A_1547 = arith.addi %add3A_1544, %mul3A_1546 : i32
        %get3A_1548 = arith.index_cast %add3A_1547 : i32 to index
        %get3A_1549 = tpu.vector_load %arg6[%get3A_1548] {strides = array<i32>} : memref<16384xi32, #tpu.memory_space<vmem>>, vector<16xi32>,
        %and3A_1550 = arith.constant 65535 : i32
        %and3A_1551 = vector.broadcast %and3A_1550 : i32 to vector<16xi32>
        %and3A_1552 = arith.andi %get3A_1549, %and3A_1551 : vector<16xi32>
        %shift_right_logical3A_1553 = arith.constant 16 : i32
        %shift_right_logical3A_1554 = vector.broadcast %shift_right_logical3A_1553 : i32 to vector<16xi32>
        %shift_right_logical3A_1555 = arith.shrui %get3A_1549, %shift_right_logical3A_1554 : vector<16xi32>
        %add3A_1556 = arith.constant 0 : i32
        %add3A_1557 = vector.broadcast %add3A_1556 : i32 to vector<16xi32>
        %add3A_1558 = arith.addi %and3A_1552, %add3A_1557 : vector<16xi32>
        %gather3A_1559 = tpu.vector_load_idx %arg5[%add3A_1558] : memref<20480xi32, #tpu.memory_space<vmem>>[vector<16xi32>], vector<16xi32>,
        %add3A_1560 = arith.constant 0 : i32
        %add3A_1561 = vector.broadcast %add3A_1560 : i32 to vector<16xi32>
        %add3A_1562 = arith.addi %shift_right_logical3A_1555, %add3A_1561 : vector<16xi32>
        %gather3A_1563 = tpu.vector_load_idx %arg5[%add3A_1562] : memref<20480xi32, #tpu.memory_space<vmem>>[vector<16xi32>], vector<16xi32>,
        %shift_left3A_1564 = arith.constant 16 : i32
        %shift_left3A_1565 = vector.broadcast %shift_left3A_1564 : i32 to vector<16xi32>
        %shift_left3A_1566 = arith.shli %gather3A_1559, %shift_left3A_1565 : vector<16xi32>
        %bitcast3A_1567 = vector.bitcast %shift_left3A_1566 : vector<16xi32> to vector<16xf32>
        %shift_left3A_1568 = arith.constant 16 : i32
        %shift_left3A_1569 = vector.broadcast %shift_left3A_1568 : i32 to vector<16xi32>
        %shift_left3A_1570 = arith.shli %gather3A_1563, %shift_left3A_1569 : vector<16xi32>
        %bitcast3A_1571 = vector.bitcast %shift_left3A_1570 : vector<16xi32> to vector<16xf32>
        %bitcast3A_1572 = vector.bitcast %gather3A_1559 : vector<16xi32> to vector<16xf32>
        %bitcast3A_1573 = vector.bitcast %gather3A_1563 : vector<16xi32> to vector<16xf32>
        %add3A_1574 = arith.addf %add3A_1515, %bitcast3A_1567 : vector<16xf32>
        %add3A_1575 = arith.addf %add3A_1516, %bitcast3A_1571 : vector<16xf32>
        %add3A_1576 = arith.addf %add3A_1517, %bitcast3A_1572 : vector<16xf32>
        %add3A_1577 = arith.addf %add3A_1518, %bitcast3A_1573 : vector<16xf32>
        %add3A_1578 = arith.constant 10240 : i32
        %add3A_1579 = vector.broadcast %add3A_1578 : i32 to vector<16xi32>
        %add3A_1580 = arith.addi %and3A_1552, %add3A_1579 : vector<16xi32>
        %gather3A_1581 = tpu.vector_load_idx %arg5[%add3A_1580] : memref<20480xi32, #tpu.memory_space<vmem>>[vector<16xi32>], vector<16xi32>,
        %add3A_1582 = arith.constant 10240 : i32
        %add3A_1583 = vector.broadcast %add3A_1582 : i32 to vector<16xi32>
        %add3A_1584 = arith.addi %shift_right_logical3A_1555, %add3A_1583 : vector<16xi32>
        %gather3A_1585 = tpu.vector_load_idx %arg5[%add3A_1584] : memref<20480xi32, #tpu.memory_space<vmem>>[vector<16xi32>], vector<16xi32>,
        %shift_left3A_1586 = arith.constant 16 : i32
        %shift_left3A_1587 = vector.broadcast %shift_left3A_1586 : i32 to vector<16xi32>
        %shift_left3A_1588 = arith.shli %gather3A_1581, %shift_left3A_1587 : vector<16xi32>
        %bitcast3A_1589 = vector.bitcast %shift_left3A_1588 : vector<16xi32> to vector<16xf32>
        %shift_left3A_1590 = arith.constant 16 : i32
        %shift_left3A_1591 = vector.broadcast %shift_left3A_1590 : i32 to vector<16xi32>
        %shift_left3A_1592 = arith.shli %gather3A_1585, %shift_left3A_1591 : vector<16xi32>
        %bitcast3A_1593 = vector.bitcast %shift_left3A_1592 : vector<16xi32> to vector<16xf32>
        %bitcast3A_1594 = vector.bitcast %gather3A_1581 : vector<16xi32> to vector<16xf32>
        %bitcast3A_1595 = vector.bitcast %gather3A_1585 : vector<16xi32> to vector<16xf32>
        %add3A_1596 = arith.addf %add3A_1537, %bitcast3A_1589 : vector<16xf32>
        %add3A_1597 = arith.addf %add3A_1538, %bitcast3A_1593 : vector<16xf32>
        %add3A_1598 = arith.addf %add3A_1539, %bitcast3A_1594 : vector<16xf32>
        %add3A_1599 = arith.addf %add3A_1540, %bitcast3A_1595 : vector<16xf32>
        %mul3A_1600 = arith.constant 8192 : i32
        %mul3A_1601 = arith.muli %and3A_95, %mul3A_1600 : i32
        %add3A_1602 = arith.constant 6400 : i32
        %add3A_1603 = arith.addi %mul3A_1601, %add3A_1602 : i32
        %mul3A_1604 = arith.constant 16 : i32
        %mul3A_1605 = arith.muli %scan3A_136, %mul3A_1604 : i32
        %add3A_1606 = arith.addi %add3A_1603, %mul3A_1605 : i32
        %get3A_1607 = arith.index_cast %add3A_1606 : i32 to index
        %get3A_1608 = tpu.vector_load %arg6[%get3A_1607] {strides = array<i32>} : memref<16384xi32, #tpu.memory_space<vmem>>, vector<16xi32>,
        %and3A_1609 = arith.constant 65535 : i32
        %and3A_1610 = vector.broadcast %and3A_1609 : i32 to vector<16xi32>
        %and3A_1611 = arith.andi %get3A_1608, %and3A_1610 : vector<16xi32>
        %shift_right_logical3A_1612 = arith.constant 16 : i32
        %shift_right_logical3A_1613 = vector.broadcast %shift_right_logical3A_1612 : i32 to vector<16xi32>
        %shift_right_logical3A_1614 = arith.shrui %get3A_1608, %shift_right_logical3A_1613 : vector<16xi32>
        %add3A_1615 = arith.constant 0 : i32
        %add3A_1616 = vector.broadcast %add3A_1615 : i32 to vector<16xi32>
        %add3A_1617 = arith.addi %and3A_1611, %add3A_1616 : vector<16xi32>
        %gather3A_1618 = tpu.vector_load_idx %arg5[%add3A_1617] : memref<20480xi32, #tpu.memory_space<vmem>>[vector<16xi32>], vector<16xi32>,
        %add3A_1619 = arith.constant 0 : i32
        %add3A_1620 = vector.broadcast %add3A_1619 : i32 to vector<16xi32>
        %add3A_1621 = arith.addi %shift_right_logical3A_1614, %add3A_1620 : vector<16xi32>
        %gather3A_1622 = tpu.vector_load_idx %arg5[%add3A_1621] : memref<20480xi32, #tpu.memory_space<vmem>>[vector<16xi32>], vector<16xi32>,
        %shift_left3A_1623 = arith.constant 16 : i32
        %shift_left3A_1624 = vector.broadcast %shift_left3A_1623 : i32 to vector<16xi32>
        %shift_left3A_1625 = arith.shli %gather3A_1618, %shift_left3A_1624 : vector<16xi32>
        %bitcast3A_1626 = vector.bitcast %shift_left3A_1625 : vector<16xi32> to vector<16xf32>
        %shift_left3A_1627 = arith.constant 16 : i32
        %shift_left3A_1628 = vector.broadcast %shift_left3A_1627 : i32 to vector<16xi32>
        %shift_left3A_1629 = arith.shli %gather3A_1622, %shift_left3A_1628 : vector<16xi32>
        %bitcast3A_1630 = vector.bitcast %shift_left3A_1629 : vector<16xi32> to vector<16xf32>
        %bitcast3A_1631 = vector.bitcast %gather3A_1618 : vector<16xi32> to vector<16xf32>
        %bitcast3A_1632 = vector.bitcast %gather3A_1622 : vector<16xi32> to vector<16xf32>
        %add3A_1633 = arith.addf %add3A_1574, %bitcast3A_1626 : vector<16xf32>
        %add3A_1634 = arith.addf %add3A_1575, %bitcast3A_1630 : vector<16xf32>
        %add3A_1635 = arith.addf %add3A_1576, %bitcast3A_1631 : vector<16xf32>
        %add3A_1636 = arith.addf %add3A_1577, %bitcast3A_1632 : vector<16xf32>
        %add3A_1637 = arith.constant 10240 : i32
        %add3A_1638 = vector.broadcast %add3A_1637 : i32 to vector<16xi32>
        %add3A_1639 = arith.addi %and3A_1611, %add3A_1638 : vector<16xi32>
        %gather3A_1640 = tpu.vector_load_idx %arg5[%add3A_1639] : memref<20480xi32, #tpu.memory_space<vmem>>[vector<16xi32>], vector<16xi32>,
        %add3A_1641 = arith.constant 10240 : i32
        %add3A_1642 = vector.broadcast %add3A_1641 : i32 to vector<16xi32>
        %add3A_1643 = arith.addi %shift_right_logical3A_1614, %add3A_1642 : vector<16xi32>
        %gather3A_1644 = tpu.vector_load_idx %arg5[%add3A_1643] : memref<20480xi32, #tpu.memory_space<vmem>>[vector<16xi32>], vector<16xi32>,
        %shift_left3A_1645 = arith.constant 16 : i32
        %shift_left3A_1646 = vector.broadcast %shift_left3A_1645 : i32 to vector<16xi32>
        %shift_left3A_1647 = arith.shli %gather3A_1640, %shift_left3A_1646 : vector<16xi32>
        %bitcast3A_1648 = vector.bitcast %shift_left3A_1647 : vector<16xi32> to vector<16xf32>
        %shift_left3A_1649 = arith.constant 16 : i32
        %shift_left3A_1650 = vector.broadcast %shift_left3A_1649 : i32 to vector<16xi32>
        %shift_left3A_1651 = arith.shli %gather3A_1644, %shift_left3A_1650 : vector<16xi32>
        %bitcast3A_1652 = vector.bitcast %shift_left3A_1651 : vector<16xi32> to vector<16xf32>
        %bitcast3A_1653 = vector.bitcast %gather3A_1640 : vector<16xi32> to vector<16xf32>
        %bitcast3A_1654 = vector.bitcast %gather3A_1644 : vector<16xi32> to vector<16xf32>
        %add3A_1655 = arith.addf %add3A_1596, %bitcast3A_1648 : vector<16xf32>
        %add3A_1656 = arith.addf %add3A_1597, %bitcast3A_1652 : vector<16xf32>
        %add3A_1657 = arith.addf %add3A_1598, %bitcast3A_1653 : vector<16xf32>
        %add3A_1658 = arith.addf %add3A_1599, %bitcast3A_1654 : vector<16xf32>
        %mul3A_1659 = arith.constant 8192 : i32
        %mul3A_1660 = arith.muli %and3A_95, %mul3A_1659 : i32
        %add3A_1661 = arith.constant 6656 : i32
        %add3A_1662 = arith.addi %mul3A_1660, %add3A_1661 : i32
        %mul3A_1663 = arith.constant 16 : i32
        %mul3A_1664 = arith.muli %scan3A_136, %mul3A_1663 : i32
        %add3A_1665 = arith.addi %add3A_1662, %mul3A_1664 : i32
        %get3A_1666 = arith.index_cast %add3A_1665 : i32 to index
        %get3A_1667 = tpu.vector_load %arg6[%get3A_1666] {strides = array<i32>} : memref<16384xi32, #tpu.memory_space<vmem>>, vector<16xi32>,
        %and3A_1668 = arith.constant 65535 : i32
        %and3A_1669 = vector.broadcast %and3A_1668 : i32 to vector<16xi32>
        %and3A_1670 = arith.andi %get3A_1667, %and3A_1669 : vector<16xi32>
        %shift_right_logical3A_1671 = arith.constant 16 : i32
        %shift_right_logical3A_1672 = vector.broadcast %shift_right_logical3A_1671 : i32 to vector<16xi32>
        %shift_right_logical3A_1673 = arith.shrui %get3A_1667, %shift_right_logical3A_1672 : vector<16xi32>
        %add3A_1674 = arith.constant 0 : i32
        %add3A_1675 = vector.broadcast %add3A_1674 : i32 to vector<16xi32>
        %add3A_1676 = arith.addi %and3A_1670, %add3A_1675 : vector<16xi32>
        %gather3A_1677 = tpu.vector_load_idx %arg5[%add3A_1676] : memref<20480xi32, #tpu.memory_space<vmem>>[vector<16xi32>], vector<16xi32>,
        %add3A_1678 = arith.constant 0 : i32
        %add3A_1679 = vector.broadcast %add3A_1678 : i32 to vector<16xi32>
        %add3A_1680 = arith.addi %shift_right_logical3A_1673, %add3A_1679 : vector<16xi32>
        %gather3A_1681 = tpu.vector_load_idx %arg5[%add3A_1680] : memref<20480xi32, #tpu.memory_space<vmem>>[vector<16xi32>], vector<16xi32>,
        %shift_left3A_1682 = arith.constant 16 : i32
        %shift_left3A_1683 = vector.broadcast %shift_left3A_1682 : i32 to vector<16xi32>
        %shift_left3A_1684 = arith.shli %gather3A_1677, %shift_left3A_1683 : vector<16xi32>
        %bitcast3A_1685 = vector.bitcast %shift_left3A_1684 : vector<16xi32> to vector<16xf32>
        %shift_left3A_1686 = arith.constant 16 : i32
        %shift_left3A_1687 = vector.broadcast %shift_left3A_1686 : i32 to vector<16xi32>
        %shift_left3A_1688 = arith.shli %gather3A_1681, %shift_left3A_1687 : vector<16xi32>
        %bitcast3A_1689 = vector.bitcast %shift_left3A_1688 : vector<16xi32> to vector<16xf32>
        %bitcast3A_1690 = vector.bitcast %gather3A_1677 : vector<16xi32> to vector<16xf32>
        %bitcast3A_1691 = vector.bitcast %gather3A_1681 : vector<16xi32> to vector<16xf32>
        %add3A_1692 = arith.addf %add3A_1633, %bitcast3A_1685 : vector<16xf32>
        %add3A_1693 = arith.addf %add3A_1634, %bitcast3A_1689 : vector<16xf32>
        %add3A_1694 = arith.addf %add3A_1635, %bitcast3A_1690 : vector<16xf32>
        %add3A_1695 = arith.addf %add3A_1636, %bitcast3A_1691 : vector<16xf32>
        %add3A_1696 = arith.constant 10240 : i32
        %add3A_1697 = vector.broadcast %add3A_1696 : i32 to vector<16xi32>
        %add3A_1698 = arith.addi %and3A_1670, %add3A_1697 : vector<16xi32>
        %gather3A_1699 = tpu.vector_load_idx %arg5[%add3A_1698] : memref<20480xi32, #tpu.memory_space<vmem>>[vector<16xi32>], vector<16xi32>,
        %add3A_1700 = arith.constant 10240 : i32
        %add3A_1701 = vector.broadcast %add3A_1700 : i32 to vector<16xi32>
        %add3A_1702 = arith.addi %shift_right_logical3A_1673, %add3A_1701 : vector<16xi32>
        %gather3A_1703 = tpu.vector_load_idx %arg5[%add3A_1702] : memref<20480xi32, #tpu.memory_space<vmem>>[vector<16xi32>], vector<16xi32>,
        %shift_left3A_1704 = arith.constant 16 : i32
        %shift_left3A_1705 = vector.broadcast %shift_left3A_1704 : i32 to vector<16xi32>
        %shift_left3A_1706 = arith.shli %gather3A_1699, %shift_left3A_1705 : vector<16xi32>
        %bitcast3A_1707 = vector.bitcast %shift_left3A_1706 : vector<16xi32> to vector<16xf32>
        %shift_left3A_1708 = arith.constant 16 : i32
        %shift_left3A_1709 = vector.broadcast %shift_left3A_1708 : i32 to vector<16xi32>
        %shift_left3A_1710 = arith.shli %gather3A_1703, %shift_left3A_1709 : vector<16xi32>
        %bitcast3A_1711 = vector.bitcast %shift_left3A_1710 : vector<16xi32> to vector<16xf32>
        %bitcast3A_1712 = vector.bitcast %gather3A_1699 : vector<16xi32> to vector<16xf32>
        %bitcast3A_1713 = vector.bitcast %gather3A_1703 : vector<16xi32> to vector<16xf32>
        %add3A_1714 = arith.addf %add3A_1655, %bitcast3A_1707 : vector<16xf32>
        %add3A_1715 = arith.addf %add3A_1656, %bitcast3A_1711 : vector<16xf32>
        %add3A_1716 = arith.addf %add3A_1657, %bitcast3A_1712 : vector<16xf32>
        %add3A_1717 = arith.addf %add3A_1658, %bitcast3A_1713 : vector<16xf32>
        %mul3A_1718 = arith.constant 8192 : i32
        %mul3A_1719 = arith.muli %and3A_95, %mul3A_1718 : i32
        %add3A_1720 = arith.constant 6912 : i32
        %add3A_1721 = arith.addi %mul3A_1719, %add3A_1720 : i32
        %mul3A_1722 = arith.constant 16 : i32
        %mul3A_1723 = arith.muli %scan3A_136, %mul3A_1722 : i32
        %add3A_1724 = arith.addi %add3A_1721, %mul3A_1723 : i32
        %get3A_1725 = arith.index_cast %add3A_1724 : i32 to index
        %get3A_1726 = tpu.vector_load %arg6[%get3A_1725] {strides = array<i32>} : memref<16384xi32, #tpu.memory_space<vmem>>, vector<16xi32>,
        %and3A_1727 = arith.constant 65535 : i32
        %and3A_1728 = vector.broadcast %and3A_1727 : i32 to vector<16xi32>
        %and3A_1729 = arith.andi %get3A_1726, %and3A_1728 : vector<16xi32>
        %shift_right_logical3A_1730 = arith.constant 16 : i32
        %shift_right_logical3A_1731 = vector.broadcast %shift_right_logical3A_1730 : i32 to vector<16xi32>
        %shift_right_logical3A_1732 = arith.shrui %get3A_1726, %shift_right_logical3A_1731 : vector<16xi32>
        %add3A_1733 = arith.constant 0 : i32
        %add3A_1734 = vector.broadcast %add3A_1733 : i32 to vector<16xi32>
        %add3A_1735 = arith.addi %and3A_1729, %add3A_1734 : vector<16xi32>
        %gather3A_1736 = tpu.vector_load_idx %arg5[%add3A_1735] : memref<20480xi32, #tpu.memory_space<vmem>>[vector<16xi32>], vector<16xi32>,
        %add3A_1737 = arith.constant 0 : i32
        %add3A_1738 = vector.broadcast %add3A_1737 : i32 to vector<16xi32>
        %add3A_1739 = arith.addi %shift_right_logical3A_1732, %add3A_1738 : vector<16xi32>
        %gather3A_1740 = tpu.vector_load_idx %arg5[%add3A_1739] : memref<20480xi32, #tpu.memory_space<vmem>>[vector<16xi32>], vector<16xi32>,
        %shift_left3A_1741 = arith.constant 16 : i32
        %shift_left3A_1742 = vector.broadcast %shift_left3A_1741 : i32 to vector<16xi32>
        %shift_left3A_1743 = arith.shli %gather3A_1736, %shift_left3A_1742 : vector<16xi32>
        %bitcast3A_1744 = vector.bitcast %shift_left3A_1743 : vector<16xi32> to vector<16xf32>
        %shift_left3A_1745 = arith.constant 16 : i32
        %shift_left3A_1746 = vector.broadcast %shift_left3A_1745 : i32 to vector<16xi32>
        %shift_left3A_1747 = arith.shli %gather3A_1740, %shift_left3A_1746 : vector<16xi32>
        %bitcast3A_1748 = vector.bitcast %shift_left3A_1747 : vector<16xi32> to vector<16xf32>
        %bitcast3A_1749 = vector.bitcast %gather3A_1736 : vector<16xi32> to vector<16xf32>
        %bitcast3A_1750 = vector.bitcast %gather3A_1740 : vector<16xi32> to vector<16xf32>
        %add3A_1751 = arith.addf %add3A_1692, %bitcast3A_1744 : vector<16xf32>
        %add3A_1752 = arith.addf %add3A_1693, %bitcast3A_1748 : vector<16xf32>
        %add3A_1753 = arith.addf %add3A_1694, %bitcast3A_1749 : vector<16xf32>
        %add3A_1754 = arith.addf %add3A_1695, %bitcast3A_1750 : vector<16xf32>
        %add3A_1755 = arith.constant 10240 : i32
        %add3A_1756 = vector.broadcast %add3A_1755 : i32 to vector<16xi32>
        %add3A_1757 = arith.addi %and3A_1729, %add3A_1756 : vector<16xi32>
        %gather3A_1758 = tpu.vector_load_idx %arg5[%add3A_1757] : memref<20480xi32, #tpu.memory_space<vmem>>[vector<16xi32>], vector<16xi32>,
        %add3A_1759 = arith.constant 10240 : i32
        %add3A_1760 = vector.broadcast %add3A_1759 : i32 to vector<16xi32>
        %add3A_1761 = arith.addi %shift_right_logical3A_1732, %add3A_1760 : vector<16xi32>
        %gather3A_1762 = tpu.vector_load_idx %arg5[%add3A_1761] : memref<20480xi32, #tpu.memory_space<vmem>>[vector<16xi32>], vector<16xi32>,
        %shift_left3A_1763 = arith.constant 16 : i32
        %shift_left3A_1764 = vector.broadcast %shift_left3A_1763 : i32 to vector<16xi32>
        %shift_left3A_1765 = arith.shli %gather3A_1758, %shift_left3A_1764 : vector<16xi32>
        %bitcast3A_1766 = vector.bitcast %shift_left3A_1765 : vector<16xi32> to vector<16xf32>
        %shift_left3A_1767 = arith.constant 16 : i32
        %shift_left3A_1768 = vector.broadcast %shift_left3A_1767 : i32 to vector<16xi32>
        %shift_left3A_1769 = arith.shli %gather3A_1762, %shift_left3A_1768 : vector<16xi32>
        %bitcast3A_1770 = vector.bitcast %shift_left3A_1769 : vector<16xi32> to vector<16xf32>
        %bitcast3A_1771 = vector.bitcast %gather3A_1758 : vector<16xi32> to vector<16xf32>
        %bitcast3A_1772 = vector.bitcast %gather3A_1762 : vector<16xi32> to vector<16xf32>
        %add3A_1773 = arith.addf %add3A_1714, %bitcast3A_1766 : vector<16xf32>
        %add3A_1774 = arith.addf %add3A_1715, %bitcast3A_1770 : vector<16xf32>
        %add3A_1775 = arith.addf %add3A_1716, %bitcast3A_1771 : vector<16xf32>
        %add3A_1776 = arith.addf %add3A_1717, %bitcast3A_1772 : vector<16xf32>
        %mul3A_1777 = arith.constant 8192 : i32
        %mul3A_1778 = arith.muli %and3A_95, %mul3A_1777 : i32
        %add3A_1779 = arith.constant 7168 : i32
        %add3A_1780 = arith.addi %mul3A_1778, %add3A_1779 : i32
        %mul3A_1781 = arith.constant 16 : i32
        %mul3A_1782 = arith.muli %scan3A_136, %mul3A_1781 : i32
        %add3A_1783 = arith.addi %add3A_1780, %mul3A_1782 : i32
        %get3A_1784 = arith.index_cast %add3A_1783 : i32 to index
        %get3A_1785 = tpu.vector_load %arg6[%get3A_1784] {strides = array<i32>} : memref<16384xi32, #tpu.memory_space<vmem>>, vector<16xi32>,
        %and3A_1786 = arith.constant 65535 : i32
        %and3A_1787 = vector.broadcast %and3A_1786 : i32 to vector<16xi32>
        %and3A_1788 = arith.andi %get3A_1785, %and3A_1787 : vector<16xi32>
        %shift_right_logical3A_1789 = arith.constant 16 : i32
        %shift_right_logical3A_1790 = vector.broadcast %shift_right_logical3A_1789 : i32 to vector<16xi32>
        %shift_right_logical3A_1791 = arith.shrui %get3A_1785, %shift_right_logical3A_1790 : vector<16xi32>
        %add3A_1792 = arith.constant 0 : i32
        %add3A_1793 = vector.broadcast %add3A_1792 : i32 to vector<16xi32>
        %add3A_1794 = arith.addi %and3A_1788, %add3A_1793 : vector<16xi32>
        %gather3A_1795 = tpu.vector_load_idx %arg5[%add3A_1794] : memref<20480xi32, #tpu.memory_space<vmem>>[vector<16xi32>], vector<16xi32>,
        %add3A_1796 = arith.constant 0 : i32
        %add3A_1797 = vector.broadcast %add3A_1796 : i32 to vector<16xi32>
        %add3A_1798 = arith.addi %shift_right_logical3A_1791, %add3A_1797 : vector<16xi32>
        %gather3A_1799 = tpu.vector_load_idx %arg5[%add3A_1798] : memref<20480xi32, #tpu.memory_space<vmem>>[vector<16xi32>], vector<16xi32>,
        %shift_left3A_1800 = arith.constant 16 : i32
        %shift_left3A_1801 = vector.broadcast %shift_left3A_1800 : i32 to vector<16xi32>
        %shift_left3A_1802 = arith.shli %gather3A_1795, %shift_left3A_1801 : vector<16xi32>
        %bitcast3A_1803 = vector.bitcast %shift_left3A_1802 : vector<16xi32> to vector<16xf32>
        %shift_left3A_1804 = arith.constant 16 : i32
        %shift_left3A_1805 = vector.broadcast %shift_left3A_1804 : i32 to vector<16xi32>
        %shift_left3A_1806 = arith.shli %gather3A_1799, %shift_left3A_1805 : vector<16xi32>
        %bitcast3A_1807 = vector.bitcast %shift_left3A_1806 : vector<16xi32> to vector<16xf32>
        %bitcast3A_1808 = vector.bitcast %gather3A_1795 : vector<16xi32> to vector<16xf32>
        %bitcast3A_1809 = vector.bitcast %gather3A_1799 : vector<16xi32> to vector<16xf32>
        %add3A_1810 = arith.addf %add3A_1751, %bitcast3A_1803 : vector<16xf32>
        %add3A_1811 = arith.addf %add3A_1752, %bitcast3A_1807 : vector<16xf32>
        %add3A_1812 = arith.addf %add3A_1753, %bitcast3A_1808 : vector<16xf32>
        %add3A_1813 = arith.addf %add3A_1754, %bitcast3A_1809 : vector<16xf32>
        %add3A_1814 = arith.constant 10240 : i32
        %add3A_1815 = vector.broadcast %add3A_1814 : i32 to vector<16xi32>
        %add3A_1816 = arith.addi %and3A_1788, %add3A_1815 : vector<16xi32>
        %gather3A_1817 = tpu.vector_load_idx %arg5[%add3A_1816] : memref<20480xi32, #tpu.memory_space<vmem>>[vector<16xi32>], vector<16xi32>,
        %add3A_1818 = arith.constant 10240 : i32
        %add3A_1819 = vector.broadcast %add3A_1818 : i32 to vector<16xi32>
        %add3A_1820 = arith.addi %shift_right_logical3A_1791, %add3A_1819 : vector<16xi32>
        %gather3A_1821 = tpu.vector_load_idx %arg5[%add3A_1820] : memref<20480xi32, #tpu.memory_space<vmem>>[vector<16xi32>], vector<16xi32>,
        %shift_left3A_1822 = arith.constant 16 : i32
        %shift_left3A_1823 = vector.broadcast %shift_left3A_1822 : i32 to vector<16xi32>
        %shift_left3A_1824 = arith.shli %gather3A_1817, %shift_left3A_1823 : vector<16xi32>
        %bitcast3A_1825 = vector.bitcast %shift_left3A_1824 : vector<16xi32> to vector<16xf32>
        %shift_left3A_1826 = arith.constant 16 : i32
        %shift_left3A_1827 = vector.broadcast %shift_left3A_1826 : i32 to vector<16xi32>
        %shift_left3A_1828 = arith.shli %gather3A_1821, %shift_left3A_1827 : vector<16xi32>
        %bitcast3A_1829 = vector.bitcast %shift_left3A_1828 : vector<16xi32> to vector<16xf32>
        %bitcast3A_1830 = vector.bitcast %gather3A_1817 : vector<16xi32> to vector<16xf32>
        %bitcast3A_1831 = vector.bitcast %gather3A_1821 : vector<16xi32> to vector<16xf32>
        %add3A_1832 = arith.addf %add3A_1773, %bitcast3A_1825 : vector<16xf32>
        %add3A_1833 = arith.addf %add3A_1774, %bitcast3A_1829 : vector<16xf32>
        %add3A_1834 = arith.addf %add3A_1775, %bitcast3A_1830 : vector<16xf32>
        %add3A_1835 = arith.addf %add3A_1776, %bitcast3A_1831 : vector<16xf32>
        %mul3A_1836 = arith.constant 8192 : i32
        %mul3A_1837 = arith.muli %and3A_95, %mul3A_1836 : i32
        %add3A_1838 = arith.constant 7424 : i32
        %add3A_1839 = arith.addi %mul3A_1837, %add3A_1838 : i32
        %mul3A_1840 = arith.constant 16 : i32
        %mul3A_1841 = arith.muli %scan3A_136, %mul3A_1840 : i32
        %add3A_1842 = arith.addi %add3A_1839, %mul3A_1841 : i32
        %get3A_1843 = arith.index_cast %add3A_1842 : i32 to index
        %get3A_1844 = tpu.vector_load %arg6[%get3A_1843] {strides = array<i32>} : memref<16384xi32, #tpu.memory_space<vmem>>, vector<16xi32>,
        %and3A_1845 = arith.constant 65535 : i32
        %and3A_1846 = vector.broadcast %and3A_1845 : i32 to vector<16xi32>
        %and3A_1847 = arith.andi %get3A_1844, %and3A_1846 : vector<16xi32>
        %shift_right_logical3A_1848 = arith.constant 16 : i32
        %shift_right_logical3A_1849 = vector.broadcast %shift_right_logical3A_1848 : i32 to vector<16xi32>
        %shift_right_logical3A_1850 = arith.shrui %get3A_1844, %shift_right_logical3A_1849 : vector<16xi32>
        %add3A_1851 = arith.constant 0 : i32
        %add3A_1852 = vector.broadcast %add3A_1851 : i32 to vector<16xi32>
        %add3A_1853 = arith.addi %and3A_1847, %add3A_1852 : vector<16xi32>
        %gather3A_1854 = tpu.vector_load_idx %arg5[%add3A_1853] : memref<20480xi32, #tpu.memory_space<vmem>>[vector<16xi32>], vector<16xi32>,
        %add3A_1855 = arith.constant 0 : i32
        %add3A_1856 = vector.broadcast %add3A_1855 : i32 to vector<16xi32>
        %add3A_1857 = arith.addi %shift_right_logical3A_1850, %add3A_1856 : vector<16xi32>
        %gather3A_1858 = tpu.vector_load_idx %arg5[%add3A_1857] : memref<20480xi32, #tpu.memory_space<vmem>>[vector<16xi32>], vector<16xi32>,
        %shift_left3A_1859 = arith.constant 16 : i32
        %shift_left3A_1860 = vector.broadcast %shift_left3A_1859 : i32 to vector<16xi32>
        %shift_left3A_1861 = arith.shli %gather3A_1854, %shift_left3A_1860 : vector<16xi32>
        %bitcast3A_1862 = vector.bitcast %shift_left3A_1861 : vector<16xi32> to vector<16xf32>
        %shift_left3A_1863 = arith.constant 16 : i32
        %shift_left3A_1864 = vector.broadcast %shift_left3A_1863 : i32 to vector<16xi32>
        %shift_left3A_1865 = arith.shli %gather3A_1858, %shift_left3A_1864 : vector<16xi32>
        %bitcast3A_1866 = vector.bitcast %shift_left3A_1865 : vector<16xi32> to vector<16xf32>
        %bitcast3A_1867 = vector.bitcast %gather3A_1854 : vector<16xi32> to vector<16xf32>
        %bitcast3A_1868 = vector.bitcast %gather3A_1858 : vector<16xi32> to vector<16xf32>
        %add3A_1869 = arith.addf %add3A_1810, %bitcast3A_1862 : vector<16xf32>
        %add3A_1870 = arith.addf %add3A_1811, %bitcast3A_1866 : vector<16xf32>
        %add3A_1871 = arith.addf %add3A_1812, %bitcast3A_1867 : vector<16xf32>
        %add3A_1872 = arith.addf %add3A_1813, %bitcast3A_1868 : vector<16xf32>
        %add3A_1873 = arith.constant 10240 : i32
        %add3A_1874 = vector.broadcast %add3A_1873 : i32 to vector<16xi32>
        %add3A_1875 = arith.addi %and3A_1847, %add3A_1874 : vector<16xi32>
        %gather3A_1876 = tpu.vector_load_idx %arg5[%add3A_1875] : memref<20480xi32, #tpu.memory_space<vmem>>[vector<16xi32>], vector<16xi32>,
        %add3A_1877 = arith.constant 10240 : i32
        %add3A_1878 = vector.broadcast %add3A_1877 : i32 to vector<16xi32>
        %add3A_1879 = arith.addi %shift_right_logical3A_1850, %add3A_1878 : vector<16xi32>
        %gather3A_1880 = tpu.vector_load_idx %arg5[%add3A_1879] : memref<20480xi32, #tpu.memory_space<vmem>>[vector<16xi32>], vector<16xi32>,
        %shift_left3A_1881 = arith.constant 16 : i32
        %shift_left3A_1882 = vector.broadcast %shift_left3A_1881 : i32 to vector<16xi32>
        %shift_left3A_1883 = arith.shli %gather3A_1876, %shift_left3A_1882 : vector<16xi32>
        %bitcast3A_1884 = vector.bitcast %shift_left3A_1883 : vector<16xi32> to vector<16xf32>
        %shift_left3A_1885 = arith.constant 16 : i32
        %shift_left3A_1886 = vector.broadcast %shift_left3A_1885 : i32 to vector<16xi32>
        %shift_left3A_1887 = arith.shli %gather3A_1880, %shift_left3A_1886 : vector<16xi32>
        %bitcast3A_1888 = vector.bitcast %shift_left3A_1887 : vector<16xi32> to vector<16xf32>
        %bitcast3A_1889 = vector.bitcast %gather3A_1876 : vector<16xi32> to vector<16xf32>
        %bitcast3A_1890 = vector.bitcast %gather3A_1880 : vector<16xi32> to vector<16xf32>
        %add3A_1891 = arith.addf %add3A_1832, %bitcast3A_1884 : vector<16xf32>
        %add3A_1892 = arith.addf %add3A_1833, %bitcast3A_1888 : vector<16xf32>
        %add3A_1893 = arith.addf %add3A_1834, %bitcast3A_1889 : vector<16xf32>
        %add3A_1894 = arith.addf %add3A_1835, %bitcast3A_1890 : vector<16xf32>
        %mul3A_1895 = arith.constant 8192 : i32
        %mul3A_1896 = arith.muli %and3A_95, %mul3A_1895 : i32
        %add3A_1897 = arith.constant 7680 : i32
        %add3A_1898 = arith.addi %mul3A_1896, %add3A_1897 : i32
        %mul3A_1899 = arith.constant 16 : i32
        %mul3A_1900 = arith.muli %scan3A_136, %mul3A_1899 : i32
        %add3A_1901 = arith.addi %add3A_1898, %mul3A_1900 : i32
        %get3A_1902 = arith.index_cast %add3A_1901 : i32 to index
        %get3A_1903 = tpu.vector_load %arg6[%get3A_1902] {strides = array<i32>} : memref<16384xi32, #tpu.memory_space<vmem>>, vector<16xi32>,
        %and3A_1904 = arith.constant 65535 : i32
        %and3A_1905 = vector.broadcast %and3A_1904 : i32 to vector<16xi32>
        %and3A_1906 = arith.andi %get3A_1903, %and3A_1905 : vector<16xi32>
        %shift_right_logical3A_1907 = arith.constant 16 : i32
        %shift_right_logical3A_1908 = vector.broadcast %shift_right_logical3A_1907 : i32 to vector<16xi32>
        %shift_right_logical3A_1909 = arith.shrui %get3A_1903, %shift_right_logical3A_1908 : vector<16xi32>
        %add3A_1910 = arith.constant 0 : i32
        %add3A_1911 = vector.broadcast %add3A_1910 : i32 to vector<16xi32>
        %add3A_1912 = arith.addi %and3A_1906, %add3A_1911 : vector<16xi32>
        %gather3A_1913 = tpu.vector_load_idx %arg5[%add3A_1912] : memref<20480xi32, #tpu.memory_space<vmem>>[vector<16xi32>], vector<16xi32>,
        %add3A_1914 = arith.constant 0 : i32
        %add3A_1915 = vector.broadcast %add3A_1914 : i32 to vector<16xi32>
        %add3A_1916 = arith.addi %shift_right_logical3A_1909, %add3A_1915 : vector<16xi32>
        %gather3A_1917 = tpu.vector_load_idx %arg5[%add3A_1916] : memref<20480xi32, #tpu.memory_space<vmem>>[vector<16xi32>], vector<16xi32>,
        %shift_left3A_1918 = arith.constant 16 : i32
        %shift_left3A_1919 = vector.broadcast %shift_left3A_1918 : i32 to vector<16xi32>
        %shift_left3A_1920 = arith.shli %gather3A_1913, %shift_left3A_1919 : vector<16xi32>
        %bitcast3A_1921 = vector.bitcast %shift_left3A_1920 : vector<16xi32> to vector<16xf32>
        %shift_left3A_1922 = arith.constant 16 : i32
        %shift_left3A_1923 = vector.broadcast %shift_left3A_1922 : i32 to vector<16xi32>
        %shift_left3A_1924 = arith.shli %gather3A_1917, %shift_left3A_1923 : vector<16xi32>
        %bitcast3A_1925 = vector.bitcast %shift_left3A_1924 : vector<16xi32> to vector<16xf32>
        %bitcast3A_1926 = vector.bitcast %gather3A_1913 : vector<16xi32> to vector<16xf32>
        %bitcast3A_1927 = vector.bitcast %gather3A_1917 : vector<16xi32> to vector<16xf32>
        %add3A_1928 = arith.addf %add3A_1869, %bitcast3A_1921 : vector<16xf32>
        %add3A_1929 = arith.addf %add3A_1870, %bitcast3A_1925 : vector<16xf32>
        %add3A_1930 = arith.addf %add3A_1871, %bitcast3A_1926 : vector<16xf32>
        %add3A_1931 = arith.addf %add3A_1872, %bitcast3A_1927 : vector<16xf32>
        %add3A_1932 = arith.constant 10240 : i32
        %add3A_1933 = vector.broadcast %add3A_1932 : i32 to vector<16xi32>
        %add3A_1934 = arith.addi %and3A_1906, %add3A_1933 : vector<16xi32>
        %gather3A_1935 = tpu.vector_load_idx %arg5[%add3A_1934] : memref<20480xi32, #tpu.memory_space<vmem>>[vector<16xi32>], vector<16xi32>,
        %add3A_1936 = arith.constant 10240 : i32
        %add3A_1937 = vector.broadcast %add3A_1936 : i32 to vector<16xi32>
        %add3A_1938 = arith.addi %shift_right_logical3A_1909, %add3A_1937 : vector<16xi32>
        %gather3A_1939 = tpu.vector_load_idx %arg5[%add3A_1938] : memref<20480xi32, #tpu.memory_space<vmem>>[vector<16xi32>], vector<16xi32>,
        %shift_left3A_1940 = arith.constant 16 : i32
        %shift_left3A_1941 = vector.broadcast %shift_left3A_1940 : i32 to vector<16xi32>
        %shift_left3A_1942 = arith.shli %gather3A_1935, %shift_left3A_1941 : vector<16xi32>
        %bitcast3A_1943 = vector.bitcast %shift_left3A_1942 : vector<16xi32> to vector<16xf32>
        %shift_left3A_1944 = arith.constant 16 : i32
        %shift_left3A_1945 = vector.broadcast %shift_left3A_1944 : i32 to vector<16xi32>
        %shift_left3A_1946 = arith.shli %gather3A_1939, %shift_left3A_1945 : vector<16xi32>
        %bitcast3A_1947 = vector.bitcast %shift_left3A_1946 : vector<16xi32> to vector<16xf32>
        %bitcast3A_1948 = vector.bitcast %gather3A_1935 : vector<16xi32> to vector<16xf32>
        %bitcast3A_1949 = vector.bitcast %gather3A_1939 : vector<16xi32> to vector<16xf32>
        %add3A_1950 = arith.addf %add3A_1891, %bitcast3A_1943 : vector<16xf32>
        %add3A_1951 = arith.addf %add3A_1892, %bitcast3A_1947 : vector<16xf32>
        %add3A_1952 = arith.addf %add3A_1893, %bitcast3A_1948 : vector<16xf32>
        %add3A_1953 = arith.addf %add3A_1894, %bitcast3A_1949 : vector<16xf32>
        %mul3A_1954 = arith.constant 8192 : i32
        %mul3A_1955 = arith.muli %and3A_95, %mul3A_1954 : i32
        %add3A_1956 = arith.constant 7936 : i32
        %add3A_1957 = arith.addi %mul3A_1955, %add3A_1956 : i32
        %mul3A_1958 = arith.constant 16 : i32
        %mul3A_1959 = arith.muli %scan3A_136, %mul3A_1958 : i32
        %add3A_1960 = arith.addi %add3A_1957, %mul3A_1959 : i32
        %get3A_1961 = arith.index_cast %add3A_1960 : i32 to index
        %get3A_1962 = tpu.vector_load %arg6[%get3A_1961] {strides = array<i32>} : memref<16384xi32, #tpu.memory_space<vmem>>, vector<16xi32>,
        %and3A_1963 = arith.constant 65535 : i32
        %and3A_1964 = vector.broadcast %and3A_1963 : i32 to vector<16xi32>
        %and3A_1965 = arith.andi %get3A_1962, %and3A_1964 : vector<16xi32>
        %shift_right_logical3A_1966 = arith.constant 16 : i32
        %shift_right_logical3A_1967 = vector.broadcast %shift_right_logical3A_1966 : i32 to vector<16xi32>
        %shift_right_logical3A_1968 = arith.shrui %get3A_1962, %shift_right_logical3A_1967 : vector<16xi32>
        %add3A_1969 = arith.constant 0 : i32
        %add3A_1970 = vector.broadcast %add3A_1969 : i32 to vector<16xi32>
        %add3A_1971 = arith.addi %and3A_1965, %add3A_1970 : vector<16xi32>
        %gather3A_1972 = tpu.vector_load_idx %arg5[%add3A_1971] : memref<20480xi32, #tpu.memory_space<vmem>>[vector<16xi32>], vector<16xi32>,
        %add3A_1973 = arith.constant 0 : i32
        %add3A_1974 = vector.broadcast %add3A_1973 : i32 to vector<16xi32>
        %add3A_1975 = arith.addi %shift_right_logical3A_1968, %add3A_1974 : vector<16xi32>
        %gather3A_1976 = tpu.vector_load_idx %arg5[%add3A_1975] : memref<20480xi32, #tpu.memory_space<vmem>>[vector<16xi32>], vector<16xi32>,
        %shift_left3A_1977 = arith.constant 16 : i32
        %shift_left3A_1978 = vector.broadcast %shift_left3A_1977 : i32 to vector<16xi32>
        %shift_left3A_1979 = arith.shli %gather3A_1972, %shift_left3A_1978 : vector<16xi32>
        %bitcast3A_1980 = vector.bitcast %shift_left3A_1979 : vector<16xi32> to vector<16xf32>
        %shift_left3A_1981 = arith.constant 16 : i32
        %shift_left3A_1982 = vector.broadcast %shift_left3A_1981 : i32 to vector<16xi32>
        %shift_left3A_1983 = arith.shli %gather3A_1976, %shift_left3A_1982 : vector<16xi32>
        %bitcast3A_1984 = vector.bitcast %shift_left3A_1983 : vector<16xi32> to vector<16xf32>
        %bitcast3A_1985 = vector.bitcast %gather3A_1972 : vector<16xi32> to vector<16xf32>
        %bitcast3A_1986 = vector.bitcast %gather3A_1976 : vector<16xi32> to vector<16xf32>
        %add3A_1987 = arith.addf %add3A_1928, %bitcast3A_1980 : vector<16xf32>
        %add3A_1988 = arith.addf %add3A_1929, %bitcast3A_1984 : vector<16xf32>
        %add3A_1989 = arith.addf %add3A_1930, %bitcast3A_1985 : vector<16xf32>
        %add3A_1990 = arith.addf %add3A_1931, %bitcast3A_1986 : vector<16xf32>
        %add3A_1991 = arith.constant 10240 : i32
        %add3A_1992 = vector.broadcast %add3A_1991 : i32 to vector<16xi32>
        %add3A_1993 = arith.addi %and3A_1965, %add3A_1992 : vector<16xi32>
        %gather3A_1994 = tpu.vector_load_idx %arg5[%add3A_1993] : memref<20480xi32, #tpu.memory_space<vmem>>[vector<16xi32>], vector<16xi32>,
        %add3A_1995 = arith.constant 10240 : i32
        %add3A_1996 = vector.broadcast %add3A_1995 : i32 to vector<16xi32>
        %add3A_1997 = arith.addi %shift_right_logical3A_1968, %add3A_1996 : vector<16xi32>
        %gather3A_1998 = tpu.vector_load_idx %arg5[%add3A_1997] : memref<20480xi32, #tpu.memory_space<vmem>>[vector<16xi32>], vector<16xi32>,
        %shift_left3A_1999 = arith.constant 16 : i32
        %shift_left3A_2000 = vector.broadcast %shift_left3A_1999 : i32 to vector<16xi32>
        %shift_left3A_2001 = arith.shli %gather3A_1994, %shift_left3A_2000 : vector<16xi32>
        %bitcast3A_2002 = vector.bitcast %shift_left3A_2001 : vector<16xi32> to vector<16xf32>
        %shift_left3A_2003 = arith.constant 16 : i32
        %shift_left3A_2004 = vector.broadcast %shift_left3A_2003 : i32 to vector<16xi32>
        %shift_left3A_2005 = arith.shli %gather3A_1998, %shift_left3A_2004 : vector<16xi32>
        %bitcast3A_2006 = vector.bitcast %shift_left3A_2005 : vector<16xi32> to vector<16xf32>
        %bitcast3A_2007 = vector.bitcast %gather3A_1994 : vector<16xi32> to vector<16xf32>
        %bitcast3A_2008 = vector.bitcast %gather3A_1998 : vector<16xi32> to vector<16xf32>
        %add3A_2009 = arith.addf %add3A_1950, %bitcast3A_2002 : vector<16xf32>
        %add3A_2010 = arith.addf %add3A_1951, %bitcast3A_2006 : vector<16xf32>
        %add3A_2011 = arith.addf %add3A_1952, %bitcast3A_2007 : vector<16xf32>
        %add3A_2012 = arith.addf %add3A_1953, %bitcast3A_2008 : vector<16xf32>
        %mul3A_2013 = arith.constant 2 : i32
        %mul3A_2014 = arith.muli %scan3A_136, %mul3A_2013 : i32
        %mul3A_2015 = arith.constant 16 : i32
        %mul3A_2016 = arith.muli %mul3A_2014, %mul3A_2015 : i32
        %swap3A = arith.constant 0 : i32
        %swap3A_2017 = arith.index_cast %and3A_95 : i32 to index
        %swap3A_2018 = arith.index_cast %swap3A : i32 to index
        %swap3A_2019 = arith.index_cast %mul3A_2016 : i32 to index
        %swap3A_2020 = tpu.vector_load %arg7[%swap3A_2017, %swap3A_2018, %swap3A_2019] {strides = array<i32>} : memref<2x4x512xf32, #tpu.memory_space<vmem>>, vector<16xf32>,
        tpu.vector_store %arg7[%swap3A_2017, %swap3A_2018, %swap3A_2019], %add3A_1987 {strides = array<i32>} : memref<2x4x512xf32, #tpu.memory_space<vmem>>, vector<16xf32>,
        %mul3A_2021 = arith.constant 2 : i32
        %mul3A_2022 = arith.muli %scan3A_136, %mul3A_2021 : i32
        %mul3A_2023 = arith.constant 16 : i32
        %mul3A_2024 = arith.muli %mul3A_2022, %mul3A_2023 : i32
        %add3A_2025 = arith.constant 16 : i32
        %add3A_2026 = arith.addi %mul3A_2024, %add3A_2025 : i32
        %swap3A_2027 = arith.constant 0 : i32
        %swap3A_2028 = arith.index_cast %and3A_95 : i32 to index
        %swap3A_2029 = arith.index_cast %swap3A_2027 : i32 to index
        %swap3A_2030 = arith.index_cast %add3A_2026 : i32 to index
        %swap3A_2031 = tpu.vector_load %arg7[%swap3A_2028, %swap3A_2029, %swap3A_2030] {strides = array<i32>} : memref<2x4x512xf32, #tpu.memory_space<vmem>>, vector<16xf32>,
        tpu.vector_store %arg7[%swap3A_2028, %swap3A_2029, %swap3A_2030], %add3A_1988 {strides = array<i32>} : memref<2x4x512xf32, #tpu.memory_space<vmem>>, vector<16xf32>,
        %mul3A_2032 = arith.constant 2 : i32
        %mul3A_2033 = arith.muli %scan3A_136, %mul3A_2032 : i32
        %mul3A_2034 = arith.constant 16 : i32
        %mul3A_2035 = arith.muli %mul3A_2033, %mul3A_2034 : i32
        %swap3A_2036 = arith.constant 1 : i32
        %swap3A_2037 = arith.index_cast %and3A_95 : i32 to index
        %swap3A_2038 = arith.index_cast %swap3A_2036 : i32 to index
        %swap3A_2039 = arith.index_cast %mul3A_2035 : i32 to index
        %swap3A_2040 = tpu.vector_load %arg7[%swap3A_2037, %swap3A_2038, %swap3A_2039] {strides = array<i32>} : memref<2x4x512xf32, #tpu.memory_space<vmem>>, vector<16xf32>,
        tpu.vector_store %arg7[%swap3A_2037, %swap3A_2038, %swap3A_2039], %add3A_1989 {strides = array<i32>} : memref<2x4x512xf32, #tpu.memory_space<vmem>>, vector<16xf32>,
        %mul3A_2041 = arith.constant 2 : i32
        %mul3A_2042 = arith.muli %scan3A_136, %mul3A_2041 : i32
        %mul3A_2043 = arith.constant 16 : i32
        %mul3A_2044 = arith.muli %mul3A_2042, %mul3A_2043 : i32
        %add3A_2045 = arith.constant 16 : i32
        %add3A_2046 = arith.addi %mul3A_2044, %add3A_2045 : i32
        %swap3A_2047 = arith.constant 1 : i32
        %swap3A_2048 = arith.index_cast %and3A_95 : i32 to index
        %swap3A_2049 = arith.index_cast %swap3A_2047 : i32 to index
        %swap3A_2050 = arith.index_cast %add3A_2046 : i32 to index
        %swap3A_2051 = tpu.vector_load %arg7[%swap3A_2048, %swap3A_2049, %swap3A_2050] {strides = array<i32>} : memref<2x4x512xf32, #tpu.memory_space<vmem>>, vector<16xf32>,
        tpu.vector_store %arg7[%swap3A_2048, %swap3A_2049, %swap3A_2050], %add3A_1990 {strides = array<i32>} : memref<2x4x512xf32, #tpu.memory_space<vmem>>, vector<16xf32>,
        %mul3A_2052 = arith.constant 2 : i32
        %mul3A_2053 = arith.muli %scan3A_136, %mul3A_2052 : i32
        %mul3A_2054 = arith.constant 16 : i32
        %mul3A_2055 = arith.muli %mul3A_2053, %mul3A_2054 : i32
        %swap3A_2056 = arith.constant 2 : i32
        %swap3A_2057 = arith.index_cast %and3A_95 : i32 to index
        %swap3A_2058 = arith.index_cast %swap3A_2056 : i32 to index
        %swap3A_2059 = arith.index_cast %mul3A_2055 : i32 to index
        %swap3A_2060 = tpu.vector_load %arg7[%swap3A_2057, %swap3A_2058, %swap3A_2059] {strides = array<i32>} : memref<2x4x512xf32, #tpu.memory_space<vmem>>, vector<16xf32>,
        tpu.vector_store %arg7[%swap3A_2057, %swap3A_2058, %swap3A_2059], %add3A_2009 {strides = array<i32>} : memref<2x4x512xf32, #tpu.memory_space<vmem>>, vector<16xf32>,
        %mul3A_2061 = arith.constant 2 : i32
        %mul3A_2062 = arith.muli %scan3A_136, %mul3A_2061 : i32
        %mul3A_2063 = arith.constant 16 : i32
        %mul3A_2064 = arith.muli %mul3A_2062, %mul3A_2063 : i32
        %add3A_2065 = arith.constant 16 : i32
        %add3A_2066 = arith.addi %mul3A_2064, %add3A_2065 : i32
        %swap3A_2067 = arith.constant 2 : i32
        %swap3A_2068 = arith.index_cast %and3A_95 : i32 to index
        %swap3A_2069 = arith.index_cast %swap3A_2067 : i32 to index
        %swap3A_2070 = arith.index_cast %add3A_2066 : i32 to index
        %swap3A_2071 = tpu.vector_load %arg7[%swap3A_2068, %swap3A_2069, %swap3A_2070] {strides = array<i32>} : memref<2x4x512xf32, #tpu.memory_space<vmem>>, vector<16xf32>,
        tpu.vector_store %arg7[%swap3A_2068, %swap3A_2069, %swap3A_2070], %add3A_2010 {strides = array<i32>} : memref<2x4x512xf32, #tpu.memory_space<vmem>>, vector<16xf32>,
        %mul3A_2072 = arith.constant 2 : i32
        %mul3A_2073 = arith.muli %scan3A_136, %mul3A_2072 : i32
        %mul3A_2074 = arith.constant 16 : i32
        %mul3A_2075 = arith.muli %mul3A_2073, %mul3A_2074 : i32
        %swap3A_2076 = arith.constant 3 : i32
        %swap3A_2077 = arith.index_cast %and3A_95 : i32 to index
        %swap3A_2078 = arith.index_cast %swap3A_2076 : i32 to index
        %swap3A_2079 = arith.index_cast %mul3A_2075 : i32 to index
        %swap3A_2080 = tpu.vector_load %arg7[%swap3A_2077, %swap3A_2078, %swap3A_2079] {strides = array<i32>} : memref<2x4x512xf32, #tpu.memory_space<vmem>>, vector<16xf32>,
        tpu.vector_store %arg7[%swap3A_2077, %swap3A_2078, %swap3A_2079], %add3A_2011 {strides = array<i32>} : memref<2x4x512xf32, #tpu.memory_space<vmem>>, vector<16xf32>,
        %mul3A_2081 = arith.constant 2 : i32
        %mul3A_2082 = arith.muli %scan3A_136, %mul3A_2081 : i32
        %mul3A_2083 = arith.constant 16 : i32
        %mul3A_2084 = arith.muli %mul3A_2082, %mul3A_2083 : i32
        %add3A_2085 = arith.constant 16 : i32
        %add3A_2086 = arith.addi %mul3A_2084, %add3A_2085 : i32
        %swap3A_2087 = arith.constant 3 : i32
        %swap3A_2088 = arith.index_cast %and3A_95 : i32 to index
        %swap3A_2089 = arith.index_cast %swap3A_2087 : i32 to index
        %swap3A_2090 = arith.index_cast %add3A_2086 : i32 to index
        %swap3A_2091 = tpu.vector_load %arg7[%swap3A_2088, %swap3A_2089, %swap3A_2090] {strides = array<i32>} : memref<2x4x512xf32, #tpu.memory_space<vmem>>, vector<16xf32>,
        tpu.vector_store %arg7[%swap3A_2088, %swap3A_2089, %swap3A_2090], %add3A_2012 {strides = array<i32>} : memref<2x4x512xf32, #tpu.memory_space<vmem>>, vector<16xf32>,
        %scan3A_2092 = arith.constant 0 : i32
        scf.yield %scan3A_2092 : i32
      }
      %scan3A_118 = arith.constant 16 : i32
      %dma_start3A_119 = arith.constant 0 : i32
      %dma_start3A_120 = arith.constant 0 : i32
      %dma_start3A_121 = tpu.memref_slice %arg7[%and3A_95, %dma_start3A_119, %dma_start3A_120] : memref<2x4x512xf32, #tpu.memory_space<vmem>> -> memref<1x4x512xf32, #tpu.memory_space<vmem>>
      %dma_start3A_122 = tpu.memref_squeeze %dma_start3A_121 : memref<1x4x512xf32, #tpu.memory_space<vmem>> -> memref<4x512xf32, #tpu.memory_space<vmem>>
      %dma_start3A_123 = arith.constant 0 : i32
      %dma_start3A_124 = arith.constant 0 : i32
      %dma_start3A_125 = tpu.memref_slice %arg4[%add3A, %scan3A_93, %dma_start3A_123, %dma_start3A_124] : memref<32x20x4x512xf32, #tpu.memory_space<hbm>> -> memref<1x1x4x512xf32, #tpu.memory_space<hbm>>
      %dma_start3A_126 = tpu.memref_squeeze %dma_start3A_125 : memref<1x1x4x512xf32, #tpu.memory_space<hbm>> -> memref<4x512xf32, #tpu.memory_space<hbm>>
      %dma_start3A_127 = arith.constant 0 : i32
      %dma_start3A_128 = arith.constant 0 : i32
      %dma_start3A_129 = tpu.memref_slice %arg4[%add3A, %scan3A_93, %dma_start3A_127, %dma_start3A_128] : memref<32x20x4x512xf32, #tpu.memory_space<hbm>> -> memref<1x1x4x512xf32, #tpu.memory_space<hbm>>
      %dma_start3A_130 = tpu.memref_squeeze %dma_start3A_129 : memref<1x1x4x512xf32, #tpu.memory_space<hbm>> -> memref<4x512xf32, #tpu.memory_space<hbm>>
      %dma_start3A_131 = arith.constant 0 : i32
      %dma_start3A_132 = arith.constant 0 : i32
      %dma_start3A_133 = tpu.memref_slice %arg7[%and3A_95, %dma_start3A_131, %dma_start3A_132] : memref<2x4x512xf32, #tpu.memory_space<vmem>> -> memref<1x4x512xf32, #tpu.memory_space<vmem>>
      %dma_start3A_134 = tpu.memref_squeeze %dma_start3A_133 : memref<1x4x512xf32, #tpu.memory_space<vmem>> -> memref<4x512xf32, #tpu.memory_space<vmem>>
      tpu.enqueue_dma source(%dma_start3A_134 : memref<4x512xf32, #tpu.memory_space<vmem>>) target(%dma_start3A_130 : memref<4x512xf32, #tpu.memory_space<hbm>>) target_semaphore(%arg10 : memref<!tpu.dma_semaphore, #tpu.memory_space<semaphore_mem>>)
      %scan3A_135 = arith.constant 0 : i32
      scf.yield %scan3A_135 : i32
    }
    %scan3A_56 = arith.constant 20 : i32
    %dma_wait3A_57 = arith.constant 0 : i32
    %dma_wait3A_58 = arith.constant 18 : i32
    %dma_wait3A_59 = arith.constant 0 : i32
    %dma_wait3A_60 = arith.constant 0 : i32
    %dma_wait3A_61 = tpu.memref_slice %arg7[%dma_wait3A_57, %dma_wait3A_59, %dma_wait3A_60] : memref<2x4x512xf32, #tpu.memory_space<vmem>> -> memref<1x4x512xf32, #tpu.memory_space<vmem>>
    %dma_wait3A_62 = tpu.memref_squeeze %dma_wait3A_61 : memref<1x4x512xf32, #tpu.memory_space<vmem>> -> memref<4x512xf32, #tpu.memory_space<vmem>>
    %dma_wait3A_63 = arith.constant 0 : i32
    %dma_wait3A_64 = arith.constant 0 : i32
    %dma_wait3A_65 = tpu.memref_slice %arg4[%add3A, %dma_wait3A_58, %dma_wait3A_63, %dma_wait3A_64] : memref<32x20x4x512xf32, #tpu.memory_space<hbm>> -> memref<1x1x4x512xf32, #tpu.memory_space<hbm>>
    %dma_wait3A_66 = tpu.memref_squeeze %dma_wait3A_65 : memref<1x1x4x512xf32, #tpu.memory_space<hbm>> -> memref<4x512xf32, #tpu.memory_space<hbm>>
    %dma_wait3A_67 = arith.constant 0 : i32
    %dma_wait3A_68 = arith.constant 0 : i32
    %dma_wait3A_69 = tpu.memref_slice %arg4[%add3A, %dma_wait3A_58, %dma_wait3A_67, %dma_wait3A_68] : memref<32x20x4x512xf32, #tpu.memory_space<hbm>> -> memref<1x1x4x512xf32, #tpu.memory_space<hbm>>
    %dma_wait3A_70 = tpu.memref_squeeze %dma_wait3A_69 : memref<1x1x4x512xf32, #tpu.memory_space<hbm>> -> memref<4x512xf32, #tpu.memory_space<hbm>>
    %dma_wait3A_71 = arith.constant 0 : i32
    %dma_wait3A_72 = arith.constant 0 : i32
    %dma_wait3A_73 = tpu.memref_slice %arg7[%dma_wait3A_57, %dma_wait3A_71, %dma_wait3A_72] : memref<2x4x512xf32, #tpu.memory_space<vmem>> -> memref<1x4x512xf32, #tpu.memory_space<vmem>>
    %dma_wait3A_74 = tpu.memref_squeeze %dma_wait3A_73 : memref<1x4x512xf32, #tpu.memory_space<vmem>> -> memref<4x512xf32, #tpu.memory_space<vmem>>
    tpu.wait_dma2 semaphore(%arg10 : memref<!tpu.dma_semaphore, #tpu.memory_space<semaphore_mem>>) src(%dma_wait3A_74 : memref<4x512xf32, #tpu.memory_space<vmem>>) dst(%dma_wait3A_70 : memref<4x512xf32, #tpu.memory_space<hbm>>)
    %dma_wait3A_75 = arith.constant 1 : i32
    %dma_wait3A_76 = arith.constant 19 : i32
    %dma_wait3A_77 = arith.constant 0 : i32
    %dma_wait3A_78 = arith.constant 0 : i32
    %dma_wait3A_79 = tpu.memref_slice %arg7[%dma_wait3A_75, %dma_wait3A_77, %dma_wait3A_78] : memref<2x4x512xf32, #tpu.memory_space<vmem>> -> memref<1x4x512xf32, #tpu.memory_space<vmem>>
    %dma_wait3A_80 = tpu.memref_squeeze %dma_wait3A_79 : memref<1x4x512xf32, #tpu.memory_space<vmem>> -> memref<4x512xf32, #tpu.memory_space<vmem>>
    %dma_wait3A_81 = arith.constant 0 : i32
    %dma_wait3A_82 = arith.constant 0 : i32
    %dma_wait3A_83 = tpu.memref_slice %arg4[%add3A, %dma_wait3A_76, %dma_wait3A_81, %dma_wait3A_82] : memref<32x20x4x512xf32, #tpu.memory_space<hbm>> -> memref<1x1x4x512xf32, #tpu.memory_space<hbm>>
    %dma_wait3A_84 = tpu.memref_squeeze %dma_wait3A_83 : memref<1x1x4x512xf32, #tpu.memory_space<hbm>> -> memref<4x512xf32, #tpu.memory_space<hbm>>
    %dma_wait3A_85 = arith.constant 0 : i32
    %dma_wait3A_86 = arith.constant 0 : i32
    %dma_wait3A_87 = tpu.memref_slice %arg4[%add3A, %dma_wait3A_76, %dma_wait3A_85, %dma_wait3A_86] : memref<32x20x4x512xf32, #tpu.memory_space<hbm>> -> memref<1x1x4x512xf32, #tpu.memory_space<hbm>>
    %dma_wait3A_88 = tpu.memref_squeeze %dma_wait3A_87 : memref<1x1x4x512xf32, #tpu.memory_space<hbm>> -> memref<4x512xf32, #tpu.memory_space<hbm>>
    %dma_wait3A_89 = arith.constant 0 : i32
    %dma_wait3A_90 = arith.constant 0 : i32
    %dma_wait3A_91 = tpu.memref_slice %arg7[%dma_wait3A_75, %dma_wait3A_89, %dma_wait3A_90] : memref<2x4x512xf32, #tpu.memory_space<vmem>> -> memref<1x4x512xf32, #tpu.memory_space<vmem>>
    %dma_wait3A_92 = tpu.memref_squeeze %dma_wait3A_91 : memref<1x4x512xf32, #tpu.memory_space<vmem>> -> memref<4x512xf32, #tpu.memory_space<vmem>>
    tpu.wait_dma2 semaphore(%arg10 : memref<!tpu.dma_semaphore, #tpu.memory_space<semaphore_mem>>) src(%dma_wait3A_92 : memref<4x512xf32, #tpu.memory_space<vmem>>) dst(%dma_wait3A_88 : memref<4x512xf32, #tpu.memory_space<hbm>>)
    return
  }
}

module attributes {stable_mosaic.version = 14 : i64} {
  func.func @_linear_packed_body(%arg0: i32, %arg1: memref<32x4x4x512xf32, #tpu.memory_space<vmem>>, %arg2: memref<4x32x128xf32, #tpu.memory_space<vmem>>, %arg3: memref<32x2x2048xi32, #tpu.memory_space<vmem>>) attributes {dimension_semantics = [#tpu.dimension_semantics<arbitrary>], iteration_bounds = array<i64: 5>, scalar_prefetch = 0 : i64, scratch_operands = 0 : i64, tpu.core_type = #tpu.core_type<tc>, window_params = [{transform_indices = @transform_0, window_bounds = array<i64: 32, 4, 4, 512>}, {pipeline_mode = #tpu.pipeline_mode<synchronous>, transform_indices = @transform_1, window_bounds = array<i64: 4, 32, 128>}, {transform_indices = @transform_2, window_bounds = array<i64: 32, 2, 2048>}]} {
    %get3A = arith.constant 0 : index
    %get3A_0 = arith.constant 0 : index
    %get3A_1 = arith.constant 0 : index
    %get3A_2 = arith.constant 0 : index
    %get3A_3 = vector.load %arg1[%get3A, %get3A_0, %get3A_1, %get3A_2] : memref<32x4x4x512xf32, #tpu.memory_space<vmem>>, vector<32x4x4x512xf32>
    %slice3A = vector.extract_strided_slice %get3A_3 {offsets = [0, 0, 0, 0], sizes = [32, 1, 4, 512], strides = [1, 1, 1, 1]} : vector<32x4x4x512xf32> to vector<32x1x4x512xf32>
    %squeeze3A = vector.shape_cast %slice3A : vector<32x1x4x512xf32> to vector<32x4x512xf32>
    %reshape3A = vector.shape_cast %squeeze3A : vector<32x4x512xf32> to vector<128x512xf32>
    %slice3A_4 = vector.extract_strided_slice %get3A_3 {offsets = [0, 1, 0, 0], sizes = [32, 1, 4, 512], strides = [1, 1, 1, 1]} : vector<32x4x4x512xf32> to vector<32x1x4x512xf32>
    %squeeze3A_5 = vector.shape_cast %slice3A_4 : vector<32x1x4x512xf32> to vector<32x4x512xf32>
    %reshape3A_6 = vector.shape_cast %squeeze3A_5 : vector<32x4x512xf32> to vector<128x512xf32>
    %slice3A_7 = vector.extract_strided_slice %get3A_3 {offsets = [0, 2, 0, 0], sizes = [32, 1, 4, 512], strides = [1, 1, 1, 1]} : vector<32x4x4x512xf32> to vector<32x1x4x512xf32>
    %squeeze3A_8 = vector.shape_cast %slice3A_7 : vector<32x1x4x512xf32> to vector<32x4x512xf32>
    %reshape3A_9 = vector.shape_cast %squeeze3A_8 : vector<32x4x512xf32> to vector<128x512xf32>
    %slice3A_10 = vector.extract_strided_slice %get3A_3 {offsets = [0, 3, 0, 0], sizes = [32, 1, 4, 512], strides = [1, 1, 1, 1]} : vector<32x4x4x512xf32> to vector<32x1x4x512xf32>
    %squeeze3A_11 = vector.shape_cast %slice3A_10 : vector<32x1x4x512xf32> to vector<32x4x512xf32>
    %reshape3A_12 = vector.shape_cast %squeeze3A_11 : vector<32x4x512xf32> to vector<128x512xf32>
    %concatenate3A = tpu.concatenate %reshape3A, %reshape3A_6, %reshape3A_9, %reshape3A_12 in 1 : vector<128x512xf32>, vector<128x512xf32>, vector<128x512xf32>, vector<128x512xf32> -> vector<128x2048xf32>
    %get3A_13 = arith.constant 0 : index
    %get3A_14 = arith.constant 0 : index
    %get3A_15 = arith.constant 0 : index
    %get3A_16 = vector.load %arg2[%get3A_13, %get3A_14, %get3A_15] : memref<4x32x128xf32, #tpu.memory_space<vmem>>, vector<1x32x128xf32>
    %get3A_17 = vector.shape_cast %get3A_16 : vector<1x32x128xf32> to vector<32x128xf32>
    %dot_general3A = arith.constant dense<0.000000e+00> : vector<32x2048xf32>
    %dot_general3A_18 = tpu.matmul %get3A_17, %concatenate3A, %dot_general3A {dimension_numbers = #tpu.dot_dimension_numbers<[1], [0], [0], [1], [0, 0, 1, 1], [], []>, transpose_lhs_hint = false} : vector<32x128xf32>, vector<128x2048xf32>, vector<32x2048xf32> -> vector<32x2048xf32>
    %max3A = arith.constant 0.000000e+00 : f32
    %max3A_19 = vector.broadcast %max3A : f32 to vector<32x2048xf32>
    %max3A_20 = arith.maximumf %dot_general3A_18, %max3A_19 : vector<32x2048xf32>
    %mul3A = arith.mulf %max3A_20, %max3A_20 : vector<32x2048xf32>
    %reduce_sum3A = arith.constant dense<0.000000e+00> : vector<2048xf32>
    %reduce_sum3A_21 = vector.multi_reduction <add>, %mul3A, %reduce_sum3A [0] : vector<32x2048xf32> to vector<2048xf32>
    %broadcast_in_dim3A = vector.shape_cast %reduce_sum3A_21 : vector<2048xf32> to vector<1x2048xf32>
    %get3A_22 = arith.constant 1 : index
    %get3A_23 = arith.constant 0 : index
    %get3A_24 = arith.constant 0 : index
    %get3A_25 = vector.load %arg2[%get3A_22, %get3A_23, %get3A_24] : memref<4x32x128xf32, #tpu.memory_space<vmem>>, vector<1x32x128xf32>
    %get3A_26 = vector.shape_cast %get3A_25 : vector<1x32x128xf32> to vector<32x128xf32>
    %dot_general3A_27 = arith.constant dense<0.000000e+00> : vector<32x2048xf32>
    %dot_general3A_28 = tpu.matmul %get3A_26, %concatenate3A, %dot_general3A_27 {dimension_numbers = #tpu.dot_dimension_numbers<[1], [0], [0], [1], [0, 0, 1, 1], [], []>, transpose_lhs_hint = false} : vector<32x128xf32>, vector<128x2048xf32>, vector<32x2048xf32> -> vector<32x2048xf32>
    %max3A_29 = arith.constant 0.000000e+00 : f32
    %max3A_30 = vector.broadcast %max3A_29 : f32 to vector<32x2048xf32>
    %max3A_31 = arith.maximumf %dot_general3A_28, %max3A_30 : vector<32x2048xf32>
    %mul3A_32 = arith.mulf %max3A_31, %max3A_31 : vector<32x2048xf32>
    %reduce_sum3A_33 = arith.constant dense<0.000000e+00> : vector<2048xf32>
    %reduce_sum3A_34 = vector.multi_reduction <add>, %mul3A_32, %reduce_sum3A_33 [0] : vector<32x2048xf32> to vector<2048xf32>
    %broadcast_in_dim3A_35 = vector.shape_cast %reduce_sum3A_34 : vector<2048xf32> to vector<1x2048xf32>
    %add3A = arith.addf %broadcast_in_dim3A, %broadcast_in_dim3A_35 : vector<1x2048xf32>
    %get3A_36 = arith.constant 2 : index
    %get3A_37 = arith.constant 0 : index
    %get3A_38 = arith.constant 0 : index
    %get3A_39 = vector.load %arg2[%get3A_36, %get3A_37, %get3A_38] : memref<4x32x128xf32, #tpu.memory_space<vmem>>, vector<1x32x128xf32>
    %get3A_40 = vector.shape_cast %get3A_39 : vector<1x32x128xf32> to vector<32x128xf32>
    %dot_general3A_41 = arith.constant dense<0.000000e+00> : vector<32x2048xf32>
    %dot_general3A_42 = tpu.matmul %get3A_40, %concatenate3A, %dot_general3A_41 {dimension_numbers = #tpu.dot_dimension_numbers<[1], [0], [0], [1], [0, 0, 1, 1], [], []>, transpose_lhs_hint = false} : vector<32x128xf32>, vector<128x2048xf32>, vector<32x2048xf32> -> vector<32x2048xf32>
    %max3A_43 = arith.constant 0.000000e+00 : f32
    %max3A_44 = vector.broadcast %max3A_43 : f32 to vector<32x2048xf32>
    %max3A_45 = arith.maximumf %dot_general3A_42, %max3A_44 : vector<32x2048xf32>
    %mul3A_46 = arith.mulf %max3A_45, %max3A_45 : vector<32x2048xf32>
    %reduce_sum3A_47 = arith.constant dense<0.000000e+00> : vector<2048xf32>
    %reduce_sum3A_48 = vector.multi_reduction <add>, %mul3A_46, %reduce_sum3A_47 [0] : vector<32x2048xf32> to vector<2048xf32>
    %broadcast_in_dim3A_49 = vector.shape_cast %reduce_sum3A_48 : vector<2048xf32> to vector<1x2048xf32>
    %add3A_50 = arith.addf %add3A, %broadcast_in_dim3A_49 : vector<1x2048xf32>
    %get3A_51 = arith.constant 3 : index
    %get3A_52 = arith.constant 0 : index
    %get3A_53 = arith.constant 0 : index
    %get3A_54 = vector.load %arg2[%get3A_51, %get3A_52, %get3A_53] : memref<4x32x128xf32, #tpu.memory_space<vmem>>, vector<1x32x128xf32>
    %get3A_55 = vector.shape_cast %get3A_54 : vector<1x32x128xf32> to vector<32x128xf32>
    %dot_general3A_56 = arith.constant dense<0.000000e+00> : vector<32x2048xf32>
    %dot_general3A_57 = tpu.matmul %get3A_55, %concatenate3A, %dot_general3A_56 {dimension_numbers = #tpu.dot_dimension_numbers<[1], [0], [0], [1], [0, 0, 1, 1], [], []>, transpose_lhs_hint = false} : vector<32x128xf32>, vector<128x2048xf32>, vector<32x2048xf32> -> vector<32x2048xf32>
    %max3A_58 = arith.constant 0.000000e+00 : f32
    %max3A_59 = vector.broadcast %max3A_58 : f32 to vector<32x2048xf32>
    %max3A_60 = arith.maximumf %dot_general3A_57, %max3A_59 : vector<32x2048xf32>
    %mul3A_61 = arith.mulf %max3A_60, %max3A_60 : vector<32x2048xf32>
    %reduce_sum3A_62 = arith.constant dense<0.000000e+00> : vector<2048xf32>
    %reduce_sum3A_63 = vector.multi_reduction <add>, %mul3A_61, %reduce_sum3A_62 [0] : vector<32x2048xf32> to vector<2048xf32>
    %broadcast_in_dim3A_64 = vector.shape_cast %reduce_sum3A_63 : vector<2048xf32> to vector<1x2048xf32>
    %add3A_65 = arith.addf %add3A_50, %broadcast_in_dim3A_64 : vector<1x2048xf32>
    %sqrt3A = math.sqrt %add3A_65 : vector<1x2048xf32>
    %max3A_66 = arith.constant 9.99999996E-13 : f32
    %max3A_67 = vector.broadcast %max3A_66 : f32 to vector<1x2048xf32>
    %max3A_68 = arith.maximumf %sqrt3A, %max3A_67 : vector<1x2048xf32>
    %div3A = arith.constant 1.000000e+00 : f32
    %div3A_69 = vector.broadcast %div3A : f32 to vector<1x2048xf32>
    %div3A_70 = arith.divf %div3A_69, %max3A_68 : vector<1x2048xf32>
    %mul3A_71 = vector.broadcast %div3A_70 : vector<1x2048xf32> to vector<32x2048xf32>
    %mul3A_72 = arith.mulf %max3A_20, %mul3A_71 : vector<32x2048xf32>
    %mul3A_73 = vector.broadcast %div3A_70 : vector<1x2048xf32> to vector<32x2048xf32>
    %mul3A_74 = arith.mulf %max3A_31, %mul3A_73 : vector<32x2048xf32>
    %mul3A_75 = vector.broadcast %div3A_70 : vector<1x2048xf32> to vector<32x2048xf32>
    %mul3A_76 = arith.mulf %max3A_45, %mul3A_75 : vector<32x2048xf32>
    %mul3A_77 = vector.broadcast %div3A_70 : vector<1x2048xf32> to vector<32x2048xf32>
    %mul3A_78 = arith.mulf %max3A_60, %mul3A_77 : vector<32x2048xf32>
    %bitcast_convert_type3A = tpu.bitcast %mul3A_72 : vector<32x2048xf32> -> vector<32x2048xi32>
    %bitcast_convert_type3A_79 = tpu.bitcast %mul3A_74 : vector<32x2048xf32> -> vector<32x2048xi32>
    %add3A_80 = arith.constant 32768 : i32
    %add3A_81 = vector.broadcast %add3A_80 : i32 to vector<32x2048xi32>
    %add3A_82 = arith.addi %bitcast_convert_type3A, %add3A_81 : vector<32x2048xi32>
    %shift_right_logical3A = arith.constant 16 : i32
    %shift_right_logical3A_83 = vector.broadcast %shift_right_logical3A : i32 to vector<32x2048xi32>
    %shift_right_logical3A_84 = arith.shrui %add3A_82, %shift_right_logical3A_83 : vector<32x2048xi32>
    %add3A_85 = arith.constant 32768 : i32
    %add3A_86 = vector.broadcast %add3A_85 : i32 to vector<32x2048xi32>
    %add3A_87 = arith.addi %bitcast_convert_type3A_79, %add3A_86 : vector<32x2048xi32>
    %and3A = arith.constant -65536 : i32
    %and3A_88 = vector.broadcast %and3A : i32 to vector<32x2048xi32>
    %and3A_89 = arith.andi %add3A_87, %and3A_88 : vector<32x2048xi32>
    %or3A = arith.ori %shift_right_logical3A_84, %and3A_89 : vector<32x2048xi32>
    %bitcast_convert_type3A_90 = tpu.bitcast %or3A : vector<32x2048xi32> -> vector<32x2048xi32>
    %swap3A = arith.constant 0 : index
    %swap3A_91 = arith.constant 0 : index
    %swap3A_92 = arith.constant 0 : index
    %swap3A_93 = vector.load %arg3[%swap3A, %swap3A_91, %swap3A_92] : memref<32x2x2048xi32, #tpu.memory_space<vmem>>, vector<32x1x2048xi32>
    %swap3A_94 = vector.shape_cast %swap3A_93 : vector<32x1x2048xi32> to vector<32x2048xi32>
    %swap3A_95 = vector.shape_cast %bitcast_convert_type3A_90 : vector<32x2048xi32> to vector<32x1x2048xi32>
    tpu.vector_store %arg3[%swap3A, %swap3A_91, %swap3A_92], %swap3A_95 {strides = array<i32>} : memref<32x2x2048xi32, #tpu.memory_space<vmem>>, vector<32x1x2048xi32>,
    %bitcast_convert_type3A_96 = tpu.bitcast %mul3A_76 : vector<32x2048xf32> -> vector<32x2048xi32>
    %bitcast_convert_type3A_97 = tpu.bitcast %mul3A_78 : vector<32x2048xf32> -> vector<32x2048xi32>
    %add3A_98 = arith.constant 32768 : i32
    %add3A_99 = vector.broadcast %add3A_98 : i32 to vector<32x2048xi32>
    %add3A_100 = arith.addi %bitcast_convert_type3A_96, %add3A_99 : vector<32x2048xi32>
    %shift_right_logical3A_101 = arith.constant 16 : i32
    %shift_right_logical3A_102 = vector.broadcast %shift_right_logical3A_101 : i32 to vector<32x2048xi32>
    %shift_right_logical3A_103 = arith.shrui %add3A_100, %shift_right_logical3A_102 : vector<32x2048xi32>
    %add3A_104 = arith.constant 32768 : i32
    %add3A_105 = vector.broadcast %add3A_104 : i32 to vector<32x2048xi32>
    %add3A_106 = arith.addi %bitcast_convert_type3A_97, %add3A_105 : vector<32x2048xi32>
    %and3A_107 = arith.constant -65536 : i32
    %and3A_108 = vector.broadcast %and3A_107 : i32 to vector<32x2048xi32>
    %and3A_109 = arith.andi %add3A_106, %and3A_108 : vector<32x2048xi32>
    %or3A_110 = arith.ori %shift_right_logical3A_103, %and3A_109 : vector<32x2048xi32>
    %bitcast_convert_type3A_111 = tpu.bitcast %or3A_110 : vector<32x2048xi32> -> vector<32x2048xi32>
    %swap3A_112 = arith.constant 0 : index
    %swap3A_113 = arith.constant 1 : index
    %swap3A_114 = arith.constant 0 : index
    %swap3A_115 = vector.load %arg3[%swap3A_112, %swap3A_113, %swap3A_114] : memref<32x2x2048xi32, #tpu.memory_space<vmem>>, vector<32x1x2048xi32>
    %swap3A_116 = vector.shape_cast %swap3A_115 : vector<32x1x2048xi32> to vector<32x2048xi32>
    %swap3A_117 = vector.shape_cast %bitcast_convert_type3A_111 : vector<32x2048xi32> to vector<32x1x2048xi32>
    tpu.vector_store %arg3[%swap3A_112, %swap3A_113, %swap3A_114], %swap3A_117 {strides = array<i32>} : memref<32x2x2048xi32, #tpu.memory_space<vmem>>, vector<32x1x2048xi32>,
    return
  }
  func.func @transform_0(%arg0: i32) -> (i32, i32, i32, i32) {
    %c0_i32 = arith.constant 0 : i32
    %c0_i32_0 = arith.constant 0 : i32
    %c0_i32_1 = arith.constant 0 : i32
    %c0_i32_2 = arith.constant 0 : i32
    return %c0_i32, %arg0, %c0_i32_0, %c0_i32_1 : i32, i32, i32, i32
  }
  func.func @transform_1(%arg0: i32) -> (i32, i32, i32) {
    %c0_i32 = arith.constant 0 : i32
    %c0_i32_0 = arith.constant 0 : i32
    %c0_i32_1 = arith.constant 0 : i32
    %c0_i32_2 = arith.constant 0 : i32
    return %c0_i32, %c0_i32_0, %c0_i32_1 : i32, i32, i32
  }
  func.func @transform_2(%arg0: i32) -> (i32, i32, i32) {
    %c0_i32 = arith.constant 0 : i32
    %c0_i32_0 = arith.constant 0 : i32
    %c0_i32_1 = arith.constant 0 : i32
    return %c0_i32, %c0_i32_0, %arg0 : i32, i32, i32
  }
}

module attributes {stable_mosaic.version = 14 : i64} {
  func.func @_linear_f32_body(%arg0: i32, %arg1: memref<32x4x4x512xf32, #tpu.memory_space<vmem>>, %arg2: memref<4x32x128xf32, #tpu.memory_space<vmem>>, %arg3: memref<2048x128xf32, #tpu.memory_space<vmem>>) attributes {dimension_semantics = [#tpu.dimension_semantics<arbitrary>], iteration_bounds = array<i64: 5>, scalar_prefetch = 0 : i64, scratch_operands = 0 : i64, tpu.core_type = #tpu.core_type<tc>, window_params = [{transform_indices = @transform_0, window_bounds = array<i64: 32, 4, 4, 512>}, {pipeline_mode = #tpu.pipeline_mode<synchronous>, transform_indices = @transform_1, window_bounds = array<i64: 4, 32, 128>}, {transform_indices = @transform_2, window_bounds = array<i64: 2048, 128>}]} {
    %get3A = arith.constant 0 : index
    %get3A_0 = arith.constant 0 : index
    %get3A_1 = arith.constant 0 : index
    %get3A_2 = arith.constant 0 : index
    %get3A_3 = vector.load %arg1[%get3A, %get3A_0, %get3A_1, %get3A_2] : memref<32x4x4x512xf32, #tpu.memory_space<vmem>>, vector<32x4x4x512xf32>
    %slice3A = vector.extract_strided_slice %get3A_3 {offsets = [0, 0, 0, 0], sizes = [32, 1, 4, 512], strides = [1, 1, 1, 1]} : vector<32x4x4x512xf32> to vector<32x1x4x512xf32>
    %squeeze3A = vector.shape_cast %slice3A : vector<32x1x4x512xf32> to vector<32x4x512xf32>
    %reshape3A = vector.shape_cast %squeeze3A : vector<32x4x512xf32> to vector<128x512xf32>
    %slice3A_4 = vector.extract_strided_slice %get3A_3 {offsets = [0, 1, 0, 0], sizes = [32, 1, 4, 512], strides = [1, 1, 1, 1]} : vector<32x4x4x512xf32> to vector<32x1x4x512xf32>
    %squeeze3A_5 = vector.shape_cast %slice3A_4 : vector<32x1x4x512xf32> to vector<32x4x512xf32>
    %reshape3A_6 = vector.shape_cast %squeeze3A_5 : vector<32x4x512xf32> to vector<128x512xf32>
    %slice3A_7 = vector.extract_strided_slice %get3A_3 {offsets = [0, 2, 0, 0], sizes = [32, 1, 4, 512], strides = [1, 1, 1, 1]} : vector<32x4x4x512xf32> to vector<32x1x4x512xf32>
    %squeeze3A_8 = vector.shape_cast %slice3A_7 : vector<32x1x4x512xf32> to vector<32x4x512xf32>
    %reshape3A_9 = vector.shape_cast %squeeze3A_8 : vector<32x4x512xf32> to vector<128x512xf32>
    %slice3A_10 = vector.extract_strided_slice %get3A_3 {offsets = [0, 3, 0, 0], sizes = [32, 1, 4, 512], strides = [1, 1, 1, 1]} : vector<32x4x4x512xf32> to vector<32x1x4x512xf32>
    %squeeze3A_11 = vector.shape_cast %slice3A_10 : vector<32x1x4x512xf32> to vector<32x4x512xf32>
    %reshape3A_12 = vector.shape_cast %squeeze3A_11 : vector<32x4x512xf32> to vector<128x512xf32>
    %concatenate3A = tpu.concatenate %reshape3A, %reshape3A_6, %reshape3A_9, %reshape3A_12 in 1 : vector<128x512xf32>, vector<128x512xf32>, vector<128x512xf32>, vector<128x512xf32> -> vector<128x2048xf32>
    %get3A_13 = arith.constant 0 : index
    %get3A_14 = arith.constant 0 : index
    %get3A_15 = arith.constant 0 : index
    %get3A_16 = vector.load %arg2[%get3A_13, %get3A_14, %get3A_15] : memref<4x32x128xf32, #tpu.memory_space<vmem>>, vector<1x32x128xf32>
    %get3A_17 = vector.shape_cast %get3A_16 : vector<1x32x128xf32> to vector<32x128xf32>
    %dot_general3A = arith.constant dense<0.000000e+00> : vector<32x2048xf32>
    %dot_general3A_18 = tpu.matmul %get3A_17, %concatenate3A, %dot_general3A {dimension_numbers = #tpu.dot_dimension_numbers<[1], [0], [0], [1], [0, 0, 1, 1], [], []>, transpose_lhs_hint = false} : vector<32x128xf32>, vector<128x2048xf32>, vector<32x2048xf32> -> vector<32x2048xf32>
    %max3A = arith.constant 0.000000e+00 : f32
    %max3A_19 = vector.broadcast %max3A : f32 to vector<32x2048xf32>
    %max3A_20 = arith.maximumf %dot_general3A_18, %max3A_19 : vector<32x2048xf32>
    %mul3A = arith.mulf %max3A_20, %max3A_20 : vector<32x2048xf32>
    %reduce_sum3A = arith.constant dense<0.000000e+00> : vector<2048xf32>
    %reduce_sum3A_21 = vector.multi_reduction <add>, %mul3A, %reduce_sum3A [0] : vector<32x2048xf32> to vector<2048xf32>
    %broadcast_in_dim3A = vector.shape_cast %reduce_sum3A_21 : vector<2048xf32> to vector<1x2048xf32>
    %get3A_22 = arith.constant 1 : index
    %get3A_23 = arith.constant 0 : index
    %get3A_24 = arith.constant 0 : index
    %get3A_25 = vector.load %arg2[%get3A_22, %get3A_23, %get3A_24] : memref<4x32x128xf32, #tpu.memory_space<vmem>>, vector<1x32x128xf32>
    %get3A_26 = vector.shape_cast %get3A_25 : vector<1x32x128xf32> to vector<32x128xf32>
    %dot_general3A_27 = arith.constant dense<0.000000e+00> : vector<32x2048xf32>
    %dot_general3A_28 = tpu.matmul %get3A_26, %concatenate3A, %dot_general3A_27 {dimension_numbers = #tpu.dot_dimension_numbers<[1], [0], [0], [1], [0, 0, 1, 1], [], []>, transpose_lhs_hint = false} : vector<32x128xf32>, vector<128x2048xf32>, vector<32x2048xf32> -> vector<32x2048xf32>
    %max3A_29 = arith.constant 0.000000e+00 : f32
    %max3A_30 = vector.broadcast %max3A_29 : f32 to vector<32x2048xf32>
    %max3A_31 = arith.maximumf %dot_general3A_28, %max3A_30 : vector<32x2048xf32>
    %mul3A_32 = arith.mulf %max3A_31, %max3A_31 : vector<32x2048xf32>
    %reduce_sum3A_33 = arith.constant dense<0.000000e+00> : vector<2048xf32>
    %reduce_sum3A_34 = vector.multi_reduction <add>, %mul3A_32, %reduce_sum3A_33 [0] : vector<32x2048xf32> to vector<2048xf32>
    %broadcast_in_dim3A_35 = vector.shape_cast %reduce_sum3A_34 : vector<2048xf32> to vector<1x2048xf32>
    %add3A = arith.addf %broadcast_in_dim3A, %broadcast_in_dim3A_35 : vector<1x2048xf32>
    %get3A_36 = arith.constant 2 : index
    %get3A_37 = arith.constant 0 : index
    %get3A_38 = arith.constant 0 : index
    %get3A_39 = vector.load %arg2[%get3A_36, %get3A_37, %get3A_38] : memref<4x32x128xf32, #tpu.memory_space<vmem>>, vector<1x32x128xf32>
    %get3A_40 = vector.shape_cast %get3A_39 : vector<1x32x128xf32> to vector<32x128xf32>
    %dot_general3A_41 = arith.constant dense<0.000000e+00> : vector<32x2048xf32>
    %dot_general3A_42 = tpu.matmul %get3A_40, %concatenate3A, %dot_general3A_41 {dimension_numbers = #tpu.dot_dimension_numbers<[1], [0], [0], [1], [0, 0, 1, 1], [], []>, transpose_lhs_hint = false} : vector<32x128xf32>, vector<128x2048xf32>, vector<32x2048xf32> -> vector<32x2048xf32>
    %max3A_43 = arith.constant 0.000000e+00 : f32
    %max3A_44 = vector.broadcast %max3A_43 : f32 to vector<32x2048xf32>
    %max3A_45 = arith.maximumf %dot_general3A_42, %max3A_44 : vector<32x2048xf32>
    %mul3A_46 = arith.mulf %max3A_45, %max3A_45 : vector<32x2048xf32>
    %reduce_sum3A_47 = arith.constant dense<0.000000e+00> : vector<2048xf32>
    %reduce_sum3A_48 = vector.multi_reduction <add>, %mul3A_46, %reduce_sum3A_47 [0] : vector<32x2048xf32> to vector<2048xf32>
    %broadcast_in_dim3A_49 = vector.shape_cast %reduce_sum3A_48 : vector<2048xf32> to vector<1x2048xf32>
    %add3A_50 = arith.addf %add3A, %broadcast_in_dim3A_49 : vector<1x2048xf32>
    %get3A_51 = arith.constant 3 : index
    %get3A_52 = arith.constant 0 : index
    %get3A_53 = arith.constant 0 : index
    %get3A_54 = vector.load %arg2[%get3A_51, %get3A_52, %get3A_53] : memref<4x32x128xf32, #tpu.memory_space<vmem>>, vector<1x32x128xf32>
    %get3A_55 = vector.shape_cast %get3A_54 : vector<1x32x128xf32> to vector<32x128xf32>
    %dot_general3A_56 = arith.constant dense<0.000000e+00> : vector<32x2048xf32>
    %dot_general3A_57 = tpu.matmul %get3A_55, %concatenate3A, %dot_general3A_56 {dimension_numbers = #tpu.dot_dimension_numbers<[1], [0], [0], [1], [0, 0, 1, 1], [], []>, transpose_lhs_hint = false} : vector<32x128xf32>, vector<128x2048xf32>, vector<32x2048xf32> -> vector<32x2048xf32>
    %max3A_58 = arith.constant 0.000000e+00 : f32
    %max3A_59 = vector.broadcast %max3A_58 : f32 to vector<32x2048xf32>
    %max3A_60 = arith.maximumf %dot_general3A_57, %max3A_59 : vector<32x2048xf32>
    %mul3A_61 = arith.mulf %max3A_60, %max3A_60 : vector<32x2048xf32>
    %reduce_sum3A_62 = arith.constant dense<0.000000e+00> : vector<2048xf32>
    %reduce_sum3A_63 = vector.multi_reduction <add>, %mul3A_61, %reduce_sum3A_62 [0] : vector<32x2048xf32> to vector<2048xf32>
    %broadcast_in_dim3A_64 = vector.shape_cast %reduce_sum3A_63 : vector<2048xf32> to vector<1x2048xf32>
    %add3A_65 = arith.addf %add3A_50, %broadcast_in_dim3A_64 : vector<1x2048xf32>
    %sqrt3A = math.sqrt %add3A_65 : vector<1x2048xf32>
    %max3A_66 = arith.constant 9.99999996E-13 : f32
    %max3A_67 = vector.broadcast %max3A_66 : f32 to vector<1x2048xf32>
    %max3A_68 = arith.maximumf %sqrt3A, %max3A_67 : vector<1x2048xf32>
    %div3A = arith.constant 1.000000e+00 : f32
    %div3A_69 = vector.broadcast %div3A : f32 to vector<1x2048xf32>
    %div3A_70 = arith.divf %div3A_69, %max3A_68 : vector<1x2048xf32>
    %mul3A_71 = vector.broadcast %div3A_70 : vector<1x2048xf32> to vector<32x2048xf32>
    %mul3A_72 = arith.mulf %max3A_20, %mul3A_71 : vector<32x2048xf32>
    %mul3A_73 = vector.broadcast %div3A_70 : vector<1x2048xf32> to vector<32x2048xf32>
    %mul3A_74 = arith.mulf %max3A_31, %mul3A_73 : vector<32x2048xf32>
    %mul3A_75 = vector.broadcast %div3A_70 : vector<1x2048xf32> to vector<32x2048xf32>
    %mul3A_76 = arith.mulf %max3A_45, %mul3A_75 : vector<32x2048xf32>
    %mul3A_77 = vector.broadcast %div3A_70 : vector<1x2048xf32> to vector<32x2048xf32>
    %mul3A_78 = arith.mulf %max3A_60, %mul3A_77 : vector<32x2048xf32>
    %stack3A = vector.shape_cast %mul3A_72 : vector<32x2048xf32> to vector<32x1x2048xf32>
    %stack3A_79 = vector.shape_cast %mul3A_74 : vector<32x2048xf32> to vector<32x1x2048xf32>
    %stack3A_80 = vector.shape_cast %mul3A_76 : vector<32x2048xf32> to vector<32x1x2048xf32>
    %stack3A_81 = vector.shape_cast %mul3A_78 : vector<32x2048xf32> to vector<32x1x2048xf32>
    %stack3A_82 = tpu.concatenate %stack3A, %stack3A_79, %stack3A_80, %stack3A_81 in 1 : vector<32x1x2048xf32>, vector<32x1x2048xf32>, vector<32x1x2048xf32>, vector<32x1x2048xf32> -> vector<32x4x2048xf32>
    %reshape3A_83 = vector.shape_cast %stack3A_82 : vector<32x4x2048xf32> to vector<128x2048xf32>
    %transpose3A = tpu.transpose %reshape3A_83, [1, 0] : vector<128x2048xf32> -> vector<2048x128xf32>
    %swap3A = arith.constant 0 : index
    %swap3A_84 = arith.constant 0 : index
    %swap3A_85 = vector.load %arg3[%swap3A, %swap3A_84] : memref<2048x128xf32, #tpu.memory_space<vmem>>, vector<2048x128xf32>
    tpu.vector_store %arg3[%swap3A, %swap3A_84], %transpose3A {strides = array<i32>} : memref<2048x128xf32, #tpu.memory_space<vmem>>, vector<2048x128xf32>,
    return
  }
  func.func @transform_0(%arg0: i32) -> (i32, i32, i32, i32) {
    %c0_i32 = arith.constant 0 : i32
    %c0_i32_0 = arith.constant 0 : i32
    %c0_i32_1 = arith.constant 0 : i32
    %c0_i32_2 = arith.constant 0 : i32
    return %c0_i32, %arg0, %c0_i32_0, %c0_i32_1 : i32, i32, i32, i32
  }
  func.func @transform_1(%arg0: i32) -> (i32, i32, i32) {
    %c0_i32 = arith.constant 0 : i32
    %c0_i32_0 = arith.constant 0 : i32
    %c0_i32_1 = arith.constant 0 : i32
    %c0_i32_2 = arith.constant 0 : i32
    return %c0_i32, %c0_i32_0, %c0_i32_1 : i32, i32, i32
  }
  func.func @transform_2(%arg0: i32) -> (i32, i32) {
    %c0_i32 = arith.constant 0 : i32
    %c0_i32_0 = arith.constant 0 : i32
    return %arg0, %c0_i32 : i32, i32
  }
}

</mosaic_0001>

<sc_bundles>
// kernel: kernel.6.cloned.1.call-start
scs
__scs_entry_jumppad:
0x0: {  	(pc) =	sbr.rel $0x88, $3  }
0x1: {  	(tag) =	ssettag $0x0;
	lr =	simm.s32 $0x1  }
0x2: {  	[smem:$0x3F9D] =	sst lr;
	_ =	strace $0xD0000000  }
0x3: {  	_ = 	snop  }
0x4: {  	_ = 	snop  }
0x5: {  	_ = 	snop  }
0x6: {  	_ = 	snop  }
0x7: {  	_ = 	snop  }
__scs_overlays_trampoline_lowered:
0x8: {  	[smem:$0x3FAC] =	sst s0  }
0x9: {  	[smem:$0x3FAD] =	sst s1  }
0xa: {  	[smem:$0x3FAE] =	sst s2  }
0xb: {  	[smem:$0x3FAF] =	sst s3  }
0xc: {  	[smem:$0x3FB0] =	sst s4  }
0xd: {  	[smem:$0x3FB1] =	sst s5  }
0xe: {  	[smem:$0x3FB2] =	sst s6  }
0xf: {  	[smem:$0x3FB3] =	sst s7  }
0x10: {  	[smem:$0x3FB4] =	sst s8  }
0x11: {  	[smem:$0x3FB5] =	sst s9;
	s0 =	simm.s32 @!p0 $0x0  }
0x12: {  	s1 =	sld [smem:$0x3F9B];
	s0 =	simm.s32 @p0 $0x1  }
0x13: {  	[smem:$0x3FB6] =	sst s0;
	s0 =	simm.s32 @!p1 $0x0  }
0x14: {  	s2 =	sld [smem:$0x3F9A];
	s0 =	simm.s32 @p1 $0x1  }
0x15: {  	[smem:$0x3FB7] =	sst s0;
	s0 =	simm.s32 @!p2 $0x0  }
0x16: {  	s3 =	sld [smem:$0x3FDB];
	s0 =	simm.s32 @p2 $0x1  }
0x17: {  	s4 =	simm.s32 $0x1BF5;
	[smem:$0x3FB9] =	sst s0  }
0x18: {  	s0 =	sld [smem:$0x3F9C];
	_ =	swait.ge [sflag:s4], $0x0  }
0x19: {  	s7 =	sld [smem:$0x3F9D]  }
0x1a: {  	s8 =	sadd.s32 $0xFFFFE003, lr  }
0x1b: {  	s9 =	sadd.s32 $0xFFFFFEF7, lr;
	s5 =	simm.s32 $0xFFFFFFFF;
	p2 =	slt.u32 s8, $0xFFFFF086  }
0x1c: {  	p1 =	slt.u32 s9, $0xF7A;
	s5 =	simm.s32 @!p2 $0x0  }
0x1d: {  	s5 =	simm.s32 @p1 $0x1;
	p0 =	seq.s32 s7, s2  }
0x1e: {  	s7 =	smul.u32 @!p0 $0xF7A, s2;
	p2 =	seq.s32 @!p0 s5, $0x0  }
0x1f: {  	s9 =	smul.u32 $0xF7A, s1;
	s8 =	simm.s32 @!p0 $0x1BF5;
	p2 =	por !p2, p0  }
0x20: {  	[sflag:s8] =	ssyncset.s32 @!p0 $0xFFFFF086;
	s6 =	sadd.s32 @!p0 s3, s7;
	s7 =	simm.s32 @!p0 $0x108  }
0x21: {  	s3 =	sadd.s32 s3, s9;
	s6 =	sadd.s32 @!p0 $0x88, s6;
	s7 =	simm.s32 @p2 $0x1082  }
0x22: {  	[simem:s7], [sflag:s8] =	dma.local @!p0 [hbm:s6], $0xF7A  }
0x23: {  	s9 =	sor.u32 $0xD0000000, s2;
	s6 =	simm.s32 $0x108;
	_ =	swait.ge @!p0 [sflag:s8], $0x0  }
0x24: {  	s3 =	sadd.s32 $0x88, s3;
	s6 =	simm.s32 @!p1 $0x1082;
	[sflag:s4] =	ssyncset.s32 $0xFFFFF086  }
0x25: {  	[simem:s6], [sflag:s4] =	dma.local [hbm:s3], $0xF7A  }
0x26: {  	[smem:$0x3F9D] =	sst s1;
	(tag) =	ssettag s2;
	_ =	strace s9  }
0x27: {  	s1 =	sld [smem:$0x3FAD]  }
0x28: {  	s2 =	sld [smem:$0x3FAE]  }
0x29: {  	s4 =	sld [smem:$0x3FB0]  }
0x2a: {  	p0 =	seq.s32 s5, $0x0;
	s5 =	sld [smem:$0x3FB1]  }
0x2b: {  	s6 =	sld [smem:$0x3FB2]  }
0x2c: {  	s7 =	sld [smem:$0x3FB3]  }
0x2d: {  	s3 =	simm.s32 $0x108;
	s8 =	sld [smem:$0x3FB4]  }
0x2e: {  	s3 =	simm.s32 @!p0 $0x1082;
	s9 =	sld [smem:$0x3FB5]  }
0x2f: {  	lr =	sadd.s32 s0, s3;
	s0 =	sld [smem:$0x3FAC]  }
0x30: {  	s3 =	sld [smem:$0x3FAF]  }
0x31: {  	[smem:$0x3FB8] =	sst s10  }
0x32: {  	s10 =	sld [smem:$0x3FB6];
	_ =	sdelay $0x3  }
0x33: {  	p0 =	seq.s32 s10, $0x1;
	s10 =	sld [smem:$0x3FB8];
	_ =	sdelay $0x3  }
0x34: {  	[smem:$0x3FB8] =	sst s10  }
0x35: {  	s10 =	sld [smem:$0x3FB7];
	_ =	sdelay $0x3  }
0x36: {  	p1 =	seq.s32 s10, $0x1;
	s10 =	sld [smem:$0x3FB8];
	_ =	sdelay $0x3  }
0x37: {  	[smem:$0x3FB8] =	sst s10  }
0x38: {  	s10 =	sld [smem:$0x3FB9]  }
0x39: {  	_ = 	snop;
	(pc) =	sbr.ind lr, $3  }
0x3a: {  	_ = 	snop  }
0x3b: {  	_ = 	snop  }
0x3c: {  	p2 =	seq.s32 s10, $0x1;
	s10 =	sld [smem:$0x3FB8]  }
0x3d: {  	_ =	shalt  }
0x3e: {  	_ =	shalt  }
0x3f: {  	_ =	shalt  }
0x40: {  	_ =	shalt  }
0x41: {  	_ =	shalt  }
0x42: {  	_ =	shalt  }
0x43: {  	_ =	shalt  }
0x44: {  	_ =	shalt  }
0x45: {  	_ =	shalt  }
0x46: {  	_ =	shalt  }
0x47: {  	_ =	shalt  }
0x48: {  	_ =	shalt  }
0x49: {  	_ =	shalt  }
0x4a: {  	_ =	shalt  }
0x4b: {  	_ =	shalt  }
0x4c: {  	_ =	shalt  }
0x4d: {  	_ =	shalt  }
0x4e: {  	_ =	shalt  }
0x4f: {  	_ =	shalt  }
0x50: {  	_ =	shalt  }
0x51: {  	_ =	shalt  }
0x52: {  	_ =	shalt  }
0x53: {  	_ =	shalt  }
0x54: {  	_ =	shalt  }
0x55: {  	_ =	shalt  }
0x56: {  	_ =	shalt  }
0x57: {  	_ =	shalt  }
0x58: {  	_ =	shalt  }
0x59: {  	_ =	shalt  }
0x5a: {  	_ =	shalt  }
0x5b: {  	_ =	shalt  }
0x5c: {  	_ =	shalt  }
0x5d: {  	_ =	shalt  }
0x5e: {  	_ =	shalt  }
0x5f: {  	_ =	shalt  }
0x60: {  	_ =	shalt  }
0x61: {  	_ =	shalt  }
0x62: {  	_ =	shalt  }
0x63: {  	_ =	shalt  }
0x64: {  	_ =	shalt  }
0x65: {  	_ =	shalt  }
0x66: {  	_ =	shalt  }
0x67: {  	_ =	shalt  }
0x68: {  	_ =	shalt  }
0x69: {  	_ =	shalt  }
0x6a: {  	_ =	shalt  }
0x6b: {  	_ =	shalt  }
0x6c: {  	_ =	shalt  }
0x6d: {  	_ =	shalt  }
0x6e: {  	_ =	shalt  }
0x6f: {  	_ =	shalt  }
0x70: {  	_ =	shalt  }
0x71: {  	_ =	shalt  }
0x72: {  	_ =	shalt  }
0x73: {  	_ =	shalt  }
0x74: {  	_ =	shalt  }
0x75: {  	_ =	shalt  }
0x76: {  	_ =	shalt  }
0x77: {  	_ =	shalt  }
0x78: {  	_ =	shalt  }
0x79: {  	_ =	shalt  }
0x7a: {  	_ =	shalt  }
0x7b: {  	_ =	shalt  }
0x7c: {  	_ =	shalt  }
0x7d: {  	_ =	shalt  }
0x7e: {  	_ =	shalt  }
0x7f: {  	_ =	shalt  }
0x80: {  	_ =	shalt  }
0x81: {  	_ =	shalt  }
0x82: {  	_ =	shalt  }
0x83: {  	_ =	shalt  }
0x84: {  	_ =	shalt  }
0x85: {  	_ =	shalt  }
0x86: {  	_ =	shalt  }
0x87: {  	_ =	shalt  }
.Lfunc_end0:
.L_simem_size_0:
called_computation_lowered:
.L_overlay_start_0:
0x88: {  	s2 =	sld [smem:$0x3FD9]  }
0x89: {  	s3 =	sld [smem:$0x3FFE];
	_ =	sdelay $0x1  }
0x8a: {  	s1 =	srdreg.scid  }
0x8b: {  	s0 =	sand.u32 $0x1, s1  }
0x8c: {  	s16 =	sshll.u32 s0, $0xA;
	s2 =	sadd.s32 s3, s2  }
0x8d: {  	s2 =	sadd.s32 s2, s16  }
0x8e: {  	[smem:$0x3FC4] =	sst s2  }
0x8f: {  	_ = 	snop  }
0x90: {  	(tm) =	ssettm $0x1  }
0x91: {  	s17 =	sld [smem:$0x3FFB];
	_ =	sdelay $0x3  }
0x92: {  	_ =	strace s17  }
0x93: {  	s2 =	sld [smem:$0x3FFC];
	_ =	sdelay $0x3  }
0x94: {  	_ =	strace s2  }
0x95: {  	s2 =	sld [smem:$0x3FFD];
	_ =	sdelay $0x3  }
0x96: {  	_ =	strace s2  }
0x97: {  	_ =	strace $0x8FFFFFFF  }
0x98: {  	s18 =	sld [smem:$0x3FDB];
	_ =	sdelay $0x1  }
0x99: {  	s19 =	simm.s32 $_scs_section_size  }
0x9a: {  	s4 =	simm.s32 $_size__tile_overlayer_lowered;
	s5 =	simm.s32 $_tile_overlayer_lowered  }
0x9b: {  	s22 =	simm.s32 $0x1BFF;
	s21 =	sshll.u32 s5, $0x1;
	s2 =	sadd.s32 s19, s18  }
0x9c: {  	s6 =	simm.s32 $0x0;
	s20 =	sshll.u32 s4, $0x1;
	s4 =	sadd.s32 s21, s2  }
0x9d: {  	[timem:s6], [sflag:s22] =	dma.local [hbm:s4], s20  }
0x9e: {  	_ =	swait.ge [sflag:s22], s20  }
0x9f: {  	s3 =	ssub.s32 $0x0, s20;
	[sflag:s22] =	ssyncset.done $0x0  }
0xa0: {  	[sflag:s22] =	ssyncadd.s32 s3;
	_ =	sdelay $0x1  }
0xa1: {  	s23 =	simm.s32 $0x1B8B  }
0xa2: {  	_ =	swait.ge [sflag:s23], $0x1  }
0xa3: {  	[sflag:s23] =	ssyncset.done $0x0  }
0xa4: {  	s25 =	simm.s32 $0x1B8E;
	s24 =	sld [smem:$0x3FFE];
	[sflag:s23] =	ssyncadd.s32 $0xFFFFFFFF  }
0xa5: {  	s26 =	simm.s32 $execute0_lowered;
	[smem:$0x3FD2] =	sst s25  }
0xa6: {  	s4 =	sshll.u32 s26, $0x1;
	_ =	strace $0x80000046;
	[dreg:$0x1] =	wrdreg $0xFFFFFFFF  }
0xa7: {  	s28 =	simm.s32 $_size_execute0_lowered;
	s2 =	sadd.s32 s2, s4;
	[dreg:$0x0] =	wrdreg $0x0  }
0xa8: {  	s4 =	sshll.u32 s28, $0x1;
	[dreg:$0x2] =	wrdreg s2  }
0xa9: {  	[dreg:$0x3] =	wrdreg s4  }
0xaa: {  	[dreg:$0x4] =	wrdreg $0xC0  }
0xab: {  	_ =	task [dreg:s6], $0x5FFFF  }
0xac: {  	[dreg:$0x1] =	wrdreg $0xFFFFFFFF  }
0xad: {  	[dreg:$0x0] =	wrdreg $0x60  }
0xae: {  	[dreg:$0x2] =	wrdreg s24  }
0xaf: {  	[dreg:$0x3] =	wrdreg $0x9  }
0xb0: {  	_ =	task.clear_ibuf [dreg:s6], $0x4FFFF;
	_ =	strace $0x90000046  }
0xb1: {  	s29 =	simm.s32 $0x9;
	_ =	strace $0x80000048  }
0xb2: {  	_ =	swait.ge [sflag:s29], $0x1  }
0xb3: {  	[sflag:s29] =	ssyncadd.s32 $0xFFFFFFFF  }
0xb4: {  	_ =	strace $0x90000048  }
0xb5: {  	_ =	sfence  }
0xb6: {  	s30 =	sld [smem:$0x0];
	_ =	sdelay $0x2  }
0xb7: {  	s31 =	sshll.u32 s1, $0xD;
	s1 =	sshrl.u32 s1, $0x2  }
0xb8: {  	s3 =	sand.u32 $0x4000, s31;
	s1 =	sadd.s32 s1, s30  }
0xb9: {  	s0 =	sor.u32 s3, s0;
	s1 =	sshll.u32 s1, $0x11  }
0xba: {  	s0 =	sor.u32 s1, s0  }
0xbb: {  	s0 =	sadd.s32 $0x8F2B, s0  }
0xbc: {  	[sflag:s0] =	ssyncadd.remote.s32 $0x1  }
0xbd: {  	_ =	sfence.sel $0xFFFF  }
0xbe: {  	[dreg:$0x0] =	wrdreg $0xFFFFFFFF;
	(pc) =	sbr.abs _section_cstart, $3  }
0xbf: {  	[dreg:$0x1] =	wrdreg $0xFFFFFFFF  }
0xc0: {  	_ =	task.clear_ibuf [dreg:s6], $0x2FFFF;
	_ =	strace $0x9FFFFFFF  }
0xc1: {  	(tm) =	ssettm $0x7FFFFFFF  }
tec
execute0_lowered:
.L_overlay_start_1:
0x0: {  	(tag) =	ssettag $0x1  }
0x1: {  	s0 =	srdreg.scid  }
0x2: {  	s6 =	stileid.u32;
	s4 =	rddreg [dreg:$0x0];
	s2 =	simm.s32 $0x0  }
0x3: {  	s12 =	simm.s32 $0x2;
	s13 =	simm.s32 $0x3;
	s14 =	simm.s32 $0xA000  }
0x4: {  	s0 =	sand.u32 $0x1, s0;
	s1 =	smul.u32 $0x14000, s6;
	[smem:$0x7FF] =	sst s2  }
0x5: {  	s6 =	sshll.u32 s6, $0x1;
	s3 =	sshll.u32 s0, $0x9;
	s5 =	ssub.s32 $0x2, s0  }
0x6: {  	_ =	strace $0x80000047;
	s1 =	sor.u32 s3, s1;
	s7 =	sshrl.u32 s5, $0x1  }
0x7: {  	s0 =	sor.u32 s0, s6;
	s1 =	sshrl.u32 s1, $0x3;
	s5 =	ssub.s32 s5, s7  }
0x8: {  	s3 =	sadd.s32 $0x1A00, s4;
	s1 =	sadd.s32 s1, s4;
	s31 =	smax.u32 s5, $0x1  }
0x9: {  	s6 =	smul.u32 $0xA000, s0;
	s1 =	sadd.s32 $0x6A00, s1;
	[dreg:$0x3] =	wrdreg s31  }
0xa: {  	s4 =	sadd.s32 $0x2EA00, s4;
	[dreg:$0x2] =	wrdreg s1;
	s1 =	simm.s32 $0x0  }
.LBB2_1:
0xb: {  	s0 =	rddreg [dreg:$0x2];
	s22 =	simm.s32 $0x200;
	s5 =	simm.s32 $0x400  }
0xc: {  	[tilespmem:s2], [sflag:$0x1] =	stream.strided.gather [hbm4b:s0+s22], $0xA000, s5, s22, $0x38;
	[tilespmem:$0x14000] =	vst v63  }
0xd: {  	[dreg:$0x4] =	wrdreg s1;
	s23 =	simm.s32 $0xF000;
	s24 =	simm.s32 $0x1  }
0xe: {  	[tilespmem:s23], [sflag:$0x2] =	stream.linear.gather [hbm4b:s3+s2], $0x2000, $0x38;
	[tilespmem:$0x14000] =	vst v63  }
0xf: {  	_ =	swait.ge [sflag:s24], $0xA000  }
0x10: {  	s25 =	sand.u32 $0x40, s2;
	s0 =	sand.u32 $0xFE00, s2;
	[sflag:s24] =	ssyncset.done $0x0  }
0x11: {  	s1 =	sor.u32 s25, s0;
	[sflag:s24] =	ssyncadd.s32 $0xFFFF6000  }
0x12: {  	v0 =	vld [tilespmem:s1+$0x0]  }
0x13: {  	v1 =	vld [tilespmem:s1+$0x80];
	_ =	sdelay $0x3  }
0x14: {  	p0 =	por $0x0, $0x0;
	s1 =	simm.s32 $0x1  }
0x15: {  	s1 =	simm.s32 @!p0 $0x0;
	v0 =	vadd.s32 $0x8000, v0;
	v1 =	vadd.s32 $0x8000, v1  }
0x16: {  	s1 =	sshll.u32 s1, $0x6;
	v0 =	vshrl.u32 v0, $0x10;
	v1 =	vand.u32 $0xFFFF0000, v1  }
0x17: {  	s16 =	simm.s32 $0x0;
	s1 =	sadd.s32 $0x0, s1;
	v0 =	vor.u32 v0, v1  }
0x18: {  	s26 =	sor.u32 $0x100, s1;
	[tilespmem:s16+$0xA000] =	vst v0  }
0x19: {  	s1 =	sor.u32 $0x180, s1;
	v0 =	vld [tilespmem:s26+$0x0]  }
0x1a: {  	v1 =	vld [tilespmem:s1+$0x0];
	_ =	sdelay $0x3  }
0x1b: {  	s7 =	simm.s32 $0x40;
	s5 =	simm.s32 $0x100  }
0x1c: {  	s8 =	sand.u32 $0x40, s7;
	s31 =	sand.u32 $0xFE00, s5;
	v0 =	vadd.s32 $0x8000, v0;
	v1 =	vadd.s32 $0x8000, v1  }
0x1d: {  	s10 =	simm.s32 $0x10;
	s1 =	sor.u32 s8, s31;
	v0 =	vshrl.u32 v0, $0x10;
	v1 =	vand.u32 $0xFFFF0000, v1  }
0x1e: {  	s9 =	sand.u32 $0x3FC0, s2;
	s8 =	sand.u32 $0x50, s10;
	v2 =	vld [tilespmem:s1+$0x0];
	v0 =	vor.u32 v0, v1  }
0x1f: {  	s11 =	sor.u32 s8, s0;
	v1 =	vld [tilespmem:s1+$0x80];
	[tilespmem:s9+$0xC800] =	vst v0  }
0x20: {  	v0 =	vld [tilespmem:s11+$0x0]  }
0x21: {  	v3 =	vld [tilespmem:s11+$0x80];
	_ =	sdelay $0x1  }
0x22: {  	p0 =	por !p0, !p0;
	s1 =	simm.s32 $0x1  }
0x23: {  	v2 =	vadd.s32 $0x8000, v2;
	s1 =	simm.s32 @!p0 $0x0;
	v1 =	vadd.s32 $0x8000, v1  }
0x24: {  	s15 =	sand.u32 $0x7, s2;
	v2 =	vshrl.u32 v2, $0x10;
	s1 =	sshll.u32 s1, $0x6;
	v1 =	vand.u32 $0xFFFF0000, v1  }
0x25: {  	s17 =	simm.s32 $0x40;
	s19 =	sshll.u32 s15, $0x4;
	s18 =	sadd.s32 $0x100, s1;
	v1 =	vor.u32 v2, v1;
	v0 =	vadd.s32 $0x8000, v0;
	v2 =	vadd.s32 $0x8000, v3  }
0x26: {  	s1 =	sadd.s32 $0x0, s19;
	s20 =	sor.u32 $0x100, s18;
	[tilespmem:s17+$0xA000] =	vst v1;
	v0 =	vshrl.u32 v0, $0x10;
	v1 =	vand.u32 $0xFFFF0000, v2  }
0x27: {  	s21 =	sor.u32 $0x180, s18;
	s22 =	sadd.s32 $0x10, s1;
	v2 =	vld [tilespmem:s20+$0x0];
	v0 =	vor.u32 v0, v1  }
0x28: {  	s23 =	sor.u32 $0x100, s22;
	v1 =	vld [tilespmem:s21+$0x0];
	[tilespmem:s16+$0xA010] =	vst v0  }
0x29: {  	s24 =	sor.u32 $0x180, s22;
	v0 =	vld [tilespmem:s23+$0x0]  }
0x2a: {  	v3 =	vld [tilespmem:s24+$0x0];
	_ =	sdelay $0x1  }
0x2b: {  	s19 =	simm.s32 $0x80;
	s23 =	simm.s32 $0x200  }
0x2c: {  	s25 =	sand.u32 $0x40, s19;
	s20 =	sand.u32 $0xFE00, s23;
	v2 =	vadd.s32 $0x8000, v2;
	v1 =	vadd.s32 $0x8000, v1  }
0x2d: {  	s26 =	simm.s32 $0x50;
	s8 =	sor.u32 s25, s20;
	v2 =	vshrl.u32 v2, $0x10;
	v1 =	vand.u32 $0xFFFF0000, v1  }
0x2e: {  	s5 =	sand.u32 $0x3FC0, s7;
	s9 =	sand.u32 $0x50, s26;
	v4 =	vld [tilespmem:s8+$0x0];
	v1 =	vor.u32 v2, v1;
	v0 =	vadd.s32 $0x8000, v0;
	v2 =	vadd.s32 $0x8000, v3  }
0x2f: {  	s7 =	sor.u32 s9, s31;
	s9 =	simm.s32 $0x20;
	v3 =	vld [tilespmem:s8+$0x80];
	[tilespmem:s5+$0xC800] =	vst v1;
	v0 =	vshrl.u32 v0, $0x10;
	v1 =	vand.u32 $0xFFFF0000, v2  }
0x30: {  	s8 =	sand.u32 $0x60, s9;
	v2 =	vld [tilespmem:s7+$0x0];
	v0 =	vor.u32 v0, v1  }
0x31: {  	s10 =	sor.u32 s8, s0;
	v1 =	vld [tilespmem:s7+$0x80];
	[tilespmem:s16+$0xC810] =	vst v0  }
0x32: {  	v0 =	vld [tilespmem:s10+$0x0]  }
0x33: {  	p0 =	por !p0, !p0;
	s5 =	simm.s32 $0x1;
	v5 =	vld [tilespmem:s10+$0x80]  }
0x34: {  	s11 =	simm.s32 $0x4;
	s5 =	simm.s32 @!p0 $0x0;
	v4 =	vadd.s32 $0x8000, v4;
	v3 =	vadd.s32 $0x8000, v3  }
0x35: {  	s8 =	sand.u32 $0x7, s11;
	s5 =	sshll.u32 s5, $0x6;
	v4 =	vshrl.u32 v4, $0x10;
	v3 =	vand.u32 $0xFFFF0000, v3  }
0x36: {  	s18 =	simm.s32 $0x80;
	s8 =	sshll.u32 s8, $0x4;
	s5 =	sadd.s32 $0x200, s5;
	v3 =	vor.u32 v4, v3;
	v2 =	vadd.s32 $0x8000, v2;
	v1 =	vadd.s32 $0x8000, v1  }
0x37: {  	s22 =	sand.u32 $0x3, s2;
	s21 =	sadd.s32 $0x100, s8;
	s15 =	sor.u32 $0x100, s5;
	[tilespmem:s18+$0xA000] =	vst v3;
	v2 =	vshrl.u32 v2, $0x10;
	v1 =	vand.u32 $0xFFFF0000, v1  }
0x38: {  	s8 =	sshll.u32 s22, $0x5;
	s24 =	sadd.s32 $0x10, s21;
	s5 =	sor.u32 $0x180, s5;
	v3 =	vld [tilespmem:s15+$0x0];
	v1 =	vor.u32 v2, v1;
	v0 =	vadd.s32 $0x8000, v0;
	v2 =	vadd.s32 $0x8000, v5  }
0x39: {  	s8 =	sadd.s32 $0x0, s8;
	s25 =	sor.u32 $0x100, s24;
	v4 =	vld [tilespmem:s5+$0x0];
	[tilespmem:s17+$0xA010] =	vst v1;
	v0 =	vshrl.u32 v0, $0x10;
	v1 =	vand.u32 $0xFFFF0000, v2  }
0x3a: {  	s26 =	sor.u32 $0x180, s24;
	s8 =	sadd.s32 $0x20, s8;
	v2 =	vld [tilespmem:s25+$0x0];
	v0 =	vor.u32 v0, v1  }
0x3b: {  	s7 =	sor.u32 $0x100, s8;
	v1 =	vld [tilespmem:s26+$0x0];
	[tilespmem:s16+$0xA020] =	vst v0  }
0x3c: {  	s9 =	sor.u32 $0x180, s8;
	v0 =	vld [tilespmem:s7+$0x0]  }
0x3d: {  	s28 =	simm.s32 $0x300;
	s25 =	simm.s32 $0xC0;
	v5 =	vld [tilespmem:s9+$0x0]  }
0x3e: {  	s24 =	sand.u32 $0xFE00, s28;
	s10 =	sand.u32 $0x40, s25;
	v3 =	vadd.s32 $0x8000, v3;
	v4 =	vadd.s32 $0x8000, v4  }
0x3f: {  	s11 =	simm.s32 $0x90;
	s5 =	sor.u32 s10, s24;
	v3 =	vshrl.u32 v3, $0x10;
	v4 =	vand.u32 $0xFFFF0000, v4  }
0x40: {  	s8 =	sand.u32 $0x50, s11;
	s15 =	sand.u32 $0x3FC0, s19;
	v6 =	vld [tilespmem:s5+$0x0];
	v3 =	vor.u32 v3, v4;
	v2 =	vadd.s32 $0x8000, v2;
	v1 =	vadd.s32 $0x8000, v1  }
0x41: {  	s22 =	sor.u32 s8, s20;
	s26 =	simm.s32 $0x60;
	v4 =	vld [tilespmem:s5+$0x80];
	[tilespmem:s15+$0xC800] =	vst v3;
	v2 =	vshrl.u32 v2, $0x10;
	v1 =	vand.u32 $0xFFFF0000, v1  }
0x42: {  	s8 =	sand.u32 $0x60, s26;
	v3 =	vld [tilespmem:s22+$0x0];
	v1 =	vor.u32 v2, v1;
	v0 =	vadd.s32 $0x8000, v0;
	v2 =	vadd.s32 $0x8000, v5  }
0x43: {  	s7 =	sor.u32 s8, s31;
	s9 =	simm.s32 $0x30;
	v5 =	vld [tilespmem:s22+$0x80];
	[tilespmem:s17+$0xC810] =	vst v1;
	v0 =	vshrl.u32 v0, $0x10;
	v1 =	vand.u32 $0xFFFF0000, v2  }
0x44: {  	s8 =	sand.u32 $0x70, s9;
	v2 =	vld [tilespmem:s7+$0x0];
	v0 =	vor.u32 v0, v1  }
0x45: {  	p0 =	por !p0, !p0;
	s0 =	sor.u32 s8, s0;
	s5 =	simm.s32 $0x1;
	v1 =	vld [tilespmem:s7+$0x80];
	[tilespmem:s16+$0xC820] =	vst v0  }
0x46: {  	s10 =	simm.s32 $0x8;
	s5 =	simm.s32 @!p0 $0x0;
	v0 =	vadd.s32 $0x8000, v6;
	v4 =	vadd.s32 $0x8000, v4;
	v6 =	vld [tilespmem:s0+$0x0]  }
0x47: {  	s11 =	simm.s32 $0x2;
	s8 =	sand.u32 $0x7, s10;
	s5 =	sshll.u32 s5, $0x6;
	v0 =	vshrl.u32 v0, $0x10;
	v4 =	vand.u32 $0xFFFF0000, v4;
	v7 =	vld [tilespmem:s0+$0x80]  }
0x48: {  	s26 =	sshll.u32 s8, $0x4;
	s22 =	simm.s32 $0xC0;
	s15 =	sadd.s32 $0x300, s5;
	v0 =	vor.u32 v0, v4;
	v3 =	vadd.s32 $0x8000, v3;
	v4 =	vadd.s32 $0x8000, v5  }
0x49: {  	s10 =	sand.u32 $0x3, s11;
	s26 =	sadd.s32 $0x200, s26;
	s7 =	sor.u32 $0x100, s15;
	[tilespmem:s22+$0xA000] =	vst v0;
	v0 =	vshrl.u32 v3, $0x10;
	v3 =	vand.u32 $0xFFFF0000, v4  }
0x4a: {  	s11 =	sadd.s32 $0x10, s26;
	s5 =	sshll.u32 s10, $0x5;
	s0 =	sor.u32 $0x180, s15;
	v4 =	vld [tilespmem:s7+$0x0];
	v0 =	vor.u32 v0, v3;
	v2 =	vadd.s32 $0x8000, v2;
	v1 =	vadd.s32 $0x8000, v1  }
0x4b: {  	s5 =	sadd.s32 $0x100, s5;
	s15 =	sor.u32 $0x100, s11;
	v3 =	vld [tilespmem:s0+$0x0];
	[tilespmem:s18+$0xA010] =	vst v0;
	v0 =	vshrl.u32 v2, $0x10;
	v1 =	vand.u32 $0xFFFF0000, v1  }
0x4c: {  	s5 =	sadd.s32 $0x20, s5;
	s7 =	sor.u32 $0x180, s11;
	v2 =	vld [tilespmem:s15+$0x0];
	v0 =	vor.u32 v0, v1;
	v1 =	vadd.s32 $0x8000, v6;
	v5 =	vadd.s32 $0x8000, v7  }
0x4d: {  	s8 =	sor.u32 $0x100, s5;
	v6 =	vld [tilespmem:s7+$0x0];
	[tilespmem:s17+$0xA020] =	vst v0;
	v0 =	vshrl.u32 v1, $0x10;
	v1 =	vand.u32 $0xFFFF0000, v5  }
0x4e: {  	s1 =	sadd.s32 $0x30, s1;
	s5 =	sor.u32 $0x180, s5;
	v5 =	vld [tilespmem:s8+$0x0];
	v0 =	vor.u32 v0, v1  }
0x4f: {  	s30 =	simm.s32 $0x400;
	s9 =	sor.u32 $0x100, s1;
	s0 =	simm.s32 $0x100;
	v1 =	vld [tilespmem:s5+$0x0];
	[tilespmem:s16+$0xA030] =	vst v0  }
0x50: {  	s29 =	sand.u32 $0xFE00, s30;
	s1 =	sor.u32 $0x180, s1;
	s10 =	sand.u32 $0x40, s0;
	v0 =	vadd.s32 $0x8000, v4;
	v3 =	vadd.s32 $0x8000, v3;
	v7 =	vld [tilespmem:s9+$0x0]  }
0x51: {  	s11 =	sor.u32 s10, s29;
	s15 =	simm.s32 $0xD0;
	v0 =	vshrl.u32 v0, $0x10;
	v3 =	vand.u32 $0xFFFF0000, v3;
	v8 =	vld [tilespmem:s1+$0x0]  }
0x52: {  	s7 =	sand.u32 $0x3FC0, s25;
	v9 =	vld [tilespmem:s11+$0x0];
	s8 =	sand.u32 $0x50, s15;
	v0 =	vor.u32 v0, v3;
	v2 =	vadd.s32 $0x8000, v2;
	v3 =	vadd.s32 $0x8000, v6  }
0x53: {  	v10 =	vld [tilespmem:s11+$0x80];
	s8 =	sor.u32 s8, s24;
	s9 =	simm.s32 $0xA0;
	[tilespmem:s7+$0xC800] =	vst v0;
	v0 =	vshrl.u32 v2, $0x10;
	v2 =	vand.u32 $0xFFFF0000, v3  }
0x54: {  	s5 =	sand.u32 $0x60, s9;
	v4 =	vld [tilespmem:s8+$0x0];
	v0 =	vor.u32 v0, v2;
	v2 =	vadd.s32 $0x8000, v5;
	v1 =	vadd.s32 $0x8000, v1  }
0x55: {  	s11 =	simm.s32 $0x70;
	s10 =	sor.u32 s5, s20;
	v5 =	vld [tilespmem:s8+$0x80];
	[tilespmem:s18+$0xC810] =	vst v0;
	v0 =	vshrl.u32 v2, $0x10;
	v1 =	vand.u32 $0xFFFF0000, v1  }
0x56: {  	p0 =	por !p0, !p0;
	s15 =	sand.u32 $0x70, s11;
	s1 =	simm.s32 $0x4;
	v2 =	vld [tilespmem:s10+$0x0];
	v0 =	vor.u32 v0, v1;
	v1 =	vadd.s32 $0x8000, v7;
	v6 =	vadd.s32 $0x8000, v8  }
0x57: {  	s9 =	sor.u32 s15, s31;
	s31 =	simm.s32 $0x100;
	s5 =	simm.s32 $0x1;
	v3 =	vld [tilespmem:s10+$0x80];
	[tilespmem:s17+$0xC820] =	vst v0;
	v0 =	vshrl.u32 v1, $0x10;
	v8 =	vand.u32 $0xFFFF0000, v6  }
0x58: {  	s8 =	simm.s32 $0xC;
	s5 =	simm.s32 @!p0 $0x0;
	v7 =	vadd.s32 $0x8000, v10;
	s10 =	simm.s32 $0x500;
	v6 =	vadd.s32 $0x8000, v9;
	v1 =	vld [tilespmem:s9+$0x0];
	v0 =	vor.u32 v0, v8  }
.LBB2_2:
0x59: {  	p1 =	sne.s32 s10, $0x9F00;
	s5 =	sshll.u32 s5, $0x6;
	s7 =	sand.u32 $0x7, s8  }
0x5a: {  	v6 =	vshrl.u32 v6, $0x10;
	v7 =	vand.u32 $0xFFFF0000, v7;
	v8 =	vld [tilespmem:s9+$0x80];
	[tilespmem:s16+$0xC830] =	vst v0;
	s16 =	smov.u32 s17;
	s17 =	smov.u32 s18;
	s18 =	smov.u32 s22  }
0x5b: {  	s22 =	sshra.s32 s30, $0x2;
	v4 =	vadd.s32 $0x8000, v4;
	v0 =	vor.u32 v6, v7;
	s5 =	sadd.s32 s5, s30;
	s7 =	sshll.u32 s7, $0x4;
	v5 =	vadd.s32 $0x8000, v5  }
0x5c: {  	s11 =	sand.u32 $0x3, s1;
	[tilespmem:s22+$0xA000] =	vst v0;
	s9 =	sor.u32 $0x100, s5;
	v0 =	vshrl.u32 v4, $0x10;
	v4 =	vand.u32 $0xFFFF0000, v5;
	s7 =	sadd.s32 s7, s28  }
0x5d: {  	s5 =	sor.u32 $0x180, s5;
	v2 =	vadd.s32 $0x8000, v2;
	v5 =	vld [tilespmem:s9+$0x0];
	v0 =	vor.u32 v0, v4;
	s15 =	sadd.s32 $0x10, s7;
	s9 =	sshll.u32 s11, $0x5;
	v3 =	vadd.s32 $0x8000, v3  }
0x5e: {  	v4 =	vld [tilespmem:s5+$0x0];
	[tilespmem:s18+$0xA010] =	vst v0;
	s5 =	sor.u32 $0x100, s15;
	s11 =	sadd.s32 s23, s9;
	v0 =	vshrl.u32 v2, $0x10;
	v2 =	vand.u32 $0xFFFF0000, v3;
	s9 =	smov.u32 s20  }
0x5f: {  	v1 =	vadd.s32 $0x8000, v1;
	s20 =	smov.u32 s24;
	v3 =	vld [tilespmem:s5+$0x0];
	s5 =	sor.u32 $0x180, s15;
	v0 =	vor.u32 v0, v2;
	s11 =	sadd.s32 $0x20, s11;
	v2 =	vadd.s32 $0x8000, v8  }
0x60: {  	s24 =	smov.u32 s29;
	s23 =	smov.u32 s28;
	v6 =	vld [tilespmem:s5+$0x0];
	[tilespmem:s17+$0xA020] =	vst v0;
	s5 =	sor.u32 $0x100, s11;
	v0 =	vshrl.u32 v1, $0x10;
	v1 =	vand.u32 $0xFFFF0000, v2  }
0x61: {  	v2 =	vld [tilespmem:s5+$0x0];
	s5 =	sor.u32 $0x180, s11;
	v0 =	vor.u32 v0, v1;
	s11 =	sadd.s32 $0x30, s21;
	s21 =	smov.u32 s26  }
0x62: {  	s0 =	sadd.s32 $0x40, s0;
	s26 =	smov.u32 s7;
	v1 =	vld [tilespmem:s5+$0x0];
	[tilespmem:s16+$0xA030] =	vst v0;
	s5 =	sor.u32 $0x100, s11  }
0x63: {  	s29 =	sand.u32 $0xFE00, s10;
	s7 =	sand.u32 $0x40, s0;
	v0 =	vadd.s32 $0x8000, v5;
	v4 =	vadd.s32 $0x8000, v4;
	v7 =	vld [tilespmem:s5+$0x0];
	s5 =	sor.u32 $0x180, s11  }
0x64: {  	s28 =	smov.u32 s30;
	s7 =	sor.u32 s7, s29;
	v0 =	vshrl.u32 v0, $0x10;
	s11 =	sadd.s32 $0x10, s31;
	v4 =	vand.u32 $0xFFFF0000, v4;
	v8 =	vld [tilespmem:s5+$0x0]  }
0x65: {  	s30 =	smov.u32 s10;
	s5 =	sand.u32 $0x3FC0, s31;
	s11 =	sand.u32 $0x50, s11;
	v3 =	vadd.s32 $0x8000, v3;
	v9 =	vld [tilespmem:s7+$0x0];
	v0 =	vor.u32 v0, v4;
	v4 =	vadd.s32 $0x8000, v6  }
0x66: {  	v10 =	vld [tilespmem:s7+$0x80];
	[tilespmem:s5+$0xC800] =	vst v0;
	s5 =	sor.u32 s11, s24;
	v0 =	vshrl.u32 v3, $0x10;
	v3 =	vand.u32 $0xFFFF0000, v4;
	s7 =	sadd.s32 $0x20, s25  }
.Ltmp0:
0x67: {  	p0 =	por !p0, !p0;
	v2 =	vadd.s32 $0x8000, v2;
	v4 =	vld [tilespmem:s5+$0x0];
	v0 =	vor.u32 v0, v3;
	s7 =	sand.u32 $0x60, s7;
	v1 =	vadd.s32 $0x8000, v1;
	(pc) =	sbr.rel @p1 .LBB2_2-.Ltmp0, $4  }
0x68: {  	v5 =	vld [tilespmem:s5+$0x80];
	[tilespmem:s18+$0xC810] =	vst v0;
	s5 =	sor.u32 s7, s20;
	v0 =	vshrl.u32 v2, $0x10;
	v1 =	vand.u32 $0xFFFF0000, v1;
	s7 =	sadd.s32 $0x30, s19;
	s19 =	smov.u32 s25  }
0x69: {  	s25 =	smov.u32 s31;
	s31 =	smov.u32 s0;
	v2 =	vld [tilespmem:s5+$0x0];
	v0 =	vor.u32 v0, v1;
	s7 =	sand.u32 $0x70, s7;
	v1 =	vadd.s32 $0x8000, v7;
	v6 =	vadd.s32 $0x8000, v8  }
0x6a: {  	s8 =	sadd.s32 $0x4, s8;
	v3 =	vld [tilespmem:s5+$0x80];
	[tilespmem:s17+$0xC820] =	vst v0;
	s9 =	sor.u32 s7, s9;
	v0 =	vshrl.u32 v1, $0x10;
	v8 =	vand.u32 $0xFFFF0000, v6;
	s5 =	simm.s32 $0x1  }
0x6b: {  	s1 =	sadd.s32 $0x2, s1;
	s10 =	sadd.s32 $0x100, s10;
	v6 =	vadd.s32 $0x8000, v9;
	s5 =	simm.s32 @!p0 $0x0;
	v7 =	vadd.s32 $0x8000, v10;
	v1 =	vld [tilespmem:s9+$0x0];
	v0 =	vor.u32 v0, v8  }
0x6c: {  	s5 =	sshll.u32 s5, $0x6;
	v6 =	vshrl.u32 v6, $0x10;
	v7 =	vand.u32 $0xFFFF0000, v7  }
0x6d: {  	s0 =	sshra.s32 s30, $0x2;
	v6 =	vor.u32 v6, v7;
	s5 =	sadd.s32 s5, s30  }
0x6e: {  	[tilespmem:s0+$0xA000] =	vst v6;
	s7 =	sor.u32 $0x100, s5  }
0x6f: {  	s5 =	sor.u32 $0x180, s5;
	v6 =	vld [tilespmem:s7+$0x0]  }
0x70: {  	v60 =	vld [tilespmem:s5+$0x0];
	_ =	sdelay $0x4  }
0x71: {  	v6 =	vadd.s32 $0x8000, v6;
	v7 =	vadd.s32 $0x8000, v60  }
0x72: {  	s11 =	sadd.s32 $0x10, s31;
	v6 =	vshrl.u32 v6, $0x10;
	v7 =	vand.u32 $0xFFFF0000, v7  }
0x73: {  	s15 =	sand.u32 $0x3FC0, s31;
	s5 =	sand.u32 $0x50, s11;
	v6 =	vor.u32 v6, v7  }
0x74: {  	s5 =	sor.u32 s5, s29;
	[tilespmem:s15+$0xC800] =	vst v6  }
0x75: {  	v6 =	vld [tilespmem:s5+$0x0]  }
0x76: {  	v61 =	vld [tilespmem:s5+$0x80];
	_ =	sdelay $0x1  }
0x77: {  	s7 =	sand.u32 $0x7, s8  }
0x78: {  	v4 =	vadd.s32 $0x8000, v4;
	v5 =	vadd.s32 $0x8000, v5;
	s8 =	sadd.s32 $0x4, s8;
	s5 =	sshll.u32 s7, $0x4  }
0x79: {  	v4 =	vshrl.u32 v4, $0x10;
	v5 =	vand.u32 $0xFFFF0000, v5;
	s11 =	sand.u32 $0x7, s8;
	s10 =	sadd.s32 s5, s28  }
0x7a: {  	v4 =	vor.u32 v4, v5;
	s5 =	sshll.u32 s11, $0x4;
	s15 =	sadd.s32 $0x10, s10;
	v62 =	vadd.s32 $0x8000, v6;
	v63 =	vadd.s32 $0x8000, v61  }
0x7b: {  	[tilespmem:s22+$0xA010] =	vst v4;
	s8 =	sadd.s32 s5, s30;
	s11 =	sor.u32 $0x100, s15;
	v9 =	vshrl.u32 v62, $0x10;
	v10 =	vand.u32 $0xFFFF0000, v63  }
0x7c: {  	s7 =	sor.u32 $0x180, s15;
	v11 =	vld [tilespmem:s11+$0x0];
	s11 =	sadd.s32 $0x10, s8;
	v4 =	vor.u32 v9, v10  }
0x7d: {  	v12 =	vld [tilespmem:s7+$0x0];
	s15 =	sor.u32 $0x100, s11;
	[tilespmem:s0+$0xA010] =	vst v4  }
0x7e: {  	s7 =	sor.u32 $0x180, s11;
	v4 =	vld [tilespmem:s15+$0x0]  }
0x7f: {  	v13 =	vld [tilespmem:s7+$0x0];
	_ =	sdelay $0x2  }
0x80: {  	v6 =	vadd.s32 $0x8000, v11;
	v5 =	vadd.s32 $0x8000, v12  }
0x81: {  	s11 =	sadd.s32 $0x20, s25;
	v6 =	vshrl.u32 v6, $0x10;
	v5 =	vand.u32 $0xFFFF0000, v5  }
0x82: {  	s5 =	sand.u32 $0x60, s11;
	v5 =	vor.u32 v6, v5;
	v4 =	vadd.s32 $0x8000, v4;
	v14 =	vadd.s32 $0x8000, v13  }
0x83: {  	s5 =	sor.u32 s5, s24;
	s15 =	sadd.s32 $0x20, s31;
	[tilespmem:s22+$0xC810] =	vst v5;
	v4 =	vshrl.u32 v4, $0x10;
	v15 =	vand.u32 $0xFFFF0000, v14  }
0x84: {  	s7 =	sand.u32 $0x60, s15;
	v16 =	vld [tilespmem:s5+$0x0];
	v4 =	vor.u32 v4, v15  }
0x85: {  	s7 =	sor.u32 s7, s29;
	v17 =	vld [tilespmem:s5+$0x80];
	[tilespmem:s0+$0xC810] =	vst v4  }
0x86: {  	v4 =	vld [tilespmem:s7+$0x0]  }
0x87: {  	s11 =	sand.u32 $0x3, s1;
	v18 =	vld [tilespmem:s7+$0x80]  }
0x88: {  	v2 =	vadd.s32 $0x8000, v2;
	v3 =	vadd.s32 $0x8000, v3;
	s15 =	sadd.s32 $0x2, s1;
	s5 =	sshll.u32 s11, $0x5  }
0x89: {  	v2 =	vshrl.u32 v2, $0x10;
	v3 =	vand.u32 $0xFFFF0000, v3;
	s11 =	sand.u32 $0x3, s15;
	s5 =	sadd.s32 s23, s5  }
0x8a: {  	v2 =	vor.u32 v2, v3;
	s1 =	sadd.s32 $0x2, s15;
	s5 =	sadd.s32 $0x20, s5;
	s7 =	sshll.u32 s11, $0x5;
	v19 =	vadd.s32 $0x8000, v16;
	v5 =	vadd.s32 $0x8000, v17  }
0x8b: {  	[tilespmem:s18+$0xA020] =	vst v2;
	s1 =	sand.u32 $0x3, s1;
	s15 =	sor.u32 $0x100, s5;
	s7 =	sadd.s32 s28, s7;
	v20 =	vshrl.u32 v19, $0x10;
	v21 =	vand.u32 $0xFFFF0000, v5  }
0x8c: {  	s1 =	sshll.u32 s1, $0x5;
	s5 =	sor.u32 $0x180, s5;
	v22 =	vld [tilespmem:s15+$0x0];
	v2 =	vor.u32 v20, v21;
	s7 =	sadd.s32 $0x20, s7;
	v23 =	vadd.s32 $0x8000, v4;
	v24 =	vadd.s32 $0x8000, v18  }
0x8d: {  	s1 =	sadd.s32 s30, s1;
	v25 =	vld [tilespmem:s5+$0x0];
	[tilespmem:s22+$0xA020] =	vst v2;
	s23 =	sor.u32 $0x100, s7;
	v26 =	vshrl.u32 v23, $0x10;
	v27 =	vand.u32 $0xFFFF0000, v24  }
0x8e: {  	s1 =	sadd.s32 $0x20, s1;
	s28 =	sor.u32 $0x180, s7;
	v28 =	vld [tilespmem:s23+$0x0];
	v2 =	vor.u32 v26, v27  }
0x8f: {  	s30 =	sor.u32 $0x100, s1;
	v29 =	vld [tilespmem:s28+$0x0];
	[tilespmem:s0+$0xA020] =	vst v2  }
0x90: {  	s1 =	sor.u32 $0x180, s1;
	v2 =	vld [tilespmem:s30+$0x0]  }
0x91: {  	v30 =	vld [tilespmem:s1+$0x0]  }
0x92: {  	v5 =	vadd.s32 $0x8000, v22;
	v6 =	vadd.s32 $0x8000, v25  }
0x93: {  	s5 =	sadd.s32 $0x30, s19;
	v5 =	vshrl.u32 v5, $0x10;
	v6 =	vand.u32 $0xFFFF0000, v6  }
0x94: {  	v5 =	vor.u32 v5, v6;
	s1 =	sand.u32 $0x70, s5;
	v4 =	vadd.s32 $0x8000, v28;
	v3 =	vadd.s32 $0x8000, v29  }
0x95: {  	v31 =	vld [tilespmem:s9+$0x80];
	s7 =	sadd.s32 $0x30, s25;
	[tilespmem:s18+$0xC820] =	vst v5;
	s1 =	sor.u32 s1, s20;
	v4 =	vshrl.u32 v4, $0x10;
	v3 =	vand.u32 $0xFFFF0000, v3  }
0x96: {  	s5 =	sand.u32 $0x70, s7;
	v5 =	vld [tilespmem:s1+$0x0];
	v3 =	vor.u32 v4, v3;
	v2 =	vadd.s32 $0x8000, v2;
	v32 =	vadd.s32 $0x8000, v30  }
0x97: {  	s11 =	sadd.s32 $0x30, s31;
	s9 =	sor.u32 s5, s24;
	v33 =	vld [tilespmem:s1+$0x80];
	[tilespmem:s22+$0xC820] =	vst v3;
	v2 =	vshrl.u32 v2, $0x10;
	v34 =	vand.u32 $0xFFFF0000, v32  }
0x98: {  	s5 =	sand.u32 $0x70, s11;
	v35 =	vld [tilespmem:s9+$0x0];
	v2 =	vor.u32 v2, v34  }
0x99: {  	s15 =	sor.u32 s5, s29;
	v36 =	vld [tilespmem:s9+$0x80];
	[tilespmem:s0+$0xC820] =	vst v2  }
0x9a: {  	v1 =	vadd.s32 $0x8000, v1;
	v37 =	vadd.s32 $0x8000, v31;
	v38 =	vld [tilespmem:s15+$0x0]  }
0x9b: {  	v1 =	vshrl.u32 v1, $0x10;
	v2 =	vand.u32 $0xFFFF0000, v37;
	v8 =	vld [tilespmem:s15+$0x80]  }
0x9c: {  	s19 =	sadd.s32 $0x30, s21;
	v39 =	vadd.s32 $0x8000, v5;
	v40 =	vadd.s32 $0x8000, v33;
	v1 =	vor.u32 v1, v2  }
0x9d: {  	s20 =	sor.u32 $0x100, s19;
	v41 =	vshrl.u32 v39, $0x10;
	v42 =	vand.u32 $0xFFFF0000, v40;
	[tilespmem:s17+$0xA030] =	vst v1  }
0x9e: {  	s21 =	sadd.s32 $0x30, s26;
	s1 =	sor.u32 $0x180, s19;
	v44 =	vadd.s32 $0x8000, v35;
	v3 =	vadd.s32 $0x8000, v36;
	v1 =	vor.u32 v41, v42;
	v43 =	vld [tilespmem:s20+$0x0]  }
0x9f: {  	s23 =	sor.u32 $0x100, s21;
	v46 =	vshrl.u32 v44, $0x10;
	v47 =	vand.u32 $0xFFFF0000, v3;
	v45 =	vld [tilespmem:s1+$0x0];
	[tilespmem:s18+$0xA030] =	vst v1  }
0xa0: {  	s25 =	sadd.s32 $0x30, s10;
	s24 =	sor.u32 $0x180, s21;
	v1 =	vor.u32 v46, v47;
	v48 =	vld [tilespmem:s23+$0x0];
	v49 =	vadd.s32 $0x8000, v38;
	v50 =	vadd.s32 $0x8000, v8  }
0xa1: {  	s26 =	sor.u32 $0x100, s25;
	v51 =	vld [tilespmem:s24+$0x0];
	[tilespmem:s22+$0xA030] =	vst v1;
	v52 =	vshrl.u32 v49, $0x10;
	v53 =	vand.u32 $0xFFFF0000, v50  }
0xa2: {  	s28 =	sor.u32 $0x180, s25;
	s29 =	sadd.s32 $0x30, s8;
	v54 =	vld [tilespmem:s26+$0x0];
	v1 =	vor.u32 v52, v53  }
0xa3: {  	s30 =	sor.u32 $0x100, s29;
	v55 =	vld [tilespmem:s28+$0x0];
	[tilespmem:s0+$0xA030] =	vst v1  }
0xa4: {  	s31 =	sor.u32 $0x180, s29;
	v1 =	vld [tilespmem:s30+$0x0]  }
0xa5: {  	v5 =	vadd.s32 $0x8000, v43;
	v4 =	vadd.s32 $0x8000, v45;
	v56 =	vld [tilespmem:s31+$0x0]  }
0xa6: {  	v5 =	vshrl.u32 v5, $0x10;
	v4 =	vand.u32 $0xFFFF0000, v4  }
0xa7: {  	v3 =	vadd.s32 $0x8000, v48;
	v57 =	vadd.s32 $0x8000, v51;
	v4 =	vor.u32 v5, v4  }
0xa8: {  	v3 =	vshrl.u32 v3, $0x10;
	v5 =	vand.u32 $0xFFFF0000, v57;
	v6 =	vadd.s32 $0x8000, v54  }
0xa9: {  	[tilespmem:s16+$0xC830] =	vst v0;
	v2 =	vadd.s32 $0x8000, v55;
	v58 =	vor.u32 v3, v5;
	v59 =	vshrl.u32 v6, $0x10  }
0xaa: {  	[tilespmem:s17+$0xC830] =	vst v4;
	v2 =	vand.u32 $0xFFFF0000, v2;
	v1 =	vadd.s32 $0x8000, v1;
	v60 =	vadd.s32 $0x8000, v56  }
0xab: {  	[tilespmem:s18+$0xC830] =	vst v58;
	v61 =	vor.u32 v59, v2;
	v1 =	vshrl.u32 v1, $0x10;
	v62 =	vand.u32 $0xFFFF0000, v60  }
0xac: {  	[tilespmem:s22+$0xC830] =	vst v61;
	v63 =	vor.u32 v1, v62  }
0xad: {  	s16 =	simm.s32 $0x0;
	[tilespmem:s0+$0xC830] =	vst v63  }
.LBB2_4:
0xae: {  	s0 =	sshll.u32 s16, $0xD  }
0xaf: {  	_ =	swait.ge [sflag:s12], $0x2000;
	s17 =	sadd.s32 $0x1, s16;
	p0 =	seq.s32 s16, $0x13  }
0xb0: {  	s0 =	sand.u32 $0x2000, s0;
	[sflag:s12] =	ssyncset.done $0x0;
	s5 =	sshll.u32 @!p0 s17, $0xA  }
0xb1: {  	s7 =	simm.s32 @!p0 $0x0;
	p1 =	slt.u32 @!p0 s16, $0x2;
	s1 =	sxor.u32 @!p0 $0x2000, s0  }
0xb2: {  	[sflag:s12] =	ssyncadd.s32 $0xFFFFE000;
	s5 =	sadd.s32 @!p0 s3, s5;
	s1 =	sadd.s32 @!p0 $0xF000, s1  }
0xb3: {  	[tilespmem:s1], [sflag:$0x2] =	stream.linear.gather @!p0 [hbm4b:s5+s7], $0x2000, $0x38;
	[tilespmem:$0x14000] =	vst v63  }
0xb4: {  	p0 =	por p0, !p1  }
0xb5: {  	s20 =	simm.s32 $0x0;
	s21 =	simm.s32 $0x0;
	_ =	swait.ge @p0 [sflag:s13], $0x800  }
0xb6: {  	s22 =	simm.s32 $0x0;
	s31 =	sshrl.u32 s0, $0x2;
	[sflag:s13] =	ssyncset.done @p0 $0x0  }
0xb7: {  	s19 =	sadd.s32 $0xF000, s0;
	s18 =	sor.u32 $0x13000, s31;
	[sflag:s13] =	ssyncadd.s32 @p0 $0xFFFFF800  }
.LBB2_5:
0xb8: {  	s0 =	sand.u32 $0x80, s22  }
0xb9: {  	s1 =	sand.u32 $0x70, s22;
	s0 =	sadd.s32 s0, s19  }
0xba: {  	s23 =	sadd.s32 s1, s0  }
0xbb: {  	v0 =	vld [tilespmem:s23+$0x0];
	_ =	sdelay $0x1  }
0xbc: {  	v1 =	vld [tilespmem:s23+$0x100];
	_ =	sdelay $0x1  }
0xbd: {  	v46 =	vld [tilespmem:s23+$0x200]  }
0xbe: {  	v13 =	vld [tilespmem:s23+$0x300];
	v2 =	vand.u32 $0xFFFF, v0  }
0xbf: {  	v0 =	vshrl.u32 v0, $0x10  }
0xc0: {  	v20 =	vld [tilespmem:s23+$0x400];
	v5 =	vand.u32 $0xFFFF, v1  }
0xc1: {  	v23 =	vld [tilespmem:s23+$0x500];
	v1 =	vshrl.u32 v1, $0x10  }
0xc2: {  	v37 =	vld [tilespmem:s23+$0x600];
	v47 =	vshrl.u32 v46, $0x10  }
0xc3: {  	v53 =	vshrl.u32 v13, $0x10;
	v13 =	vand.u32 $0xFFFF, v13;
	v3 =	vadd.s32 $0x2800, v2;
	v2 =	vld.idx.msk [tilespmem:v2+s14+$0x0], $0xffff  }
0xc4: {  	v4 =	vadd.s32 $0x2800, v0;
	v6 =	vand.u32 $0x7F, v0;
	v0 =	vld.idx.msk [tilespmem:v0+s14+$0x0], $0xffff  }
0xc5: {  	v63 =	vand.u32 $0xFFFF, v20;
	v7 =	vadd.s32 $0x2800, v5;
	v5 =	vld.idx.msk [tilespmem:v5+s14+$0x0], $0xffff  }
0xc6: {  	v22 =	vshrl.u32 v20, $0x10;
	v8 =	vadd.s32 $0x2800, v1;
	v9 =	vand.u32 $0x7F, v1;
	v1 =	vld.idx.msk [tilespmem:v1+s14+$0x0], $0xffff  }
0xc7: {  	v35 =	vand.u32 $0xFFFF, v23;
	v10 =	vadd.s32 $0x2800, v47;
	v11 =	vand.u32 $0x7F, v47;
	v50 =	vld.idx.msk [tilespmem:v47+s14+$0x0], $0xffff  }
0xc8: {  	v55 =	vadd.s32 $0x2800, v53;
	v18 =	vand.u32 $0x7F, v53;
	v19 =	vadd.s32 $0x2800, v13;
	v13 =	vld.idx.msk [tilespmem:v13+s14+$0x0], $0xffff  }
0xc9: {  	v25 =	vadd.s32 $0x2800, v63;
	v26 =	vadd.s32 $0x2800, v22;
	v28 =	vand.u32 $0x7F, v22;
	v59 =	vld.idx.msk [tilespmem:v53+s14+$0x0], $0xffff  }
0xca: {  	v40 =	vadd.s32 $0x2800, v35;
	v4 =	vand.u32 $0x1FF80, v4;
	v8 =	vand.u32 $0x1FF80, v8;
	v30 =	vld.idx.msk [tilespmem:v63+s14+$0x0], $0xffff  }
0xcb: {  	v10 =	vand.u32 $0x1FF80, v10;
	v4 =	vor.u32 v6, v4;
	v8 =	vor.u32 v9, v8;
	v32 =	vld.idx.msk [tilespmem:v22+s14+$0x0], $0xffff  }
0xcc: {  	v6 =	vand.u32 $0xFFFF, v46;
	v10 =	vor.u32 v11, v10;
	v9 =	vshrl.u32 v23, $0x10;
	v3 =	vld.idx.msk [tilespmem:v3+s14+$0x0], $0xffff  }
0xcd: {  	v12 =	vadd.s32 $0x2800, v6;
	v41 =	vadd.s32 $0x2800, v9;
	v43 =	vand.u32 $0x7F, v9;
	v7 =	vld.idx.msk [tilespmem:v7+s14+$0x0], $0xffff  }
0xce: {  	v47 =	vshrl.u32 v37, $0x10;
	v62 =	vld.idx.msk [tilespmem:v19+s14+$0x0], $0xffff;
	v14 =	vshll.u32 v2, $0x10;
	v48 =	vshll.u32 v0, $0x10  }
0xcf: {  	v36 =	vld.idx.msk [tilespmem:v25+s14+$0x0], $0xffff;
	v15 =	vshll.u32 v5, $0x10;
	v16 =	vshll.u32 v1, $0x10;
	v2 =	vadd.f32 v5, v2  }
0xd0: {  	v44 =	vld.idx.msk [tilespmem:v35+s14+$0x0], $0xffff;
	v0 =	vadd.f32 v1, v0;
	v58 =	vshll.u32 v50, $0x10;
	v24 =	vshll.u32 v13, $0x10  }
0xd1: {  	v4 =	vld.idx.msk [tilespmem:v4+s14+$0x0], $0xffff;
	v27 =	vshll.u32 v59, $0x10;
	v38 =	vshll.u32 v30, $0x10;
	v42 =	vshll.u32 v32, $0x10  }
0xd2: {  	v8 =	vld.idx.msk [tilespmem:v8+s14+$0x0], $0xffff;
	v17 =	vshll.u32 v3, $0x10;
	v14 =	vadd.f32 v15, v14;
	v11 =	vadd.f32 v16, v48  }
0xd3: {  	v6 =	vld.idx.msk [tilespmem:v6+s14+$0x0], $0xffff;
	v51 =	vshll.u32 v7, $0x10;
	v3 =	vadd.f32 v7, v3;
	v33 =	vshll.u32 v62, $0x10  }
0xd4: {  	v16 =	vand.u32 $0x1FF80, v41;
	v46 =	vshll.u32 v36, $0x10;
	v5 =	vadd.f32 v51, v17  }
0xd5: {  	v52 =	vld.idx.msk [tilespmem:v12+s14+$0x0], $0xffff;
	v17 =	vand.u32 $0x1FF80, v55;
	v0 =	vadd.f32 v50, v0;
	v16 =	vor.u32 v43, v16  }
0xd6: {  	v10 =	vld.idx.msk [tilespmem:v10+s14+$0x0], $0xffff;
	v50 =	vadd.s32 $0x2800, v47;
	v51 =	vand.u32 $0x7F, v47;
	v55 =	vshll.u32 v44, $0x10  }
0xd7: {  	v49 =	vshll.u32 v4, $0x10;
	v54 =	vshll.u32 v8, $0x10;
	v4 =	vadd.f32 v8, v4  }
0xd8: {  	v57 =	vshll.u32 v6, $0x10;
	v11 =	vadd.f32 v58, v11;
	v2 =	vadd.f32 v6, v2  }
0xd9: {  	v53 =	vld [tilespmem:s23+$0x700];
	v56 =	vor.u32 v18, v17;
	v15 =	vadd.f32 v54, v49;
	v8 =	vadd.f32 v57, v14  }
0xda: {  	v60 =	vshll.u32 v52, $0x10;
	v3 =	vadd.f32 v52, v3;
	v0 =	vadd.f32 v59, v0  }
0xdb: {  	v61 =	vshll.u32 v10, $0x10;
	v5 =	vadd.f32 v60, v5;
	v4 =	vadd.f32 v10, v4  }
0xdc: {  	v17 =	vand.u32 $0x1FF80, v26;
	v29 =	vadd.f32 v27, v11;
	v2 =	vadd.f32 v13, v2  }
0xdd: {  	v45 =	vld.idx.msk [tilespmem:v9+s14+$0x0], $0xffff;
	v31 =	vor.u32 v28, v17;
	v21 =	vadd.f32 v61, v15;
	v8 =	vadd.f32 v24, v8  }
0xde: {  	v49 =	vld.idx.msk [tilespmem:v40+s14+$0x0], $0xffff;
	v60 =	vshrl.u32 v53, $0x10;
	v3 =	vadd.f32 v62, v3;
	v0 =	vadd.f32 v32, v0  }
0xdf: {  	v57 =	vld.idx.msk [tilespmem:v47+s14+$0x0], $0xffff;
	v15 =	vand.u32 $0x1FF80, v50;
	v61 =	vand.u32 $0xFFFF, v53;
	v24 =	vadd.s32 $0x2800, v60  }
0xe0: {  	v27 =	vld [tilespmem:s23+$0x800];
	v25 =	vand.u32 $0x7F, v60;
	v5 =	vadd.f32 v33, v5;
	v10 =	vadd.f32 v42, v29  }
0xe1: {  	v2 =	vadd.f32 v30, v2;
	v15 =	vor.u32 v51, v15;
	v8 =	vadd.f32 v38, v8  }
0xe2: {  	v7 =	vld.idx.msk [tilespmem:v56+s14+$0x0], $0xffff;
	v3 =	vadd.f32 v36, v3;
	v56 =	vshll.u32 v45, $0x10;
	v0 =	vadd.f32 v45, v0  }
0xe3: {  	v54 =	vld.idx.msk [tilespmem:v16+s14+$0x0], $0xffff;
	v26 =	vadd.s32 $0x2800, v61;
	v5 =	vadd.f32 v46, v5;
	v10 =	vadd.f32 v56, v10  }
0xe4: {  	v39 =	vld.idx.msk [tilespmem:v31+s14+$0x0], $0xffff;
	v2 =	vadd.f32 v44, v2;
	v58 =	vshll.u32 v49, $0x10;
	v30 =	vshll.u32 v57, $0x10  }
0xe5: {  	v8 =	vadd.f32 v55, v8;
	v32 =	vld.idx.msk [tilespmem:v60+s14+$0x0], $0xffff;
	v36 =	vand.u32 $0xFFFF, v27;
	v38 =	vshrl.u32 v27, $0x10  }
0xe6: {  	v3 =	vadd.f32 v49, v3;
	v31 =	vld.idx.msk [tilespmem:v61+s14+$0x0], $0xffff;
	v41 =	vadd.s32 $0x2800, v36;
	v42 =	vadd.s32 $0x2800, v38  }
0xe7: {  	v44 =	vand.u32 $0x7F, v38;
	v63 =	vld.idx.msk [tilespmem:v15+s14+$0x0], $0xffff;
	v15 =	vand.u32 $0x1FF80, v24;
	v4 =	vadd.f32 v7, v4  }
0xe8: {  	v35 =	vld.idx.msk [tilespmem:v26+s14+$0x0], $0xffff;
	v17 =	vand.u32 $0x1FF80, v42;
	v34 =	vshll.u32 v7, $0x10;
	v7 =	vand.u32 $0xFFFF, v37  }
0xe9: {  	v28 =	vor.u32 v25, v15;
	v48 =	vshll.u32 v39, $0x10;
	v4 =	vadd.f32 v39, v4;
	v39 =	vld [tilespmem:s23+$0x900]  }
0xea: {  	v0 =	vadd.f32 v57, v0;
	v46 =	vor.u32 v44, v17;
	v6 =	vadd.f32 v34, v21;
	v45 =	vld.idx.msk [tilespmem:v36+s14+$0x0], $0xffff  }
0xeb: {  	v5 =	vadd.f32 v58, v5;
	v10 =	vadd.f32 v30, v10;
	v47 =	vld.idx.msk [tilespmem:v38+s14+$0x0], $0xffff  }
0xec: {  	v62 =	vshll.u32 v54, $0x10;
	v52 =	vadd.s32 $0x2800, v7;
	v6 =	vadd.f32 v48, v6;
	v51 =	vld.idx.msk [tilespmem:v41+s14+$0x0], $0xffff  }
0xed: {  	v43 =	vshll.u32 v32, $0x10;
	v0 =	vadd.f32 v32, v0;
	v4 =	vadd.f32 v54, v4;
	v7 =	vld.idx.msk [tilespmem:v7+s14+$0x0], $0xffff  }
0xee: {  	v40 =	vshll.u32 v31, $0x10;
	v10 =	vadd.f32 v43, v10;
	v6 =	vadd.f32 v62, v6;
	v37 =	vld.idx.msk [tilespmem:v28+s14+$0x0], $0xffff  }
0xef: {  	v34 =	vshll.u32 v63, $0x10;
	v48 =	vshll.u32 v35, $0x10;
	v54 =	vld.idx.msk [tilespmem:v46+s14+$0x0], $0xffff;
	v4 =	vadd.f32 v63, v4  }
0xf0: {  	v28 =	vld [tilespmem:s23+$0xB00];
	v6 =	vadd.f32 v34, v6;
	v50 =	vand.u32 $0xFFFF, v39;
	v11 =	vshrl.u32 v39, $0x10  }
0xf1: {  	v59 =	vld.idx.msk [tilespmem:v52+s14+$0x0], $0xffff;
	v53 =	vshll.u32 v45, $0x10;
	v57 =	vshll.u32 v47, $0x10;
	v0 =	vadd.f32 v47, v0  }
0xf2: {  	v52 =	vld [tilespmem:s23+$0xA00];
	v55 =	vadd.s32 $0x2800, v50;
	v56 =	vadd.s32 $0x2800, v11;
	v58 =	vand.u32 $0x7F, v11  }
0xf3: {  	v42 =	vld [tilespmem:s23+$0xC00];
	v10 =	vadd.f32 v57, v10;
	v61 =	vshll.u32 v51, $0x10;
	v16 =	vand.u32 $0x1FF80, v56  }
0xf4: {  	v29 =	vshll.u32 v7, $0x10;
	v2 =	vadd.f32 v7, v2;
	v49 =	vshll.u32 v37, $0x10  }
0xf5: {  	v4 =	vadd.f32 v37, v4;
	v16 =	vor.u32 v58, v16;
	v63 =	vshll.u32 v54, $0x10  }
0xf6: {  	v36 =	vand.u32 $0xFFFF, v28;
	v8 =	vadd.f32 v29, v8;
	v33 =	vshll.u32 v59, $0x10  }
0xf7: {  	v3 =	vadd.f32 v59, v3;
	v6 =	vadd.f32 v49, v6;
	v62 =	vshrl.u32 v52, $0x10  }
0xf8: {  	v7 =	vand.u32 $0xFFFF, v52;
	v41 =	vadd.s32 $0x2800, v36;
	v52 =	vand.u32 $0xFFFF, v42  }
0xf9: {  	v5 =	vadd.f32 v33, v5;
	v2 =	vadd.f32 v31, v2;
	v25 =	vadd.s32 $0x2800, v62  }
0xfa: {  	v59 =	vld.idx.msk [tilespmem:v50+s14+$0x0], $0xffff;
	v26 =	vand.u32 $0x7F, v62;
	v27 =	vadd.s32 $0x2800, v7;
	v4 =	vadd.f32 v54, v4  }
0xfb: {  	v60 =	vld.idx.msk [tilespmem:v11+s14+$0x0], $0xffff;
	v54 =	vshrl.u32 v42, $0x10;
	v57 =	vadd.s32 $0x2800, v52;
	v8 =	vadd.f32 v40, v8  }
0xfc: {  	v3 =	vadd.f32 v35, v3;
	v24 =	vld.idx.msk [tilespmem:v55+s14+$0x0], $0xffff;
	v15 =	vand.u32 $0x1FF80, v25;
	v6 =	vadd.f32 v63, v6  }
0xfd: {  	v35 =	vshrl.u32 v28, $0x10;
	v55 =	vld [tilespmem:s23+$0xD00];
	v58 =	vadd.s32 $0x2800, v54;
	v5 =	vadd.f32 v48, v5  }
0xfe: {  	v2 =	vadd.f32 v45, v2;
	v15 =	vor.u32 v26, v15;
	v39 =	vadd.s32 $0x2800, v35;
	v26 =	vld [tilespmem:s23+$0xE00]  }
0xff: {  	v40 =	vand.u32 $0x7F, v35;
	v17 =	vand.u32 $0x1FF80, v58;
	v8 =	vadd.f32 v53, v8;
	v29 =	vld.idx.msk [tilespmem:v16+s14+$0x0], $0xffff  }
0x100: {  	v3 =	vadd.f32 v51, v3;
	v47 =	vld.idx.msk [tilespmem:v36+s14+$0x0], $0xffff;
	v5 =	vadd.f32 v61, v5;
	v30 =	vshll.u32 v59, $0x10  }
0x101: {  	v7 =	vld.idx.msk [tilespmem:v7+s14+$0x0], $0xffff;
	v31 =	vshll.u32 v60, $0x10;
	v2 =	vadd.f32 v59, v2;
	v0 =	vadd.f32 v60, v0  }
0x102: {  	v32 =	vld.idx.msk [tilespmem:v62+s14+$0x0], $0xffff;
	v60 =	vand.u32 $0x7F, v54;
	v8 =	vadd.f32 v30, v8;
	v10 =	vadd.f32 v31, v10  }
0x103: {  	v51 =	vld.idx.msk [tilespmem:v41+s14+$0x0], $0xffff;
	v33 =	vshll.u32 v24, $0x10;
	v3 =	vadd.f32 v24, v3;
	v62 =	vor.u32 v60, v17  }
0x104: {  	v61 =	vld.idx.msk [tilespmem:v52+s14+$0x0], $0xffff;
	v23 =	vand.u32 $0xFFFF, v55;
	v25 =	vshrl.u32 v55, $0x10;
	v5 =	vadd.f32 v33, v5  }
0x105: {  	v38 =	vld.idx.msk [tilespmem:v15+s14+$0x0], $0xffff;
	v15 =	vand.u32 $0x1FF80, v39;
	v30 =	vadd.s32 $0x2800, v25;
	v36 =	vshrl.u32 v26, $0x10  }
0x106: {  	v37 =	vshll.u32 v29, $0x10;
	v43 =	vor.u32 v40, v15;
	v4 =	vadd.f32 v29, v4  }
0x107: {  	v34 =	vld.idx.msk [tilespmem:v27+s14+$0x0], $0xffff;
	v56 =	vshll.u32 v47, $0x10;
	v29 =	vadd.s32 $0x2800, v23;
	v16 =	vand.u32 $0x1FF80, v30  }
0x108: {  	v63 =	vld.idx.msk [tilespmem:v54+s14+$0x0], $0xffff;
	v39 =	vadd.s32 $0x2800, v36;
	v40 =	vand.u32 $0x7F, v36;
	v6 =	vadd.f32 v37, v6  }
0x109: {  	v44 =	vshll.u32 v7, $0x10;
	v45 =	vshll.u32 v32, $0x10;
	v2 =	vadd.f32 v7, v2  }
0x10a: {  	v48 =	vld.idx.msk [tilespmem:v35+s14+$0x0], $0xffff;
	v0 =	vadd.f32 v32, v0;
	v21 =	vshll.u32 v51, $0x10;
	v27 =	vshll.u32 v61, $0x10  }
0x10b: {  	v24 =	vld.idx.msk [tilespmem:v57+s14+$0x0], $0xffff;
	v32 =	vand.u32 $0x7F, v25;
	v7 =	vand.u32 $0xFFFF, v26;
	v15 =	vand.u32 $0x1FF80, v39  }
0x10c: {  	v8 =	vadd.f32 v44, v8;
	v46 =	vadd.f32 v45, v10;
	v49 =	vshll.u32 v34, $0x10  }
0x10d: {  	v42 =	vld [tilespmem:s23+$0xF00];
	v3 =	vadd.f32 v34, v3;
	v31 =	vshll.u32 v63, $0x10;
	v16 =	vor.u32 v32, v16  }
0x10e: {  	v41 =	vadd.s32 $0x2800, v7;
	v15 =	vor.u32 v40, v15;
	v5 =	vadd.f32 v49, v5;
	v28 =	vld.idx.msk [tilespmem:v62+s14+$0x0], $0xffff  }
0x10f: {  	v59 =	vshll.u32 v48, $0x10;
	v2 =	vadd.f32 v47, v2;
	v0 =	vadd.f32 v48, v0;
	v33 =	vld.idx.msk [tilespmem:v23+s14+$0x0], $0xffff  }
0x110: {  	v34 =	vld.idx.msk [tilespmem:v25+s14+$0x0], $0xffff;
	v35 =	vshll.u32 v24, $0x10;
	v4 =	vadd.f32 v38, v4;
	v8 =	vadd.f32 v56, v8  }
0x111: {  	v25 =	vld [tilespmem:s23+$0x1100];
	v50 =	vshll.u32 v38, $0x10;
	v9 =	vadd.f32 v59, v46;
	v3 =	vadd.f32 v51, v3  }
0x112: {  	v49 =	vshrl.u32 v42, $0x10;
	v46 =	vld.idx.msk [tilespmem:v36+s14+$0x0], $0xffff;
	v6 =	vadd.f32 v50, v6;
	v5 =	vadd.f32 v21, v5  }
0x113: {  	v54 =	vand.u32 $0x7F, v49;
	v56 =	vld [tilespmem:s23+$0x1000];
	v2 =	vadd.f32 v61, v2;
	v0 =	vadd.f32 v63, v0  }
0x114: {  	v53 =	vld.idx.msk [tilespmem:v43+s14+$0x0], $0xffff;
	v50 =	vand.u32 $0xFFFF, v42;
	v8 =	vadd.f32 v27, v8;
	v9 =	vadd.f32 v31, v9  }
0x115: {  	v38 =	vld.idx.msk [tilespmem:v29+s14+$0x0], $0xffff;
	v3 =	vadd.f32 v24, v3;
	v55 =	vadd.s32 $0x2800, v50;
	v5 =	vadd.f32 v35, v5  }
0x116: {  	v37 =	vshll.u32 v28, $0x10;
	v44 =	vshll.u32 v33, $0x10;
	v45 =	vshll.u32 v34, $0x10  }
0x117: {  	v39 =	vld [tilespmem:s23+$0x1200];
	v2 =	vadd.f32 v33, v2;
	v0 =	vadd.f32 v34, v0;
	v36 =	vand.u32 $0xFFFF, v25  }
0x118: {  	v7 =	vld.idx.msk [tilespmem:v7+s14+$0x0], $0xffff;
	v8 =	vadd.f32 v44, v8;
	v9 =	vadd.f32 v45, v9;
	v59 =	vshll.u32 v46, $0x10  }
0x119: {  	v43 =	vld.idx.msk [tilespmem:v16+s14+$0x0], $0xffff;
	v24 =	vshrl.u32 v56, $0x10;
	v42 =	vadd.s32 $0x2800, v36;
	v22 =	vshll.u32 v53, $0x10  }
0x11a: {  	v48 =	vld.idx.msk [tilespmem:v41+s14+$0x0], $0xffff;
	v4 =	vadd.f32 v53, v4;
	v47 =	vshll.u32 v38, $0x10;
	v53 =	vadd.s32 $0x2800, v49  }
0x11b: {  	v52 =	vld.idx.msk [tilespmem:v15+s14+$0x0], $0xffff;
	v3 =	vadd.f32 v38, v3;
	v0 =	vadd.f32 v46, v0;
	v30 =	vand.u32 $0x7F, v24  }
0x11c: {  	v61 =	vld.idx.msk [tilespmem:v49+s14+$0x0], $0xffff;
	v38 =	vshrl.u32 v25, $0x10;
	v49 =	vshrl.u32 v39, $0x10;
	v6 =	vadd.f32 v22, v6  }
0x11d: {  	v5 =	vadd.f32 v47, v5;
	v15 =	vand.u32 $0x1FF80, v53;
	v58 =	vshll.u32 v7, $0x10  }
0x11e: {  	v9 =	vadd.f32 v59, v9;
	v2 =	vadd.f32 v7, v2;
	v22 =	vand.u32 $0xFFFF, v56  }
0x11f: {  	v45 =	vand.u32 $0x7F, v38;
	v7 =	vand.u32 $0xFFFF, v39;
	v53 =	vand.u32 $0x7F, v49  }
0x120: {  	v60 =	vld.idx.msk [tilespmem:v50+s14+$0x0], $0xffff;
	v4 =	vadd.f32 v28, v4;
	v51 =	vshll.u32 v43, $0x10;
	v57 =	vor.u32 v54, v15  }
0x121: {  	v21 =	vld.idx.msk [tilespmem:v55+s14+$0x0], $0xffff;
	v8 =	vadd.f32 v58, v8;
	v62 =	vshll.u32 v48, $0x10;
	v63 =	vshll.u32 v52, $0x10  }
0x122: {  	v55 =	vld [tilespmem:s23+$0x1300];
	v3 =	vadd.f32 v48, v3;
	v27 =	vadd.s32 $0x2800, v22;
	v28 =	vadd.s32 $0x2800, v24  }
0x123: {  	v54 =	vadd.s32 $0x2800, v7;
	v6 =	vadd.f32 v37, v6;
	v5 =	vadd.f32 v62, v5;
	v46 =	vld.idx.msk [tilespmem:v36+s14+$0x0], $0xffff  }
0x124: {  	v29 =	vshll.u32 v61, $0x10;
	v17 =	vand.u32 $0x1FF80, v28;
	v0 =	vadd.f32 v61, v0;
	v33 =	vld.idx.msk [tilespmem:v24+s14+$0x0], $0xffff  }
0x125: {  	v4 =	vadd.f32 v43, v4;
	v9 =	vadd.f32 v29, v9;
	v32 =	vor.u32 v30, v17;
	v29 =	vld [tilespmem:s23+$0x1400]  }
0x126: {  	v43 =	vadd.s32 $0x2800, v38;
	v6 =	vadd.f32 v51, v6;
	v26 =	vshll.u32 v60, $0x10;
	v47 =	vld.idx.msk [tilespmem:v38+s14+$0x0], $0xffff  }
0x127: {  	v2 =	vadd.f32 v60, v2;
	v16 =	vand.u32 $0x1FF80, v43;
	v51 =	vld.idx.msk [tilespmem:v42+s14+$0x0], $0xffff;
	v4 =	vadd.f32 v52, v4  }
0x128: {  	v59 =	vld.idx.msk [tilespmem:v49+s14+$0x0], $0xffff;
	v8 =	vadd.f32 v26, v8;
	v34 =	vshll.u32 v21, $0x10;
	v3 =	vadd.f32 v21, v3  }
0x129: {  	v31 =	vld.idx.msk [tilespmem:v22+s14+$0x0], $0xffff;
	v16 =	vor.u32 v45, v16;
	v52 =	vadd.s32 $0x2800, v49;
	v62 =	vshrl.u32 v55, $0x10  }
0x12a: {  	v7 =	vld.idx.msk [tilespmem:v7+s14+$0x0], $0xffff;
	v6 =	vadd.f32 v63, v6;
	v5 =	vadd.f32 v34, v5;
	v15 =	vand.u32 $0x1FF80, v52  }
0x12b: {  	v37 =	vld.idx.msk [tilespmem:v27+s14+$0x0], $0xffff;
	v63 =	vand.u32 $0xFFFF, v55;
	v26 =	vadd.s32 $0x2800, v62;
	v27 =	vand.u32 $0x7F, v62  }
0x12c: {  	v23 =	vld.idx.msk [tilespmem:v57+s14+$0x0], $0xffff;
	v15 =	vor.u32 v53, v15;
	v57 =	vshll.u32 v46, $0x10;
	v28 =	vadd.s32 $0x2800, v63  }
0x12d: {  	v44 =	vshll.u32 v33, $0x10;
	v0 =	vadd.f32 v33, v0;
	v38 =	vand.u32 $0xFFFF, v29  }
0x12e: {  	v9 =	vadd.f32 v44, v9;
	v58 =	vshll.u32 v47, $0x10;
	v60 =	vshll.u32 v51, $0x10  }
0x12f: {  	v41 =	vld.idx.msk [tilespmem:v32+s14+$0x0], $0xffff;
	v32 =	vshll.u32 v59, $0x10;
	v43 =	vadd.s32 $0x2800, v38;
	v40 =	vshll.u32 v31, $0x10  }
0x130: {  	v61 =	vld.idx.msk [tilespmem:v54+s14+$0x0], $0xffff;
	v2 =	vadd.f32 v31, v2;
	v0 =	vadd.f32 v47, v0;
	v31 =	vshll.u32 v7, $0x10  }
0x131: {  	v35 =	vshll.u32 v23, $0x10;
	v4 =	vadd.f32 v23, v4;
	v8 =	vadd.f32 v40, v8  }
0x132: {  	v48 =	vshll.u32 v37, $0x10;
	v3 =	vadd.f32 v37, v3;
	v9 =	vadd.f32 v58, v9  }
0x133: {  	v55 =	vld [tilespmem:s23+$0x1600];
	v40 =	vshrl.u32 v29, $0x10;
	v6 =	vadd.f32 v35, v6;
	v5 =	vadd.f32 v48, v5  }
0x134: {  	v2 =	vadd.f32 v46, v2;
	v25 =	vld.idx.msk [tilespmem:v15+s14+$0x0], $0xffff;
	v15 =	vand.u32 $0x1FF80, v26;
	v0 =	vadd.f32 v59, v0  }
0x135: {  	v56 =	vld.idx.msk [tilespmem:v16+s14+$0x0], $0xffff;
	v35 =	vshll.u32 v61, $0x10;
	v44 =	vadd.s32 $0x2800, v40;
	v46 =	vand.u32 $0x7F, v40  }
0x136: {  	v34 =	vld.idx.msk [tilespmem:v62+s14+$0x0], $0xffff;
	v50 =	vshll.u32 v41, $0x10;
	v4 =	vadd.f32 v41, v4;
	v8 =	vadd.f32 v57, v8  }
0x137: {  	v33 =	vld.idx.msk [tilespmem:v63+s14+$0x0], $0xffff;
	v3 =	vadd.f32 v51, v3;
	v30 =	vor.u32 v27, v15;
	v9 =	vadd.f32 v32, v9  }
0x138: {  	v17 =	vand.u32 $0x1FF80, v44;
	v6 =	vadd.f32 v50, v6;
	v5 =	vadd.f32 v60, v5  }
0x139: {  	v37 =	vld.idx.msk [tilespmem:v28+s14+$0x0], $0xffff;
	v2 =	vadd.f32 v7, v2;
	v48 =	vor.u32 v46, v17;
	v7 =	vand.u32 $0xFFFF, v55  }
0x13a: {  	v24 =	vshll.u32 v56, $0x10;
	v4 =	vadd.f32 v56, v4;
	v8 =	vadd.f32 v31, v8  }
0x13b: {  	v41 =	vld [tilespmem:s23+$0x1500];
	v3 =	vadd.f32 v61, v3;
	v45 =	vshll.u32 v34, $0x10;
	v0 =	vadd.f32 v34, v0  }
0x13c: {  	v47 =	vld.idx.msk [tilespmem:v38+s14+$0x0], $0xffff;
	v6 =	vadd.f32 v24, v6;
	v5 =	vadd.f32 v35, v5;
	v42 =	vshll.u32 v33, $0x10  }
0x13d: {  	v9 =	vadd.f32 v45, v9;
	v2 =	vadd.f32 v33, v2;
	v36 =	vshll.u32 v25, $0x10  }
0x13e: {  	v53 =	vld.idx.msk [tilespmem:v43+s14+$0x0], $0xffff;
	v4 =	vadd.f32 v25, v4;
	v8 =	vadd.f32 v42, v8;
	v50 =	vshll.u32 v37, $0x10  }
0x13f: {  	v31 =	vld [tilespmem:s23+$0x1700];
	v3 =	vadd.f32 v37, v3;
	v25 =	vshrl.u32 v55, $0x10;
	v6 =	vadd.f32 v36, v6  }
0x140: {  	v49 =	vld.idx.msk [tilespmem:v40+s14+$0x0], $0xffff;
	v52 =	vand.u32 $0xFFFF, v41;
	v5 =	vadd.f32 v50, v5;
	v54 =	vshrl.u32 v41, $0x10  }
0x141: {  	v45 =	vld [tilespmem:s23+$0x1800];
	v56 =	vshll.u32 v47, $0x10;
	v2 =	vadd.f32 v47, v2;
	v28 =	vadd.s32 $0x2800, v25  }
0x142: {  	v39 =	vld.idx.msk [tilespmem:v30+s14+$0x0], $0xffff;
	v29 =	vand.u32 $0x7F, v25;
	v30 =	vadd.s32 $0x2800, v7;
	v58 =	vadd.s32 $0x2800, v52  }
0x143: {  	v59 =	vadd.s32 $0x2800, v54;
	v61 =	vand.u32 $0x7F, v54;
	v8 =	vadd.f32 v56, v8  }
0x144: {  	v57 =	vld.idx.msk [tilespmem:v48+s14+$0x0], $0xffff;
	v24 =	vshll.u32 v53, $0x10;
	v15 =	vand.u32 $0x1FF80, v28;
	v3 =	vadd.f32 v53, v3  }
0x145: {  	v7 =	vld.idx.msk [tilespmem:v7+s14+$0x0], $0xffff;
	v16 =	vand.u32 $0x1FF80, v59;
	v5 =	vadd.f32 v24, v5;
	v15 =	vor.u32 v29, v15  }
0x146: {  	v38 =	vshrl.u32 v31, $0x10;
	v59 =	vld [tilespmem:s23+$0x1900];
	v60 =	vshll.u32 v49, $0x10;
	v16 =	vor.u32 v61, v16  }
0x147: {  	v0 =	vadd.f32 v49, v0;
	v42 =	vadd.s32 $0x2800, v38;
	v56 =	vshrl.u32 v45, $0x10;
	v35 =	vld.idx.msk [tilespmem:v25+s14+$0x0], $0xffff  }
0x148: {  	v43 =	vand.u32 $0x7F, v38;
	v9 =	vadd.f32 v60, v9;
	v60 =	vand.u32 $0x7F, v56;
	v62 =	vld.idx.msk [tilespmem:v52+s14+$0x0], $0xffff  }
0x149: {  	v51 =	vshll.u32 v39, $0x10;
	v4 =	vadd.f32 v39, v4;
	v63 =	vld.idx.msk [tilespmem:v54+s14+$0x0], $0xffff;
	v39 =	vand.u32 $0xFFFF, v31  }
0x14a: {  	v37 =	vld.idx.msk [tilespmem:v30+s14+$0x0], $0xffff;
	v54 =	vand.u32 $0xFFFF, v45;
	v6 =	vadd.f32 v51, v6;
	v26 =	vshll.u32 v57, $0x10  }
0x14b: {  	v27 =	vld.idx.msk [tilespmem:v58+s14+$0x0], $0xffff;
	v44 =	vadd.s32 $0x2800, v39;
	v47 =	vshll.u32 v7, $0x10;
	v58 =	vadd.s32 $0x2800, v56  }
0x14c: {  	v4 =	vadd.f32 v57, v4;
	v41 =	vld.idx.msk [tilespmem:v15+s14+$0x0], $0xffff;
	v15 =	vand.u32 $0x1FF80, v42;
	v57 =	vadd.s32 $0x2800, v54  }
0x14d: {  	v14 =	vand.u32 $0x1FF80, v58;
	v24 =	vand.u32 $0xFFFF, v59;
	v25 =	vshrl.u32 v59, $0x10  }
0x14e: {  	v6 =	vadd.f32 v26, v6;
	v46 =	vor.u32 v43, v15;
	v12 =	vor.u32 v60, v14  }
0x14f: {  	v50 =	vld.idx.msk [tilespmem:v38+s14+$0x0], $0xffff;
	v17 =	vadd.s32 $0x2800, v25;
	v28 =	vand.u32 $0x7F, v25;
	v48 =	vshll.u32 v35, $0x10  }
0x150: {  	v32 =	vld.idx.msk [tilespmem:v16+s14+$0x0], $0xffff;
	v17 =	vand.u32 $0x1FF80, v17;
	v33 =	vshll.u32 v62, $0x10;
	v34 =	vshll.u32 v63, $0x10  }
0x151: {  	v21 =	vld.idx.msk [tilespmem:v56+s14+$0x0], $0xffff;
	v2 =	vadd.f32 v62, v2;
	v0 =	vadd.f32 v63, v0;
	v51 =	vshll.u32 v37, $0x10  }
0x152: {  	v26 =	vld [tilespmem:s23+$0x1A00];
	v8 =	vadd.f32 v33, v8;
	v9 =	vadd.f32 v34, v9;
	v36 =	vshll.u32 v27, $0x10  }
0x153: {  	v43 =	vld [tilespmem:s23+$0x1C00];
	v3 =	vadd.f32 v27, v3;
	v27 =	vadd.s32 $0x2800, v24;
	v5 =	vadd.f32 v36, v5  }
0x154: {  	v2 =	vadd.f32 v7, v2;
	v0 =	vadd.f32 v35, v0;
	v52 =	vshll.u32 v41, $0x10  }
0x155: {  	v62 =	vshll.u32 v50, $0x10;
	v7 =	vor.u32 v28, v17;
	v4 =	vadd.f32 v32, v4  }
0x156: {  	v49 =	vld.idx.msk [tilespmem:v39+s14+$0x0], $0xffff;
	v40 =	vshll.u32 v32, $0x10;
	v8 =	vadd.f32 v47, v8;
	v9 =	vadd.f32 v48, v9  }
0x157: {  	v63 =	vld.idx.msk [tilespmem:v54+s14+$0x0], $0xffff;
	v3 =	vadd.f32 v37, v3;
	v30 =	vshll.u32 v21, $0x10;
	v32 =	vand.u32 $0xFFFF, v26  }
0x158: {  	v53 =	vld.idx.msk [tilespmem:v44+s14+$0x0], $0xffff;
	v11 =	vshrl.u32 v26, $0x10;
	v54 =	vshrl.u32 v43, $0x10;
	v6 =	vadd.f32 v40, v6  }
0x159: {  	v13 =	vld.idx.msk [tilespmem:v57+s14+$0x0], $0xffff;
	v5 =	vadd.f32 v51, v5;
	v0 =	vadd.f32 v50, v0;
	v35 =	vadd.s32 $0x2800, v11  }
0x15a: {  	v16 =	vld.idx.msk [tilespmem:v24+s14+$0x0], $0xffff;
	v37 =	vand.u32 $0x7F, v11;
	v38 =	vadd.s32 $0x2800, v32;
	v60 =	vadd.s32 $0x2800, v54  }
0x15b: {  	v31 =	vld.idx.msk [tilespmem:v25+s14+$0x0], $0xffff;
	v4 =	vadd.f32 v41, v4;
	v61 =	vshll.u32 v49, $0x10;
	v9 =	vadd.f32 v62, v9  }
0x15c: {  	v36 =	vld [tilespmem:s23+$0x1B00];
	v2 =	vadd.f32 v49, v2;
	v29 =	vshll.u32 v63, $0x10;
	v14 =	vand.u32 $0x1FF80, v35  }
0x15d: {  	v25 =	vld [tilespmem:s23+$0x1E00];
	v17 =	vand.u32 $0x1FF80, v60;
	v6 =	vadd.f32 v52, v6;
	v8 =	vadd.f32 v61, v8  }
0x15e: {  	v55 =	vld.idx.msk [tilespmem:v46+s14+$0x0], $0xffff;
	v22 =	vshll.u32 v53, $0x10;
	v3 =	vadd.f32 v53, v3;
	v0 =	vadd.f32 v21, v0  }
0x15f: {  	v12 =	vld.idx.msk [tilespmem:v12+s14+$0x0], $0xffff;
	v14 =	vor.u32 v37, v14;
	v53 =	vand.u32 $0xFFFF, v43;
	v5 =	vadd.f32 v22, v5  }
0x160: {  	v61 =	vand.u32 $0x7F, v54;
	v9 =	vadd.f32 v30, v9;
	v2 =	vadd.f32 v63, v2  }
0x161: {  	v33 =	vshll.u32 v13, $0x10;
	v39 =	vshll.u32 v16, $0x10;
	v40 =	vshll.u32 v31, $0x10  }
0x162: {  	v41 =	vshrl.u32 v36, $0x10;
	v42 =	vand.u32 $0xFFFF, v36;
	v59 =	vadd.s32 $0x2800, v53  }
0x163: {  	v36 =	vshrl.u32 v25, $0x10;
	v23 =	vshll.u32 v55, $0x10;
	v4 =	vadd.f32 v55, v4  }
0x164: {  	v62 =	vld [tilespmem:s23+$0x1D00];
	v8 =	vadd.f32 v29, v8;
	v34 =	vshll.u32 v12, $0x10;
	v3 =	vadd.f32 v13, v3  }
0x165: {  	v15 =	vld.idx.msk [tilespmem:v27+s14+$0x0], $0xffff;
	v0 =	vadd.f32 v31, v0;
	v47 =	vadd.s32 $0x2800, v41;
	v48 =	vand.u32 $0x7F, v41  }
0x166: {  	v21 =	vadd.s32 $0x2800, v42;
	v6 =	vadd.f32 v23, v6;
	v5 =	vadd.f32 v33, v5  }
0x167: {  	v13 =	vor.u32 v61, v17;
	v9 =	vadd.f32 v40, v9;
	v2 =	vadd.f32 v16, v2  }
0x168: {  	v7 =	vld.idx.msk [tilespmem:v7+s14+$0x0], $0xffff;
	v19 =	vand.u32 $0x1FF80, v47;
	v40 =	vadd.s32 $0x2800, v36;
	v4 =	vadd.f32 v12, v4  }
0x169: {  	v30 =	vld [tilespmem:s23+$0x1F00];
	v8 =	vadd.f32 v39, v8;
	v49 =	vor.u32 v48, v19;
	v24 =	vand.u32 $0xFFFF, v62  }
0x16a: {  	v10 =	vld.idx.msk [tilespmem:v32+s14+$0x0], $0xffff;
	v27 =	vshrl.u32 v62, $0x10;
	v6 =	vadd.f32 v34, v6;
	v44 =	vshll.u32 v15, $0x10  }
0x16b: {  	v11 =	vld.idx.msk [tilespmem:v11+s14+$0x0], $0xffff;
	v3 =	vadd.f32 v15, v3;
	v29 =	vadd.s32 $0x2800, v27;
	v31 =	vand.u32 $0x7F, v27  }
0x16c: {  	v46 =	vld.idx.msk [tilespmem:v38+s14+$0x0], $0xffff;
	v32 =	vadd.s32 $0x2800, v24;
	v34 =	vand.u32 $0xFFFF, v25;
	v15 =	vand.u32 $0x1FF80, v40  }
0x16d: {  	v45 =	vshll.u32 v7, $0x10;
	v5 =	vadd.f32 v44, v5;
	v4 =	vadd.f32 v7, v4;
	v52 =	vld.idx.msk [tilespmem:v42+s14+$0x0], $0xffff  }
0x16e: {  	v1 =	vld.idx.msk [tilespmem:v41+s14+$0x0], $0xffff;
	v38 =	vand.u32 $0xFFFF, v30;
	v41 =	vshrl.u32 v30, $0x10;
	v42 =	vand.u32 $0x7F, v36  }
0x16f: {  	v43 =	vadd.s32 $0x2800, v34;
	v6 =	vadd.f32 v45, v6;
	v50 =	vshll.u32 v10, $0x10  }
0x170: {  	v14 =	vld.idx.msk [tilespmem:v14+s14+$0x0], $0xffff;
	v51 =	vshll.u32 v11, $0x10;
	v2 =	vadd.f32 v10, v2;
	v0 =	vadd.f32 v11, v0  }
0x171: {  	v12 =	vld.idx.msk [tilespmem:v53+s14+$0x0], $0xffff;
	v11 =	vand.u32 $0x1FF80, v29;
	v15 =	vor.u32 v42, v15;
	v45 =	vadd.s32 $0x2800, v41  }
0x172: {  	v23 =	vld.idx.msk [tilespmem:v59+s14+$0x0], $0xffff;
	v47 =	vadd.s32 $0x2800, v38;
	v7 =	vadd.f32 v50, v8;
	v9 =	vadd.f32 v51, v9  }
0x173: {  	v57 =	vld.idx.msk [tilespmem:v21+s14+$0x0], $0xffff;
	v55 =	vshll.u32 v46, $0x10;
	v3 =	vadd.f32 v46, v3;
	v11 =	vor.u32 v31, v11  }
0x174: {  	v10 =	vld.idx.msk [tilespmem:v54+s14+$0x0], $0xffff;
	v46 =	vand.u32 $0x7F, v41;
	v17 =	vand.u32 $0x1FF80, v45;
	v5 =	vadd.f32 v55, v5  }
0x175: {  	v13 =	vld.idx.msk [tilespmem:v13+s14+$0x0], $0xffff;
	v17 =	vor.u32 v46, v17;
	v56 =	vshll.u32 v14, $0x10;
	v4 =	vadd.f32 v14, v4  }
0x176: {  	v58 =	vld.idx.msk [tilespmem:v49+s14+$0x0], $0xffff;
	v26 =	vshll.u32 v12, $0x10;
	v6 =	vadd.f32 v56, v6;
	v63 =	vshll.u32 v52, $0x10  }
0x177: {  	v37 =	vld.idx.msk [tilespmem:v27+s14+$0x0], $0xffff;
	v20 =	vshll.u32 v1, $0x10;
	v2 =	vadd.f32 v52, v2;
	v0 =	vadd.f32 v1, v0  }
0x178: {  	v39 =	vld.idx.msk [tilespmem:v32+s14+$0x0], $0xffff;
	v7 =	vadd.f32 v63, v7;
	v9 =	vadd.f32 v20, v9;
	v21 =	vshll.u32 v57, $0x10  }
0x179: {  	v33 =	vshll.u32 v23, $0x10;
	v49 =	vld.idx.msk [tilespmem:v41+s14+$0x0], $0xffff;
	v3 =	vadd.f32 v57, v3;
	v5 =	vadd.f32 v21, v5  }
0x17a: {  	v18 =	vld.idx.msk [tilespmem:v43+s14+$0x0], $0xffff;
	v28 =	vshll.u32 v10, $0x10;
	v2 =	vadd.f32 v12, v2;
	v0 =	vadd.f32 v10, v0  }
0x17b: {  	v35 =	vshll.u32 v13, $0x10;
	v11 =	vld.idx.msk [tilespmem:v11+s14+$0x0], $0xffff;
	v4 =	vadd.f32 v58, v4;
	v7 =	vadd.f32 v26, v7  }
0x17c: {  	v10 =	vld.idx.msk [tilespmem:v36+s14+$0x0], $0xffff;
	v22 =	vshll.u32 v58, $0x10;
	v9 =	vadd.f32 v28, v9;
	v3 =	vadd.f32 v23, v3  }
0x17d: {  	v48 =	vshll.u32 v37, $0x10;
	v1 =	vadd.f32 v22, v6;
	v5 =	vadd.f32 v33, v5  }
0x17e: {  	v15 =	vld.idx.msk [tilespmem:v15+s14+$0x0], $0xffff;
	v0 =	vadd.f32 v37, v0;
	v50 =	vshll.u32 v39, $0x10;
	v4 =	vadd.f32 v13, v4  }
0x17f: {  	v6 =	vld.idx.msk [tilespmem:v24+s14+$0x0], $0xffff;
	v9 =	vadd.f32 v48, v9;
	v3 =	vadd.f32 v39, v3;
	v57 =	vshll.u32 v49, $0x10  }
0x180: {  	v54 =	vld.idx.msk [tilespmem:v47+s14+$0x0], $0xffff;
	v58 =	vshll.u32 v18, $0x10;
	v1 =	vadd.f32 v35, v1;
	v5 =	vadd.f32 v50, v5  }
0x181: {  	v12 =	vld.idx.msk [tilespmem:v34+s14+$0x0], $0xffff;
	v51 =	vshll.u32 v11, $0x10;
	v4 =	vadd.f32 v11, v4;
	v0 =	vadd.f32 v10, v0  }
0x182: {  	v56 =	vld.idx.msk [tilespmem:v17+s14+$0x0], $0xffff;
	v53 =	vshll.u32 v10, $0x10;
	v3 =	vadd.f32 v18, v3;
	v1 =	vadd.f32 v51, v1  }
0x183: {  	s30 =	sand.u32 $0x600, s21;
	v59 =	vshll.u32 v15, $0x10;
	v8 =	vadd.f32 v53, v9;
	v5 =	vadd.f32 v58, v5  }
0x184: {  	s31 =	sand.u32 $0x60, s20;
	s0 =	sadd.s32 s30, s18;
	v14 =	vld.idx.msk [tilespmem:v38+s14+$0x0], $0xffff;
	v44 =	vshll.u32 v6, $0x10;
	v2 =	vadd.f32 v6, v2;
	v0 =	vadd.f32 v49, v0  }
0x185: {  	s0 =	sadd.s32 s31, s0;
	v60 =	vshll.u32 v54, $0x10;
	v63 =	vadd.f32 v54, v3;
	v7 =	vadd.f32 v44, v7  }
0x186: {  	v52 =	vshll.u32 v12, $0x10;
	v8 =	vadd.f32 v57, v8;
	v1 =	vadd.f32 v59, v1;
	[tilespmem:s0+$0x90] =	vst v0  }
0x187: {  	v61 =	vshll.u32 v56, $0x10;
	v5 =	vadd.f32 v60, v5;
	v2 =	vadd.f32 v12, v2;
	[tilespmem:s0+$0x180] =	vst v63  }
0x188: {  	p0 =	sne.s32 s22, $0xF0;
	v7 =	vadd.f32 v52, v7;
	[tilespmem:s0+$0x10] =	vst v8;
	v1 =	vadd.f32 v61, v1  }
.Ltmp1:
0x189: {  	v55 =	vshll.u32 v14, $0x10;
	v62 =	vadd.f32 v15, v4;
	[tilespmem:s0+$0x100] =	vst v5;
	v2 =	vadd.f32 v14, v2;
	(pc) =	sbr.rel @p0 .LBB2_5-.Ltmp1, $4  }
0x18a: {  	v7 =	vadd.f32 v55, v7;
	[tilespmem:s0+$0x110] =	vst v1  }
0x18b: {  	[tilespmem:s0+$0x80] =	vst v2;
	v2 =	vadd.f32 v56, v62  }
0x18c: {  	[tilespmem:s0+$0x0] =	vst v7  }
0x18d: {  	s21 =	sadd.s32 $0x80, s21;
	s20 =	sadd.s32 $0x20, s20;
	s22 =	sadd.s32 $0x10, s22;
	[tilespmem:s0+$0x190] =	vst v2  }
0x18e: {  	p0 =	sne.s32 s17, $0x14  }
.Ltmp2:
0x18f: {  	s0 =	sshll.u32 s16, $0xB;
	(pc) =	sbr.rel @p0 .LBB2_4-.Ltmp2, $4  }
0x190: {  	s0 =	sadd.s32 s6, s0  }
0x191: {  	s0 =	sshrl.u32 s0, $0x3  }
0x192: {  	s16 =	smov.u32 s17;
	s0 =	sadd.s32 s4, s0  }
0x193: {  	[hbm4b:s0+s2] =	stream.linear.scatter [tilespmem:s18], [sflag:$0x3], $0x800, $0x38;
	[tilespmem:$0x14000] =	vst v63  }
0x194: {  	_ =	swait.ge [sflag:s13], $0x800  }
0x195: {  	[sflag:s13] =	ssyncset.done $0x0  }
0x196: {  	[sflag:s13] =	ssyncadd.s32 $0xFFFFF800  }
0x197: {  	_ =	swait.ge [sflag:s13], $0x800  }
0x198: {  	s1 =	rddreg [dreg:$0x4]  }
0x199: {  	s0 =	rddreg [dreg:$0x3];
	s1 =	sadd.s32 $0x1, s1  }
0x19a: {  	p0 =	sne.s32 s1, s0  }
.Ltmp3:
0x19b: {  	_ = 	snop;
	(pc) =	sbr.rel @p0 .LBB2_1-.Ltmp3, $3  }
0x19c: {  	_ =	sdelay $0x1  }
0x19d: {  	[sflag:s13] =	ssyncset.done $0x0  }
0x19e: {  	[sflag:s13] =	ssyncadd.s32 $0xFFFFF800  }
0x19f: {  	_ =	sfence.sel $0x180000  }
0x1a0: {  	[bflag:$0x0] =	sbarrier.arrive $0xFFFF  }
0x1a1: {  	_ =	strace $0x90000047  }
0x1a2: {  	s0 =	stileid.u32;
	[bflag:$0x2] =	sbarrier.arrive $0xFFFF  }
0x1a3: {  	p0 =	sne.s32 s0, $0x0;
	s0 =	rddreg [dreg:$0x1]  }
0x1a4: {  	s0 =	sadd.s32 @!p0 $0x100000, s0  }
0x1a5: {  	[sflag:s0] =	ssyncadd.tile.s32 @!p0 $0x1;
	_ =	shalt  }
.Lfunc_end2:
_tile_overlayer_lowered:
.L_overlay_start_2:
0x1a6: {  	(tag) =	ssettag $0x2  }
0x1a7: {  	s0 =	rddreg [dreg:$0x0];
	s2 =	stileid.u32  }
0x1a8: {  	s1 =	rddreg [dreg:$0x1];
	p0 =	sne.s32 s2, $0x0  }
0x1a9: {  	s3 =	rddreg [dreg:$0x2];
	[bflag:$0x3] =	sbarrier.arrive $0xFFFF;
	s2 =	simm.s32 @!p0 $0x1C04  }
0x1aa: {  	[timem:s3], [sflag:s2] =	dma.local @!p0 [hbm:s0], s1  }
0x1ab: {  	s0 =	simm.s32 @!p0 $0x4  }
0x1ac: {  	_ =	swait.ge @!p0 [sflag:s0], s1  }
0x1ad: {  	s1 =	ssub.s32 @!p0 $0x0, s1;
	[sflag:s0] =	ssyncset.done @!p0 $0x0  }
0x1ae: {  	[sflag:s0] =	ssyncadd.s32 @!p0 s1  }
0x1af: {  	[bflag:$0x3] =	sbarrier.arrive $0xFFFF  }
0x1b0: {  	_ =	shalt  }

// kernel: kernel.9.cloned.1.call-start
scs
__scs_entry_jumppad:
0x0: {  	(pc) =	sbr.rel $0x88, $3  }
0x1: {  	(tag) =	ssettag $0x0;
	lr =	simm.s32 $0x1  }
0x2: {  	[smem:$0x3F9D] =	sst lr;
	_ =	strace $0xD0000000  }
0x3: {  	_ = 	snop  }
0x4: {  	_ = 	snop  }
0x5: {  	_ = 	snop  }
0x6: {  	_ = 	snop  }
0x7: {  	_ = 	snop  }
__scs_overlays_trampoline_lowered:
0x8: {  	[smem:$0x3FAC] =	sst s0  }
0x9: {  	[smem:$0x3FAD] =	sst s1  }
0xa: {  	[smem:$0x3FAE] =	sst s2  }
0xb: {  	[smem:$0x3FAF] =	sst s3  }
0xc: {  	[smem:$0x3FB0] =	sst s4  }
0xd: {  	[smem:$0x3FB1] =	sst s5  }
0xe: {  	[smem:$0x3FB2] =	sst s6  }
0xf: {  	[smem:$0x3FB3] =	sst s7  }
0x10: {  	[smem:$0x3FB4] =	sst s8  }
0x11: {  	[smem:$0x3FB5] =	sst s9;
	s0 =	simm.s32 @!p0 $0x0  }
0x12: {  	s1 =	sld [smem:$0x3F9B];
	s0 =	simm.s32 @p0 $0x1  }
0x13: {  	[smem:$0x3FB6] =	sst s0;
	s0 =	simm.s32 @!p1 $0x0  }
0x14: {  	s2 =	sld [smem:$0x3F9A];
	s0 =	simm.s32 @p1 $0x1  }
0x15: {  	[smem:$0x3FB7] =	sst s0;
	s0 =	simm.s32 @!p2 $0x0  }
0x16: {  	s3 =	sld [smem:$0x3FDB];
	s0 =	simm.s32 @p2 $0x1  }
0x17: {  	s4 =	simm.s32 $0x1BF5;
	[smem:$0x3FB9] =	sst s0  }
0x18: {  	s0 =	sld [smem:$0x3F9C];
	_ =	swait.ge [sflag:s4], $0x0  }
0x19: {  	s7 =	sld [smem:$0x3F9D]  }
0x1a: {  	s8 =	sadd.s32 $0xFFFFE003, lr  }
0x1b: {  	s9 =	sadd.s32 $0xFFFFFEF7, lr;
	s5 =	simm.s32 $0xFFFFFFFF;
	p2 =	slt.u32 s8, $0xFFFFF086  }
0x1c: {  	p1 =	slt.u32 s9, $0xF7A;
	s5 =	simm.s32 @!p2 $0x0  }
0x1d: {  	s5 =	simm.s32 @p1 $0x1;
	p0 =	seq.s32 s7, s2  }
0x1e: {  	s7 =	smul.u32 @!p0 $0xF7A, s2;
	p2 =	seq.s32 @!p0 s5, $0x0  }
0x1f: {  	s9 =	smul.u32 $0xF7A, s1;
	s8 =	simm.s32 @!p0 $0x1BF5;
	p2 =	por !p2, p0  }
0x20: {  	[sflag:s8] =	ssyncset.s32 @!p0 $0xFFFFF086;
	s6 =	sadd.s32 @!p0 s3, s7;
	s7 =	simm.s32 @!p0 $0x108  }
0x21: {  	s3 =	sadd.s32 s3, s9;
	s6 =	sadd.s32 @!p0 $0x88, s6;
	s7 =	simm.s32 @p2 $0x1082  }
0x22: {  	[simem:s7], [sflag:s8] =	dma.local @!p0 [hbm:s6], $0xF7A  }
0x23: {  	s9 =	sor.u32 $0xD0000000, s2;
	s6 =	simm.s32 $0x108;
	_ =	swait.ge @!p0 [sflag:s8], $0x0  }
0x24: {  	s3 =	sadd.s32 $0x88, s3;
	s6 =	simm.s32 @!p1 $0x1082;
	[sflag:s4] =	ssyncset.s32 $0xFFFFF086  }
0x25: {  	[simem:s6], [sflag:s4] =	dma.local [hbm:s3], $0xF7A  }
0x26: {  	[smem:$0x3F9D] =	sst s1;
	(tag) =	ssettag s2;
	_ =	strace s9  }
0x27: {  	s1 =	sld [smem:$0x3FAD]  }
0x28: {  	s2 =	sld [smem:$0x3FAE]  }
0x29: {  	s4 =	sld [smem:$0x3FB0]  }
0x2a: {  	p0 =	seq.s32 s5, $0x0;
	s5 =	sld [smem:$0x3FB1]  }
0x2b: {  	s6 =	sld [smem:$0x3FB2]  }
0x2c: {  	s7 =	sld [smem:$0x3FB3]  }
0x2d: {  	s3 =	simm.s32 $0x108;
	s8 =	sld [smem:$0x3FB4]  }
0x2e: {  	s3 =	simm.s32 @!p0 $0x1082;
	s9 =	sld [smem:$0x3FB5]  }
0x2f: {  	lr =	sadd.s32 s0, s3;
	s0 =	sld [smem:$0x3FAC]  }
0x30: {  	s3 =	sld [smem:$0x3FAF]  }
0x31: {  	[smem:$0x3FB8] =	sst s10  }
0x32: {  	s10 =	sld [smem:$0x3FB6];
	_ =	sdelay $0x3  }
0x33: {  	p0 =	seq.s32 s10, $0x1;
	s10 =	sld [smem:$0x3FB8];
	_ =	sdelay $0x3  }
0x34: {  	[smem:$0x3FB8] =	sst s10  }
0x35: {  	s10 =	sld [smem:$0x3FB7];
	_ =	sdelay $0x3  }
0x36: {  	p1 =	seq.s32 s10, $0x1;
	s10 =	sld [smem:$0x3FB8];
	_ =	sdelay $0x3  }
0x37: {  	[smem:$0x3FB8] =	sst s10  }
0x38: {  	s10 =	sld [smem:$0x3FB9]  }
0x39: {  	_ = 	snop;
	(pc) =	sbr.ind lr, $3  }
0x3a: {  	_ = 	snop  }
0x3b: {  	_ = 	snop  }
0x3c: {  	p2 =	seq.s32 s10, $0x1;
	s10 =	sld [smem:$0x3FB8]  }
0x3d: {  	_ =	shalt  }
0x3e: {  	_ =	shalt  }
0x3f: {  	_ =	shalt  }
0x40: {  	_ =	shalt  }
0x41: {  	_ =	shalt  }
0x42: {  	_ =	shalt  }
0x43: {  	_ =	shalt  }
0x44: {  	_ =	shalt  }
0x45: {  	_ =	shalt  }
0x46: {  	_ =	shalt  }
0x47: {  	_ =	shalt  }
0x48: {  	_ =	shalt  }
0x49: {  	_ =	shalt  }
0x4a: {  	_ =	shalt  }
0x4b: {  	_ =	shalt  }
0x4c: {  	_ =	shalt  }
0x4d: {  	_ =	shalt  }
0x4e: {  	_ =	shalt  }
0x4f: {  	_ =	shalt  }
0x50: {  	_ =	shalt  }
0x51: {  	_ =	shalt  }
0x52: {  	_ =	shalt  }
0x53: {  	_ =	shalt  }
0x54: {  	_ =	shalt  }
0x55: {  	_ =	shalt  }
0x56: {  	_ =	shalt  }
0x57: {  	_ =	shalt  }
0x58: {  	_ =	shalt  }
0x59: {  	_ =	shalt  }
0x5a: {  	_ =	shalt  }
0x5b: {  	_ =	shalt  }
0x5c: {  	_ =	shalt  }
0x5d: {  	_ =	shalt  }
0x5e: {  	_ =	shalt  }
0x5f: {  	_ =	shalt  }
0x60: {  	_ =	shalt  }
0x61: {  	_ =	shalt  }
0x62: {  	_ =	shalt  }
0x63: {  	_ =	shalt  }
0x64: {  	_ =	shalt  }
0x65: {  	_ =	shalt  }
0x66: {  	_ =	shalt  }
0x67: {  	_ =	shalt  }
0x68: {  	_ =	shalt  }
0x69: {  	_ =	shalt  }
0x6a: {  	_ =	shalt  }
0x6b: {  	_ =	shalt  }
0x6c: {  	_ =	shalt  }
0x6d: {  	_ =	shalt  }
0x6e: {  	_ =	shalt  }
0x6f: {  	_ =	shalt  }
0x70: {  	_ =	shalt  }
0x71: {  	_ =	shalt  }
0x72: {  	_ =	shalt  }
0x73: {  	_ =	shalt  }
0x74: {  	_ =	shalt  }
0x75: {  	_ =	shalt  }
0x76: {  	_ =	shalt  }
0x77: {  	_ =	shalt  }
0x78: {  	_ =	shalt  }
0x79: {  	_ =	shalt  }
0x7a: {  	_ =	shalt  }
0x7b: {  	_ =	shalt  }
0x7c: {  	_ =	shalt  }
0x7d: {  	_ =	shalt  }
0x7e: {  	_ =	shalt  }
0x7f: {  	_ =	shalt  }
0x80: {  	_ =	shalt  }
0x81: {  	_ =	shalt  }
0x82: {  	_ =	shalt  }
0x83: {  	_ =	shalt  }
0x84: {  	_ =	shalt  }
0x85: {  	_ =	shalt  }
0x86: {  	_ =	shalt  }
0x87: {  	_ =	shalt  }
.Lfunc_end0:
.L_simem_size_0:
called_computation.1_lowered:
.L_overlay_start_0:
0x88: {  	s2 =	sld [smem:$0x3FD9]  }
0x89: {  	s3 =	sld [smem:$0x3FFE];
	_ =	sdelay $0x1  }
0x8a: {  	s1 =	srdreg.scid  }
0x8b: {  	s0 =	sand.u32 $0x1, s1  }
0x8c: {  	s17 =	sshll.u32 s0, $0xA;
	s2 =	sadd.s32 s3, s2  }
0x8d: {  	s2 =	sadd.s32 s2, s17  }
0x8e: {  	[smem:$0x3FC4] =	sst s2  }
0x8f: {  	_ = 	snop  }
0x90: {  	s2 =	sld [smem:$0x3FD0];
	(tm) =	ssettm $0x1  }
0x91: {  	s18 =	sld [smem:$0x3FFB];
	_ =	sdelay $0x3  }
0x92: {  	_ =	strace s18  }
0x93: {  	s3 =	sld [smem:$0x3FFC];
	_ =	sdelay $0x3  }
0x94: {  	_ =	strace s3  }
0x95: {  	s3 =	sld [smem:$0x3FFD];
	_ =	sdelay $0x3  }
0x96: {  	_ =	strace s3  }
0x97: {  	_ =	strace $0x8FFFFFFF  }
0x98: {  	s19 =	sld [smem:$0x3FDB];
	_ =	sdelay $0x1  }
0x99: {  	s4 =	simm.s32 $_scs_section_size  }
0x9a: {  	s5 =	simm.s32 $_size__tile_overlayer_lowered;
	s6 =	simm.s32 $_tile_overlayer_lowered  }
0x9b: {  	s22 =	simm.s32 $0x1BFF;
	s21 =	sshll.u32 s6, $0x1;
	s3 =	sadd.s32 s4, s19  }
0x9c: {  	s7 =	simm.s32 $0x0;
	s20 =	sshll.u32 s5, $0x1;
	s5 =	sadd.s32 s21, s3  }
0x9d: {  	[timem:s7], [sflag:s22] =	dma.local [hbm:s5], s20  }
0x9e: {  	_ =	swait.ge [sflag:s22], s20  }
0x9f: {  	s4 =	ssub.s32 $0x0, s20;
	[sflag:s22] =	ssyncset.done $0x0  }
0xa0: {  	[sflag:s22] =	ssyncadd.s32 s4;
	_ =	sdelay $0x1  }
0xa1: {  	s23 =	simm.s32 $0x1B8B  }
0xa2: {  	_ =	swait.ge [sflag:s23], $0x1  }
0xa3: {  	[sflag:s23] =	ssyncset.done $0x0  }
0xa4: {  	s25 =	simm.s32 $0x1B8E;
	s24 =	sld [smem:$0x3FFE];
	[sflag:s23] =	ssyncadd.s32 $0xFFFFFFFF  }
0xa5: {  	s26 =	simm.s32 $execute0_lowered;
	[smem:$0x3FD2] =	sst s25  }
0xa6: {  	s5 =	sshll.u32 s26, $0x1;
	_ =	strace $0x80000049;
	[dreg:$0x1] =	wrdreg $0xFFFFFFFF  }
0xa7: {  	s28 =	simm.s32 $_size_execute0_lowered;
	s3 =	sadd.s32 s3, s5;
	[dreg:$0x0] =	wrdreg $0x0  }
0xa8: {  	s5 =	sshll.u32 s28, $0x1;
	[dreg:$0x2] =	wrdreg s3  }
0xa9: {  	[dreg:$0x3] =	wrdreg s5  }
0xaa: {  	[dreg:$0x4] =	wrdreg $0xC0  }
0xab: {  	_ =	task [dreg:s7], $0x5FFFF  }
0xac: {  	[dreg:$0x1] =	wrdreg $0xFFFFFFFF  }
0xad: {  	[dreg:$0x0] =	wrdreg $0x60  }
0xae: {  	[dreg:$0x2] =	wrdreg s2  }
0xaf: {  	[dreg:$0x3] =	wrdreg s24  }
0xb0: {  	[dreg:$0x4] =	wrdreg $0x9  }
0xb1: {  	_ =	task.clear_ibuf [dreg:s7], $0x5FFFF;
	_ =	strace $0x90000049  }
0xb2: {  	s29 =	simm.s32 $0x9;
	_ =	strace $0x8000004B  }
0xb3: {  	_ =	swait.ge [sflag:s29], $0x1  }
0xb4: {  	[sflag:s29] =	ssyncadd.s32 $0xFFFFFFFF  }
0xb5: {  	_ =	strace $0x9000004B  }
0xb6: {  	_ =	sfence  }
0xb7: {  	s30 =	sld [smem:$0x0];
	_ =	sdelay $0x2  }
0xb8: {  	s31 =	sshll.u32 s1, $0xD;
	s1 =	sshrl.u32 s1, $0x2  }
0xb9: {  	s3 =	sand.u32 $0x4000, s31;
	s1 =	sadd.s32 s1, s30  }
0xba: {  	s0 =	sor.u32 s3, s0;
	s1 =	sshll.u32 s1, $0x11  }
0xbb: {  	s0 =	sor.u32 s1, s0  }
0xbc: {  	s0 =	sadd.s32 $0x8F2B, s0  }
0xbd: {  	[sflag:s0] =	ssyncadd.remote.s32 $0x1  }
0xbe: {  	_ =	sfence.sel $0xFFFF  }
0xbf: {  	[dreg:$0x0] =	wrdreg $0xFFFFFFFF;
	(pc) =	sbr.abs _section_cstart, $3  }
0xc0: {  	[dreg:$0x1] =	wrdreg $0xFFFFFFFF  }
0xc1: {  	_ =	task.clear_ibuf [dreg:s7], $0x2FFFF;
	_ =	strace $0x9FFFFFFF  }
0xc2: {  	(tm) =	ssettm $0x7FFFFFFF  }
0xc3: {  	_ =	shalt  }
tec
execute0_lowered:
.L_overlay_start_1:
0x0: {  	(tag) =	ssettag $0x1  }
0x1: {  	s5 =	rddreg [dreg:$0x0];
	s1 =	srdreg.scid  }
0x2: {  	s0 =	stileid.u32;
	s4 =	rddreg [dreg:$0x1];
	s2 =	simm.s32 $0x0  }
0x3: {  	s10 =	simm.s32 $0x100;
	s11 =	simm.s32 $0x2800;
	s12 =	simm.s32 $0x5000  }
0x4: {  	s13 =	simm.s32 $0x1;
	s14 =	simm.s32 $0x2;
	s15 =	simm.s32 $0x3  }
0x5: {  	s6 =	sand.u32 $0x1, s1;
	s3 =	sshll.u32 s0, $0x1;
	s1 =	rddreg [dreg:$0x2]  }
0x6: {  	s16 =	simm.s32 $0x0;
	[smem:$0x7FF] =	sst s2;
	s7 =	sor.u32 s6, s3  }
0x7: {  	_ =	strace $0x8000004A;
	s6 =	ssub.s32 $0x2, s6;
	s8 =	smul.u32 $0xA00, s7  }
0x8: {  	s3 =	sadd.s32 $0x1A00, s4;
	s4 =	sadd.s32 $0x6A00, s4;
	s9 =	sshrl.u32 s6, $0x1  }
0x9: {  	s7 =	smul.u32 $0xA000, s7;
	s31 =	ssub.s32 s6, s9;
	s5 =	sadd.s32 s5, s8  }
0xa: {  	s9 =	simm.s32 $0x80;
	s8 =	smax.u32 s31, $0x1;
	s6 =	sadd.s32 $0x10, s5  }
.LBB2_1:
0xb: {  	[tilespmem:s2], [sflag:$0x1] =	stream.strided.gather [hbm4b:s5+s9], $0x2800, s10, s9, $0x38;
	[tilespmem:$0xA000] =	vst v63  }
0xc: {  	_ = 	snop  }
0xd: {  	[tilespmem:s11], [sflag:$0x1] =	stream.strided.gather [hbm4b:s6+s9], $0x2800, s10, s9, $0x38;
	[tilespmem:$0xA000] =	vst v63  }
0xe: {  	_ = 	snop  }
0xf: {  	[tilespmem:s12], [sflag:$0x2] =	stream.linear.gather [hbm4b:s3+s2], $0x2000, $0x38;
	[tilespmem:$0xA000] =	vst v63  }
0x10: {  	_ =	swait.ge [sflag:s13], $0x2800  }
0x11: {  	[sflag:s13] =	ssyncset.done $0x0  }
0x12: {  	[sflag:s13] =	ssyncadd.s32 $0xFFFFD800  }
0x13: {  	_ =	swait.ge [sflag:s13], $0x2800  }
0x14: {  	[sflag:s13] =	ssyncset.done $0x0  }
0x15: {  	s17 =	simm.s32 $0x0;
	[sflag:s13] =	ssyncadd.s32 $0xFFFFD800  }
.LBB2_2:
0x16: {  	s18 =	sshll.u32 s17, $0xD  }
0x17: {  	_ =	swait.ge [sflag:s14], $0x2000;
	p0 =	seq.s32 s17, $0x13;
	s19 =	sand.u32 $0x2000, s18  }
0x18: {  	[sflag:s14] =	ssyncset.done $0x0;
	s18 =	sadd.s32 $0x1, s17;
	s22 =	simm.s32 @!p0 $0x0  }
0x19: {  	p1 =	slt.u32 @!p0 s17, $0x2;
	s20 =	sxor.u32 @!p0 $0x2000, s19;
	s21 =	sshll.u32 @!p0 s18, $0xA  }
0x1a: {  	[sflag:s14] =	ssyncadd.s32 $0xFFFFE000;
	s20 =	sadd.s32 @!p0 $0x5000, s20;
	s21 =	sadd.s32 @!p0 s3, s21  }
0x1b: {  	[tilespmem:s20], [sflag:$0x2] =	stream.linear.gather @!p0 [hbm4b:s21+s22], $0x2000, $0x38;
	[tilespmem:$0xA000] =	vst v63  }
0x1c: {  	p0 =	por p0, !p1  }
0x1d: {  	s23 =	simm.s32 $0x0;
	s31 =	sshrl.u32 s19, $0x2;
	_ =	swait.ge @p0 [sflag:s15], $0x800  }
0x1e: {  	s20 =	sadd.s32 $0x5000, s19;
	s19 =	sor.u32 $0x9000, s31;
	[sflag:s15] =	ssyncset.done @p0 $0x0  }
0x1f: {  	s21 =	simm.s32 $0x0;
	s22 =	simm.s32 $0x0;
	[sflag:s15] =	ssyncadd.s32 @p0 $0xFFFFF800  }
.LBB2_3:
0x20: {  	s24 =	sand.u32 $0x80, s23  }
0x21: {  	s25 =	sand.u32 $0x70, s23;
	s24 =	sadd.s32 s24, s20  }
0x22: {  	s24 =	sadd.s32 s25, s24  }
0x23: {  	v0 =	vld [tilespmem:s24+$0x0];
	_ =	sdelay $0x1  }
0x24: {  	v1 =	vld [tilespmem:s24+$0x100];
	_ =	sdelay $0x1  }
0x25: {  	v46 =	vld [tilespmem:s24+$0x200]  }
0x26: {  	v13 =	vld [tilespmem:s24+$0x300];
	v2 =	vand.u32 $0xFFFF, v0  }
0x27: {  	v0 =	vshrl.u32 v0, $0x10  }
0x28: {  	v20 =	vld [tilespmem:s24+$0x400];
	v5 =	vand.u32 $0xFFFF, v1  }
0x29: {  	v23 =	vld [tilespmem:s24+$0x500];
	v1 =	vshrl.u32 v1, $0x10  }
0x2a: {  	v37 =	vld [tilespmem:s24+$0x600];
	v47 =	vshrl.u32 v46, $0x10  }
0x2b: {  	v53 =	vshrl.u32 v13, $0x10;
	v13 =	vand.u32 $0xFFFF, v13;
	v3 =	vadd.s32 $0x2800, v2;
	v2 =	vld.idx.msk [tilespmem:v2+s2+$0x0], $0xffff  }
0x2c: {  	v4 =	vadd.s32 $0x2800, v0;
	v6 =	vand.u32 $0x7F, v0;
	v0 =	vld.idx.msk [tilespmem:v0+s2+$0x0], $0xffff  }
0x2d: {  	v63 =	vand.u32 $0xFFFF, v20;
	v7 =	vadd.s32 $0x2800, v5;
	v5 =	vld.idx.msk [tilespmem:v5+s2+$0x0], $0xffff  }
0x2e: {  	v22 =	vshrl.u32 v20, $0x10;
	v8 =	vadd.s32 $0x2800, v1;
	v9 =	vand.u32 $0x7F, v1;
	v1 =	vld.idx.msk [tilespmem:v1+s2+$0x0], $0xffff  }
0x2f: {  	v35 =	vand.u32 $0xFFFF, v23;
	v10 =	vadd.s32 $0x2800, v47;
	v11 =	vand.u32 $0x7F, v47;
	v50 =	vld.idx.msk [tilespmem:v47+s2+$0x0], $0xffff  }
0x30: {  	v55 =	vadd.s32 $0x2800, v53;
	v18 =	vand.u32 $0x7F, v53;
	v19 =	vadd.s32 $0x2800, v13;
	v13 =	vld.idx.msk [tilespmem:v13+s2+$0x0], $0xffff  }
0x31: {  	v25 =	vadd.s32 $0x2800, v63;
	v26 =	vadd.s32 $0x2800, v22;
	v28 =	vand.u32 $0x7F, v22;
	v59 =	vld.idx.msk [tilespmem:v53+s2+$0x0], $0xffff  }
0x32: {  	v40 =	vadd.s32 $0x2800, v35;
	v4 =	vand.u32 $0x1FF80, v4;
	v8 =	vand.u32 $0x1FF80, v8;
	v30 =	vld.idx.msk [tilespmem:v63+s2+$0x0], $0xffff  }
0x33: {  	v10 =	vand.u32 $0x1FF80, v10;
	v4 =	vor.u32 v6, v4;
	v8 =	vor.u32 v9, v8;
	v32 =	vld.idx.msk [tilespmem:v22+s2+$0x0], $0xffff  }
0x34: {  	v6 =	vand.u32 $0xFFFF, v46;
	v10 =	vor.u32 v11, v10;
	v9 =	vshrl.u32 v23, $0x10;
	v3 =	vld.idx.msk [tilespmem:v3+s2+$0x0], $0xffff  }
0x35: {  	v12 =	vadd.s32 $0x2800, v6;
	v41 =	vadd.s32 $0x2800, v9;
	v43 =	vand.u32 $0x7F, v9;
	v7 =	vld.idx.msk [tilespmem:v7+s2+$0x0], $0xffff  }
0x36: {  	v47 =	vshrl.u32 v37, $0x10;
	v62 =	vld.idx.msk [tilespmem:v19+s2+$0x0], $0xffff;
	v14 =	vshll.u32 v2, $0x10;
	v48 =	vshll.u32 v0, $0x10  }
0x37: {  	v36 =	vld.idx.msk [tilespmem:v25+s2+$0x0], $0xffff;
	v15 =	vshll.u32 v5, $0x10;
	v16 =	vshll.u32 v1, $0x10;
	v2 =	vadd.f32 v5, v2  }
0x38: {  	v44 =	vld.idx.msk [tilespmem:v35+s2+$0x0], $0xffff;
	v0 =	vadd.f32 v1, v0;
	v58 =	vshll.u32 v50, $0x10;
	v24 =	vshll.u32 v13, $0x10  }
0x39: {  	v4 =	vld.idx.msk [tilespmem:v4+s2+$0x0], $0xffff;
	v27 =	vshll.u32 v59, $0x10;
	v38 =	vshll.u32 v30, $0x10;
	v42 =	vshll.u32 v32, $0x10  }
0x3a: {  	v8 =	vld.idx.msk [tilespmem:v8+s2+$0x0], $0xffff;
	v17 =	vshll.u32 v3, $0x10;
	v14 =	vadd.f32 v15, v14;
	v11 =	vadd.f32 v16, v48  }
0x3b: {  	v6 =	vld.idx.msk [tilespmem:v6+s2+$0x0], $0xffff;
	v51 =	vshll.u32 v7, $0x10;
	v3 =	vadd.f32 v7, v3;
	v33 =	vshll.u32 v62, $0x10  }
0x3c: {  	v16 =	vand.u32 $0x1FF80, v41;
	v46 =	vshll.u32 v36, $0x10;
	v5 =	vadd.f32 v51, v17  }
0x3d: {  	v52 =	vld.idx.msk [tilespmem:v12+s2+$0x0], $0xffff;
	v17 =	vand.u32 $0x1FF80, v55;
	v0 =	vadd.f32 v50, v0;
	v16 =	vor.u32 v43, v16  }
0x3e: {  	v10 =	vld.idx.msk [tilespmem:v10+s2+$0x0], $0xffff;
	v50 =	vadd.s32 $0x2800, v47;
	v51 =	vand.u32 $0x7F, v47;
	v55 =	vshll.u32 v44, $0x10  }
0x3f: {  	v49 =	vshll.u32 v4, $0x10;
	v54 =	vshll.u32 v8, $0x10;
	v4 =	vadd.f32 v8, v4  }
0x40: {  	v57 =	vshll.u32 v6, $0x10;
	v11 =	vadd.f32 v58, v11;
	v2 =	vadd.f32 v6, v2  }
0x41: {  	v53 =	vld [tilespmem:s24+$0x700];
	v56 =	vor.u32 v18, v17;
	v15 =	vadd.f32 v54, v49;
	v8 =	vadd.f32 v57, v14  }
0x42: {  	v60 =	vshll.u32 v52, $0x10;
	v3 =	vadd.f32 v52, v3;
	v0 =	vadd.f32 v59, v0  }
0x43: {  	v61 =	vshll.u32 v10, $0x10;
	v5 =	vadd.f32 v60, v5;
	v4 =	vadd.f32 v10, v4  }
0x44: {  	v17 =	vand.u32 $0x1FF80, v26;
	v29 =	vadd.f32 v27, v11;
	v2 =	vadd.f32 v13, v2  }
0x45: {  	v45 =	vld.idx.msk [tilespmem:v9+s2+$0x0], $0xffff;
	v31 =	vor.u32 v28, v17;
	v21 =	vadd.f32 v61, v15;
	v8 =	vadd.f32 v24, v8  }
0x46: {  	v49 =	vld.idx.msk [tilespmem:v40+s2+$0x0], $0xffff;
	v60 =	vshrl.u32 v53, $0x10;
	v3 =	vadd.f32 v62, v3;
	v0 =	vadd.f32 v32, v0  }
0x47: {  	v57 =	vld.idx.msk [tilespmem:v47+s2+$0x0], $0xffff;
	v15 =	vand.u32 $0x1FF80, v50;
	v61 =	vand.u32 $0xFFFF, v53;
	v24 =	vadd.s32 $0x2800, v60  }
0x48: {  	v27 =	vld [tilespmem:s24+$0x800];
	v25 =	vand.u32 $0x7F, v60;
	v5 =	vadd.f32 v33, v5;
	v10 =	vadd.f32 v42, v29  }
0x49: {  	v2 =	vadd.f32 v30, v2;
	v15 =	vor.u32 v51, v15;
	v8 =	vadd.f32 v38, v8  }
0x4a: {  	v7 =	vld.idx.msk [tilespmem:v56+s2+$0x0], $0xffff;
	v3 =	vadd.f32 v36, v3;
	v56 =	vshll.u32 v45, $0x10;
	v0 =	vadd.f32 v45, v0  }
0x4b: {  	v54 =	vld.idx.msk [tilespmem:v16+s2+$0x0], $0xffff;
	v26 =	vadd.s32 $0x2800, v61;
	v5 =	vadd.f32 v46, v5;
	v10 =	vadd.f32 v56, v10  }
0x4c: {  	v39 =	vld.idx.msk [tilespmem:v31+s2+$0x0], $0xffff;
	v2 =	vadd.f32 v44, v2;
	v58 =	vshll.u32 v49, $0x10;
	v30 =	vshll.u32 v57, $0x10  }
0x4d: {  	v8 =	vadd.f32 v55, v8;
	v32 =	vld.idx.msk [tilespmem:v60+s2+$0x0], $0xffff;
	v36 =	vand.u32 $0xFFFF, v27;
	v38 =	vshrl.u32 v27, $0x10  }
0x4e: {  	v3 =	vadd.f32 v49, v3;
	v31 =	vld.idx.msk [tilespmem:v61+s2+$0x0], $0xffff;
	v41 =	vadd.s32 $0x2800, v36;
	v42 =	vadd.s32 $0x2800, v38  }
0x4f: {  	v44 =	vand.u32 $0x7F, v38;
	v63 =	vld.idx.msk [tilespmem:v15+s2+$0x0], $0xffff;
	v15 =	vand.u32 $0x1FF80, v24;
	v4 =	vadd.f32 v7, v4  }
0x50: {  	v35 =	vld.idx.msk [tilespmem:v26+s2+$0x0], $0xffff;
	v17 =	vand.u32 $0x1FF80, v42;
	v34 =	vshll.u32 v7, $0x10;
	v7 =	vand.u32 $0xFFFF, v37  }
0x51: {  	v28 =	vor.u32 v25, v15;
	v48 =	vshll.u32 v39, $0x10;
	v4 =	vadd.f32 v39, v4;
	v39 =	vld [tilespmem:s24+$0x900]  }
0x52: {  	v0 =	vadd.f32 v57, v0;
	v46 =	vor.u32 v44, v17;
	v6 =	vadd.f32 v34, v21;
	v45 =	vld.idx.msk [tilespmem:v36+s2+$0x0], $0xffff  }
0x53: {  	v5 =	vadd.f32 v58, v5;
	v10 =	vadd.f32 v30, v10;
	v47 =	vld.idx.msk [tilespmem:v38+s2+$0x0], $0xffff  }
0x54: {  	v62 =	vshll.u32 v54, $0x10;
	v52 =	vadd.s32 $0x2800, v7;
	v6 =	vadd.f32 v48, v6;
	v51 =	vld.idx.msk [tilespmem:v41+s2+$0x0], $0xffff  }
0x55: {  	v43 =	vshll.u32 v32, $0x10;
	v0 =	vadd.f32 v32, v0;
	v4 =	vadd.f32 v54, v4;
	v7 =	vld.idx.msk [tilespmem:v7+s2+$0x0], $0xffff  }
0x56: {  	v40 =	vshll.u32 v31, $0x10;
	v10 =	vadd.f32 v43, v10;
	v6 =	vadd.f32 v62, v6;
	v37 =	vld.idx.msk [tilespmem:v28+s2+$0x0], $0xffff  }
0x57: {  	v34 =	vshll.u32 v63, $0x10;
	v48 =	vshll.u32 v35, $0x10;
	v54 =	vld.idx.msk [tilespmem:v46+s2+$0x0], $0xffff;
	v4 =	vadd.f32 v63, v4  }
0x58: {  	v28 =	vld [tilespmem:s24+$0xB00];
	v6 =	vadd.f32 v34, v6;
	v50 =	vand.u32 $0xFFFF, v39;
	v11 =	vshrl.u32 v39, $0x10  }
0x59: {  	v59 =	vld.idx.msk [tilespmem:v52+s2+$0x0], $0xffff;
	v53 =	vshll.u32 v45, $0x10;
	v57 =	vshll.u32 v47, $0x10;
	v0 =	vadd.f32 v47, v0  }
0x5a: {  	v52 =	vld [tilespmem:s24+$0xA00];
	v55 =	vadd.s32 $0x2800, v50;
	v56 =	vadd.s32 $0x2800, v11;
	v58 =	vand.u32 $0x7F, v11  }
0x5b: {  	v42 =	vld [tilespmem:s24+$0xC00];
	v10 =	vadd.f32 v57, v10;
	v61 =	vshll.u32 v51, $0x10;
	v16 =	vand.u32 $0x1FF80, v56  }
0x5c: {  	v29 =	vshll.u32 v7, $0x10;
	v2 =	vadd.f32 v7, v2;
	v49 =	vshll.u32 v37, $0x10  }
0x5d: {  	v4 =	vadd.f32 v37, v4;
	v16 =	vor.u32 v58, v16;
	v63 =	vshll.u32 v54, $0x10  }
0x5e: {  	v36 =	vand.u32 $0xFFFF, v28;
	v8 =	vadd.f32 v29, v8;
	v33 =	vshll.u32 v59, $0x10  }
0x5f: {  	v3 =	vadd.f32 v59, v3;
	v6 =	vadd.f32 v49, v6;
	v62 =	vshrl.u32 v52, $0x10  }
0x60: {  	v7 =	vand.u32 $0xFFFF, v52;
	v41 =	vadd.s32 $0x2800, v36;
	v52 =	vand.u32 $0xFFFF, v42  }
0x61: {  	v5 =	vadd.f32 v33, v5;
	v2 =	vadd.f32 v31, v2;
	v25 =	vadd.s32 $0x2800, v62  }
0x62: {  	v59 =	vld.idx.msk [tilespmem:v50+s2+$0x0], $0xffff;
	v26 =	vand.u32 $0x7F, v62;
	v27 =	vadd.s32 $0x2800, v7;
	v4 =	vadd.f32 v54, v4  }
0x63: {  	v60 =	vld.idx.msk [tilespmem:v11+s2+$0x0], $0xffff;
	v54 =	vshrl.u32 v42, $0x10;
	v57 =	vadd.s32 $0x2800, v52;
	v8 =	vadd.f32 v40, v8  }
0x64: {  	v3 =	vadd.f32 v35, v3;
	v24 =	vld.idx.msk [tilespmem:v55+s2+$0x0], $0xffff;
	v15 =	vand.u32 $0x1FF80, v25;
	v6 =	vadd.f32 v63, v6  }
0x65: {  	v35 =	vshrl.u32 v28, $0x10;
	v55 =	vld [tilespmem:s24+$0xD00];
	v58 =	vadd.s32 $0x2800, v54;
	v5 =	vadd.f32 v48, v5  }
0x66: {  	v2 =	vadd.f32 v45, v2;
	v15 =	vor.u32 v26, v15;
	v39 =	vadd.s32 $0x2800, v35;
	v26 =	vld [tilespmem:s24+$0xE00]  }
0x67: {  	v40 =	vand.u32 $0x7F, v35;
	v17 =	vand.u32 $0x1FF80, v58;
	v8 =	vadd.f32 v53, v8;
	v29 =	vld.idx.msk [tilespmem:v16+s2+$0x0], $0xffff  }
0x68: {  	v3 =	vadd.f32 v51, v3;
	v47 =	vld.idx.msk [tilespmem:v36+s2+$0x0], $0xffff;
	v5 =	vadd.f32 v61, v5;
	v30 =	vshll.u32 v59, $0x10  }
0x69: {  	v7 =	vld.idx.msk [tilespmem:v7+s2+$0x0], $0xffff;
	v31 =	vshll.u32 v60, $0x10;
	v2 =	vadd.f32 v59, v2;
	v0 =	vadd.f32 v60, v0  }
0x6a: {  	v32 =	vld.idx.msk [tilespmem:v62+s2+$0x0], $0xffff;
	v60 =	vand.u32 $0x7F, v54;
	v8 =	vadd.f32 v30, v8;
	v10 =	vadd.f32 v31, v10  }
0x6b: {  	v51 =	vld.idx.msk [tilespmem:v41+s2+$0x0], $0xffff;
	v33 =	vshll.u32 v24, $0x10;
	v3 =	vadd.f32 v24, v3;
	v62 =	vor.u32 v60, v17  }
0x6c: {  	v61 =	vld.idx.msk [tilespmem:v52+s2+$0x0], $0xffff;
	v23 =	vand.u32 $0xFFFF, v55;
	v25 =	vshrl.u32 v55, $0x10;
	v5 =	vadd.f32 v33, v5  }
0x6d: {  	v38 =	vld.idx.msk [tilespmem:v15+s2+$0x0], $0xffff;
	v15 =	vand.u32 $0x1FF80, v39;
	v30 =	vadd.s32 $0x2800, v25;
	v36 =	vshrl.u32 v26, $0x10  }
0x6e: {  	v37 =	vshll.u32 v29, $0x10;
	v43 =	vor.u32 v40, v15;
	v4 =	vadd.f32 v29, v4  }
0x6f: {  	v34 =	vld.idx.msk [tilespmem:v27+s2+$0x0], $0xffff;
	v56 =	vshll.u32 v47, $0x10;
	v29 =	vadd.s32 $0x2800, v23;
	v16 =	vand.u32 $0x1FF80, v30  }
0x70: {  	v63 =	vld.idx.msk [tilespmem:v54+s2+$0x0], $0xffff;
	v39 =	vadd.s32 $0x2800, v36;
	v40 =	vand.u32 $0x7F, v36;
	v6 =	vadd.f32 v37, v6  }
0x71: {  	v44 =	vshll.u32 v7, $0x10;
	v45 =	vshll.u32 v32, $0x10;
	v2 =	vadd.f32 v7, v2  }
0x72: {  	v48 =	vld.idx.msk [tilespmem:v35+s2+$0x0], $0xffff;
	v0 =	vadd.f32 v32, v0;
	v21 =	vshll.u32 v51, $0x10;
	v27 =	vshll.u32 v61, $0x10  }
0x73: {  	v24 =	vld.idx.msk [tilespmem:v57+s2+$0x0], $0xffff;
	v32 =	vand.u32 $0x7F, v25;
	v7 =	vand.u32 $0xFFFF, v26;
	v15 =	vand.u32 $0x1FF80, v39  }
0x74: {  	v8 =	vadd.f32 v44, v8;
	v46 =	vadd.f32 v45, v10;
	v49 =	vshll.u32 v34, $0x10  }
0x75: {  	v42 =	vld [tilespmem:s24+$0xF00];
	v3 =	vadd.f32 v34, v3;
	v31 =	vshll.u32 v63, $0x10;
	v16 =	vor.u32 v32, v16  }
0x76: {  	v41 =	vadd.s32 $0x2800, v7;
	v15 =	vor.u32 v40, v15;
	v5 =	vadd.f32 v49, v5;
	v28 =	vld.idx.msk [tilespmem:v62+s2+$0x0], $0xffff  }
0x77: {  	v59 =	vshll.u32 v48, $0x10;
	v2 =	vadd.f32 v47, v2;
	v0 =	vadd.f32 v48, v0;
	v33 =	vld.idx.msk [tilespmem:v23+s2+$0x0], $0xffff  }
0x78: {  	v34 =	vld.idx.msk [tilespmem:v25+s2+$0x0], $0xffff;
	v35 =	vshll.u32 v24, $0x10;
	v4 =	vadd.f32 v38, v4;
	v8 =	vadd.f32 v56, v8  }
0x79: {  	v25 =	vld [tilespmem:s24+$0x1100];
	v50 =	vshll.u32 v38, $0x10;
	v9 =	vadd.f32 v59, v46;
	v3 =	vadd.f32 v51, v3  }
0x7a: {  	v49 =	vshrl.u32 v42, $0x10;
	v46 =	vld.idx.msk [tilespmem:v36+s2+$0x0], $0xffff;
	v6 =	vadd.f32 v50, v6;
	v5 =	vadd.f32 v21, v5  }
0x7b: {  	v54 =	vand.u32 $0x7F, v49;
	v56 =	vld [tilespmem:s24+$0x1000];
	v2 =	vadd.f32 v61, v2;
	v0 =	vadd.f32 v63, v0  }
0x7c: {  	v53 =	vld.idx.msk [tilespmem:v43+s2+$0x0], $0xffff;
	v50 =	vand.u32 $0xFFFF, v42;
	v8 =	vadd.f32 v27, v8;
	v9 =	vadd.f32 v31, v9  }
0x7d: {  	v38 =	vld.idx.msk [tilespmem:v29+s2+$0x0], $0xffff;
	v3 =	vadd.f32 v24, v3;
	v55 =	vadd.s32 $0x2800, v50;
	v5 =	vadd.f32 v35, v5  }
0x7e: {  	v37 =	vshll.u32 v28, $0x10;
	v44 =	vshll.u32 v33, $0x10;
	v45 =	vshll.u32 v34, $0x10  }
0x7f: {  	v39 =	vld [tilespmem:s24+$0x1200];
	v2 =	vadd.f32 v33, v2;
	v0 =	vadd.f32 v34, v0;
	v36 =	vand.u32 $0xFFFF, v25  }
0x80: {  	v7 =	vld.idx.msk [tilespmem:v7+s2+$0x0], $0xffff;
	v8 =	vadd.f32 v44, v8;
	v9 =	vadd.f32 v45, v9;
	v59 =	vshll.u32 v46, $0x10  }
0x81: {  	v43 =	vld.idx.msk [tilespmem:v16+s2+$0x0], $0xffff;
	v24 =	vshrl.u32 v56, $0x10;
	v42 =	vadd.s32 $0x2800, v36;
	v22 =	vshll.u32 v53, $0x10  }
0x82: {  	v48 =	vld.idx.msk [tilespmem:v41+s2+$0x0], $0xffff;
	v4 =	vadd.f32 v53, v4;
	v47 =	vshll.u32 v38, $0x10;
	v53 =	vadd.s32 $0x2800, v49  }
0x83: {  	v52 =	vld.idx.msk [tilespmem:v15+s2+$0x0], $0xffff;
	v3 =	vadd.f32 v38, v3;
	v0 =	vadd.f32 v46, v0;
	v30 =	vand.u32 $0x7F, v24  }
0x84: {  	v61 =	vld.idx.msk [tilespmem:v49+s2+$0x0], $0xffff;
	v38 =	vshrl.u32 v25, $0x10;
	v49 =	vshrl.u32 v39, $0x10;
	v6 =	vadd.f32 v22, v6  }
0x85: {  	v5 =	vadd.f32 v47, v5;
	v15 =	vand.u32 $0x1FF80, v53;
	v58 =	vshll.u32 v7, $0x10  }
0x86: {  	v9 =	vadd.f32 v59, v9;
	v2 =	vadd.f32 v7, v2;
	v22 =	vand.u32 $0xFFFF, v56  }
0x87: {  	v45 =	vand.u32 $0x7F, v38;
	v7 =	vand.u32 $0xFFFF, v39;
	v53 =	vand.u32 $0x7F, v49  }
0x88: {  	v60 =	vld.idx.msk [tilespmem:v50+s2+$0x0], $0xffff;
	v4 =	vadd.f32 v28, v4;
	v51 =	vshll.u32 v43, $0x10;
	v57 =	vor.u32 v54, v15  }
0x89: {  	v21 =	vld.idx.msk [tilespmem:v55+s2+$0x0], $0xffff;
	v8 =	vadd.f32 v58, v8;
	v62 =	vshll.u32 v48, $0x10;
	v63 =	vshll.u32 v52, $0x10  }
0x8a: {  	v55 =	vld [tilespmem:s24+$0x1300];
	v3 =	vadd.f32 v48, v3;
	v27 =	vadd.s32 $0x2800, v22;
	v28 =	vadd.s32 $0x2800, v24  }
0x8b: {  	v54 =	vadd.s32 $0x2800, v7;
	v6 =	vadd.f32 v37, v6;
	v5 =	vadd.f32 v62, v5;
	v46 =	vld.idx.msk [tilespmem:v36+s2+$0x0], $0xffff  }
0x8c: {  	v29 =	vshll.u32 v61, $0x10;
	v17 =	vand.u32 $0x1FF80, v28;
	v0 =	vadd.f32 v61, v0;
	v33 =	vld.idx.msk [tilespmem:v24+s2+$0x0], $0xffff  }
0x8d: {  	v4 =	vadd.f32 v43, v4;
	v9 =	vadd.f32 v29, v9;
	v32 =	vor.u32 v30, v17;
	v29 =	vld [tilespmem:s24+$0x1400]  }
0x8e: {  	v43 =	vadd.s32 $0x2800, v38;
	v6 =	vadd.f32 v51, v6;
	v26 =	vshll.u32 v60, $0x10;
	v47 =	vld.idx.msk [tilespmem:v38+s2+$0x0], $0xffff  }
0x8f: {  	v2 =	vadd.f32 v60, v2;
	v16 =	vand.u32 $0x1FF80, v43;
	v51 =	vld.idx.msk [tilespmem:v42+s2+$0x0], $0xffff;
	v4 =	vadd.f32 v52, v4  }
0x90: {  	v59 =	vld.idx.msk [tilespmem:v49+s2+$0x0], $0xffff;
	v8 =	vadd.f32 v26, v8;
	v34 =	vshll.u32 v21, $0x10;
	v3 =	vadd.f32 v21, v3  }
0x91: {  	v31 =	vld.idx.msk [tilespmem:v22+s2+$0x0], $0xffff;
	v16 =	vor.u32 v45, v16;
	v52 =	vadd.s32 $0x2800, v49;
	v62 =	vshrl.u32 v55, $0x10  }
0x92: {  	v7 =	vld.idx.msk [tilespmem:v7+s2+$0x0], $0xffff;
	v6 =	vadd.f32 v63, v6;
	v5 =	vadd.f32 v34, v5;
	v15 =	vand.u32 $0x1FF80, v52  }
0x93: {  	v37 =	vld.idx.msk [tilespmem:v27+s2+$0x0], $0xffff;
	v63 =	vand.u32 $0xFFFF, v55;
	v26 =	vadd.s32 $0x2800, v62;
	v27 =	vand.u32 $0x7F, v62  }
0x94: {  	v23 =	vld.idx.msk [tilespmem:v57+s2+$0x0], $0xffff;
	v15 =	vor.u32 v53, v15;
	v57 =	vshll.u32 v46, $0x10;
	v28 =	vadd.s32 $0x2800, v63  }
0x95: {  	v44 =	vshll.u32 v33, $0x10;
	v0 =	vadd.f32 v33, v0;
	v38 =	vand.u32 $0xFFFF, v29  }
0x96: {  	v9 =	vadd.f32 v44, v9;
	v58 =	vshll.u32 v47, $0x10;
	v60 =	vshll.u32 v51, $0x10  }
0x97: {  	v41 =	vld.idx.msk [tilespmem:v32+s2+$0x0], $0xffff;
	v32 =	vshll.u32 v59, $0x10;
	v43 =	vadd.s32 $0x2800, v38;
	v40 =	vshll.u32 v31, $0x10  }
0x98: {  	v61 =	vld.idx.msk [tilespmem:v54+s2+$0x0], $0xffff;
	v2 =	vadd.f32 v31, v2;
	v0 =	vadd.f32 v47, v0;
	v31 =	vshll.u32 v7, $0x10  }
0x99: {  	v35 =	vshll.u32 v23, $0x10;
	v4 =	vadd.f32 v23, v4;
	v8 =	vadd.f32 v40, v8  }
0x9a: {  	v48 =	vshll.u32 v37, $0x10;
	v3 =	vadd.f32 v37, v3;
	v9 =	vadd.f32 v58, v9  }
0x9b: {  	v55 =	vld [tilespmem:s24+$0x1600];
	v40 =	vshrl.u32 v29, $0x10;
	v6 =	vadd.f32 v35, v6;
	v5 =	vadd.f32 v48, v5  }
0x9c: {  	v2 =	vadd.f32 v46, v2;
	v25 =	vld.idx.msk [tilespmem:v15+s2+$0x0], $0xffff;
	v15 =	vand.u32 $0x1FF80, v26;
	v0 =	vadd.f32 v59, v0  }
0x9d: {  	v56 =	vld.idx.msk [tilespmem:v16+s2+$0x0], $0xffff;
	v35 =	vshll.u32 v61, $0x10;
	v44 =	vadd.s32 $0x2800, v40;
	v46 =	vand.u32 $0x7F, v40  }
0x9e: {  	v34 =	vld.idx.msk [tilespmem:v62+s2+$0x0], $0xffff;
	v50 =	vshll.u32 v41, $0x10;
	v4 =	vadd.f32 v41, v4;
	v8 =	vadd.f32 v57, v8  }
0x9f: {  	v33 =	vld.idx.msk [tilespmem:v63+s2+$0x0], $0xffff;
	v3 =	vadd.f32 v51, v3;
	v30 =	vor.u32 v27, v15;
	v9 =	vadd.f32 v32, v9  }
0xa0: {  	v17 =	vand.u32 $0x1FF80, v44;
	v6 =	vadd.f32 v50, v6;
	v5 =	vadd.f32 v60, v5  }
0xa1: {  	v37 =	vld.idx.msk [tilespmem:v28+s2+$0x0], $0xffff;
	v2 =	vadd.f32 v7, v2;
	v48 =	vor.u32 v46, v17;
	v7 =	vand.u32 $0xFFFF, v55  }
0xa2: {  	v24 =	vshll.u32 v56, $0x10;
	v4 =	vadd.f32 v56, v4;
	v8 =	vadd.f32 v31, v8  }
0xa3: {  	v41 =	vld [tilespmem:s24+$0x1500];
	v3 =	vadd.f32 v61, v3;
	v45 =	vshll.u32 v34, $0x10;
	v0 =	vadd.f32 v34, v0  }
0xa4: {  	v47 =	vld.idx.msk [tilespmem:v38+s2+$0x0], $0xffff;
	v6 =	vadd.f32 v24, v6;
	v5 =	vadd.f32 v35, v5;
	v42 =	vshll.u32 v33, $0x10  }
0xa5: {  	v9 =	vadd.f32 v45, v9;
	v2 =	vadd.f32 v33, v2;
	v36 =	vshll.u32 v25, $0x10  }
0xa6: {  	v53 =	vld.idx.msk [tilespmem:v43+s2+$0x0], $0xffff;
	v4 =	vadd.f32 v25, v4;
	v8 =	vadd.f32 v42, v8;
	v50 =	vshll.u32 v37, $0x10  }
0xa7: {  	v31 =	vld [tilespmem:s24+$0x1700];
	v3 =	vadd.f32 v37, v3;
	v25 =	vshrl.u32 v55, $0x10;
	v6 =	vadd.f32 v36, v6  }
0xa8: {  	v49 =	vld.idx.msk [tilespmem:v40+s2+$0x0], $0xffff;
	v52 =	vand.u32 $0xFFFF, v41;
	v5 =	vadd.f32 v50, v5;
	v54 =	vshrl.u32 v41, $0x10  }
0xa9: {  	v45 =	vld [tilespmem:s24+$0x1800];
	v56 =	vshll.u32 v47, $0x10;
	v2 =	vadd.f32 v47, v2;
	v28 =	vadd.s32 $0x2800, v25  }
0xaa: {  	v39 =	vld.idx.msk [tilespmem:v30+s2+$0x0], $0xffff;
	v29 =	vand.u32 $0x7F, v25;
	v30 =	vadd.s32 $0x2800, v7;
	v58 =	vadd.s32 $0x2800, v52  }
0xab: {  	v59 =	vadd.s32 $0x2800, v54;
	v61 =	vand.u32 $0x7F, v54;
	v8 =	vadd.f32 v56, v8  }
0xac: {  	v57 =	vld.idx.msk [tilespmem:v48+s2+$0x0], $0xffff;
	v24 =	vshll.u32 v53, $0x10;
	v15 =	vand.u32 $0x1FF80, v28;
	v3 =	vadd.f32 v53, v3  }
0xad: {  	v7 =	vld.idx.msk [tilespmem:v7+s2+$0x0], $0xffff;
	v16 =	vand.u32 $0x1FF80, v59;
	v5 =	vadd.f32 v24, v5;
	v15 =	vor.u32 v29, v15  }
0xae: {  	v38 =	vshrl.u32 v31, $0x10;
	v59 =	vld [tilespmem:s24+$0x1900];
	v60 =	vshll.u32 v49, $0x10;
	v16 =	vor.u32 v61, v16  }
0xaf: {  	v0 =	vadd.f32 v49, v0;
	v42 =	vadd.s32 $0x2800, v38;
	v56 =	vshrl.u32 v45, $0x10;
	v35 =	vld.idx.msk [tilespmem:v25+s2+$0x0], $0xffff  }
0xb0: {  	v43 =	vand.u32 $0x7F, v38;
	v9 =	vadd.f32 v60, v9;
	v60 =	vand.u32 $0x7F, v56;
	v62 =	vld.idx.msk [tilespmem:v52+s2+$0x0], $0xffff  }
0xb1: {  	v51 =	vshll.u32 v39, $0x10;
	v4 =	vadd.f32 v39, v4;
	v63 =	vld.idx.msk [tilespmem:v54+s2+$0x0], $0xffff;
	v39 =	vand.u32 $0xFFFF, v31  }
0xb2: {  	v37 =	vld.idx.msk [tilespmem:v30+s2+$0x0], $0xffff;
	v54 =	vand.u32 $0xFFFF, v45;
	v6 =	vadd.f32 v51, v6;
	v26 =	vshll.u32 v57, $0x10  }
0xb3: {  	v27 =	vld.idx.msk [tilespmem:v58+s2+$0x0], $0xffff;
	v44 =	vadd.s32 $0x2800, v39;
	v47 =	vshll.u32 v7, $0x10;
	v58 =	vadd.s32 $0x2800, v56  }
0xb4: {  	v4 =	vadd.f32 v57, v4;
	v41 =	vld.idx.msk [tilespmem:v15+s2+$0x0], $0xffff;
	v15 =	vand.u32 $0x1FF80, v42;
	v57 =	vadd.s32 $0x2800, v54  }
0xb5: {  	v14 =	vand.u32 $0x1FF80, v58;
	v24 =	vand.u32 $0xFFFF, v59;
	v25 =	vshrl.u32 v59, $0x10  }
0xb6: {  	v6 =	vadd.f32 v26, v6;
	v46 =	vor.u32 v43, v15;
	v12 =	vor.u32 v60, v14  }
0xb7: {  	v50 =	vld.idx.msk [tilespmem:v38+s2+$0x0], $0xffff;
	v17 =	vadd.s32 $0x2800, v25;
	v28 =	vand.u32 $0x7F, v25;
	v48 =	vshll.u32 v35, $0x10  }
0xb8: {  	v32 =	vld.idx.msk [tilespmem:v16+s2+$0x0], $0xffff;
	v17 =	vand.u32 $0x1FF80, v17;
	v33 =	vshll.u32 v62, $0x10;
	v34 =	vshll.u32 v63, $0x10  }
0xb9: {  	v21 =	vld.idx.msk [tilespmem:v56+s2+$0x0], $0xffff;
	v2 =	vadd.f32 v62, v2;
	v0 =	vadd.f32 v63, v0;
	v51 =	vshll.u32 v37, $0x10  }
0xba: {  	v26 =	vld [tilespmem:s24+$0x1A00];
	v8 =	vadd.f32 v33, v8;
	v9 =	vadd.f32 v34, v9;
	v36 =	vshll.u32 v27, $0x10  }
0xbb: {  	v43 =	vld [tilespmem:s24+$0x1C00];
	v3 =	vadd.f32 v27, v3;
	v27 =	vadd.s32 $0x2800, v24;
	v5 =	vadd.f32 v36, v5  }
0xbc: {  	v2 =	vadd.f32 v7, v2;
	v0 =	vadd.f32 v35, v0;
	v52 =	vshll.u32 v41, $0x10  }
0xbd: {  	v62 =	vshll.u32 v50, $0x10;
	v7 =	vor.u32 v28, v17;
	v4 =	vadd.f32 v32, v4  }
0xbe: {  	v49 =	vld.idx.msk [tilespmem:v39+s2+$0x0], $0xffff;
	v40 =	vshll.u32 v32, $0x10;
	v8 =	vadd.f32 v47, v8;
	v9 =	vadd.f32 v48, v9  }
0xbf: {  	v63 =	vld.idx.msk [tilespmem:v54+s2+$0x0], $0xffff;
	v3 =	vadd.f32 v37, v3;
	v30 =	vshll.u32 v21, $0x10;
	v32 =	vand.u32 $0xFFFF, v26  }
0xc0: {  	v53 =	vld.idx.msk [tilespmem:v44+s2+$0x0], $0xffff;
	v11 =	vshrl.u32 v26, $0x10;
	v54 =	vshrl.u32 v43, $0x10;
	v6 =	vadd.f32 v40, v6  }
0xc1: {  	v13 =	vld.idx.msk [tilespmem:v57+s2+$0x0], $0xffff;
	v5 =	vadd.f32 v51, v5;
	v0 =	vadd.f32 v50, v0;
	v35 =	vadd.s32 $0x2800, v11  }
0xc2: {  	v16 =	vld.idx.msk [tilespmem:v24+s2+$0x0], $0xffff;
	v37 =	vand.u32 $0x7F, v11;
	v38 =	vadd.s32 $0x2800, v32;
	v60 =	vadd.s32 $0x2800, v54  }
0xc3: {  	v31 =	vld.idx.msk [tilespmem:v25+s2+$0x0], $0xffff;
	v4 =	vadd.f32 v41, v4;
	v61 =	vshll.u32 v49, $0x10;
	v9 =	vadd.f32 v62, v9  }
0xc4: {  	v36 =	vld [tilespmem:s24+$0x1B00];
	v2 =	vadd.f32 v49, v2;
	v29 =	vshll.u32 v63, $0x10;
	v14 =	vand.u32 $0x1FF80, v35  }
0xc5: {  	v25 =	vld [tilespmem:s24+$0x1E00];
	v17 =	vand.u32 $0x1FF80, v60;
	v6 =	vadd.f32 v52, v6;
	v8 =	vadd.f32 v61, v8  }
0xc6: {  	v55 =	vld.idx.msk [tilespmem:v46+s2+$0x0], $0xffff;
	v22 =	vshll.u32 v53, $0x10;
	v3 =	vadd.f32 v53, v3;
	v0 =	vadd.f32 v21, v0  }
0xc7: {  	v12 =	vld.idx.msk [tilespmem:v12+s2+$0x0], $0xffff;
	v14 =	vor.u32 v37, v14;
	v53 =	vand.u32 $0xFFFF, v43;
	v5 =	vadd.f32 v22, v5  }
0xc8: {  	v61 =	vand.u32 $0x7F, v54;
	v9 =	vadd.f32 v30, v9;
	v2 =	vadd.f32 v63, v2  }
0xc9: {  	v33 =	vshll.u32 v13, $0x10;
	v39 =	vshll.u32 v16, $0x10;
	v40 =	vshll.u32 v31, $0x10  }
0xca: {  	v41 =	vshrl.u32 v36, $0x10;
	v42 =	vand.u32 $0xFFFF, v36;
	v59 =	vadd.s32 $0x2800, v53  }
0xcb: {  	v36 =	vshrl.u32 v25, $0x10;
	v23 =	vshll.u32 v55, $0x10;
	v4 =	vadd.f32 v55, v4  }
0xcc: {  	v62 =	vld [tilespmem:s24+$0x1D00];
	v8 =	vadd.f32 v29, v8;
	v34 =	vshll.u32 v12, $0x10;
	v3 =	vadd.f32 v13, v3  }
0xcd: {  	v15 =	vld.idx.msk [tilespmem:v27+s2+$0x0], $0xffff;
	v0 =	vadd.f32 v31, v0;
	v47 =	vadd.s32 $0x2800, v41;
	v48 =	vand.u32 $0x7F, v41  }
0xce: {  	v21 =	vadd.s32 $0x2800, v42;
	v6 =	vadd.f32 v23, v6;
	v5 =	vadd.f32 v33, v5  }
0xcf: {  	v13 =	vor.u32 v61, v17;
	v9 =	vadd.f32 v40, v9;
	v2 =	vadd.f32 v16, v2  }
0xd0: {  	v7 =	vld.idx.msk [tilespmem:v7+s2+$0x0], $0xffff;
	v19 =	vand.u32 $0x1FF80, v47;
	v40 =	vadd.s32 $0x2800, v36;
	v4 =	vadd.f32 v12, v4  }
0xd1: {  	v30 =	vld [tilespmem:s24+$0x1F00];
	v8 =	vadd.f32 v39, v8;
	v49 =	vor.u32 v48, v19;
	v24 =	vand.u32 $0xFFFF, v62  }
0xd2: {  	v10 =	vld.idx.msk [tilespmem:v32+s2+$0x0], $0xffff;
	v27 =	vshrl.u32 v62, $0x10;
	v6 =	vadd.f32 v34, v6;
	v44 =	vshll.u32 v15, $0x10  }
0xd3: {  	v11 =	vld.idx.msk [tilespmem:v11+s2+$0x0], $0xffff;
	v3 =	vadd.f32 v15, v3;
	v29 =	vadd.s32 $0x2800, v27;
	v31 =	vand.u32 $0x7F, v27  }
0xd4: {  	v46 =	vld.idx.msk [tilespmem:v38+s2+$0x0], $0xffff;
	v32 =	vadd.s32 $0x2800, v24;
	v34 =	vand.u32 $0xFFFF, v25;
	v15 =	vand.u32 $0x1FF80, v40  }
0xd5: {  	v45 =	vshll.u32 v7, $0x10;
	v5 =	vadd.f32 v44, v5;
	v4 =	vadd.f32 v7, v4;
	v52 =	vld.idx.msk [tilespmem:v42+s2+$0x0], $0xffff  }
0xd6: {  	v1 =	vld.idx.msk [tilespmem:v41+s2+$0x0], $0xffff;
	v38 =	vand.u32 $0xFFFF, v30;
	v41 =	vshrl.u32 v30, $0x10;
	v42 =	vand.u32 $0x7F, v36  }
0xd7: {  	v43 =	vadd.s32 $0x2800, v34;
	v6 =	vadd.f32 v45, v6;
	v50 =	vshll.u32 v10, $0x10  }
0xd8: {  	v14 =	vld.idx.msk [tilespmem:v14+s2+$0x0], $0xffff;
	v51 =	vshll.u32 v11, $0x10;
	v2 =	vadd.f32 v10, v2;
	v0 =	vadd.f32 v11, v0  }
0xd9: {  	v12 =	vld.idx.msk [tilespmem:v53+s2+$0x0], $0xffff;
	v11 =	vand.u32 $0x1FF80, v29;
	v15 =	vor.u32 v42, v15;
	v45 =	vadd.s32 $0x2800, v41  }
0xda: {  	v23 =	vld.idx.msk [tilespmem:v59+s2+$0x0], $0xffff;
	v47 =	vadd.s32 $0x2800, v38;
	v7 =	vadd.f32 v50, v8;
	v9 =	vadd.f32 v51, v9  }
0xdb: {  	v57 =	vld.idx.msk [tilespmem:v21+s2+$0x0], $0xffff;
	v55 =	vshll.u32 v46, $0x10;
	v3 =	vadd.f32 v46, v3;
	v11 =	vor.u32 v31, v11  }
0xdc: {  	v10 =	vld.idx.msk [tilespmem:v54+s2+$0x0], $0xffff;
	v46 =	vand.u32 $0x7F, v41;
	v17 =	vand.u32 $0x1FF80, v45;
	v5 =	vadd.f32 v55, v5  }
0xdd: {  	v13 =	vld.idx.msk [tilespmem:v13+s2+$0x0], $0xffff;
	v17 =	vor.u32 v46, v17;
	v56 =	vshll.u32 v14, $0x10;
	v4 =	vadd.f32 v14, v4  }
0xde: {  	v58 =	vld.idx.msk [tilespmem:v49+s2+$0x0], $0xffff;
	v26 =	vshll.u32 v12, $0x10;
	v6 =	vadd.f32 v56, v6;
	v63 =	vshll.u32 v52, $0x10  }
0xdf: {  	v37 =	vld.idx.msk [tilespmem:v27+s2+$0x0], $0xffff;
	v20 =	vshll.u32 v1, $0x10;
	v2 =	vadd.f32 v52, v2;
	v0 =	vadd.f32 v1, v0  }
0xe0: {  	v39 =	vld.idx.msk [tilespmem:v32+s2+$0x0], $0xffff;
	v7 =	vadd.f32 v63, v7;
	v9 =	vadd.f32 v20, v9;
	v21 =	vshll.u32 v57, $0x10  }
0xe1: {  	v33 =	vshll.u32 v23, $0x10;
	v49 =	vld.idx.msk [tilespmem:v41+s2+$0x0], $0xffff;
	v3 =	vadd.f32 v57, v3;
	v5 =	vadd.f32 v21, v5  }
0xe2: {  	v18 =	vld.idx.msk [tilespmem:v43+s2+$0x0], $0xffff;
	v28 =	vshll.u32 v10, $0x10;
	v2 =	vadd.f32 v12, v2;
	v0 =	vadd.f32 v10, v0  }
0xe3: {  	v35 =	vshll.u32 v13, $0x10;
	v11 =	vld.idx.msk [tilespmem:v11+s2+$0x0], $0xffff;
	v4 =	vadd.f32 v58, v4;
	v7 =	vadd.f32 v26, v7  }
0xe4: {  	v10 =	vld.idx.msk [tilespmem:v36+s2+$0x0], $0xffff;
	v22 =	vshll.u32 v58, $0x10;
	v9 =	vadd.f32 v28, v9;
	v3 =	vadd.f32 v23, v3  }
0xe5: {  	v48 =	vshll.u32 v37, $0x10;
	v1 =	vadd.f32 v22, v6;
	v5 =	vadd.f32 v33, v5  }
0xe6: {  	v15 =	vld.idx.msk [tilespmem:v15+s2+$0x0], $0xffff;
	v0 =	vadd.f32 v37, v0;
	v50 =	vshll.u32 v39, $0x10;
	v4 =	vadd.f32 v13, v4  }
0xe7: {  	v6 =	vld.idx.msk [tilespmem:v24+s2+$0x0], $0xffff;
	v9 =	vadd.f32 v48, v9;
	v3 =	vadd.f32 v39, v3;
	v57 =	vshll.u32 v49, $0x10  }
0xe8: {  	v54 =	vld.idx.msk [tilespmem:v47+s2+$0x0], $0xffff;
	v58 =	vshll.u32 v18, $0x10;
	v1 =	vadd.f32 v35, v1;
	v5 =	vadd.f32 v50, v5  }
0xe9: {  	v12 =	vld.idx.msk [tilespmem:v34+s2+$0x0], $0xffff;
	v51 =	vshll.u32 v11, $0x10;
	v4 =	vadd.f32 v11, v4;
	v0 =	vadd.f32 v10, v0  }
0xea: {  	v56 =	vld.idx.msk [tilespmem:v17+s2+$0x0], $0xffff;
	v53 =	vshll.u32 v10, $0x10;
	v3 =	vadd.f32 v18, v3;
	v1 =	vadd.f32 v51, v1  }
0xeb: {  	s30 =	sand.u32 $0x600, s22;
	v59 =	vshll.u32 v15, $0x10;
	v8 =	vadd.f32 v53, v9;
	v5 =	vadd.f32 v58, v5  }
0xec: {  	s31 =	sand.u32 $0x60, s21;
	s24 =	sadd.s32 s30, s19;
	v14 =	vld.idx.msk [tilespmem:v38+s2+$0x0], $0xffff;
	v44 =	vshll.u32 v6, $0x10;
	v2 =	vadd.f32 v6, v2;
	v0 =	vadd.f32 v49, v0  }
0xed: {  	s24 =	sadd.s32 s31, s24;
	v60 =	vshll.u32 v54, $0x10;
	v63 =	vadd.f32 v54, v3;
	v7 =	vadd.f32 v44, v7  }
0xee: {  	v52 =	vshll.u32 v12, $0x10;
	v8 =	vadd.f32 v57, v8;
	v1 =	vadd.f32 v59, v1;
	[tilespmem:s24+$0x90] =	vst v0  }
0xef: {  	v61 =	vshll.u32 v56, $0x10;
	v5 =	vadd.f32 v60, v5;
	v2 =	vadd.f32 v12, v2;
	[tilespmem:s24+$0x180] =	vst v63  }
0xf0: {  	p0 =	sne.s32 s23, $0xF0;
	v7 =	vadd.f32 v52, v7;
	[tilespmem:s24+$0x10] =	vst v8;
	v1 =	vadd.f32 v61, v1  }
.Ltmp0:
0xf1: {  	v55 =	vshll.u32 v14, $0x10;
	v62 =	vadd.f32 v15, v4;
	[tilespmem:s24+$0x100] =	vst v5;
	v2 =	vadd.f32 v14, v2;
	(pc) =	sbr.rel @p0 .LBB2_3-.Ltmp0, $4  }
0xf2: {  	v7 =	vadd.f32 v55, v7;
	[tilespmem:s24+$0x110] =	vst v1  }
0xf3: {  	[tilespmem:s24+$0x80] =	vst v2;
	v2 =	vadd.f32 v56, v62  }
0xf4: {  	[tilespmem:s24+$0x0] =	vst v7  }
0xf5: {  	s22 =	sadd.s32 $0x80, s22;
	s21 =	sadd.s32 $0x20, s21;
	s23 =	sadd.s32 $0x10, s23;
	[tilespmem:s24+$0x190] =	vst v2  }
0xf6: {  	s17 =	sshll.u32 s17, $0xB;
	p0 =	sne.s32 s18, $0x14  }
.Ltmp1:
0xf7: {  	s17 =	sadd.s32 s7, s17;
	(pc) =	sbr.rel @p0 .LBB2_2-.Ltmp1, $4  }
0xf8: {  	s17 =	sshrl.u32 s17, $0x3  }
0xf9: {  	s17 =	sadd.s32 s4, s17  }
0xfa: {  	[hbm4b:s17+s2] =	stream.linear.scatter [tilespmem:s19], [sflag:$0x3], $0x800, $0x38;
	[tilespmem:$0xA000] =	vst v63  }
0xfb: {  	s17 =	smov.u32 s18  }
0xfc: {  	s16 =	sadd.s32 $0x1, s16  }
0xfd: {  	_ =	swait.ge [sflag:s15], $0x800;
	p0 =	sne.s32 s16, s8  }
.Ltmp2:
0xfe: {  	[sflag:s15] =	ssyncset.done $0x0;
	(pc) =	sbr.rel @p0 .LBB2_1-.Ltmp2, $4  }
0xff: {  	[sflag:s15] =	ssyncadd.s32 $0xFFFFF800  }
0x100: {  	_ =	swait.ge [sflag:s15], $0x800  }
0x101: {  	[sflag:s15] =	ssyncset.done $0x0  }
0x102: {  	[sflag:s15] =	ssyncadd.s32 $0xFFFFF800  }
0x103: {  	_ =	sfence.sel $0x180000  }
0x104: {  	[bflag:$0x0] =	sbarrier.arrive $0xFFFF  }
0x105: {  	p0 =	sne.s32 s0, $0x0;
	_ =	strace $0x9000004A  }
0x106: {  	s0 =	sadd.s32 @!p0 $0x100000, s1;
	[bflag:$0x2] =	sbarrier.arrive $0xFFFF  }
0x107: {  	[sflag:s0] =	ssyncadd.tile.s32 @!p0 $0x1;
	_ =	shalt  }
.Lfunc_end2:
_tile_overlayer_lowered:
.L_overlay_start_2:
0x108: {  	(tag) =	ssettag $0x2  }
0x109: {  	s0 =	rddreg [dreg:$0x0];
	s2 =	stileid.u32  }
0x10a: {  	s1 =	rddreg [dreg:$0x1];
	p0 =	sne.s32 s2, $0x0  }
0x10b: {  	s3 =	rddreg [dreg:$0x2];
	[bflag:$0x3] =	sbarrier.arrive $0xFFFF;
	s2 =	simm.s32 @!p0 $0x1C04  }
0x10c: {  	[timem:s3], [sflag:s2] =	dma.local @!p0 [hbm:s0], s1  }
0x10d: {  	s0 =	simm.s32 @!p0 $0x4  }
0x10e: {  	_ =	swait.ge @!p0 [sflag:s0], s1  }
0x10f: {  	s1 =	ssub.s32 @!p0 $0x0, s1;
	[sflag:s0] =	ssyncset.done @!p0 $0x0  }
0x110: {  	[sflag:s0] =	ssyncadd.s32 @!p0 s1  }
0x111: {  	[bflag:$0x3] =	sbarrier.arrive $0xFFFF  }
0x112: {  	_ =	shalt  }

</sc_bundles>
